<compile_context>
chip_gen: v7x
topology: tpu7x:2x2x1
jax: 0.10.2.dev20260603
libtpu: 0.0.44.dev20260713+nightly
codegen_flags: <defaults>
</compile_context>

<pallas_src>
import functools

import jax
import jax.numpy as jnp
from jax import lax
from jax.experimental import pallas as pl
from jax.experimental.pallas import tpu as pltpu
from jax.experimental.pallas import tpu_sc as plsc

NN = 50000
EE = 800000
BB = 512
NPAD = 50016
DROWS = 6256
PE = 802816
IDXROWS = PE // 128
PE2 = PE + 256
ROWS_PER_TILE = NPAD // 16
DROWS_PER_TILE = DROWS // 16
BN = 2000
NB = NN // BN



def _mm1_body(x_ref, wl_ref, wr_ref, xl_ref, xr_ref):
    xb = x_ref[...]
    l = jnp.dot(xb, wl_ref[...], preferred_element_type=jnp.float32)
    r = jnp.dot(xb, wr_ref[...], preferred_element_type=jnp.float32)
    xl_ref[0] = l[:, :32]
    xl_ref[1] = l[:, 32:]
    xr_ref[0] = r[:, :32]
    xr_ref[1] = r[:, 32:]


def _mm1(x_nc, wl, wr):
    return pl.pallas_call(
        _mm1_body,
        grid=(NB,),
        in_specs=[
            pl.BlockSpec((BN, 26), lambda i: (i, 0)),
            pl.BlockSpec((26, 64), lambda i: (0, 0)),
            pl.BlockSpec((26, 64), lambda i: (0, 0)),
        ],
        out_specs=[
            pl.BlockSpec((2, BN, 32), lambda i: (0, i, 0)),
            pl.BlockSpec((2, BN, 32), lambda i: (0, i, 0)),
        ],
        out_shape=[
            jax.ShapeDtypeStruct((2, NN, 32), jnp.float32),
            jax.ShapeDtypeStruct((2, NN, 32), jnp.float32),
        ],
    )(x_nc, wl, wr)


def _norm1_body(num_ref, den_ref, xl_ref, xr_ref, att_ref, b_ref,
                hpre_ref, st_ref):
    outs = []
    for h in range(2):
        num = num_ref[h]
        den = den_ref[h]
        xlh = xl_ref[h]
        xrh = xr_ref[h]
        sdd = xlh + xrh
        lk = jnp.maximum(sdd, 0.2 * sdd)
        es = jnp.sum(lk * att_ref[h][None, :], axis=1, keepdims=True)
        ez = jnp.exp(es)
        outs.append((num + ez * xlh) / (den + ez + 1e-16))
    hb = jnp.concatenate(outs, axis=1) + b_ref[...][None, :]
    hpre_ref[...] = hb

    @pl.when(pl.program_id(0) == 0)
    def _():
        st_ref[...] = jnp.zeros_like(st_ref)

    st_ref[0:1, :] += jnp.sum(hb, axis=0, keepdims=True)
    st_ref[1:2, :] += jnp.sum(hb * hb, axis=0, keepdims=True)


def _norm1(num, den, xl, xr, att, b):
    return pl.pallas_call(
        _norm1_body,
        grid=(NB,),
        in_specs=[
            pl.BlockSpec((2, BN, 32), lambda i: (0, i, 0)),
            pl.BlockSpec((2, BN, 1), lambda i: (0, i, 0)),
            pl.BlockSpec((2, BN, 32), lambda i: (0, i, 0)),
            pl.BlockSpec((2, BN, 32), lambda i: (0, i, 0)),
            pl.BlockSpec((2, 32), lambda i: (0, 0)),
            pl.BlockSpec((64,), lambda i: (0,)),
        ],
        out_specs=[
            pl.BlockSpec((BN, 64), lambda i: (i, 0)),
            pl.BlockSpec((8, 64), lambda i: (0, 0)),
        ],
        out_shape=[
            jax.ShapeDtypeStruct((NN, 64), jnp.float32),
            jax.ShapeDtypeStruct((8, 64), jnp.float32),
        ],
    )(num, den, xl, xr, att, b)


def _x2_body(hp_ref, sc_ref, sh_ref, wl_ref, wr_ref, xl_ref, xr_ref):
    hn = hp_ref[...] * sc_ref[...][None, :] + sh_ref[...][None, :]
    h = jnp.where(hn > 0, hn, jnp.exp(hn) - 1.0)
    xl_ref[...] = jnp.dot(h, wl_ref[...], preferred_element_type=jnp.float32)
    xr_ref[...] = jnp.dot(h, wr_ref[...], preferred_element_type=jnp.float32)


def _x2(hpre, scale, shift, wl2, wr2):
    return pl.pallas_call(
        _x2_body,
        grid=(NB,),
        in_specs=[
            pl.BlockSpec((BN, 64), lambda i: (i, 0)),
            pl.BlockSpec((64,), lambda i: (0,)),
            pl.BlockSpec((64,), lambda i: (0,)),
            pl.BlockSpec((64, 32), lambda i: (0, 0)),
            pl.BlockSpec((64, 32), lambda i: (0, 0)),
        ],
        out_specs=[
            pl.BlockSpec((BN, 32), lambda i: (i, 0)),
            pl.BlockSpec((BN, 32), lambda i: (i, 0)),
        ],
        out_shape=[
            jax.ShapeDtypeStruct((NN, 32), jnp.float32),
            jax.ShapeDtypeStruct((NN, 32), jnp.float32),
        ],
    )(hpre, scale, shift, wl2, wr2)


def _norm2_body(num_ref, den_ref, xl_ref, xr_ref, att_ref, b_ref,
                hpre_ref, st_ref):
    num = num_ref[0] + num_ref[1]
    den = den_ref[0] + den_ref[1]
    xlh = xl_ref[...]
    sdd = xlh + xr_ref[...]
    lk = jnp.maximum(sdd, 0.2 * sdd)
    es = jnp.sum(lk * att_ref[0][None, :], axis=1, keepdims=True)
    ez = jnp.exp(es)
    hb = (num + ez * xlh) / (den + ez + 1e-16) + b_ref[...][None, :]
    hpre_ref[...] = hb

    @pl.when(pl.program_id(0) == 0)
    def _():
        st_ref[...] = jnp.zeros_like(st_ref)

    st_ref[0:1, :] += jnp.sum(hb, axis=0, keepdims=True)
    st_ref[1:2, :] += jnp.sum(hb * hb, axis=0, keepdims=True)


def _norm2(num, den, xl, xr, att, b):
    return pl.pallas_call(
        _norm2_body,
        grid=(NB,),
        in_specs=[
            pl.BlockSpec((2, BN, 32), lambda i: (0, i, 0)),
            pl.BlockSpec((2, BN, 1), lambda i: (0, i, 0)),
            pl.BlockSpec((BN, 32), lambda i: (i, 0)),
            pl.BlockSpec((BN, 32), lambda i: (i, 0)),
            pl.BlockSpec((1, 32), lambda i: (0, 0)),
            pl.BlockSpec((32,), lambda i: (0,)),
        ],
        out_specs=[
            pl.BlockSpec((BN, 32), lambda i: (i, 0)),
            pl.BlockSpec((8, 32), lambda i: (0, 0)),
        ],
        out_shape=[
            jax.ShapeDtypeStruct((NN, 32), jnp.float32),
            jax.ShapeDtypeStruct((8, 32), jnp.float32),
        ],
    )(num, den, xl, xr, att, b)


def _final_body(h2_ref, sc_ref, sh_ref, g1_ref, g1b_ref, g2_ref, g2b_ref,
                batch_ref, x24_ref, f1_ref, f1b_ref, f2_ref, f2b_ref,
                res_ref, p32_ref, p3_ref):
    i = pl.program_id(0)

    @pl.when(i == 0)
    def _():
        p32_ref[...] = jnp.zeros_like(p32_ref)
        p3_ref[...] = jnp.zeros_like(p3_ref)
        res_ref[...] = jnp.zeros_like(res_ref)

    hn = h2_ref[...] * sc_ref[...][None, :] + sh_ref[...][None, :]
    h = jnp.where(hn > 0, hn, jnp.exp(hn) - 1.0)
    q = jnp.maximum(
        jnp.dot(h, g1_ref[...], preferred_element_type=jnp.float32)
        + g1b_ref[...][None, :], 0.0)
    gate = (jnp.dot(q, g2_ref[...], preferred_element_type=jnp.float32)
            + g2b_ref[...][None, :])
    eg = jnp.exp(gate)

    brow = batch_ref[0]
    seg = lax.broadcasted_iota(jnp.int32, (BB, BN), 0)
    onehot = jnp.where(seg == brow, 1.0, 0.0)

    p32_ref[...] += jnp.dot(onehot, eg * h,
                            preferred_element_type=jnp.float32)
    v3 = jnp.concatenate([eg, jnp.ones_like(eg), x24_ref[...]], axis=1)
    p3_ref[:, 0:3] += jnp.dot(onehot, v3,
                              preferred_element_type=jnp.float32)

    @pl.when(i == NB - 1)
    def _():
        s2 = p32_ref[...]
        p3 = p3_ref[...]
        hp = s2 / (p3[:, 0:1] + 1e-16)
        root = p3[:, 2:3] / jnp.maximum(p3[:, 1:2], 1.0)
        comb = jnp.concatenate([hp, root], axis=1)
        z = jnp.maximum(
            jnp.dot(comb, f1_ref[...], preferred_element_type=jnp.float32)
            + f1b_ref[...][None, :], 0.0)
        res_ref[...] = (jnp.dot(z, f2_ref[...],
                                preferred_element_type=jnp.float32)
                        + f2b_ref[...][None, :])


def _final(h2pre, scale, shift, g1, g1b, g2, g2b, batch3, x24, f1, f1b, f2, f2b):
    return pl.pallas_call(
        _final_body,
        grid=(NB,),
        in_specs=[
            pl.BlockSpec((BN, 32), lambda i: (i, 0)),
            pl.BlockSpec((32,), lambda i: (0,)),
            pl.BlockSpec((32,), lambda i: (0,)),
            pl.BlockSpec((32, 16), lambda i: (0, 0)),
            pl.BlockSpec((16,), lambda i: (0,)),
            pl.BlockSpec((16, 1), lambda i: (0, 0)),
            pl.BlockSpec((1,), lambda i: (0,)),
            pl.BlockSpec((1, 1, BN), lambda i: (i, 0, 0)),
            pl.BlockSpec((BN, 1), lambda i: (i, 0)),
            pl.BlockSpec((33, 16), lambda i: (0, 0)),
            pl.BlockSpec((16,), lambda i: (0,)),
            pl.BlockSpec((16, 1), lambda i: (0, 0)),
            pl.BlockSpec((1,), lambda i: (0,)),
        ],
        out_specs=pl.BlockSpec((BB, 1), lambda i: (0, 0)),
        out_shape=jax.ShapeDtypeStruct((BB, 1), jnp.float32),
        scratch_shapes=[
            pltpu.VMEM((BB, 32), jnp.float32),
            pltpu.VMEM((BB, 8), jnp.float32),
        ],
    )(h2pre, scale, shift, g1, g1b, g2, g2b, batch3, x24, f1, f1b, f2, f2b)



def _edge_body(nheads, xl_hbm, xr_hbm, srcg, dstg, dsts, att_hbm,
               num_hbm, den_hbm,
               accn, accd, xlb, xrb, xlb2, xrb2, msg, msgd,
               idxs, idxg, idxd, idxdd, idxm, idxs2, idxg2, idxd2, idxdd2,
               idxm2, idxn, idxn2, attv, semg, semg2, semi, semi2, sems):
    c = lax.axis_index("c")
    s = lax.axis_index("s")
    if nheads == 2:
        base_row = s * (IDXROWS // 16)
        head_off = c * NN
        n_chunk = IDXROWS // 16
    else:
        base_row = (s * 2 + c) * (IDXROWS // 32)
        head_off = None
        n_chunk = IDXROWS // 32

    zero16 = jnp.zeros((16,), jnp.float32)

    def _zrow(r, _):
        msg[r, pl.ds(0, 16)] = zero16
        msg[r, pl.ds(16, 16)] = zero16
        msgd[r, pl.ds(0, 16)] = zero16
        return 0

    lax.fori_loop(0, 128, _zrow, 0)

    def _zaccn(k, _):
        pltpu.sync_copy(msg, accn.at[pl.ds(s * ROWS_PER_TILE + k * 128, 128)])
        return 0

    lax.fori_loop(0, ROWS_PER_TILE // 128, _zaccn, 0)
    pltpu.sync_copy(
        msg.at[pl.ds(0, ROWS_PER_TILE % 128)],
        accn.at[pl.ds(s * ROWS_PER_TILE + (ROWS_PER_TILE // 128) * 128,
                      ROWS_PER_TILE % 128)])

    def _zaccd(k, _):
        pltpu.sync_copy(msgd, accd.at[pl.ds(s * DROWS_PER_TILE + k * 128, 128)])
        return 0

    lax.fori_loop(0, DROWS_PER_TILE // 128, _zaccd, 0)
    pltpu.sync_copy(
        msgd.at[pl.ds(0, DROWS_PER_TILE % 128)],
        accd.at[pl.ds(s * DROWS_PER_TILE + (DROWS_PER_TILE // 128) * 128,
                      DROWS_PER_TILE % 128)])
    plsc.subcore_barrier()

    pltpu.sync_copy(att_hbm, attv)
    hsel = c if nheads == 2 else 0
    att0 = attv[hsel, pl.ds(0, 16)]
    att1 = attv[hsel, pl.ds(16, 16)]
    iota16 = lax.iota(jnp.int32, 16)
    offv = (jnp.broadcast_to(head_off, (16,)).astype(jnp.int32)
            if nheads == 2 else None)

    sets = ((idxs, idxg, idxd, idxdd, idxm, idxn),
            (idxs2, idxg2, idxd2, idxdd2, idxm2, idxn2))
    bufs = ((xlb, xrb), (xlb2, xrb2))
    gsems = (semg, semg2)
    isems = (semi, semi2)

    def _issue_idx(k, row):
        s_, g_, d_, dd_, m_, n_ = sets[k]
        pltpu.async_copy(srcg.at[row], s_, isems[k])
        pltpu.async_copy(dstg.at[row], g_, isems[k])
        pltpu.async_copy(dsts.at[row], d_, isems[k])

    def _wait_derive_issue(k):
        s_, g_, d_, dd_, m_, n_ = sets[k]
        xl_, xr_ = bufs[k]
        pltpu.make_async_copy(srcg.at[0], s_, isems[k]).wait()
        pltpu.make_async_copy(srcg.at[0], g_, isems[k]).wait()
        pltpu.make_async_copy(srcg.at[0], d_, isems[k]).wait()
        for k2 in range(8):
            sl = pl.ds(k2 * 16, 16)
            dv = d_[sl]
            n_[sl] = dv
            dd_[sl] = lax.shift_right_logical(dv, 3)
            m_[sl] = lax.bitwise_and(dv, 7)
            if nheads == 2:
                s_[sl] = s_[sl] + offv
                g_[sl] = g_[sl] + offv
        pltpu.async_copy(xl_hbm.at[s_], xl_, gsems[k])
        pltpu.async_copy(xr_hbm.at[g_], xr_, gsems[k])

    def _drain(k):
        xl_, xr_ = bufs[k]
        pltpu.make_async_copy(xl_hbm.at[pl.ds(0, 128)], xl_, gsems[k]).wait()
        pltpu.make_async_copy(xl_hbm.at[pl.ds(0, 128)], xr_, gsems[k]).wait()

    def _compute_scatter(k):
        s_, g_, d_, dd_, m_, n_ = sets[k]
        xl_, xr_ = bufs[k]

        def _edge(i, _):
            a0 = xl_[i, pl.ds(0, 16)]
            a1 = xl_[i, pl.ds(16, 16)]
            b0 = xr_[i, pl.ds(0, 16)]
            b1 = xr_[i, pl.ds(16, 16)]
            s0 = a0 + b0
            s1 = a1 + b1
            p = (jnp.maximum(s0, 0.2 * s0) * att0
                 + jnp.maximum(s1, 0.2 * s1) * att1)
            e = jnp.sum(p)
            ez = jnp.exp(jnp.broadcast_to(e, (16,)))
            msg[i, pl.ds(0, 16)] = a0 * ez
            msg[i, pl.ds(16, 16)] = a1 * ez
            mv = m_[pl.ds(i, 16)]
            msgd[i, pl.ds(0, 16)] = jnp.where(
                iota16 == jnp.broadcast_to(mv[0], (16,)), ez, 0.0)
            return 0

        lax.fori_loop(0, 128, _edge, 0)
        hn = pltpu.async_copy(msg, accn.at[n_], sems, add=True)
        hd = pltpu.async_copy(msgd, accd.at[dd_], sems, add=True)
        hn.wait()
        hd.wait()

    _issue_idx(0, base_row)
    _wait_derive_issue(0)
    _issue_idx(1, base_row + 1)

    def _pair(t2, _):
        t = t2 * 2
        _wait_derive_issue(1)
        _drain(0)
        _issue_idx(0, base_row + t + 2)
        _compute_scatter(0)
        _wait_derive_issue(0)
        _drain(1)
        _issue_idx(1, base_row + t + 3)
        _compute_scatter(1)
        return 0

    lax.fori_loop(0, n_chunk // 2, _pair, 0)
    _drain(0)
    s1_, g1_, d1_, _dd1, _m1, _n1 = sets[1]
    pltpu.make_async_copy(srcg.at[0], s1_, isems[1]).wait()
    pltpu.make_async_copy(srcg.at[0], g1_, isems[1]).wait()
    pltpu.make_async_copy(srcg.at[0], d1_, isems[1]).wait()
    plsc.subcore_barrier()
    pltpu.sync_copy(accn.at[pl.ds(s * ROWS_PER_TILE, ROWS_PER_TILE)],
                    num_hbm.at[c, pl.ds(s * ROWS_PER_TILE, ROWS_PER_TILE)])
    pltpu.sync_copy(accd.at[pl.ds(s * DROWS_PER_TILE, DROWS_PER_TILE)],
                    den_hbm.at[c, pl.ds(s * DROWS_PER_TILE, DROWS_PER_TILE)])


def _make_edge_kernel(nheads, att_rows):
    mesh = plsc.VectorSubcoreMesh(core_axis_name="c", subcore_axis_name="s")
    return pl.kernel(
        functools.partial(_edge_body, nheads),
        out_type=[
            jax.ShapeDtypeStruct((2, NPAD, 32), jnp.float32),
            jax.ShapeDtypeStruct((2, DROWS, 16), jnp.float32),
        ],
        mesh=mesh,
        compiler_params=pltpu.CompilerParams(
            needs_layout_passes=False, use_tc_tiling_on_sc=False),
        scratch_types=[
            pltpu.VMEM_SHARED((NPAD, 32), jnp.float32),
            pltpu.VMEM_SHARED((DROWS, 16), jnp.float32),
            pltpu.VMEM((128, 32), jnp.float32),
            pltpu.VMEM((128, 32), jnp.float32),
            pltpu.VMEM((128, 32), jnp.float32),
            pltpu.VMEM((128, 32), jnp.float32),
            pltpu.VMEM((128, 32), jnp.float32),
            pltpu.VMEM((128, 16), jnp.float32),
            pltpu.VMEM((128,), jnp.int32),
            pltpu.VMEM((128,), jnp.int32),
            pltpu.VMEM((128,), jnp.int32),
            pltpu.VMEM((128,), jnp.int32),
            pltpu.VMEM((144,), jnp.int32),
            pltpu.VMEM((128,), jnp.int32),
            pltpu.VMEM((128,), jnp.int32),
            pltpu.VMEM((128,), jnp.int32),
            pltpu.VMEM((128,), jnp.int32),
            pltpu.VMEM((144,), jnp.int32),
            pltpu.VMEM((128,), jnp.int32),
            pltpu.VMEM((128,), jnp.int32),
            pltpu.VMEM((att_rows, 32), jnp.float32),
            pltpu.SemaphoreType.DMA,
            pltpu.SemaphoreType.DMA,
            pltpu.SemaphoreType.DMA,
            pltpu.SemaphoreType.DMA,
            pltpu.SemaphoreType.DMA,
        ],
    )



def kernel(x, edge_index, batch, W_l1, W_r1, att1, b1, gamma1, beta1,
           W_l2, W_r2, att2, b2, gamma2, beta2, G1, g1b, G2, g2b,
           F1, f1b, F2, f2b):
    x_nc = jnp.concatenate([x[:, :24], x[:, 25:]], axis=1)

    padn = PE2 - EE
    src = edge_index[0]
    dst = edge_index[1]
    srcg = jnp.concatenate([src, jnp.zeros((padn,), jnp.int32)]).reshape(IDXROWS + 2, 128)
    dstg = jnp.concatenate([dst, jnp.zeros((padn,), jnp.int32)]).reshape(IDXROWS + 2, 128)
    dsts = jnp.concatenate([dst, jnp.full((padn,), NN, jnp.int32)]).reshape(IDXROWS + 2, 128)

    xl1, xr1 = _mm1(x_nc, W_l1, W_r1)
    xl1f = xl1.reshape(2 * NN, 32)
    xr1f = xr1.reshape(2 * NN, 32)
    num1, den1r = _make_edge_kernel(2, 2)(xl1f, xr1f, srcg, dstg, dsts, att1)
    den1 = den1r[:, :, 0:8].reshape(2, DROWS * 8, 1)
    hpre1, st1 = _norm1(num1, den1, xl1, xr1, att1, b1)
    mean1 = st1[0] / NN
    var1 = st1[1] / NN - mean1 * mean1
    scale1 = gamma1 / jnp.sqrt(var1 + 1e-5)
    shift1 = beta1 - mean1 * scale1

    xl2, xr2 = _x2(hpre1, scale1, shift1, W_l2, W_r2)
    num2, den2r = _make_edge_kernel(1, 1)(xl2, xr2, srcg, dstg, dsts, att2)
    den2 = den2r[:, :, 0:8].reshape(2, DROWS * 8, 1)
    hpre2, st2 = _norm2(num2, den2, xl2, xr2, att2, b2)
    mean2 = st2[0] / NN
    var2 = st2[1] / NN - mean2 * mean2
    scale2 = gamma2 / jnp.sqrt(var2 + 1e-5)
    shift2 = beta2 - mean2 * scale2

    batch3 = batch.reshape(NB, 1, BN)
    x24 = x[:, 24:25]
    res = _final(hpre2, scale2, shift2, G1, g1b, G2, g2b, batch3, x24,
                 F1, f1b, F2, f2b)
    return res

# --- scband reference (transcript-rebuilt; emitter-appended) ---
"""Pipeline reference for scband-hybrid-query-gnn-12154757448074 (READ-ONLY COPY).

The authoritative reference and input builder live on the scoring server;
editing this copy changes nothing except your own understanding.
"""

import jax, jax.numpy as jnp
import numpy as np

N = 50000
E = 800000
B = 512


def gatv2(x, src, dst, Wl, Wr, att, bias, heads, out_ch):
    n = x.shape[0]
    xl = (x @ Wl).reshape(n, heads, out_ch)
    xr = (x @ Wr).reshape(n, heads, out_ch)
    e = jnp.sum(jax.nn.leaky_relu(xl[src] + xr[dst], negative_slope=0.2) * att[None, :, :], axis=-1)
    emax = jax.ops.segment_max(e, dst, num_segments=n)
    emax = jnp.where(jnp.isfinite(emax), emax, 0.0)
    ez = jnp.exp(e - emax[dst])
    den = jax.ops.segment_sum(ez, dst, num_segments=n)
    alpha = ez / (den[dst] + 1e-16)
    out = jax.ops.segment_sum(xl[src] * alpha[:, :, None], dst, num_segments=n)
    return out.reshape(n, heads * out_ch) + bias


def bnorm(h, gamma, beta):
    m = jnp.mean(h, axis=0)
    v = jnp.var(h, axis=0)
    return (h - m) / jnp.sqrt(v + 1e-5) * gamma + beta


def setup_inputs(seed: int = 0):
    key = jax.random.key(seed)
    ks = jax.random.split(key, 24)
    inp = {}
    inp['x'] = jax.random.normal(ks[0], (N, 27), dtype=jnp.float32)
    inp['edge_index'] = jax.random.randint(ks[1], (2, E), 0, N, dtype=jnp.int32)
    inp['batch'] = jnp.sort(jax.random.randint(ks[2], (N,), 0, B, dtype=jnp.int32))
    s = 0.1
    inp['W_l1'] = jax.random.normal(ks[3], (26, 64), dtype=jnp.float32) * s
    inp['W_r1'] = jax.random.normal(ks[4], (26, 64), dtype=jnp.float32) * s
    inp['att1'] = jax.random.normal(ks[5], (2, 32), dtype=jnp.float32) * s
    inp['b1'] = jnp.zeros((64,), jnp.float32)
    inp['gamma1'] = jnp.ones((64,), jnp.float32)
    inp['beta1'] = jnp.zeros((64,), jnp.float32)
    inp['W_l2'] = jax.random.normal(ks[6], (64, 32), dtype=jnp.float32) * s
    inp['W_r2'] = jax.random.normal(ks[7], (64, 32), dtype=jnp.float32) * s
    inp['att2'] = jax.random.normal(ks[8], (1, 32), dtype=jnp.float32) * s
    inp['b2'] = jnp.zeros((32,), jnp.float32)
    inp['gamma2'] = jnp.ones((32,), jnp.float32)
    inp['beta2'] = jnp.zeros((32,), jnp.float32)
    inp['G1'] = jax.random.normal(ks[9], (32, 16), dtype=jnp.float32) * s
    inp['g1b'] = jnp.zeros((16,), jnp.float32)
    inp['G2'] = jax.random.normal(ks[10], (16, 1), dtype=jnp.float32) * s
    inp['g2b'] = jnp.zeros((1,), jnp.float32)
    inp['F1'] = jax.random.normal(ks[11], (33, 16), dtype=jnp.float32) * s
    inp['f1b'] = jnp.zeros((16,), jnp.float32)
    inp['F2'] = jax.random.normal(ks[12], (16, 1), dtype=jnp.float32) * s
    inp['f2b'] = jnp.zeros((1,), jnp.float32)
    return inp


def reference(x, edge_index, batch, W_l1, W_r1, att1, b1, gamma1, beta1, W_l2, W_r2, att2, b2, gamma2, beta2, G1, g1b, G2, g2b, F1, f1b, F2, f2b):
    n = x.shape[0]
    loops = jnp.arange(n, dtype=edge_index.dtype)
    src = jnp.concatenate([edge_index[0], loops])
    dst = jnp.concatenate([edge_index[1], loops])
    x_nc = jnp.concatenate([x[:, :24], x[:, 25:]], axis=1)
    h = jax.nn.elu(bnorm(gatv2(x_nc, src, dst, W_l1, W_r1, att1, b1, 2, 32), gamma1, beta1))
    h = jax.nn.elu(bnorm(gatv2(h, src, dst, W_l2, W_r2, att2, b2, 1, 32), gamma2, beta2))
    gate = jax.nn.relu(h @ G1 + g1b) @ G2 + g2b
    gmax = jax.ops.segment_max(gate, batch, num_segments=B)
    gmax = jnp.where(jnp.isfinite(gmax), gmax, 0.0)
    gz = jnp.exp(gate - gmax[batch])
    gden = jax.ops.segment_sum(gz, batch, num_segments=B)
    a = gz / (gden[batch] + 1e-16)
    h_pooled = jax.ops.segment_sum(a * h, batch, num_segments=B)
    cnt = jax.ops.segment_sum(jnp.ones((n, 1), jnp.float32), batch, num_segments=B)
    root = jax.ops.segment_sum(x[:, 24:25], batch, num_segments=B) / jnp.maximum(cnt, 1.0)
    comb = jnp.concatenate([h_pooled, root], axis=1)
    return jax.nn.relu(comb @ F1 + f1b) @ F2 + f2b

if __name__ == "__main__":
    import jax
    _d = setup_inputs()
    print(jax.jit(kernel)(*tuple(_d.values())))

</pallas_src>

<mosaic_0001>
#map = affine_map<(d0, d1) -> (0, 0)>
#map1 = affine_map<(d0, d1) -> (0, 0, 0)>
module attributes {stable_mosaic.version = 14 : i64} {
  func.func @_edge_body(%arg0: i32, %arg1: i32, %arg2: memref<100000x32xf32, #tpu.memory_space<hbm>>, %arg3: memref<100000x32xf32, #tpu.memory_space<hbm>>, %arg4: memref<6274x128xi32, #tpu.memory_space<hbm>>, %arg5: memref<6274x128xi32, #tpu.memory_space<hbm>>, %arg6: memref<6274x128xi32, #tpu.memory_space<hbm>>, %arg7: memref<2x32xf32, #tpu.memory_space<hbm>>, %arg8: memref<2x50016x32xf32, #tpu.memory_space<hbm>>, %arg9: memref<2x6256x16xf32, #tpu.memory_space<hbm>>, %arg10: memref<50016x32xf32, #tpu.memory_space<vmem_shared>>, %arg11: memref<6256x16xf32, #tpu.memory_space<vmem_shared>>, %arg12: memref<128x32xf32, #tpu.memory_space<vmem>>, %arg13: memref<128x32xf32, #tpu.memory_space<vmem>>, %arg14: memref<128x32xf32, #tpu.memory_space<vmem>>, %arg15: memref<128x32xf32, #tpu.memory_space<vmem>>, %arg16: memref<128x32xf32, #tpu.memory_space<vmem>>, %arg17: memref<128x16xf32, #tpu.memory_space<vmem>>, %arg18: memref<128xi32, #tpu.memory_space<vmem>>, %arg19: memref<128xi32, #tpu.memory_space<vmem>>, %arg20: memref<128xi32, #tpu.memory_space<vmem>>, %arg21: memref<128xi32, #tpu.memory_space<vmem>>, %arg22: memref<144xi32, #tpu.memory_space<vmem>>, %arg23: memref<128xi32, #tpu.memory_space<vmem>>, %arg24: memref<128xi32, #tpu.memory_space<vmem>>, %arg25: memref<128xi32, #tpu.memory_space<vmem>>, %arg26: memref<128xi32, #tpu.memory_space<vmem>>, %arg27: memref<144xi32, #tpu.memory_space<vmem>>, %arg28: memref<128xi32, #tpu.memory_space<vmem>>, %arg29: memref<128xi32, #tpu.memory_space<vmem>>, %arg30: memref<2x32xf32, #tpu.memory_space<vmem>>, %arg31: memref<!tpu.dma_semaphore, #tpu.memory_space<semaphore_mem>>, %arg32: memref<!tpu.dma_semaphore, #tpu.memory_space<semaphore_mem>>, %arg33: memref<!tpu.dma_semaphore, #tpu.memory_space<semaphore_mem>>, %arg34: memref<!tpu.dma_semaphore, #tpu.memory_space<semaphore_mem>>, %arg35: memref<!tpu.dma_semaphore, #tpu.memory_space<semaphore_mem>>) attributes {dimension_semantics = [#tpu.dimension_semantics<core_parallel>, #tpu.dimension_semantics<subcore_parallel>], iteration_bounds = array<i64: 2, 16>, scalar_prefetch = 0 : i64, scratch_operands = 26 : i64, tpu.core_type = #tpu.core_type<sc_vector_subcore>, window_params = [{transform_indices = #map}, {transform_indices = #map}, {transform_indices = #map}, {transform_indices = #map}, {transform_indices = #map}, {transform_indices = #map}, {transform_indices = #map1}, {transform_indices = #map1}]} {
    %mul3A = arith.constant 392 : i32
    %mul3A_0 = arith.muli %arg1, %mul3A : i32
    %mul3A_1 = arith.constant 50000 : i32
    %mul3A_2 = arith.muli %arg0, %mul3A_1 : i32
    %broadcast_in_dim3A = arith.constant 0.000000e+00 : f32
    %broadcast_in_dim3A_3 = vector.broadcast %broadcast_in_dim3A : f32 to vector<16xf32>
    %scan3A = arith.constant 0 : i32
    %scan3A_4 = arith.constant 0 : i32
    %scan3A_5 = arith.constant 128 : i32
    %scan3A_6 = arith.addi %scan3A_4, %scan3A_5 : i32
    %scan3A_7 = arith.constant 1 : i32
    %scan3A_8 = scf.for %scan3A_338 = %scan3A_4 to %scan3A_6 step %scan3A_7 iter_args(%scan3A_339 = %scan3A) -> (i32)  : i32 {
      %swap3A_340 = arith.index_cast %scan3A_338 : i32 to index
      %swap3A_341 = arith.constant 0 : index
      %swap3A_342 = tpu.vector_load %arg16[%swap3A_340, %swap3A_341] {strides = array<i32>} : memref<128x32xf32, #tpu.memory_space<vmem>>, vector<16xf32>,
      tpu.vector_store %arg16[%swap3A_340, %swap3A_341], %broadcast_in_dim3A_3 {strides = array<i32>} : memref<128x32xf32, #tpu.memory_space<vmem>>, vector<16xf32>,
      %swap3A_343 = arith.index_cast %scan3A_338 : i32 to index
      %swap3A_344 = arith.constant 16 : index
      %swap3A_345 = tpu.vector_load %arg16[%swap3A_343, %swap3A_344] {strides = array<i32>} : memref<128x32xf32, #tpu.memory_space<vmem>>, vector<16xf32>,
      tpu.vector_store %arg16[%swap3A_343, %swap3A_344], %broadcast_in_dim3A_3 {strides = array<i32>} : memref<128x32xf32, #tpu.memory_space<vmem>>, vector<16xf32>,
      %swap3A_346 = arith.index_cast %scan3A_338 : i32 to index
      %swap3A_347 = arith.constant 0 : index
      %swap3A_348 = tpu.vector_load %arg17[%swap3A_346, %swap3A_347] {strides = array<i32>} : memref<128x16xf32, #tpu.memory_space<vmem>>, vector<16xf32>,
      tpu.vector_store %arg17[%swap3A_346, %swap3A_347], %broadcast_in_dim3A_3 {strides = array<i32>} : memref<128x16xf32, #tpu.memory_space<vmem>>, vector<16xf32>,
      %scan3A_349 = arith.constant 0 : i32
      scf.yield %scan3A_349 : i32
    }
    %scan3A_9 = arith.constant 128 : i32
    %scan3A_10 = arith.constant 0 : i32
    %scan3A_11 = arith.constant 0 : i32
    %scan3A_12 = arith.constant 24 : i32
    %scan3A_13 = arith.addi %scan3A_11, %scan3A_12 : i32
    %scan3A_14 = arith.constant 1 : i32
    %scan3A_15 = scf.for %scan3A_338 = %scan3A_11 to %scan3A_13 step %scan3A_14 iter_args(%scan3A_339 = %scan3A_10) -> (i32)  : i32 {
      %mul3A_340 = arith.constant 3126 : i32
      %mul3A_341 = arith.muli %arg1, %mul3A_340 : i32
      %mul3A_342 = arith.constant 128 : i32
      %mul3A_343 = arith.muli %scan3A_338, %mul3A_342 : i32
      %add3A_344 = arith.addi %mul3A_341, %mul3A_343 : i32
      "tpu.region"() ({
        %run_scoped3A = tpu.sem_alloc : memref<!tpu.dma_semaphore, #tpu.memory_space<semaphore_mem>>
        %dma_start3A_346 = arith.constant 0 : i32
        %dma_start3A_347 = tpu.memref_slice %arg10[%add3A_344, %dma_start3A_346] : memref<50016x32xf32, #tpu.memory_space<vmem_shared>> -> memref<128x32xf32, #tpu.memory_space<vmem_shared>>
        %dma_start3A_348 = arith.constant 0 : i32
        %dma_start3A_349 = tpu.memref_slice %arg10[%add3A_344, %dma_start3A_348] : memref<50016x32xf32, #tpu.memory_space<vmem_shared>> -> memref<128x32xf32, #tpu.memory_space<vmem_shared>>
        tpu.enqueue_dma source(%arg16 : memref<128x32xf32, #tpu.memory_space<vmem>>) target(%dma_start3A_349 : memref<128x32xf32, #tpu.memory_space<vmem_shared>>) target_semaphore(%run_scoped3A : memref<!tpu.dma_semaphore, #tpu.memory_space<semaphore_mem>>)
        %dma_wait3A_350 = arith.constant 0 : i32
        %dma_wait3A_351 = tpu.memref_slice %arg10[%add3A_344, %dma_wait3A_350] : memref<50016x32xf32, #tpu.memory_space<vmem_shared>> -> memref<128x32xf32, #tpu.memory_space<vmem_shared>>
        %dma_wait3A_352 = arith.constant 0 : i32
        %dma_wait3A_353 = tpu.memref_slice %arg10[%add3A_344, %dma_wait3A_352] : memref<50016x32xf32, #tpu.memory_space<vmem_shared>> -> memref<128x32xf32, #tpu.memory_space<vmem_shared>>
        tpu.wait_dma2 semaphore(%run_scoped3A : memref<!tpu.dma_semaphore, #tpu.memory_space<semaphore_mem>>) src(%arg16 : memref<128x32xf32, #tpu.memory_space<vmem>>) dst(%dma_wait3A_353 : memref<128x32xf32, #tpu.memory_space<vmem_shared>>)
        tpu.yield
      }) : () -> ()
      %scan3A_345 = arith.constant 0 : i32
      scf.yield %scan3A_345 : i32
    }
    %scan3A_16 = arith.constant 24 : i32
    %mul3A_17 = arith.constant 3126 : i32
    %mul3A_18 = arith.muli %arg1, %mul3A_17 : i32
    %add3A = arith.constant 3072 : i32
    %add3A_19 = arith.addi %mul3A_18, %add3A : i32
    "tpu.region"() ({
      %run_scoped3A = tpu.sem_alloc : memref<!tpu.dma_semaphore, #tpu.memory_space<semaphore_mem>>
      %dma_start3A_338 = arith.constant 0 : i32
      %dma_start3A_339 = arith.constant 0 : i32
      %dma_start3A_340 = tpu.memref_slice %arg16[%dma_start3A_338, %dma_start3A_339] : memref<128x32xf32, #tpu.memory_space<vmem>> -> memref<54x32xf32, #tpu.memory_space<vmem>>
      %dma_start3A_341 = arith.constant 0 : i32
      %dma_start3A_342 = tpu.memref_slice %arg10[%add3A_19, %dma_start3A_341] : memref<50016x32xf32, #tpu.memory_space<vmem_shared>> -> memref<54x32xf32, #tpu.memory_space<vmem_shared>>
      %dma_start3A_343 = arith.constant 0 : i32
      %dma_start3A_344 = tpu.memref_slice %arg10[%add3A_19, %dma_start3A_343] : memref<50016x32xf32, #tpu.memory_space<vmem_shared>> -> memref<54x32xf32, #tpu.memory_space<vmem_shared>>
      %dma_start3A_345 = arith.constant 0 : i32
      %dma_start3A_346 = arith.constant 0 : i32
      %dma_start3A_347 = tpu.memref_slice %arg16[%dma_start3A_345, %dma_start3A_346] : memref<128x32xf32, #tpu.memory_space<vmem>> -> memref<54x32xf32, #tpu.memory_space<vmem>>
      tpu.enqueue_dma source(%dma_start3A_347 : memref<54x32xf32, #tpu.memory_space<vmem>>) target(%dma_start3A_344 : memref<54x32xf32, #tpu.memory_space<vmem_shared>>) target_semaphore(%run_scoped3A : memref<!tpu.dma_semaphore, #tpu.memory_space<semaphore_mem>>)
      %dma_wait3A_348 = arith.constant 0 : i32
      %dma_wait3A_349 = arith.constant 0 : i32
      %dma_wait3A_350 = tpu.memref_slice %arg16[%dma_wait3A_348, %dma_wait3A_349] : memref<128x32xf32, #tpu.memory_space<vmem>> -> memref<54x32xf32, #tpu.memory_space<vmem>>
      %dma_wait3A_351 = arith.constant 0 : i32
      %dma_wait3A_352 = tpu.memref_slice %arg10[%add3A_19, %dma_wait3A_351] : memref<50016x32xf32, #tpu.memory_space<vmem_shared>> -> memref<54x32xf32, #tpu.memory_space<vmem_shared>>
      %dma_wait3A_353 = arith.constant 0 : i32
      %dma_wait3A_354 = tpu.memref_slice %arg10[%add3A_19, %dma_wait3A_353] : memref<50016x32xf32, #tpu.memory_space<vmem_shared>> -> memref<54x32xf32, #tpu.memory_space<vmem_shared>>
      %dma_wait3A_355 = arith.constant 0 : i32
      %dma_wait3A_356 = arith.constant 0 : i32
      %dma_wait3A_357 = tpu.memref_slice %arg16[%dma_wait3A_355, %dma_wait3A_356] : memref<128x32xf32, #tpu.memory_space<vmem>> -> memref<54x32xf32, #tpu.memory_space<vmem>>
      tpu.wait_dma2 semaphore(%run_scoped3A : memref<!tpu.dma_semaphore, #tpu.memory_space<semaphore_mem>>) src(%dma_wait3A_357 : memref<54x32xf32, #tpu.memory_space<vmem>>) dst(%dma_wait3A_354 : memref<54x32xf32, #tpu.memory_space<vmem_shared>>)
      tpu.yield
    }) : () -> ()
    %scan3A_20 = arith.constant 0 : i32
    %scan3A_21 = arith.constant 0 : i32
    %scan3A_22 = arith.constant 3 : i32
    %scan3A_23 = arith.addi %scan3A_21, %scan3A_22 : i32
    %scan3A_24 = arith.constant 1 : i32
    %scan3A_25 = scf.for %scan3A_338 = %scan3A_21 to %scan3A_23 step %scan3A_24 iter_args(%scan3A_339 = %scan3A_20) -> (i32)  : i32 {
      %mul3A_340 = arith.constant 391 : i32
      %mul3A_341 = arith.muli %arg1, %mul3A_340 : i32
      %mul3A_342 = arith.constant 128 : i32
      %mul3A_343 = arith.muli %scan3A_338, %mul3A_342 : i32
      %add3A_344 = arith.addi %mul3A_341, %mul3A_343 : i32
      "tpu.region"() ({
        %run_scoped3A = tpu.sem_alloc : memref<!tpu.dma_semaphore, #tpu.memory_space<semaphore_mem>>
        %dma_start3A_346 = arith.constant 0 : i32
        %dma_start3A_347 = tpu.memref_slice %arg11[%add3A_344, %dma_start3A_346] : memref<6256x16xf32, #tpu.memory_space<vmem_shared>> -> memref<128x16xf32, #tpu.memory_space<vmem_shared>>
        %dma_start3A_348 = arith.constant 0 : i32
        %dma_start3A_349 = tpu.memref_slice %arg11[%add3A_344, %dma_start3A_348] : memref<6256x16xf32, #tpu.memory_space<vmem_shared>> -> memref<128x16xf32, #tpu.memory_space<vmem_shared>>
        tpu.enqueue_dma source(%arg17 : memref<128x16xf32, #tpu.memory_space<vmem>>) target(%dma_start3A_349 : memref<128x16xf32, #tpu.memory_space<vmem_shared>>) target_semaphore(%run_scoped3A : memref<!tpu.dma_semaphore, #tpu.memory_space<semaphore_mem>>)
        %dma_wait3A_350 = arith.constant 0 : i32
        %dma_wait3A_351 = tpu.memref_slice %arg11[%add3A_344, %dma_wait3A_350] : memref<6256x16xf32, #tpu.memory_space<vmem_shared>> -> memref<128x16xf32, #tpu.memory_space<vmem_shared>>
        %dma_wait3A_352 = arith.constant 0 : i32
        %dma_wait3A_353 = tpu.memref_slice %arg11[%add3A_344, %dma_wait3A_352] : memref<6256x16xf32, #tpu.memory_space<vmem_shared>> -> memref<128x16xf32, #tpu.memory_space<vmem_shared>>
        tpu.wait_dma2 semaphore(%run_scoped3A : memref<!tpu.dma_semaphore, #tpu.memory_space<semaphore_mem>>) src(%arg17 : memref<128x16xf32, #tpu.memory_space<vmem>>) dst(%dma_wait3A_353 : memref<128x16xf32, #tpu.memory_space<vmem_shared>>)
        tpu.yield
      }) : () -> ()
      %scan3A_345 = arith.constant 0 : i32
      scf.yield %scan3A_345 : i32
    }
    %scan3A_26 = arith.constant 3 : i32
    %mul3A_27 = arith.constant 391 : i32
    %mul3A_28 = arith.muli %arg1, %mul3A_27 : i32
    %add3A_29 = arith.constant 384 : i32
    %add3A_30 = arith.addi %mul3A_28, %add3A_29 : i32
    "tpu.region"() ({
      %run_scoped3A = tpu.sem_alloc : memref<!tpu.dma_semaphore, #tpu.memory_space<semaphore_mem>>
      %dma_start3A_338 = arith.constant 0 : i32
      %dma_start3A_339 = arith.constant 0 : i32
      %dma_start3A_340 = tpu.memref_slice %arg17[%dma_start3A_338, %dma_start3A_339] : memref<128x16xf32, #tpu.memory_space<vmem>> -> memref<7x16xf32, #tpu.memory_space<vmem>>
      %dma_start3A_341 = arith.constant 0 : i32
      %dma_start3A_342 = tpu.memref_slice %arg11[%add3A_30, %dma_start3A_341] : memref<6256x16xf32, #tpu.memory_space<vmem_shared>> -> memref<7x16xf32, #tpu.memory_space<vmem_shared>>
      %dma_start3A_343 = arith.constant 0 : i32
      %dma_start3A_344 = tpu.memref_slice %arg11[%add3A_30, %dma_start3A_343] : memref<6256x16xf32, #tpu.memory_space<vmem_shared>> -> memref<7x16xf32, #tpu.memory_space<vmem_shared>>
      %dma_start3A_345 = arith.constant 0 : i32
      %dma_start3A_346 = arith.constant 0 : i32
      %dma_start3A_347 = tpu.memref_slice %arg17[%dma_start3A_345, %dma_start3A_346] : memref<128x16xf32, #tpu.memory_space<vmem>> -> memref<7x16xf32, #tpu.memory_space<vmem>>
      tpu.enqueue_dma source(%dma_start3A_347 : memref<7x16xf32, #tpu.memory_space<vmem>>) target(%dma_start3A_344 : memref<7x16xf32, #tpu.memory_space<vmem_shared>>) target_semaphore(%run_scoped3A : memref<!tpu.dma_semaphore, #tpu.memory_space<semaphore_mem>>)
      %dma_wait3A_348 = arith.constant 0 : i32
      %dma_wait3A_349 = arith.constant 0 : i32
      %dma_wait3A_350 = tpu.memref_slice %arg17[%dma_wait3A_348, %dma_wait3A_349] : memref<128x16xf32, #tpu.memory_space<vmem>> -> memref<7x16xf32, #tpu.memory_space<vmem>>
      %dma_wait3A_351 = arith.constant 0 : i32
      %dma_wait3A_352 = tpu.memref_slice %arg11[%add3A_30, %dma_wait3A_351] : memref<6256x16xf32, #tpu.memory_space<vmem_shared>> -> memref<7x16xf32, #tpu.memory_space<vmem_shared>>
      %dma_wait3A_353 = arith.constant 0 : i32
      %dma_wait3A_354 = tpu.memref_slice %arg11[%add3A_30, %dma_wait3A_353] : memref<6256x16xf32, #tpu.memory_space<vmem_shared>> -> memref<7x16xf32, #tpu.memory_space<vmem_shared>>
      %dma_wait3A_355 = arith.constant 0 : i32
      %dma_wait3A_356 = arith.constant 0 : i32
      %dma_wait3A_357 = tpu.memref_slice %arg17[%dma_wait3A_355, %dma_wait3A_356] : memref<128x16xf32, #tpu.memory_space<vmem>> -> memref<7x16xf32, #tpu.memory_space<vmem>>
      tpu.wait_dma2 semaphore(%run_scoped3A : memref<!tpu.dma_semaphore, #tpu.memory_space<semaphore_mem>>) src(%dma_wait3A_357 : memref<7x16xf32, #tpu.memory_space<vmem>>) dst(%dma_wait3A_354 : memref<7x16xf32, #tpu.memory_space<vmem_shared>>)
      tpu.yield
    }) : () -> ()
    %barrier3A = arith.constant 0 : index
    tpu.barrier barrier_id(%barrier3A)
    "tpu.region"() ({
      %run_scoped3A = tpu.sem_alloc : memref<!tpu.dma_semaphore, #tpu.memory_space<semaphore_mem>>
      tpu.enqueue_dma source(%arg7 : memref<2x32xf32, #tpu.memory_space<hbm>>) target(%arg30 : memref<2x32xf32, #tpu.memory_space<vmem>>) target_semaphore(%run_scoped3A : memref<!tpu.dma_semaphore, #tpu.memory_space<semaphore_mem>>)
      tpu.wait_dma2 semaphore(%run_scoped3A : memref<!tpu.dma_semaphore, #tpu.memory_space<semaphore_mem>>) src(%arg7 : memref<2x32xf32, #tpu.memory_space<hbm>>) dst(%arg30 : memref<2x32xf32, #tpu.memory_space<vmem>>)
      tpu.yield
    }) : () -> ()
    %get3A = arith.index_cast %arg0 : i32 to index
    %get3A_31 = arith.constant 0 : index
    %get3A_32 = tpu.vector_load %arg30[%get3A, %get3A_31] {strides = array<i32>} : memref<2x32xf32, #tpu.memory_space<vmem>>, vector<16xf32>,
    %get3A_33 = arith.index_cast %arg0 : i32 to index
    %get3A_34 = arith.constant 16 : index
    %get3A_35 = tpu.vector_load %arg30[%get3A_33, %get3A_34] {strides = array<i32>} : memref<2x32xf32, #tpu.memory_space<vmem>>, vector<16xf32>,
    %iota3A = tpu.iota {dimensions = array<i32: 0>} : vector<16xi32>
    %broadcast_in_dim3A_36 = vector.broadcast %mul3A_2 : i32 to vector<16xi32>
    %dma_start3A = arith.constant 0 : i32
    %dma_start3A_37 = tpu.memref_slice %arg4[%mul3A_0, %dma_start3A] : memref<6274x128xi32, #tpu.memory_space<hbm>> -> memref<1x128xi32, #tpu.memory_space<hbm>>
    %dma_start3A_38 = tpu.memref_squeeze %dma_start3A_37 : memref<1x128xi32, #tpu.memory_space<hbm>> -> memref<128xi32, #tpu.memory_space<hbm>>
    %dma_start3A_39 = arith.constant 0 : i32
    %dma_start3A_40 = tpu.memref_slice %arg4[%mul3A_0, %dma_start3A_39] : memref<6274x128xi32, #tpu.memory_space<hbm>> -> memref<1x128xi32, #tpu.memory_space<hbm>>
    %dma_start3A_41 = tpu.memref_squeeze %dma_start3A_40 : memref<1x128xi32, #tpu.memory_space<hbm>> -> memref<128xi32, #tpu.memory_space<hbm>>
    tpu.enqueue_dma source(%dma_start3A_41 : memref<128xi32, #tpu.memory_space<hbm>>) target(%arg18 : memref<128xi32, #tpu.memory_space<vmem>>) target_semaphore(%arg33 : memref<!tpu.dma_semaphore, #tpu.memory_space<semaphore_mem>>)
    %dma_start3A_42 = arith.constant 0 : i32
    %dma_start3A_43 = tpu.memref_slice %arg5[%mul3A_0, %dma_start3A_42] : memref<6274x128xi32, #tpu.memory_space<hbm>> -> memref<1x128xi32, #tpu.memory_space<hbm>>
    %dma_start3A_44 = tpu.memref_squeeze %dma_start3A_43 : memref<1x128xi32, #tpu.memory_space<hbm>> -> memref<128xi32, #tpu.memory_space<hbm>>
    %dma_start3A_45 = arith.constant 0 : i32
    %dma_start3A_46 = tpu.memref_slice %arg5[%mul3A_0, %dma_start3A_45] : memref<6274x128xi32, #tpu.memory_space<hbm>> -> memref<1x128xi32, #tpu.memory_space<hbm>>
    %dma_start3A_47 = tpu.memref_squeeze %dma_start3A_46 : memref<1x128xi32, #tpu.memory_space<hbm>> -> memref<128xi32, #tpu.memory_space<hbm>>
    tpu.enqueue_dma source(%dma_start3A_47 : memref<128xi32, #tpu.memory_space<hbm>>) target(%arg19 : memref<128xi32, #tpu.memory_space<vmem>>) target_semaphore(%arg33 : memref<!tpu.dma_semaphore, #tpu.memory_space<semaphore_mem>>)
    %dma_start3A_48 = arith.constant 0 : i32
    %dma_start3A_49 = tpu.memref_slice %arg6[%mul3A_0, %dma_start3A_48] : memref<6274x128xi32, #tpu.memory_space<hbm>> -> memref<1x128xi32, #tpu.memory_space<hbm>>
    %dma_start3A_50 = tpu.memref_squeeze %dma_start3A_49 : memref<1x128xi32, #tpu.memory_space<hbm>> -> memref<128xi32, #tpu.memory_space<hbm>>
    %dma_start3A_51 = arith.constant 0 : i32
    %dma_start3A_52 = tpu.memref_slice %arg6[%mul3A_0, %dma_start3A_51] : memref<6274x128xi32, #tpu.memory_space<hbm>> -> memref<1x128xi32, #tpu.memory_space<hbm>>
    %dma_start3A_53 = tpu.memref_squeeze %dma_start3A_52 : memref<1x128xi32, #tpu.memory_space<hbm>> -> memref<128xi32, #tpu.memory_space<hbm>>
    tpu.enqueue_dma source(%dma_start3A_53 : memref<128xi32, #tpu.memory_space<hbm>>) target(%arg20 : memref<128xi32, #tpu.memory_space<vmem>>) target_semaphore(%arg33 : memref<!tpu.dma_semaphore, #tpu.memory_space<semaphore_mem>>)
    %dma_wait3A = arith.constant 0 : i32
    %dma_wait3A_54 = arith.constant 0 : i32
    %dma_wait3A_55 = tpu.memref_slice %arg4[%dma_wait3A, %dma_wait3A_54] : memref<6274x128xi32, #tpu.memory_space<hbm>> -> memref<1x128xi32, #tpu.memory_space<hbm>>
    %dma_wait3A_56 = tpu.memref_squeeze %dma_wait3A_55 : memref<1x128xi32, #tpu.memory_space<hbm>> -> memref<128xi32, #tpu.memory_space<hbm>>
    %dma_wait3A_57 = arith.constant 0 : i32
    %dma_wait3A_58 = tpu.memref_slice %arg4[%dma_wait3A, %dma_wait3A_57] : memref<6274x128xi32, #tpu.memory_space<hbm>> -> memref<1x128xi32, #tpu.memory_space<hbm>>
    %dma_wait3A_59 = tpu.memref_squeeze %dma_wait3A_58 : memref<1x128xi32, #tpu.memory_space<hbm>> -> memref<128xi32, #tpu.memory_space<hbm>>
    tpu.wait_dma2 semaphore(%arg33 : memref<!tpu.dma_semaphore, #tpu.memory_space<semaphore_mem>>) src(%dma_wait3A_59 : memref<128xi32, #tpu.memory_space<hbm>>) dst(%arg18 : memref<128xi32, #tpu.memory_space<vmem>>)
    %dma_wait3A_60 = arith.constant 0 : i32
    %dma_wait3A_61 = arith.constant 0 : i32
    %dma_wait3A_62 = tpu.memref_slice %arg4[%dma_wait3A_60, %dma_wait3A_61] : memref<6274x128xi32, #tpu.memory_space<hbm>> -> memref<1x128xi32, #tpu.memory_space<hbm>>
    %dma_wait3A_63 = tpu.memref_squeeze %dma_wait3A_62 : memref<1x128xi32, #tpu.memory_space<hbm>> -> memref<128xi32, #tpu.memory_space<hbm>>
    %dma_wait3A_64 = arith.constant 0 : i32
    %dma_wait3A_65 = tpu.memref_slice %arg4[%dma_wait3A_60, %dma_wait3A_64] : memref<6274x128xi32, #tpu.memory_space<hbm>> -> memref<1x128xi32, #tpu.memory_space<hbm>>
    %dma_wait3A_66 = tpu.memref_squeeze %dma_wait3A_65 : memref<1x128xi32, #tpu.memory_space<hbm>> -> memref<128xi32, #tpu.memory_space<hbm>>
    tpu.wait_dma2 semaphore(%arg33 : memref<!tpu.dma_semaphore, #tpu.memory_space<semaphore_mem>>) src(%dma_wait3A_66 : memref<128xi32, #tpu.memory_space<hbm>>) dst(%arg19 : memref<128xi32, #tpu.memory_space<vmem>>)
    %dma_wait3A_67 = arith.constant 0 : i32
    %dma_wait3A_68 = arith.constant 0 : i32
    %dma_wait3A_69 = tpu.memref_slice %arg4[%dma_wait3A_67, %dma_wait3A_68] : memref<6274x128xi32, #tpu.memory_space<hbm>> -> memref<1x128xi32, #tpu.memory_space<hbm>>
    %dma_wait3A_70 = tpu.memref_squeeze %dma_wait3A_69 : memref<1x128xi32, #tpu.memory_space<hbm>> -> memref<128xi32, #tpu.memory_space<hbm>>
    %dma_wait3A_71 = arith.constant 0 : i32
    %dma_wait3A_72 = tpu.memref_slice %arg4[%dma_wait3A_67, %dma_wait3A_71] : memref<6274x128xi32, #tpu.memory_space<hbm>> -> memref<1x128xi32, #tpu.memory_space<hbm>>
    %dma_wait3A_73 = tpu.memref_squeeze %dma_wait3A_72 : memref<1x128xi32, #tpu.memory_space<hbm>> -> memref<128xi32, #tpu.memory_space<hbm>>
    tpu.wait_dma2 semaphore(%arg33 : memref<!tpu.dma_semaphore, #tpu.memory_space<semaphore_mem>>) src(%dma_wait3A_73 : memref<128xi32, #tpu.memory_space<hbm>>) dst(%arg20 : memref<128xi32, #tpu.memory_space<vmem>>)
    %get3A_74 = arith.constant 0 : index
    %get3A_75 = tpu.vector_load %arg20[%get3A_74] {strides = array<i32>} : memref<128xi32, #tpu.memory_space<vmem>>, vector<16xi32>,
    %swap3A = arith.constant 0 : index
    %swap3A_76 = tpu.vector_load %arg28[%swap3A] {strides = array<i32>} : memref<128xi32, #tpu.memory_space<vmem>>, vector<16xi32>,
    tpu.vector_store %arg28[%swap3A], %get3A_75 {strides = array<i32>} : memref<128xi32, #tpu.memory_space<vmem>>, vector<16xi32>,
    %shift_right_logical3A = arith.constant 3 : i32
    %shift_right_logical3A_77 = vector.broadcast %shift_right_logical3A : i32 to vector<16xi32>
    %shift_right_logical3A_78 = arith.shrui %get3A_75, %shift_right_logical3A_77 : vector<16xi32>
    %swap3A_79 = arith.constant 0 : index
    %swap3A_80 = tpu.vector_load %arg21[%swap3A_79] {strides = array<i32>} : memref<128xi32, #tpu.memory_space<vmem>>, vector<16xi32>,
    tpu.vector_store %arg21[%swap3A_79], %shift_right_logical3A_78 {strides = array<i32>} : memref<128xi32, #tpu.memory_space<vmem>>, vector<16xi32>,
    %and3A = arith.constant 7 : i32
    %and3A_81 = vector.broadcast %and3A : i32 to vector<16xi32>
    %and3A_82 = arith.andi %get3A_75, %and3A_81 : vector<16xi32>
    %swap3A_83 = arith.constant 0 : index
    %swap3A_84 = tpu.vector_load %arg22[%swap3A_83] {strides = array<i32>} : memref<144xi32, #tpu.memory_space<vmem>>, vector<16xi32>,
    tpu.vector_store %arg22[%swap3A_83], %and3A_82 {strides = array<i32>} : memref<144xi32, #tpu.memory_space<vmem>>, vector<16xi32>,
    %get3A_85 = arith.constant 0 : index
    %get3A_86 = tpu.vector_load %arg18[%get3A_85] {strides = array<i32>} : memref<128xi32, #tpu.memory_space<vmem>>, vector<16xi32>,
    %add3A_87 = arith.addi %get3A_86, %broadcast_in_dim3A_36 : vector<16xi32>
    %swap3A_88 = arith.constant 0 : index
    %swap3A_89 = tpu.vector_load %arg18[%swap3A_88] {strides = array<i32>} : memref<128xi32, #tpu.memory_space<vmem>>, vector<16xi32>,
    tpu.vector_store %arg18[%swap3A_88], %add3A_87 {strides = array<i32>} : memref<128xi32, #tpu.memory_space<vmem>>, vector<16xi32>,
    %get3A_90 = arith.constant 0 : index
    %get3A_91 = tpu.vector_load %arg19[%get3A_90] {strides = array<i32>} : memref<128xi32, #tpu.memory_space<vmem>>, vector<16xi32>,
    %add3A_92 = arith.addi %get3A_91, %broadcast_in_dim3A_36 : vector<16xi32>
    %swap3A_93 = arith.constant 0 : index
    %swap3A_94 = tpu.vector_load %arg19[%swap3A_93] {strides = array<i32>} : memref<128xi32, #tpu.memory_space<vmem>>, vector<16xi32>,
    tpu.vector_store %arg19[%swap3A_93], %add3A_92 {strides = array<i32>} : memref<128xi32, #tpu.memory_space<vmem>>, vector<16xi32>,
    %get3A_95 = arith.constant 16 : index
    %get3A_96 = tpu.vector_load %arg20[%get3A_95] {strides = array<i32>} : memref<128xi32, #tpu.memory_space<vmem>>, vector<16xi32>,
    %swap3A_97 = arith.constant 16 : index
    %swap3A_98 = tpu.vector_load %arg28[%swap3A_97] {strides = array<i32>} : memref<128xi32, #tpu.memory_space<vmem>>, vector<16xi32>,
    tpu.vector_store %arg28[%swap3A_97], %get3A_96 {strides = array<i32>} : memref<128xi32, #tpu.memory_space<vmem>>, vector<16xi32>,
    %shift_right_logical3A_99 = arith.constant 3 : i32
    %shift_right_logical3A_100 = vector.broadcast %shift_right_logical3A_99 : i32 to vector<16xi32>
    %shift_right_logical3A_101 = arith.shrui %get3A_96, %shift_right_logical3A_100 : vector<16xi32>
    %swap3A_102 = arith.constant 16 : index
    %swap3A_103 = tpu.vector_load %arg21[%swap3A_102] {strides = array<i32>} : memref<128xi32, #tpu.memory_space<vmem>>, vector<16xi32>,
    tpu.vector_store %arg21[%swap3A_102], %shift_right_logical3A_101 {strides = array<i32>} : memref<128xi32, #tpu.memory_space<vmem>>, vector<16xi32>,
    %and3A_104 = arith.constant 7 : i32
    %and3A_105 = vector.broadcast %and3A_104 : i32 to vector<16xi32>
    %and3A_106 = arith.andi %get3A_96, %and3A_105 : vector<16xi32>
    %swap3A_107 = arith.constant 16 : index
    %swap3A_108 = tpu.vector_load %arg22[%swap3A_107] {strides = array<i32>} : memref<144xi32, #tpu.memory_space<vmem>>, vector<16xi32>,
    tpu.vector_store %arg22[%swap3A_107], %and3A_106 {strides = array<i32>} : memref<144xi32, #tpu.memory_space<vmem>>, vector<16xi32>,
    %get3A_109 = arith.constant 16 : index
    %get3A_110 = tpu.vector_load %arg18[%get3A_109] {strides = array<i32>} : memref<128xi32, #tpu.memory_space<vmem>>, vector<16xi32>,
    %add3A_111 = arith.addi %get3A_110, %broadcast_in_dim3A_36 : vector<16xi32>
    %swap3A_112 = arith.constant 16 : index
    %swap3A_113 = tpu.vector_load %arg18[%swap3A_112] {strides = array<i32>} : memref<128xi32, #tpu.memory_space<vmem>>, vector<16xi32>,
    tpu.vector_store %arg18[%swap3A_112], %add3A_111 {strides = array<i32>} : memref<128xi32, #tpu.memory_space<vmem>>, vector<16xi32>,
    %get3A_114 = arith.constant 16 : index
    %get3A_115 = tpu.vector_load %arg19[%get3A_114] {strides = array<i32>} : memref<128xi32, #tpu.memory_space<vmem>>, vector<16xi32>,
    %add3A_116 = arith.addi %get3A_115, %broadcast_in_dim3A_36 : vector<16xi32>
    %swap3A_117 = arith.constant 16 : index
    %swap3A_118 = tpu.vector_load %arg19[%swap3A_117] {strides = array<i32>} : memref<128xi32, #tpu.memory_space<vmem>>, vector<16xi32>,
    tpu.vector_store %arg19[%swap3A_117], %add3A_116 {strides = array<i32>} : memref<128xi32, #tpu.memory_space<vmem>>, vector<16xi32>,
    %get3A_119 = arith.constant 32 : index
    %get3A_120 = tpu.vector_load %arg20[%get3A_119] {strides = array<i32>} : memref<128xi32, #tpu.memory_space<vmem>>, vector<16xi32>,
    %swap3A_121 = arith.constant 32 : index
    %swap3A_122 = tpu.vector_load %arg28[%swap3A_121] {strides = array<i32>} : memref<128xi32, #tpu.memory_space<vmem>>, vector<16xi32>,
    tpu.vector_store %arg28[%swap3A_121], %get3A_120 {strides = array<i32>} : memref<128xi32, #tpu.memory_space<vmem>>, vector<16xi32>,
    %shift_right_logical3A_123 = arith.constant 3 : i32
    %shift_right_logical3A_124 = vector.broadcast %shift_right_logical3A_123 : i32 to vector<16xi32>
    %shift_right_logical3A_125 = arith.shrui %get3A_120, %shift_right_logical3A_124 : vector<16xi32>
    %swap3A_126 = arith.constant 32 : index
    %swap3A_127 = tpu.vector_load %arg21[%swap3A_126] {strides = array<i32>} : memref<128xi32, #tpu.memory_space<vmem>>, vector<16xi32>,
    tpu.vector_store %arg21[%swap3A_126], %shift_right_logical3A_125 {strides = array<i32>} : memref<128xi32, #tpu.memory_space<vmem>>, vector<16xi32>,
    %and3A_128 = arith.constant 7 : i32
    %and3A_129 = vector.broadcast %and3A_128 : i32 to vector<16xi32>
    %and3A_130 = arith.andi %get3A_120, %and3A_129 : vector<16xi32>
    %swap3A_131 = arith.constant 32 : index
    %swap3A_132 = tpu.vector_load %arg22[%swap3A_131] {strides = array<i32>} : memref<144xi32, #tpu.memory_space<vmem>>, vector<16xi32>,
    tpu.vector_store %arg22[%swap3A_131], %and3A_130 {strides = array<i32>} : memref<144xi32, #tpu.memory_space<vmem>>, vector<16xi32>,
    %get3A_133 = arith.constant 32 : index
    %get3A_134 = tpu.vector_load %arg18[%get3A_133] {strides = array<i32>} : memref<128xi32, #tpu.memory_space<vmem>>, vector<16xi32>,
    %add3A_135 = arith.addi %get3A_134, %broadcast_in_dim3A_36 : vector<16xi32>
    %swap3A_136 = arith.constant 32 : index
    %swap3A_137 = tpu.vector_load %arg18[%swap3A_136] {strides = array<i32>} : memref<128xi32, #tpu.memory_space<vmem>>, vector<16xi32>,
    tpu.vector_store %arg18[%swap3A_136], %add3A_135 {strides = array<i32>} : memref<128xi32, #tpu.memory_space<vmem>>, vector<16xi32>,
    %get3A_138 = arith.constant 32 : index
    %get3A_139 = tpu.vector_load %arg19[%get3A_138] {strides = array<i32>} : memref<128xi32, #tpu.memory_space<vmem>>, vector<16xi32>,
    %add3A_140 = arith.addi %get3A_139, %broadcast_in_dim3A_36 : vector<16xi32>
    %swap3A_141 = arith.constant 32 : index
    %swap3A_142 = tpu.vector_load %arg19[%swap3A_141] {strides = array<i32>} : memref<128xi32, #tpu.memory_space<vmem>>, vector<16xi32>,
    tpu.vector_store %arg19[%swap3A_141], %add3A_140 {strides = array<i32>} : memref<128xi32, #tpu.memory_space<vmem>>, vector<16xi32>,
    %get3A_143 = arith.constant 48 : index
    %get3A_144 = tpu.vector_load %arg20[%get3A_143] {strides = array<i32>} : memref<128xi32, #tpu.memory_space<vmem>>, vector<16xi32>,
    %swap3A_145 = arith.constant 48 : index
    %swap3A_146 = tpu.vector_load %arg28[%swap3A_145] {strides = array<i32>} : memref<128xi32, #tpu.memory_space<vmem>>, vector<16xi32>,
    tpu.vector_store %arg28[%swap3A_145], %get3A_144 {strides = array<i32>} : memref<128xi32, #tpu.memory_space<vmem>>, vector<16xi32>,
    %shift_right_logical3A_147 = arith.constant 3 : i32
    %shift_right_logical3A_148 = vector.broadcast %shift_right_logical3A_147 : i32 to vector<16xi32>
    %shift_right_logical3A_149 = arith.shrui %get3A_144, %shift_right_logical3A_148 : vector<16xi32>
    %swap3A_150 = arith.constant 48 : index
    %swap3A_151 = tpu.vector_load %arg21[%swap3A_150] {strides = array<i32>} : memref<128xi32, #tpu.memory_space<vmem>>, vector<16xi32>,
    tpu.vector_store %arg21[%swap3A_150], %shift_right_logical3A_149 {strides = array<i32>} : memref<128xi32, #tpu.memory_space<vmem>>, vector<16xi32>,
    %and3A_152 = arith.constant 7 : i32
    %and3A_153 = vector.broadcast %and3A_152 : i32 to vector<16xi32>
    %and3A_154 = arith.andi %get3A_144, %and3A_153 : vector<16xi32>
    %swap3A_155 = arith.constant 48 : index
    %swap3A_156 = tpu.vector_load %arg22[%swap3A_155] {strides = array<i32>} : memref<144xi32, #tpu.memory_space<vmem>>, vector<16xi32>,
    tpu.vector_store %arg22[%swap3A_155], %and3A_154 {strides = array<i32>} : memref<144xi32, #tpu.memory_space<vmem>>, vector<16xi32>,
    %get3A_157 = arith.constant 48 : index
    %get3A_158 = tpu.vector_load %arg18[%get3A_157] {strides = array<i32>} : memref<128xi32, #tpu.memory_space<vmem>>, vector<16xi32>,
    %add3A_159 = arith.addi %get3A_158, %broadcast_in_dim3A_36 : vector<16xi32>
    %swap3A_160 = arith.constant 48 : index
    %swap3A_161 = tpu.vector_load %arg18[%swap3A_160] {strides = array<i32>} : memref<128xi32, #tpu.memory_space<vmem>>, vector<16xi32>,
    tpu.vector_store %arg18[%swap3A_160], %add3A_159 {strides = array<i32>} : memref<128xi32, #tpu.memory_space<vmem>>, vector<16xi32>,
    %get3A_162 = arith.constant 48 : index
    %get3A_163 = tpu.vector_load %arg19[%get3A_162] {strides = array<i32>} : memref<128xi32, #tpu.memory_space<vmem>>, vector<16xi32>,
    %add3A_164 = arith.addi %get3A_163, %broadcast_in_dim3A_36 : vector<16xi32>
    %swap3A_165 = arith.constant 48 : index
    %swap3A_166 = tpu.vector_load %arg19[%swap3A_165] {strides = array<i32>} : memref<128xi32, #tpu.memory_space<vmem>>, vector<16xi32>,
    tpu.vector_store %arg19[%swap3A_165], %add3A_164 {strides = array<i32>} : memref<128xi32, #tpu.memory_space<vmem>>, vector<16xi32>,
    %get3A_167 = arith.constant 64 : index
    %get3A_168 = tpu.vector_load %arg20[%get3A_167] {strides = array<i32>} : memref<128xi32, #tpu.memory_space<vmem>>, vector<16xi32>,
    %swap3A_169 = arith.constant 64 : index
    %swap3A_170 = tpu.vector_load %arg28[%swap3A_169] {strides = array<i32>} : memref<128xi32, #tpu.memory_space<vmem>>, vector<16xi32>,
    tpu.vector_store %arg28[%swap3A_169], %get3A_168 {strides = array<i32>} : memref<128xi32, #tpu.memory_space<vmem>>, vector<16xi32>,
    %shift_right_logical3A_171 = arith.constant 3 : i32
    %shift_right_logical3A_172 = vector.broadcast %shift_right_logical3A_171 : i32 to vector<16xi32>
    %shift_right_logical3A_173 = arith.shrui %get3A_168, %shift_right_logical3A_172 : vector<16xi32>
    %swap3A_174 = arith.constant 64 : index
    %swap3A_175 = tpu.vector_load %arg21[%swap3A_174] {strides = array<i32>} : memref<128xi32, #tpu.memory_space<vmem>>, vector<16xi32>,
    tpu.vector_store %arg21[%swap3A_174], %shift_right_logical3A_173 {strides = array<i32>} : memref<128xi32, #tpu.memory_space<vmem>>, vector<16xi32>,
    %and3A_176 = arith.constant 7 : i32
    %and3A_177 = vector.broadcast %and3A_176 : i32 to vector<16xi32>
    %and3A_178 = arith.andi %get3A_168, %and3A_177 : vector<16xi32>
    %swap3A_179 = arith.constant 64 : index
    %swap3A_180 = tpu.vector_load %arg22[%swap3A_179] {strides = array<i32>} : memref<144xi32, #tpu.memory_space<vmem>>, vector<16xi32>,
    tpu.vector_store %arg22[%swap3A_179], %and3A_178 {strides = array<i32>} : memref<144xi32, #tpu.memory_space<vmem>>, vector<16xi32>,
    %get3A_181 = arith.constant 64 : index
    %get3A_182 = tpu.vector_load %arg18[%get3A_181] {strides = array<i32>} : memref<128xi32, #tpu.memory_space<vmem>>, vector<16xi32>,
    %add3A_183 = arith.addi %get3A_182, %broadcast_in_dim3A_36 : vector<16xi32>
    %swap3A_184 = arith.constant 64 : index
    %swap3A_185 = tpu.vector_load %arg18[%swap3A_184] {strides = array<i32>} : memref<128xi32, #tpu.memory_space<vmem>>, vector<16xi32>,
    tpu.vector_store %arg18[%swap3A_184], %add3A_183 {strides = array<i32>} : memref<128xi32, #tpu.memory_space<vmem>>, vector<16xi32>,
    %get3A_186 = arith.constant 64 : index
    %get3A_187 = tpu.vector_load %arg19[%get3A_186] {strides = array<i32>} : memref<128xi32, #tpu.memory_space<vmem>>, vector<16xi32>,
    %add3A_188 = arith.addi %get3A_187, %broadcast_in_dim3A_36 : vector<16xi32>
    %swap3A_189 = arith.constant 64 : index
    %swap3A_190 = tpu.vector_load %arg19[%swap3A_189] {strides = array<i32>} : memref<128xi32, #tpu.memory_space<vmem>>, vector<16xi32>,
    tpu.vector_store %arg19[%swap3A_189], %add3A_188 {strides = array<i32>} : memref<128xi32, #tpu.memory_space<vmem>>, vector<16xi32>,
    %get3A_191 = arith.constant 80 : index
    %get3A_192 = tpu.vector_load %arg20[%get3A_191] {strides = array<i32>} : memref<128xi32, #tpu.memory_space<vmem>>, vector<16xi32>,
    %swap3A_193 = arith.constant 80 : index
    %swap3A_194 = tpu.vector_load %arg28[%swap3A_193] {strides = array<i32>} : memref<128xi32, #tpu.memory_space<vmem>>, vector<16xi32>,
    tpu.vector_store %arg28[%swap3A_193], %get3A_192 {strides = array<i32>} : memref<128xi32, #tpu.memory_space<vmem>>, vector<16xi32>,
    %shift_right_logical3A_195 = arith.constant 3 : i32
    %shift_right_logical3A_196 = vector.broadcast %shift_right_logical3A_195 : i32 to vector<16xi32>
    %shift_right_logical3A_197 = arith.shrui %get3A_192, %shift_right_logical3A_196 : vector<16xi32>
    %swap3A_198 = arith.constant 80 : index
    %swap3A_199 = tpu.vector_load %arg21[%swap3A_198] {strides = array<i32>} : memref<128xi32, #tpu.memory_space<vmem>>, vector<16xi32>,
    tpu.vector_store %arg21[%swap3A_198], %shift_right_logical3A_197 {strides = array<i32>} : memref<128xi32, #tpu.memory_space<vmem>>, vector<16xi32>,
    %and3A_200 = arith.constant 7 : i32
    %and3A_201 = vector.broadcast %and3A_200 : i32 to vector<16xi32>
    %and3A_202 = arith.andi %get3A_192, %and3A_201 : vector<16xi32>
    %swap3A_203 = arith.constant 80 : index
    %swap3A_204 = tpu.vector_load %arg22[%swap3A_203] {strides = array<i32>} : memref<144xi32, #tpu.memory_space<vmem>>, vector<16xi32>,
    tpu.vector_store %arg22[%swap3A_203], %and3A_202 {strides = array<i32>} : memref<144xi32, #tpu.memory_space<vmem>>, vector<16xi32>,
    %get3A_205 = arith.constant 80 : index
    %get3A_206 = tpu.vector_load %arg18[%get3A_205] {strides = array<i32>} : memref<128xi32, #tpu.memory_space<vmem>>, vector<16xi32>,
    %add3A_207 = arith.addi %get3A_206, %broadcast_in_dim3A_36 : vector<16xi32>
    %swap3A_208 = arith.constant 80 : index
    %swap3A_209 = tpu.vector_load %arg18[%swap3A_208] {strides = array<i32>} : memref<128xi32, #tpu.memory_space<vmem>>, vector<16xi32>,
    tpu.vector_store %arg18[%swap3A_208], %add3A_207 {strides = array<i32>} : memref<128xi32, #tpu.memory_space<vmem>>, vector<16xi32>,
    %get3A_210 = arith.constant 80 : index
    %get3A_211 = tpu.vector_load %arg19[%get3A_210] {strides = array<i32>} : memref<128xi32, #tpu.memory_space<vmem>>, vector<16xi32>,
    %add3A_212 = arith.addi %get3A_211, %broadcast_in_dim3A_36 : vector<16xi32>
    %swap3A_213 = arith.constant 80 : index
    %swap3A_214 = tpu.vector_load %arg19[%swap3A_213] {strides = array<i32>} : memref<128xi32, #tpu.memory_space<vmem>>, vector<16xi32>,
    tpu.vector_store %arg19[%swap3A_213], %add3A_212 {strides = array<i32>} : memref<128xi32, #tpu.memory_space<vmem>>, vector<16xi32>,
    %get3A_215 = arith.constant 96 : index
    %get3A_216 = tpu.vector_load %arg20[%get3A_215] {strides = array<i32>} : memref<128xi32, #tpu.memory_space<vmem>>, vector<16xi32>,
    %swap3A_217 = arith.constant 96 : index
    %swap3A_218 = tpu.vector_load %arg28[%swap3A_217] {strides = array<i32>} : memref<128xi32, #tpu.memory_space<vmem>>, vector<16xi32>,
    tpu.vector_store %arg28[%swap3A_217], %get3A_216 {strides = array<i32>} : memref<128xi32, #tpu.memory_space<vmem>>, vector<16xi32>,
    %shift_right_logical3A_219 = arith.constant 3 : i32
    %shift_right_logical3A_220 = vector.broadcast %shift_right_logical3A_219 : i32 to vector<16xi32>
    %shift_right_logical3A_221 = arith.shrui %get3A_216, %shift_right_logical3A_220 : vector<16xi32>
    %swap3A_222 = arith.constant 96 : index
    %swap3A_223 = tpu.vector_load %arg21[%swap3A_222] {strides = array<i32>} : memref<128xi32, #tpu.memory_space<vmem>>, vector<16xi32>,
    tpu.vector_store %arg21[%swap3A_222], %shift_right_logical3A_221 {strides = array<i32>} : memref<128xi32, #tpu.memory_space<vmem>>, vector<16xi32>,
    %and3A_224 = arith.constant 7 : i32
    %and3A_225 = vector.broadcast %and3A_224 : i32 to vector<16xi32>
    %and3A_226 = arith.andi %get3A_216, %and3A_225 : vector<16xi32>
    %swap3A_227 = arith.constant 96 : index
    %swap3A_228 = tpu.vector_load %arg22[%swap3A_227] {strides = array<i32>} : memref<144xi32, #tpu.memory_space<vmem>>, vector<16xi32>,
    tpu.vector_store %arg22[%swap3A_227], %and3A_226 {strides = array<i32>} : memref<144xi32, #tpu.memory_space<vmem>>, vector<16xi32>,
    %get3A_229 = arith.constant 96 : index
    %get3A_230 = tpu.vector_load %arg18[%get3A_229] {strides = array<i32>} : memref<128xi32, #tpu.memory_space<vmem>>, vector<16xi32>,
    %add3A_231 = arith.addi %get3A_230, %broadcast_in_dim3A_36 : vector<16xi32>
    %swap3A_232 = arith.constant 96 : index
    %swap3A_233 = tpu.vector_load %arg18[%swap3A_232] {strides = array<i32>} : memref<128xi32, #tpu.memory_space<vmem>>, vector<16xi32>,
    tpu.vector_store %arg18[%swap3A_232], %add3A_231 {strides = array<i32>} : memref<128xi32, #tpu.memory_space<vmem>>, vector<16xi32>,
    %get3A_234 = arith.constant 96 : index
    %get3A_235 = tpu.vector_load %arg19[%get3A_234] {strides = array<i32>} : memref<128xi32, #tpu.memory_space<vmem>>, vector<16xi32>,
    %add3A_236 = arith.addi %get3A_235, %broadcast_in_dim3A_36 : vector<16xi32>
    %swap3A_237 = arith.constant 96 : index
    %swap3A_238 = tpu.vector_load %arg19[%swap3A_237] {strides = array<i32>} : memref<128xi32, #tpu.memory_space<vmem>>, vector<16xi32>,
    tpu.vector_store %arg19[%swap3A_237], %add3A_236 {strides = array<i32>} : memref<128xi32, #tpu.memory_space<vmem>>, vector<16xi32>,
    %get3A_239 = arith.constant 112 : index
    %get3A_240 = tpu.vector_load %arg20[%get3A_239] {strides = array<i32>} : memref<128xi32, #tpu.memory_space<vmem>>, vector<16xi32>,
    %swap3A_241 = arith.constant 112 : index
    %swap3A_242 = tpu.vector_load %arg28[%swap3A_241] {strides = array<i32>} : memref<128xi32, #tpu.memory_space<vmem>>, vector<16xi32>,
    tpu.vector_store %arg28[%swap3A_241], %get3A_240 {strides = array<i32>} : memref<128xi32, #tpu.memory_space<vmem>>, vector<16xi32>,
    %shift_right_logical3A_243 = arith.constant 3 : i32
    %shift_right_logical3A_244 = vector.broadcast %shift_right_logical3A_243 : i32 to vector<16xi32>
    %shift_right_logical3A_245 = arith.shrui %get3A_240, %shift_right_logical3A_244 : vector<16xi32>
    %swap3A_246 = arith.constant 112 : index
    %swap3A_247 = tpu.vector_load %arg21[%swap3A_246] {strides = array<i32>} : memref<128xi32, #tpu.memory_space<vmem>>, vector<16xi32>,
    tpu.vector_store %arg21[%swap3A_246], %shift_right_logical3A_245 {strides = array<i32>} : memref<128xi32, #tpu.memory_space<vmem>>, vector<16xi32>,
    %and3A_248 = arith.constant 7 : i32
    %and3A_249 = vector.broadcast %and3A_248 : i32 to vector<16xi32>
    %and3A_250 = arith.andi %get3A_240, %and3A_249 : vector<16xi32>
    %swap3A_251 = arith.constant 112 : index
    %swap3A_252 = tpu.vector_load %arg22[%swap3A_251] {strides = array<i32>} : memref<144xi32, #tpu.memory_space<vmem>>, vector<16xi32>,
    tpu.vector_store %arg22[%swap3A_251], %and3A_250 {strides = array<i32>} : memref<144xi32, #tpu.memory_space<vmem>>, vector<16xi32>,
    %get3A_253 = arith.constant 112 : index
    %get3A_254 = tpu.vector_load %arg18[%get3A_253] {strides = array<i32>} : memref<128xi32, #tpu.memory_space<vmem>>, vector<16xi32>,
    %add3A_255 = arith.addi %get3A_254, %broadcast_in_dim3A_36 : vector<16xi32>
    %swap3A_256 = arith.constant 112 : index
    %swap3A_257 = tpu.vector_load %arg18[%swap3A_256] {strides = array<i32>} : memref<128xi32, #tpu.memory_space<vmem>>, vector<16xi32>,
    tpu.vector_store %arg18[%swap3A_256], %add3A_255 {strides = array<i32>} : memref<128xi32, #tpu.memory_space<vmem>>, vector<16xi32>,
    %get3A_258 = arith.constant 112 : index
    %get3A_259 = tpu.vector_load %arg19[%get3A_258] {strides = array<i32>} : memref<128xi32, #tpu.memory_space<vmem>>, vector<16xi32>,
    %add3A_260 = arith.addi %get3A_259, %broadcast_in_dim3A_36 : vector<16xi32>
    %swap3A_261 = arith.constant 112 : index
    %swap3A_262 = tpu.vector_load %arg19[%swap3A_261] {strides = array<i32>} : memref<128xi32, #tpu.memory_space<vmem>>, vector<16xi32>,
    tpu.vector_store %arg19[%swap3A_261], %add3A_260 {strides = array<i32>} : memref<128xi32, #tpu.memory_space<vmem>>, vector<16xi32>,
    %dma_start3A_263 = arith.constant 0 : i32
    %dma_start3A_264 = arith.constant 0 : i32
    %dma_start3A_265 = tpu.memref_slice %arg2[%dma_start3A_263, %dma_start3A_264] : memref<100000x32xf32, #tpu.memory_space<hbm>> -> memref<100000x32xf32, #tpu.memory_space<hbm>>
    tpu.enqueue_indirect_dma source(%dma_start3A_265 : memref<100000x32xf32, #tpu.memory_space<hbm>>) target(%arg12 : memref<128x32xf32, #tpu.memory_space<vmem>>) offsets(%arg18 : memref<128xi32, #tpu.memory_space<vmem>>) semaphore(%arg31 : memref<!tpu.dma_semaphore, #tpu.memory_space<semaphore_mem>>)
    %dma_start3A_266 = arith.constant 0 : i32
    %dma_start3A_267 = arith.constant 0 : i32
    %dma_start3A_268 = tpu.memref_slice %arg3[%dma_start3A_266, %dma_start3A_267] : memref<100000x32xf32, #tpu.memory_space<hbm>> -> memref<100000x32xf32, #tpu.memory_space<hbm>>
    tpu.enqueue_indirect_dma source(%dma_start3A_268 : memref<100000x32xf32, #tpu.memory_space<hbm>>) target(%arg13 : memref<128x32xf32, #tpu.memory_space<vmem>>) offsets(%arg19 : memref<128xi32, #tpu.memory_space<vmem>>) semaphore(%arg31 : memref<!tpu.dma_semaphore, #tpu.memory_space<semaphore_mem>>)
    %add3A_269 = arith.constant 1 : i32
    %add3A_270 = arith.addi %mul3A_0, %add3A_269 : i32
    %dma_start3A_271 = arith.constant 0 : i32
    %dma_start3A_272 = tpu.memref_slice %arg4[%add3A_270, %dma_start3A_271] : memref<6274x128xi32, #tpu.memory_space<hbm>> -> memref<1x128xi32, #tpu.memory_space<hbm>>
    %dma_start3A_273 = tpu.memref_squeeze %dma_start3A_272 : memref<1x128xi32, #tpu.memory_space<hbm>> -> memref<128xi32, #tpu.memory_space<hbm>>
    %dma_start3A_274 = arith.constant 0 : i32
    %dma_start3A_275 = tpu.memref_slice %arg4[%add3A_270, %dma_start3A_274] : memref<6274x128xi32, #tpu.memory_space<hbm>> -> memref<1x128xi32, #tpu.memory_space<hbm>>
    %dma_start3A_276 = tpu.memref_squeeze %dma_start3A_275 : memref<1x128xi32, #tpu.memory_space<hbm>> -> memref<128xi32, #tpu.memory_space<hbm>>
    tpu.enqueue_dma source(%dma_start3A_276 : memref<128xi32, #tpu.memory_space<hbm>>) target(%arg23 : memref<128xi32, #tpu.memory_space<vmem>>) target_semaphore(%arg34 : memref<!tpu.dma_semaphore, #tpu.memory_space<semaphore_mem>>)
    %dma_start3A_277 = arith.constant 0 : i32
    %dma_start3A_278 = tpu.memref_slice %arg5[%add3A_270, %dma_start3A_277] : memref<6274x128xi32, #tpu.memory_space<hbm>> -> memref<1x128xi32, #tpu.memory_space<hbm>>
    %dma_start3A_279 = tpu.memref_squeeze %dma_start3A_278 : memref<1x128xi32, #tpu.memory_space<hbm>> -> memref<128xi32, #tpu.memory_space<hbm>>
    %dma_start3A_280 = arith.constant 0 : i32
    %dma_start3A_281 = tpu.memref_slice %arg5[%add3A_270, %dma_start3A_280] : memref<6274x128xi32, #tpu.memory_space<hbm>> -> memref<1x128xi32, #tpu.memory_space<hbm>>
    %dma_start3A_282 = tpu.memref_squeeze %dma_start3A_281 : memref<1x128xi32, #tpu.memory_space<hbm>> -> memref<128xi32, #tpu.memory_space<hbm>>
    tpu.enqueue_dma source(%dma_start3A_282 : memref<128xi32, #tpu.memory_space<hbm>>) target(%arg24 : memref<128xi32, #tpu.memory_space<vmem>>) target_semaphore(%arg34 : memref<!tpu.dma_semaphore, #tpu.memory_space<semaphore_mem>>)
    %dma_start3A_283 = arith.constant 0 : i32
    %dma_start3A_284 = tpu.memref_slice %arg6[%add3A_270, %dma_start3A_283] : memref<6274x128xi32, #tpu.memory_space<hbm>> -> memref<1x128xi32, #tpu.memory_space<hbm>>
    %dma_start3A_285 = tpu.memref_squeeze %dma_start3A_284 : memref<1x128xi32, #tpu.memory_space<hbm>> -> memref<128xi32, #tpu.memory_space<hbm>>
    %dma_start3A_286 = arith.constant 0 : i32
    %dma_start3A_287 = tpu.memref_slice %arg6[%add3A_270, %dma_start3A_286] : memref<6274x128xi32, #tpu.memory_space<hbm>> -> memref<1x128xi32, #tpu.memory_space<hbm>>
    %dma_start3A_288 = tpu.memref_squeeze %dma_start3A_287 : memref<1x128xi32, #tpu.memory_space<hbm>> -> memref<128xi32, #tpu.memory_space<hbm>>
    tpu.enqueue_dma source(%dma_start3A_288 : memref<128xi32, #tpu.memory_space<hbm>>) target(%arg25 : memref<128xi32, #tpu.memory_space<vmem>>) target_semaphore(%arg34 : memref<!tpu.dma_semaphore, #tpu.memory_space<semaphore_mem>>)
    %scan3A_289 = arith.constant 0 : i32
    %scan3A_290 = arith.constant 0 : i32
    %scan3A_291 = arith.constant 196 : i32
    %scan3A_292 = arith.addi %scan3A_290, %scan3A_291 : i32
    %scan3A_293 = arith.constant 1 : i32
    %scan3A_294 = scf.for %scan3A_338 = %scan3A_290 to %scan3A_292 step %scan3A_293 iter_args(%scan3A_339 = %scan3A_289) -> (i32)  : i32 {
      %mul3A_340 = arith.constant 2 : i32
      %mul3A_341 = arith.muli %scan3A_338, %mul3A_340 : i32
      %dma_wait3A_342 = arith.constant 0 : i32
      %dma_wait3A_343 = arith.constant 0 : i32
      %dma_wait3A_344 = tpu.memref_slice %arg4[%dma_wait3A_342, %dma_wait3A_343] : memref<6274x128xi32, #tpu.memory_space<hbm>> -> memref<1x128xi32, #tpu.memory_space<hbm>>
      %dma_wait3A_345 = tpu.memref_squeeze %dma_wait3A_344 : memref<1x128xi32, #tpu.memory_space<hbm>> -> memref<128xi32, #tpu.memory_space<hbm>>
      %dma_wait3A_346 = arith.constant 0 : i32
      %dma_wait3A_347 = tpu.memref_slice %arg4[%dma_wait3A_342, %dma_wait3A_346] : memref<6274x128xi32, #tpu.memory_space<hbm>> -> memref<1x128xi32, #tpu.memory_space<hbm>>
      %dma_wait3A_348 = tpu.memref_squeeze %dma_wait3A_347 : memref<1x128xi32, #tpu.memory_space<hbm>> -> memref<128xi32, #tpu.memory_space<hbm>>
      tpu.wait_dma2 semaphore(%arg34 : memref<!tpu.dma_semaphore, #tpu.memory_space<semaphore_mem>>) src(%dma_wait3A_348 : memref<128xi32, #tpu.memory_space<hbm>>) dst(%arg23 : memref<128xi32, #tpu.memory_space<vmem>>)
      %dma_wait3A_349 = arith.constant 0 : i32
      %dma_wait3A_350 = arith.constant 0 : i32
      %dma_wait3A_351 = tpu.memref_slice %arg4[%dma_wait3A_349, %dma_wait3A_350] : memref<6274x128xi32, #tpu.memory_space<hbm>> -> memref<1x128xi32, #tpu.memory_space<hbm>>
      %dma_wait3A_352 = tpu.memref_squeeze %dma_wait3A_351 : memref<1x128xi32, #tpu.memory_space<hbm>> -> memref<128xi32, #tpu.memory_space<hbm>>
      %dma_wait3A_353 = arith.constant 0 : i32
      %dma_wait3A_354 = tpu.memref_slice %arg4[%dma_wait3A_349, %dma_wait3A_353] : memref<6274x128xi32, #tpu.memory_space<hbm>> -> memref<1x128xi32, #tpu.memory_space<hbm>>
      %dma_wait3A_355 = tpu.memref_squeeze %dma_wait3A_354 : memref<1x128xi32, #tpu.memory_space<hbm>> -> memref<128xi32, #tpu.memory_space<hbm>>
      tpu.wait_dma2 semaphore(%arg34 : memref<!tpu.dma_semaphore, #tpu.memory_space<semaphore_mem>>) src(%dma_wait3A_355 : memref<128xi32, #tpu.memory_space<hbm>>) dst(%arg24 : memref<128xi32, #tpu.memory_space<vmem>>)
      %dma_wait3A_356 = arith.constant 0 : i32
      %dma_wait3A_357 = arith.constant 0 : i32
      %dma_wait3A_358 = tpu.memref_slice %arg4[%dma_wait3A_356, %dma_wait3A_357] : memref<6274x128xi32, #tpu.memory_space<hbm>> -> memref<1x128xi32, #tpu.memory_space<hbm>>
      %dma_wait3A_359 = tpu.memref_squeeze %dma_wait3A_358 : memref<1x128xi32, #tpu.memory_space<hbm>> -> memref<128xi32, #tpu.memory_space<hbm>>
      %dma_wait3A_360 = arith.constant 0 : i32
      %dma_wait3A_361 = tpu.memref_slice %arg4[%dma_wait3A_356, %dma_wait3A_360] : memref<6274x128xi32, #tpu.memory_space<hbm>> -> memref<1x128xi32, #tpu.memory_space<hbm>>
      %dma_wait3A_362 = tpu.memref_squeeze %dma_wait3A_361 : memref<1x128xi32, #tpu.memory_space<hbm>> -> memref<128xi32, #tpu.memory_space<hbm>>
      tpu.wait_dma2 semaphore(%arg34 : memref<!tpu.dma_semaphore, #tpu.memory_space<semaphore_mem>>) src(%dma_wait3A_362 : memref<128xi32, #tpu.memory_space<hbm>>) dst(%arg25 : memref<128xi32, #tpu.memory_space<vmem>>)
      %get3A_363 = arith.constant 0 : index
      %get3A_364 = tpu.vector_load %arg25[%get3A_363] {strides = array<i32>} : memref<128xi32, #tpu.memory_space<vmem>>, vector<16xi32>,
      %swap3A_365 = arith.constant 0 : index
      %swap3A_366 = tpu.vector_load %arg29[%swap3A_365] {strides = array<i32>} : memref<128xi32, #tpu.memory_space<vmem>>, vector<16xi32>,
      tpu.vector_store %arg29[%swap3A_365], %get3A_364 {strides = array<i32>} : memref<128xi32, #tpu.memory_space<vmem>>, vector<16xi32>,
      %shift_right_logical3A_367 = arith.constant 3 : i32
      %shift_right_logical3A_368 = vector.broadcast %shift_right_logical3A_367 : i32 to vector<16xi32>
      %shift_right_logical3A_369 = arith.shrui %get3A_364, %shift_right_logical3A_368 : vector<16xi32>
      %swap3A_370 = arith.constant 0 : index
      %swap3A_371 = tpu.vector_load %arg26[%swap3A_370] {strides = array<i32>} : memref<128xi32, #tpu.memory_space<vmem>>, vector<16xi32>,
      tpu.vector_store %arg26[%swap3A_370], %shift_right_logical3A_369 {strides = array<i32>} : memref<128xi32, #tpu.memory_space<vmem>>, vector<16xi32>,
      %and3A_372 = arith.constant 7 : i32
      %and3A_373 = vector.broadcast %and3A_372 : i32 to vector<16xi32>
      %and3A_374 = arith.andi %get3A_364, %and3A_373 : vector<16xi32>
      %swap3A_375 = arith.constant 0 : index
      %swap3A_376 = tpu.vector_load %arg27[%swap3A_375] {strides = array<i32>} : memref<144xi32, #tpu.memory_space<vmem>>, vector<16xi32>,
      tpu.vector_store %arg27[%swap3A_375], %and3A_374 {strides = array<i32>} : memref<144xi32, #tpu.memory_space<vmem>>, vector<16xi32>,
      %get3A_377 = arith.constant 0 : index
      %get3A_378 = tpu.vector_load %arg23[%get3A_377] {strides = array<i32>} : memref<128xi32, #tpu.memory_space<vmem>>, vector<16xi32>,
      %add3A_379 = arith.addi %get3A_378, %broadcast_in_dim3A_36 : vector<16xi32>
      %swap3A_380 = arith.constant 0 : index
      %swap3A_381 = tpu.vector_load %arg23[%swap3A_380] {strides = array<i32>} : memref<128xi32, #tpu.memory_space<vmem>>, vector<16xi32>,
      tpu.vector_store %arg23[%swap3A_380], %add3A_379 {strides = array<i32>} : memref<128xi32, #tpu.memory_space<vmem>>, vector<16xi32>,
      %get3A_382 = arith.constant 0 : index
      %get3A_383 = tpu.vector_load %arg24[%get3A_382] {strides = array<i32>} : memref<128xi32, #tpu.memory_space<vmem>>, vector<16xi32>,
      %add3A_384 = arith.addi %get3A_383, %broadcast_in_dim3A_36 : vector<16xi32>
      %swap3A_385 = arith.constant 0 : index
      %swap3A_386 = tpu.vector_load %arg24[%swap3A_385] {strides = array<i32>} : memref<128xi32, #tpu.memory_space<vmem>>, vector<16xi32>,
      tpu.vector_store %arg24[%swap3A_385], %add3A_384 {strides = array<i32>} : memref<128xi32, #tpu.memory_space<vmem>>, vector<16xi32>,
      %get3A_387 = arith.constant 16 : index
      %get3A_388 = tpu.vector_load %arg25[%get3A_387] {strides = array<i32>} : memref<128xi32, #tpu.memory_space<vmem>>, vector<16xi32>,
      %swap3A_389 = arith.constant 16 : index
      %swap3A_390 = tpu.vector_load %arg29[%swap3A_389] {strides = array<i32>} : memref<128xi32, #tpu.memory_space<vmem>>, vector<16xi32>,
      tpu.vector_store %arg29[%swap3A_389], %get3A_388 {strides = array<i32>} : memref<128xi32, #tpu.memory_space<vmem>>, vector<16xi32>,
      %shift_right_logical3A_391 = arith.constant 3 : i32
      %shift_right_logical3A_392 = vector.broadcast %shift_right_logical3A_391 : i32 to vector<16xi32>
      %shift_right_logical3A_393 = arith.shrui %get3A_388, %shift_right_logical3A_392 : vector<16xi32>
      %swap3A_394 = arith.constant 16 : index
      %swap3A_395 = tpu.vector_load %arg26[%swap3A_394] {strides = array<i32>} : memref<128xi32, #tpu.memory_space<vmem>>, vector<16xi32>,
      tpu.vector_store %arg26[%swap3A_394], %shift_right_logical3A_393 {strides = array<i32>} : memref<128xi32, #tpu.memory_space<vmem>>, vector<16xi32>,
      %and3A_396 = arith.constant 7 : i32
      %and3A_397 = vector.broadcast %and3A_396 : i32 to vector<16xi32>
      %and3A_398 = arith.andi %get3A_388, %and3A_397 : vector<16xi32>
      %swap3A_399 = arith.constant 16 : index
      %swap3A_400 = tpu.vector_load %arg27[%swap3A_399] {strides = array<i32>} : memref<144xi32, #tpu.memory_space<vmem>>, vector<16xi32>,
      tpu.vector_store %arg27[%swap3A_399], %and3A_398 {strides = array<i32>} : memref<144xi32, #tpu.memory_space<vmem>>, vector<16xi32>,
      %get3A_401 = arith.constant 16 : index
      %get3A_402 = tpu.vector_load %arg23[%get3A_401] {strides = array<i32>} : memref<128xi32, #tpu.memory_space<vmem>>, vector<16xi32>,
      %add3A_403 = arith.addi %get3A_402, %broadcast_in_dim3A_36 : vector<16xi32>
      %swap3A_404 = arith.constant 16 : index
      %swap3A_405 = tpu.vector_load %arg23[%swap3A_404] {strides = array<i32>} : memref<128xi32, #tpu.memory_space<vmem>>, vector<16xi32>,
      tpu.vector_store %arg23[%swap3A_404], %add3A_403 {strides = array<i32>} : memref<128xi32, #tpu.memory_space<vmem>>, vector<16xi32>,
      %get3A_406 = arith.constant 16 : index
      %get3A_407 = tpu.vector_load %arg24[%get3A_406] {strides = array<i32>} : memref<128xi32, #tpu.memory_space<vmem>>, vector<16xi32>,
      %add3A_408 = arith.addi %get3A_407, %broadcast_in_dim3A_36 : vector<16xi32>
      %swap3A_409 = arith.constant 16 : index
      %swap3A_410 = tpu.vector_load %arg24[%swap3A_409] {strides = array<i32>} : memref<128xi32, #tpu.memory_space<vmem>>, vector<16xi32>,
      tpu.vector_store %arg24[%swap3A_409], %add3A_408 {strides = array<i32>} : memref<128xi32, #tpu.memory_space<vmem>>, vector<16xi32>,
      %get3A_411 = arith.constant 32 : index
      %get3A_412 = tpu.vector_load %arg25[%get3A_411] {strides = array<i32>} : memref<128xi32, #tpu.memory_space<vmem>>, vector<16xi32>,
      %swap3A_413 = arith.constant 32 : index
      %swap3A_414 = tpu.vector_load %arg29[%swap3A_413] {strides = array<i32>} : memref<128xi32, #tpu.memory_space<vmem>>, vector<16xi32>,
      tpu.vector_store %arg29[%swap3A_413], %get3A_412 {strides = array<i32>} : memref<128xi32, #tpu.memory_space<vmem>>, vector<16xi32>,
      %shift_right_logical3A_415 = arith.constant 3 : i32
      %shift_right_logical3A_416 = vector.broadcast %shift_right_logical3A_415 : i32 to vector<16xi32>
      %shift_right_logical3A_417 = arith.shrui %get3A_412, %shift_right_logical3A_416 : vector<16xi32>
      %swap3A_418 = arith.constant 32 : index
      %swap3A_419 = tpu.vector_load %arg26[%swap3A_418] {strides = array<i32>} : memref<128xi32, #tpu.memory_space<vmem>>, vector<16xi32>,
      tpu.vector_store %arg26[%swap3A_418], %shift_right_logical3A_417 {strides = array<i32>} : memref<128xi32, #tpu.memory_space<vmem>>, vector<16xi32>,
      %and3A_420 = arith.constant 7 : i32
      %and3A_421 = vector.broadcast %and3A_420 : i32 to vector<16xi32>
      %and3A_422 = arith.andi %get3A_412, %and3A_421 : vector<16xi32>
      %swap3A_423 = arith.constant 32 : index
      %swap3A_424 = tpu.vector_load %arg27[%swap3A_423] {strides = array<i32>} : memref<144xi32, #tpu.memory_space<vmem>>, vector<16xi32>,
      tpu.vector_store %arg27[%swap3A_423], %and3A_422 {strides = array<i32>} : memref<144xi32, #tpu.memory_space<vmem>>, vector<16xi32>,
      %get3A_425 = arith.constant 32 : index
      %get3A_426 = tpu.vector_load %arg23[%get3A_425] {strides = array<i32>} : memref<128xi32, #tpu.memory_space<vmem>>, vector<16xi32>,
      %add3A_427 = arith.addi %get3A_426, %broadcast_in_dim3A_36 : vector<16xi32>
      %swap3A_428 = arith.constant 32 : index
      %swap3A_429 = tpu.vector_load %arg23[%swap3A_428] {strides = array<i32>} : memref<128xi32, #tpu.memory_space<vmem>>, vector<16xi32>,
      tpu.vector_store %arg23[%swap3A_428], %add3A_427 {strides = array<i32>} : memref<128xi32, #tpu.memory_space<vmem>>, vector<16xi32>,
      %get3A_430 = arith.constant 32 : index
      %get3A_431 = tpu.vector_load %arg24[%get3A_430] {strides = array<i32>} : memref<128xi32, #tpu.memory_space<vmem>>, vector<16xi32>,
      %add3A_432 = arith.addi %get3A_431, %broadcast_in_dim3A_36 : vector<16xi32>
      %swap3A_433 = arith.constant 32 : index
      %swap3A_434 = tpu.vector_load %arg24[%swap3A_433] {strides = array<i32>} : memref<128xi32, #tpu.memory_space<vmem>>, vector<16xi32>,
      tpu.vector_store %arg24[%swap3A_433], %add3A_432 {strides = array<i32>} : memref<128xi32, #tpu.memory_space<vmem>>, vector<16xi32>,
      %get3A_435 = arith.constant 48 : index
      %get3A_436 = tpu.vector_load %arg25[%get3A_435] {strides = array<i32>} : memref<128xi32, #tpu.memory_space<vmem>>, vector<16xi32>,
      %swap3A_437 = arith.constant 48 : index
      %swap3A_438 = tpu.vector_load %arg29[%swap3A_437] {strides = array<i32>} : memref<128xi32, #tpu.memory_space<vmem>>, vector<16xi32>,
      tpu.vector_store %arg29[%swap3A_437], %get3A_436 {strides = array<i32>} : memref<128xi32, #tpu.memory_space<vmem>>, vector<16xi32>,
      %shift_right_logical3A_439 = arith.constant 3 : i32
      %shift_right_logical3A_440 = vector.broadcast %shift_right_logical3A_439 : i32 to vector<16xi32>
      %shift_right_logical3A_441 = arith.shrui %get3A_436, %shift_right_logical3A_440 : vector<16xi32>
      %swap3A_442 = arith.constant 48 : index
      %swap3A_443 = tpu.vector_load %arg26[%swap3A_442] {strides = array<i32>} : memref<128xi32, #tpu.memory_space<vmem>>, vector<16xi32>,
      tpu.vector_store %arg26[%swap3A_442], %shift_right_logical3A_441 {strides = array<i32>} : memref<128xi32, #tpu.memory_space<vmem>>, vector<16xi32>,
      %and3A_444 = arith.constant 7 : i32
      %and3A_445 = vector.broadcast %and3A_444 : i32 to vector<16xi32>
      %and3A_446 = arith.andi %get3A_436, %and3A_445 : vector<16xi32>
      %swap3A_447 = arith.constant 48 : index
      %swap3A_448 = tpu.vector_load %arg27[%swap3A_447] {strides = array<i32>} : memref<144xi32, #tpu.memory_space<vmem>>, vector<16xi32>,
      tpu.vector_store %arg27[%swap3A_447], %and3A_446 {strides = array<i32>} : memref<144xi32, #tpu.memory_space<vmem>>, vector<16xi32>,
      %get3A_449 = arith.constant 48 : index
      %get3A_450 = tpu.vector_load %arg23[%get3A_449] {strides = array<i32>} : memref<128xi32, #tpu.memory_space<vmem>>, vector<16xi32>,
      %add3A_451 = arith.addi %get3A_450, %broadcast_in_dim3A_36 : vector<16xi32>
      %swap3A_452 = arith.constant 48 : index
      %swap3A_453 = tpu.vector_load %arg23[%swap3A_452] {strides = array<i32>} : memref<128xi32, #tpu.memory_space<vmem>>, vector<16xi32>,
      tpu.vector_store %arg23[%swap3A_452], %add3A_451 {strides = array<i32>} : memref<128xi32, #tpu.memory_space<vmem>>, vector<16xi32>,
      %get3A_454 = arith.constant 48 : index
      %get3A_455 = tpu.vector_load %arg24[%get3A_454] {strides = array<i32>} : memref<128xi32, #tpu.memory_space<vmem>>, vector<16xi32>,
      %add3A_456 = arith.addi %get3A_455, %broadcast_in_dim3A_36 : vector<16xi32>
      %swap3A_457 = arith.constant 48 : index
      %swap3A_458 = tpu.vector_load %arg24[%swap3A_457] {strides = array<i32>} : memref<128xi32, #tpu.memory_space<vmem>>, vector<16xi32>,
      tpu.vector_store %arg24[%swap3A_457], %add3A_456 {strides = array<i32>} : memref<128xi32, #tpu.memory_space<vmem>>, vector<16xi32>,
      %get3A_459 = arith.constant 64 : index
      %get3A_460 = tpu.vector_load %arg25[%get3A_459] {strides = array<i32>} : memref<128xi32, #tpu.memory_space<vmem>>, vector<16xi32>,
      %swap3A_461 = arith.constant 64 : index
      %swap3A_462 = tpu.vector_load %arg29[%swap3A_461] {strides = array<i32>} : memref<128xi32, #tpu.memory_space<vmem>>, vector<16xi32>,
      tpu.vector_store %arg29[%swap3A_461], %get3A_460 {strides = array<i32>} : memref<128xi32, #tpu.memory_space<vmem>>, vector<16xi32>,
      %shift_right_logical3A_463 = arith.constant 3 : i32
      %shift_right_logical3A_464 = vector.broadcast %shift_right_logical3A_463 : i32 to vector<16xi32>
      %shift_right_logical3A_465 = arith.shrui %get3A_460, %shift_right_logical3A_464 : vector<16xi32>
      %swap3A_466 = arith.constant 64 : index
      %swap3A_467 = tpu.vector_load %arg26[%swap3A_466] {strides = array<i32>} : memref<128xi32, #tpu.memory_space<vmem>>, vector<16xi32>,
      tpu.vector_store %arg26[%swap3A_466], %shift_right_logical3A_465 {strides = array<i32>} : memref<128xi32, #tpu.memory_space<vmem>>, vector<16xi32>,
      %and3A_468 = arith.constant 7 : i32
      %and3A_469 = vector.broadcast %and3A_468 : i32 to vector<16xi32>
      %and3A_470 = arith.andi %get3A_460, %and3A_469 : vector<16xi32>
      %swap3A_471 = arith.constant 64 : index
      %swap3A_472 = tpu.vector_load %arg27[%swap3A_471] {strides = array<i32>} : memref<144xi32, #tpu.memory_space<vmem>>, vector<16xi32>,
      tpu.vector_store %arg27[%swap3A_471], %and3A_470 {strides = array<i32>} : memref<144xi32, #tpu.memory_space<vmem>>, vector<16xi32>,
      %get3A_473 = arith.constant 64 : index
      %get3A_474 = tpu.vector_load %arg23[%get3A_473] {strides = array<i32>} : memref<128xi32, #tpu.memory_space<vmem>>, vector<16xi32>,
      %add3A_475 = arith.addi %get3A_474, %broadcast_in_dim3A_36 : vector<16xi32>
      %swap3A_476 = arith.constant 64 : index
      %swap3A_477 = tpu.vector_load %arg23[%swap3A_476] {strides = array<i32>} : memref<128xi32, #tpu.memory_space<vmem>>, vector<16xi32>,
      tpu.vector_store %arg23[%swap3A_476], %add3A_475 {strides = array<i32>} : memref<128xi32, #tpu.memory_space<vmem>>, vector<16xi32>,
      %get3A_478 = arith.constant 64 : index
      %get3A_479 = tpu.vector_load %arg24[%get3A_478] {strides = array<i32>} : memref<128xi32, #tpu.memory_space<vmem>>, vector<16xi32>,
      %add3A_480 = arith.addi %get3A_479, %broadcast_in_dim3A_36 : vector<16xi32>
      %swap3A_481 = arith.constant 64 : index
      %swap3A_482 = tpu.vector_load %arg24[%swap3A_481] {strides = array<i32>} : memref<128xi32, #tpu.memory_space<vmem>>, vector<16xi32>,
      tpu.vector_store %arg24[%swap3A_481], %add3A_480 {strides = array<i32>} : memref<128xi32, #tpu.memory_space<vmem>>, vector<16xi32>,
      %get3A_483 = arith.constant 80 : index
      %get3A_484 = tpu.vector_load %arg25[%get3A_483] {strides = array<i32>} : memref<128xi32, #tpu.memory_space<vmem>>, vector<16xi32>,
      %swap3A_485 = arith.constant 80 : index
      %swap3A_486 = tpu.vector_load %arg29[%swap3A_485] {strides = array<i32>} : memref<128xi32, #tpu.memory_space<vmem>>, vector<16xi32>,
      tpu.vector_store %arg29[%swap3A_485], %get3A_484 {strides = array<i32>} : memref<128xi32, #tpu.memory_space<vmem>>, vector<16xi32>,
      %shift_right_logical3A_487 = arith.constant 3 : i32
      %shift_right_logical3A_488 = vector.broadcast %shift_right_logical3A_487 : i32 to vector<16xi32>
      %shift_right_logical3A_489 = arith.shrui %get3A_484, %shift_right_logical3A_488 : vector<16xi32>
      %swap3A_490 = arith.constant 80 : index
      %swap3A_491 = tpu.vector_load %arg26[%swap3A_490] {strides = array<i32>} : memref<128xi32, #tpu.memory_space<vmem>>, vector<16xi32>,
      tpu.vector_store %arg26[%swap3A_490], %shift_right_logical3A_489 {strides = array<i32>} : memref<128xi32, #tpu.memory_space<vmem>>, vector<16xi32>,
      %and3A_492 = arith.constant 7 : i32
      %and3A_493 = vector.broadcast %and3A_492 : i32 to vector<16xi32>
      %and3A_494 = arith.andi %get3A_484, %and3A_493 : vector<16xi32>
      %swap3A_495 = arith.constant 80 : index
      %swap3A_496 = tpu.vector_load %arg27[%swap3A_495] {strides = array<i32>} : memref<144xi32, #tpu.memory_space<vmem>>, vector<16xi32>,
      tpu.vector_store %arg27[%swap3A_495], %and3A_494 {strides = array<i32>} : memref<144xi32, #tpu.memory_space<vmem>>, vector<16xi32>,
      %get3A_497 = arith.constant 80 : index
      %get3A_498 = tpu.vector_load %arg23[%get3A_497] {strides = array<i32>} : memref<128xi32, #tpu.memory_space<vmem>>, vector<16xi32>,
      %add3A_499 = arith.addi %get3A_498, %broadcast_in_dim3A_36 : vector<16xi32>
      %swap3A_500 = arith.constant 80 : index
      %swap3A_501 = tpu.vector_load %arg23[%swap3A_500] {strides = array<i32>} : memref<128xi32, #tpu.memory_space<vmem>>, vector<16xi32>,
      tpu.vector_store %arg23[%swap3A_500], %add3A_499 {strides = array<i32>} : memref<128xi32, #tpu.memory_space<vmem>>, vector<16xi32>,
      %get3A_502 = arith.constant 80 : index
      %get3A_503 = tpu.vector_load %arg24[%get3A_502] {strides = array<i32>} : memref<128xi32, #tpu.memory_space<vmem>>, vector<16xi32>,
      %add3A_504 = arith.addi %get3A_503, %broadcast_in_dim3A_36 : vector<16xi32>
      %swap3A_505 = arith.constant 80 : index
      %swap3A_506 = tpu.vector_load %arg24[%swap3A_505] {strides = array<i32>} : memref<128xi32, #tpu.memory_space<vmem>>, vector<16xi32>,
      tpu.vector_store %arg24[%swap3A_505], %add3A_504 {strides = array<i32>} : memref<128xi32, #tpu.memory_space<vmem>>, vector<16xi32>,
      %get3A_507 = arith.constant 96 : index
      %get3A_508 = tpu.vector_load %arg25[%get3A_507] {strides = array<i32>} : memref<128xi32, #tpu.memory_space<vmem>>, vector<16xi32>,
      %swap3A_509 = arith.constant 96 : index
      %swap3A_510 = tpu.vector_load %arg29[%swap3A_509] {strides = array<i32>} : memref<128xi32, #tpu.memory_space<vmem>>, vector<16xi32>,
      tpu.vector_store %arg29[%swap3A_509], %get3A_508 {strides = array<i32>} : memref<128xi32, #tpu.memory_space<vmem>>, vector<16xi32>,
      %shift_right_logical3A_511 = arith.constant 3 : i32
      %shift_right_logical3A_512 = vector.broadcast %shift_right_logical3A_511 : i32 to vector<16xi32>
      %shift_right_logical3A_513 = arith.shrui %get3A_508, %shift_right_logical3A_512 : vector<16xi32>
      %swap3A_514 = arith.constant 96 : index
      %swap3A_515 = tpu.vector_load %arg26[%swap3A_514] {strides = array<i32>} : memref<128xi32, #tpu.memory_space<vmem>>, vector<16xi32>,
      tpu.vector_store %arg26[%swap3A_514], %shift_right_logical3A_513 {strides = array<i32>} : memref<128xi32, #tpu.memory_space<vmem>>, vector<16xi32>,
      %and3A_516 = arith.constant 7 : i32
      %and3A_517 = vector.broadcast %and3A_516 : i32 to vector<16xi32>
      %and3A_518 = arith.andi %get3A_508, %and3A_517 : vector<16xi32>
      %swap3A_519 = arith.constant 96 : index
      %swap3A_520 = tpu.vector_load %arg27[%swap3A_519] {strides = array<i32>} : memref<144xi32, #tpu.memory_space<vmem>>, vector<16xi32>,
      tpu.vector_store %arg27[%swap3A_519], %and3A_518 {strides = array<i32>} : memref<144xi32, #tpu.memory_space<vmem>>, vector<16xi32>,
      %get3A_521 = arith.constant 96 : index
      %get3A_522 = tpu.vector_load %arg23[%get3A_521] {strides = array<i32>} : memref<128xi32, #tpu.memory_space<vmem>>, vector<16xi32>,
      %add3A_523 = arith.addi %get3A_522, %broadcast_in_dim3A_36 : vector<16xi32>
      %swap3A_524 = arith.constant 96 : index
      %swap3A_525 = tpu.vector_load %arg23[%swap3A_524] {strides = array<i32>} : memref<128xi32, #tpu.memory_space<vmem>>, vector<16xi32>,
      tpu.vector_store %arg23[%swap3A_524], %add3A_523 {strides = array<i32>} : memref<128xi32, #tpu.memory_space<vmem>>, vector<16xi32>,
      %get3A_526 = arith.constant 96 : index
      %get3A_527 = tpu.vector_load %arg24[%get3A_526] {strides = array<i32>} : memref<128xi32, #tpu.memory_space<vmem>>, vector<16xi32>,
      %add3A_528 = arith.addi %get3A_527, %broadcast_in_dim3A_36 : vector<16xi32>
      %swap3A_529 = arith.constant 96 : index
      %swap3A_530 = tpu.vector_load %arg24[%swap3A_529] {strides = array<i32>} : memref<128xi32, #tpu.memory_space<vmem>>, vector<16xi32>,
      tpu.vector_store %arg24[%swap3A_529], %add3A_528 {strides = array<i32>} : memref<128xi32, #tpu.memory_space<vmem>>, vector<16xi32>,
      %get3A_531 = arith.constant 112 : index
      %get3A_532 = tpu.vector_load %arg25[%get3A_531] {strides = array<i32>} : memref<128xi32, #tpu.memory_space<vmem>>, vector<16xi32>,
      %swap3A_533 = arith.constant 112 : index
      %swap3A_534 = tpu.vector_load %arg29[%swap3A_533] {strides = array<i32>} : memref<128xi32, #tpu.memory_space<vmem>>, vector<16xi32>,
      tpu.vector_store %arg29[%swap3A_533], %get3A_532 {strides = array<i32>} : memref<128xi32, #tpu.memory_space<vmem>>, vector<16xi32>,
      %shift_right_logical3A_535 = arith.constant 3 : i32
      %shift_right_logical3A_536 = vector.broadcast %shift_right_logical3A_535 : i32 to vector<16xi32>
      %shift_right_logical3A_537 = arith.shrui %get3A_532, %shift_right_logical3A_536 : vector<16xi32>
      %swap3A_538 = arith.constant 112 : index
      %swap3A_539 = tpu.vector_load %arg26[%swap3A_538] {strides = array<i32>} : memref<128xi32, #tpu.memory_space<vmem>>, vector<16xi32>,
      tpu.vector_store %arg26[%swap3A_538], %shift_right_logical3A_537 {strides = array<i32>} : memref<128xi32, #tpu.memory_space<vmem>>, vector<16xi32>,
      %and3A_540 = arith.constant 7 : i32
      %and3A_541 = vector.broadcast %and3A_540 : i32 to vector<16xi32>
      %and3A_542 = arith.andi %get3A_532, %and3A_541 : vector<16xi32>
      %swap3A_543 = arith.constant 112 : index
      %swap3A_544 = tpu.vector_load %arg27[%swap3A_543] {strides = array<i32>} : memref<144xi32, #tpu.memory_space<vmem>>, vector<16xi32>,
      tpu.vector_store %arg27[%swap3A_543], %and3A_542 {strides = array<i32>} : memref<144xi32, #tpu.memory_space<vmem>>, vector<16xi32>,
      %get3A_545 = arith.constant 112 : index
      %get3A_546 = tpu.vector_load %arg23[%get3A_545] {strides = array<i32>} : memref<128xi32, #tpu.memory_space<vmem>>, vector<16xi32>,
      %add3A_547 = arith.addi %get3A_546, %broadcast_in_dim3A_36 : vector<16xi32>
      %swap3A_548 = arith.constant 112 : index
      %swap3A_549 = tpu.vector_load %arg23[%swap3A_548] {strides = array<i32>} : memref<128xi32, #tpu.memory_space<vmem>>, vector<16xi32>,
      tpu.vector_store %arg23[%swap3A_548], %add3A_547 {strides = array<i32>} : memref<128xi32, #tpu.memory_space<vmem>>, vector<16xi32>,
      %get3A_550 = arith.constant 112 : index
      %get3A_551 = tpu.vector_load %arg24[%get3A_550] {strides = array<i32>} : memref<128xi32, #tpu.memory_space<vmem>>, vector<16xi32>,
      %add3A_552 = arith.addi %get3A_551, %broadcast_in_dim3A_36 : vector<16xi32>
      %swap3A_553 = arith.constant 112 : index
      %swap3A_554 = tpu.vector_load %arg24[%swap3A_553] {strides = array<i32>} : memref<128xi32, #tpu.memory_space<vmem>>, vector<16xi32>,
      tpu.vector_store %arg24[%swap3A_553], %add3A_552 {strides = array<i32>} : memref<128xi32, #tpu.memory_space<vmem>>, vector<16xi32>,
      %dma_start3A_555 = arith.constant 0 : i32
      %dma_start3A_556 = arith.constant 0 : i32
      %dma_start3A_557 = tpu.memref_slice %arg2[%dma_start3A_555, %dma_start3A_556] : memref<100000x32xf32, #tpu.memory_space<hbm>> -> memref<100000x32xf32, #tpu.memory_space<hbm>>
      tpu.enqueue_indirect_dma source(%dma_start3A_557 : memref<100000x32xf32, #tpu.memory_space<hbm>>) target(%arg14 : memref<128x32xf32, #tpu.memory_space<vmem>>) offsets(%arg23 : memref<128xi32, #tpu.memory_space<vmem>>) semaphore(%arg32 : memref<!tpu.dma_semaphore, #tpu.memory_space<semaphore_mem>>)
      %dma_start3A_558 = arith.constant 0 : i32
      %dma_start3A_559 = arith.constant 0 : i32
      %dma_start3A_560 = tpu.memref_slice %arg3[%dma_start3A_558, %dma_start3A_559] : memref<100000x32xf32, #tpu.memory_space<hbm>> -> memref<100000x32xf32, #tpu.memory_space<hbm>>
      tpu.enqueue_indirect_dma source(%dma_start3A_560 : memref<100000x32xf32, #tpu.memory_space<hbm>>) target(%arg15 : memref<128x32xf32, #tpu.memory_space<vmem>>) offsets(%arg24 : memref<128xi32, #tpu.memory_space<vmem>>) semaphore(%arg32 : memref<!tpu.dma_semaphore, #tpu.memory_space<semaphore_mem>>)
      %dma_wait3A_561 = arith.constant 0 : i32
      %dma_wait3A_562 = arith.constant 0 : i32
      %dma_wait3A_563 = tpu.memref_slice %arg2[%dma_wait3A_561, %dma_wait3A_562] : memref<100000x32xf32, #tpu.memory_space<hbm>> -> memref<128x32xf32, #tpu.memory_space<hbm>>
      %dma_wait3A_564 = arith.constant 0 : i32
      %dma_wait3A_565 = arith.constant 0 : i32
      %dma_wait3A_566 = tpu.memref_slice %arg2[%dma_wait3A_564, %dma_wait3A_565] : memref<100000x32xf32, #tpu.memory_space<hbm>> -> memref<128x32xf32, #tpu.memory_space<hbm>>
      tpu.wait_dma2 semaphore(%arg31 : memref<!tpu.dma_semaphore, #tpu.memory_space<semaphore_mem>>) src(%dma_wait3A_566 : memref<128x32xf32, #tpu.memory_space<hbm>>) dst(%arg12 : memref<128x32xf32, #tpu.memory_space<vmem>>)
      %dma_wait3A_567 = arith.constant 0 : i32
      %dma_wait3A_568 = arith.constant 0 : i32
      %dma_wait3A_569 = tpu.memref_slice %arg2[%dma_wait3A_567, %dma_wait3A_568] : memref<100000x32xf32, #tpu.memory_space<hbm>> -> memref<128x32xf32, #tpu.memory_space<hbm>>
      %dma_wait3A_570 = arith.constant 0 : i32
      %dma_wait3A_571 = arith.constant 0 : i32
      %dma_wait3A_572 = tpu.memref_slice %arg2[%dma_wait3A_570, %dma_wait3A_571] : memref<100000x32xf32, #tpu.memory_space<hbm>> -> memref<128x32xf32, #tpu.memory_space<hbm>>
      tpu.wait_dma2 semaphore(%arg31 : memref<!tpu.dma_semaphore, #tpu.memory_space<semaphore_mem>>) src(%dma_wait3A_572 : memref<128x32xf32, #tpu.memory_space<hbm>>) dst(%arg13 : memref<128x32xf32, #tpu.memory_space<vmem>>)
      %add3A_573 = arith.addi %mul3A_0, %mul3A_341 : i32
      %add3A_574 = arith.constant 2 : i32
      %add3A_575 = arith.addi %add3A_573, %add3A_574 : i32
      %dma_start3A_576 = arith.constant 0 : i32
      %dma_start3A_577 = tpu.memref_slice %arg4[%add3A_575, %dma_start3A_576] : memref<6274x128xi32, #tpu.memory_space<hbm>> -> memref<1x128xi32, #tpu.memory_space<hbm>>
      %dma_start3A_578 = tpu.memref_squeeze %dma_start3A_577 : memref<1x128xi32, #tpu.memory_space<hbm>> -> memref<128xi32, #tpu.memory_space<hbm>>
      %dma_start3A_579 = arith.constant 0 : i32
      %dma_start3A_580 = tpu.memref_slice %arg4[%add3A_575, %dma_start3A_579] : memref<6274x128xi32, #tpu.memory_space<hbm>> -> memref<1x128xi32, #tpu.memory_space<hbm>>
      %dma_start3A_581 = tpu.memref_squeeze %dma_start3A_580 : memref<1x128xi32, #tpu.memory_space<hbm>> -> memref<128xi32, #tpu.memory_space<hbm>>
      tpu.enqueue_dma source(%dma_start3A_581 : memref<128xi32, #tpu.memory_space<hbm>>) target(%arg18 : memref<128xi32, #tpu.memory_space<vmem>>) target_semaphore(%arg33 : memref<!tpu.dma_semaphore, #tpu.memory_space<semaphore_mem>>)
      %dma_start3A_582 = arith.constant 0 : i32
      %dma_start3A_583 = tpu.memref_slice %arg5[%add3A_575, %dma_start3A_582] : memref<6274x128xi32, #tpu.memory_space<hbm>> -> memref<1x128xi32, #tpu.memory_space<hbm>>
      %dma_start3A_584 = tpu.memref_squeeze %dma_start3A_583 : memref<1x128xi32, #tpu.memory_space<hbm>> -> memref<128xi32, #tpu.memory_space<hbm>>
      %dma_start3A_585 = arith.constant 0 : i32
      %dma_start3A_586 = tpu.memref_slice %arg5[%add3A_575, %dma_start3A_585] : memref<6274x128xi32, #tpu.memory_space<hbm>> -> memref<1x128xi32, #tpu.memory_space<hbm>>
      %dma_start3A_587 = tpu.memref_squeeze %dma_start3A_586 : memref<1x128xi32, #tpu.memory_space<hbm>> -> memref<128xi32, #tpu.memory_space<hbm>>
      tpu.enqueue_dma source(%dma_start3A_587 : memref<128xi32, #tpu.memory_space<hbm>>) target(%arg19 : memref<128xi32, #tpu.memory_space<vmem>>) target_semaphore(%arg33 : memref<!tpu.dma_semaphore, #tpu.memory_space<semaphore_mem>>)
      %dma_start3A_588 = arith.constant 0 : i32
      %dma_start3A_589 = tpu.memref_slice %arg6[%add3A_575, %dma_start3A_588] : memref<6274x128xi32, #tpu.memory_space<hbm>> -> memref<1x128xi32, #tpu.memory_space<hbm>>
      %dma_start3A_590 = tpu.memref_squeeze %dma_start3A_589 : memref<1x128xi32, #tpu.memory_space<hbm>> -> memref<128xi32, #tpu.memory_space<hbm>>
      %dma_start3A_591 = arith.constant 0 : i32
      %dma_start3A_592 = tpu.memref_slice %arg6[%add3A_575, %dma_start3A_591] : memref<6274x128xi32, #tpu.memory_space<hbm>> -> memref<1x128xi32, #tpu.memory_space<hbm>>
      %dma_start3A_593 = tpu.memref_squeeze %dma_start3A_592 : memref<1x128xi32, #tpu.memory_space<hbm>> -> memref<128xi32, #tpu.memory_space<hbm>>
      tpu.enqueue_dma source(%dma_start3A_593 : memref<128xi32, #tpu.memory_space<hbm>>) target(%arg20 : memref<128xi32, #tpu.memory_space<vmem>>) target_semaphore(%arg33 : memref<!tpu.dma_semaphore, #tpu.memory_space<semaphore_mem>>)
      %scan3A_594 = arith.constant 0 : i32
      %scan3A_595 = arith.constant 0 : i32
      %scan3A_596 = arith.constant 128 : i32
      %scan3A_597 = arith.addi %scan3A_595, %scan3A_596 : i32
      %scan3A_598 = arith.constant 1 : i32
      %scan3A_599 = scf.for %scan3A_885 = %scan3A_595 to %scan3A_597 step %scan3A_598 iter_args(%scan3A_886 = %scan3A_594) -> (i32)  : i32 {
        %get3A_887 = arith.index_cast %scan3A_885 : i32 to index
        %get3A_888 = arith.constant 0 : index
        %get3A_889 = tpu.vector_load %arg12[%get3A_887, %get3A_888] {strides = array<i32>} : memref<128x32xf32, #tpu.memory_space<vmem>>, vector<16xf32>,
        %get3A_890 = arith.index_cast %scan3A_885 : i32 to index
        %get3A_891 = arith.constant 16 : index
        %get3A_892 = tpu.vector_load %arg12[%get3A_890, %get3A_891] {strides = array<i32>} : memref<128x32xf32, #tpu.memory_space<vmem>>, vector<16xf32>,
        %get3A_893 = arith.index_cast %scan3A_885 : i32 to index
        %get3A_894 = arith.constant 0 : index
        %get3A_895 = tpu.vector_load %arg13[%get3A_893, %get3A_894] {strides = array<i32>} : memref<128x32xf32, #tpu.memory_space<vmem>>, vector<16xf32>,
        %get3A_896 = arith.index_cast %scan3A_885 : i32 to index
        %get3A_897 = arith.constant 16 : index
        %get3A_898 = tpu.vector_load %arg13[%get3A_896, %get3A_897] {strides = array<i32>} : memref<128x32xf32, #tpu.memory_space<vmem>>, vector<16xf32>,
        %add3A_899 = arith.addf %get3A_889, %get3A_895 : vector<16xf32>
        %add3A_900 = arith.addf %get3A_892, %get3A_898 : vector<16xf32>
        %mul3A_901 = arith.constant 2.000000e-01 : f32
        %mul3A_902 = vector.broadcast %mul3A_901 : f32 to vector<16xf32>
        %mul3A_903 = arith.mulf %mul3A_902, %add3A_899 : vector<16xf32>
        %max3A = arith.maximumf %add3A_899, %mul3A_903 : vector<16xf32>
        %mul3A_904 = arith.mulf %max3A, %get3A_32 : vector<16xf32>
        %mul3A_905 = arith.constant 2.000000e-01 : f32
        %mul3A_906 = vector.broadcast %mul3A_905 : f32 to vector<16xf32>
        %mul3A_907 = arith.mulf %mul3A_906, %add3A_900 : vector<16xf32>
        %max3A_908 = arith.maximumf %add3A_900, %mul3A_907 : vector<16xf32>
        %mul3A_909 = arith.mulf %max3A_908, %get3A_35 : vector<16xf32>
        %add3A_910 = arith.addf %mul3A_904, %mul3A_909 : vector<16xf32>
        %reduce_sum3A = arith.constant true
        %reduce_sum3A_911 = vector.broadcast %reduce_sum3A : i1 to vector<16xi1>
        %reduce_sum3A_912 = tpu.scan <sum>, %add3A_910 masked %reduce_sum3A_911 : vector<16xf32>, vector<16xi1> -> vector<16xf32>
        %reduce_sum3A_913 = vector.extract %reduce_sum3A_912[15] : f32 from vector<16xf32>
        %broadcast_in_dim3A_914 = vector.broadcast %reduce_sum3A_913 : f32 to vector<16xf32>
        %exp3A = math.exp %broadcast_in_dim3A_914 : vector<16xf32>
        %mul3A_915 = arith.mulf %get3A_889, %exp3A : vector<16xf32>
        %swap3A_916 = arith.index_cast %scan3A_885 : i32 to index
        %swap3A_917 = arith.constant 0 : index
        %swap3A_918 = tpu.vector_load %arg16[%swap3A_916, %swap3A_917] {strides = array<i32>} : memref<128x32xf32, #tpu.memory_space<vmem>>, vector<16xf32>,
        tpu.vector_store %arg16[%swap3A_916, %swap3A_917], %mul3A_915 {strides = array<i32>} : memref<128x32xf32, #tpu.memory_space<vmem>>, vector<16xf32>,
        %mul3A_919 = arith.mulf %get3A_892, %exp3A : vector<16xf32>
        %swap3A_920 = arith.index_cast %scan3A_885 : i32 to index
        %swap3A_921 = arith.constant 16 : index
        %swap3A_922 = tpu.vector_load %arg16[%swap3A_920, %swap3A_921] {strides = array<i32>} : memref<128x32xf32, #tpu.memory_space<vmem>>, vector<16xf32>,
        tpu.vector_store %arg16[%swap3A_920, %swap3A_921], %mul3A_919 {strides = array<i32>} : memref<128x32xf32, #tpu.memory_space<vmem>>, vector<16xf32>,
        %get3A_923 = arith.index_cast %scan3A_885 : i32 to index
        %get3A_924 = tpu.vector_load %arg22[%get3A_923] {strides = array<i32>} : memref<144xi32, #tpu.memory_space<vmem>>, vector<16xi32>,
        %slice3A = vector.extract_strided_slice %get3A_924 {offsets = [0], sizes = [1], strides = [1]} : vector<16xi32> to vector<1xi32>
        %squeeze3A = vector.extract %slice3A[0] : i32 from vector<1xi32>
        %broadcast_in_dim3A_925 = vector.broadcast %squeeze3A : i32 to vector<16xi32>
        %eq3A = arith.cmpi eq, %iota3A, %broadcast_in_dim3A_925 : vector<16xi32>
        %jit3A = arith.constant 0.000000e+00 : f32
        %broadcast_in_dim3A_926 = vector.broadcast %jit3A : f32 to vector<16xf32>
        %select_n3A = arith.select %eq3A, %exp3A, %broadcast_in_dim3A_926 : vector<16xi1>, vector<16xf32>
        %swap3A_927 = arith.index_cast %scan3A_885 : i32 to index
        %swap3A_928 = arith.constant 0 : index
        %swap3A_929 = tpu.vector_load %arg17[%swap3A_927, %swap3A_928] {strides = array<i32>} : memref<128x16xf32, #tpu.memory_space<vmem>>, vector<16xf32>,
        tpu.vector_store %arg17[%swap3A_927, %swap3A_928], %select_n3A {strides = array<i32>} : memref<128x16xf32, #tpu.memory_space<vmem>>, vector<16xf32>,
        %scan3A_930 = arith.constant 0 : i32
        scf.yield %scan3A_930 : i32
      }
      %scan3A_600 = arith.constant 128 : i32
      %dma_start3A_601 = arith.constant 0 : i32
      %dma_start3A_602 = arith.constant 0 : i32
      %dma_start3A_603 = tpu.memref_slice %arg10[%dma_start3A_601, %dma_start3A_602] : memref<50016x32xf32, #tpu.memory_space<vmem_shared>> -> memref<50016x32xf32, #tpu.memory_space<vmem_shared>>
      tpu.enqueue_indirect_dma source(%arg16 : memref<128x32xf32, #tpu.memory_space<vmem>>) target(%dma_start3A_603 : memref<50016x32xf32, #tpu.memory_space<vmem_shared>>) offsets(%arg28 : memref<128xi32, #tpu.memory_space<vmem>>) semaphore(%arg35 : memref<!tpu.dma_semaphore, #tpu.memory_space<semaphore_mem>>) {add = true}
      %dma_start3A_604 = arith.constant 0 : i32
      %dma_start3A_605 = arith.constant 0 : i32
      %dma_start3A_606 = tpu.memref_slice %arg11[%dma_start3A_604, %dma_start3A_605] : memref<6256x16xf32, #tpu.memory_space<vmem_shared>> -> memref<6256x16xf32, #tpu.memory_space<vmem_shared>>
      tpu.enqueue_indirect_dma source(%arg17 : memref<128x16xf32, #tpu.memory_space<vmem>>) target(%dma_start3A_606 : memref<6256x16xf32, #tpu.memory_space<vmem_shared>>) offsets(%arg21 : memref<128xi32, #tpu.memory_space<vmem>>) semaphore(%arg35 : memref<!tpu.dma_semaphore, #tpu.memory_space<semaphore_mem>>) {add = true}
      %dma_wait3A_607 = arith.constant 0 : i32
      %dma_wait3A_608 = arith.constant 0 : i32
      %dma_wait3A_609 = tpu.memref_slice %arg10[%dma_wait3A_607, %dma_wait3A_608] : memref<50016x32xf32, #tpu.memory_space<vmem_shared>> -> memref<50016x32xf32, #tpu.memory_space<vmem_shared>>
      tpu.wait_indirect_dma semaphore(%arg35 : memref<!tpu.dma_semaphore, #tpu.memory_space<semaphore_mem>>) src(%arg16 : memref<128x32xf32, #tpu.memory_space<vmem>>) dst(%dma_wait3A_609 : memref<50016x32xf32, #tpu.memory_space<vmem_shared>>)
      %dma_wait3A_610 = arith.constant 0 : i32
      %dma_wait3A_611 = arith.constant 0 : i32
      %dma_wait3A_612 = tpu.memref_slice %arg11[%dma_wait3A_610, %dma_wait3A_611] : memref<6256x16xf32, #tpu.memory_space<vmem_shared>> -> memref<6256x16xf32, #tpu.memory_space<vmem_shared>>
      tpu.wait_indirect_dma semaphore(%arg35 : memref<!tpu.dma_semaphore, #tpu.memory_space<semaphore_mem>>) src(%arg17 : memref<128x16xf32, #tpu.memory_space<vmem>>) dst(%dma_wait3A_612 : memref<6256x16xf32, #tpu.memory_space<vmem_shared>>)
      %dma_wait3A_613 = arith.constant 0 : i32
      %dma_wait3A_614 = arith.constant 0 : i32
      %dma_wait3A_615 = tpu.memref_slice %arg4[%dma_wait3A_613, %dma_wait3A_614] : memref<6274x128xi32, #tpu.memory_space<hbm>> -> memref<1x128xi32, #tpu.memory_space<hbm>>
      %dma_wait3A_616 = tpu.memref_squeeze %dma_wait3A_615 : memref<1x128xi32, #tpu.memory_space<hbm>> -> memref<128xi32, #tpu.memory_space<hbm>>
      %dma_wait3A_617 = arith.constant 0 : i32
      %dma_wait3A_618 = tpu.memref_slice %arg4[%dma_wait3A_613, %dma_wait3A_617] : memref<6274x128xi32, #tpu.memory_space<hbm>> -> memref<1x128xi32, #tpu.memory_space<hbm>>
      %dma_wait3A_619 = tpu.memref_squeeze %dma_wait3A_618 : memref<1x128xi32, #tpu.memory_space<hbm>> -> memref<128xi32, #tpu.memory_space<hbm>>
      tpu.wait_dma2 semaphore(%arg33 : memref<!tpu.dma_semaphore, #tpu.memory_space<semaphore_mem>>) src(%dma_wait3A_619 : memref<128xi32, #tpu.memory_space<hbm>>) dst(%arg18 : memref<128xi32, #tpu.memory_space<vmem>>)
      %dma_wait3A_620 = arith.constant 0 : i32
      %dma_wait3A_621 = arith.constant 0 : i32
      %dma_wait3A_622 = tpu.memref_slice %arg4[%dma_wait3A_620, %dma_wait3A_621] : memref<6274x128xi32, #tpu.memory_space<hbm>> -> memref<1x128xi32, #tpu.memory_space<hbm>>
      %dma_wait3A_623 = tpu.memref_squeeze %dma_wait3A_622 : memref<1x128xi32, #tpu.memory_space<hbm>> -> memref<128xi32, #tpu.memory_space<hbm>>
      %dma_wait3A_624 = arith.constant 0 : i32
      %dma_wait3A_625 = tpu.memref_slice %arg4[%dma_wait3A_620, %dma_wait3A_624] : memref<6274x128xi32, #tpu.memory_space<hbm>> -> memref<1x128xi32, #tpu.memory_space<hbm>>
      %dma_wait3A_626 = tpu.memref_squeeze %dma_wait3A_625 : memref<1x128xi32, #tpu.memory_space<hbm>> -> memref<128xi32, #tpu.memory_space<hbm>>
      tpu.wait_dma2 semaphore(%arg33 : memref<!tpu.dma_semaphore, #tpu.memory_space<semaphore_mem>>) src(%dma_wait3A_626 : memref<128xi32, #tpu.memory_space<hbm>>) dst(%arg19 : memref<128xi32, #tpu.memory_space<vmem>>)
      %dma_wait3A_627 = arith.constant 0 : i32
      %dma_wait3A_628 = arith.constant 0 : i32
      %dma_wait3A_629 = tpu.memref_slice %arg4[%dma_wait3A_627, %dma_wait3A_628] : memref<6274x128xi32, #tpu.memory_space<hbm>> -> memref<1x128xi32, #tpu.memory_space<hbm>>
      %dma_wait3A_630 = tpu.memref_squeeze %dma_wait3A_629 : memref<1x128xi32, #tpu.memory_space<hbm>> -> memref<128xi32, #tpu.memory_space<hbm>>
      %dma_wait3A_631 = arith.constant 0 : i32
      %dma_wait3A_632 = tpu.memref_slice %arg4[%dma_wait3A_627, %dma_wait3A_631] : memref<6274x128xi32, #tpu.memory_space<hbm>> -> memref<1x128xi32, #tpu.memory_space<hbm>>
      %dma_wait3A_633 = tpu.memref_squeeze %dma_wait3A_632 : memref<1x128xi32, #tpu.memory_space<hbm>> -> memref<128xi32, #tpu.memory_space<hbm>>
      tpu.wait_dma2 semaphore(%arg33 : memref<!tpu.dma_semaphore, #tpu.memory_space<semaphore_mem>>) src(%dma_wait3A_633 : memref<128xi32, #tpu.memory_space<hbm>>) dst(%arg20 : memref<128xi32, #tpu.memory_space<vmem>>)
      %get3A_634 = arith.constant 0 : index
      %get3A_635 = tpu.vector_load %arg20[%get3A_634] {strides = array<i32>} : memref<128xi32, #tpu.memory_space<vmem>>, vector<16xi32>,
      %swap3A_636 = arith.constant 0 : index
      %swap3A_637 = tpu.vector_load %arg28[%swap3A_636] {strides = array<i32>} : memref<128xi32, #tpu.memory_space<vmem>>, vector<16xi32>,
      tpu.vector_store %arg28[%swap3A_636], %get3A_635 {strides = array<i32>} : memref<128xi32, #tpu.memory_space<vmem>>, vector<16xi32>,
      %shift_right_logical3A_638 = arith.constant 3 : i32
      %shift_right_logical3A_639 = vector.broadcast %shift_right_logical3A_638 : i32 to vector<16xi32>
      %shift_right_logical3A_640 = arith.shrui %get3A_635, %shift_right_logical3A_639 : vector<16xi32>
      %swap3A_641 = arith.constant 0 : index
      %swap3A_642 = tpu.vector_load %arg21[%swap3A_641] {strides = array<i32>} : memref<128xi32, #tpu.memory_space<vmem>>, vector<16xi32>,
      tpu.vector_store %arg21[%swap3A_641], %shift_right_logical3A_640 {strides = array<i32>} : memref<128xi32, #tpu.memory_space<vmem>>, vector<16xi32>,
      %and3A_643 = arith.constant 7 : i32
      %and3A_644 = vector.broadcast %and3A_643 : i32 to vector<16xi32>
      %and3A_645 = arith.andi %get3A_635, %and3A_644 : vector<16xi32>
      %swap3A_646 = arith.constant 0 : index
      %swap3A_647 = tpu.vector_load %arg22[%swap3A_646] {strides = array<i32>} : memref<144xi32, #tpu.memory_space<vmem>>, vector<16xi32>,
      tpu.vector_store %arg22[%swap3A_646], %and3A_645 {strides = array<i32>} : memref<144xi32, #tpu.memory_space<vmem>>, vector<16xi32>,
      %get3A_648 = arith.constant 0 : index
      %get3A_649 = tpu.vector_load %arg18[%get3A_648] {strides = array<i32>} : memref<128xi32, #tpu.memory_space<vmem>>, vector<16xi32>,
      %add3A_650 = arith.addi %get3A_649, %broadcast_in_dim3A_36 : vector<16xi32>
      %swap3A_651 = arith.constant 0 : index
      %swap3A_652 = tpu.vector_load %arg18[%swap3A_651] {strides = array<i32>} : memref<128xi32, #tpu.memory_space<vmem>>, vector<16xi32>,
      tpu.vector_store %arg18[%swap3A_651], %add3A_650 {strides = array<i32>} : memref<128xi32, #tpu.memory_space<vmem>>, vector<16xi32>,
      %get3A_653 = arith.constant 0 : index
      %get3A_654 = tpu.vector_load %arg19[%get3A_653] {strides = array<i32>} : memref<128xi32, #tpu.memory_space<vmem>>, vector<16xi32>,
      %add3A_655 = arith.addi %get3A_654, %broadcast_in_dim3A_36 : vector<16xi32>
      %swap3A_656 = arith.constant 0 : index
      %swap3A_657 = tpu.vector_load %arg19[%swap3A_656] {strides = array<i32>} : memref<128xi32, #tpu.memory_space<vmem>>, vector<16xi32>,
      tpu.vector_store %arg19[%swap3A_656], %add3A_655 {strides = array<i32>} : memref<128xi32, #tpu.memory_space<vmem>>, vector<16xi32>,
      %get3A_658 = arith.constant 16 : index
      %get3A_659 = tpu.vector_load %arg20[%get3A_658] {strides = array<i32>} : memref<128xi32, #tpu.memory_space<vmem>>, vector<16xi32>,
      %swap3A_660 = arith.constant 16 : index
      %swap3A_661 = tpu.vector_load %arg28[%swap3A_660] {strides = array<i32>} : memref<128xi32, #tpu.memory_space<vmem>>, vector<16xi32>,
      tpu.vector_store %arg28[%swap3A_660], %get3A_659 {strides = array<i32>} : memref<128xi32, #tpu.memory_space<vmem>>, vector<16xi32>,
      %shift_right_logical3A_662 = arith.constant 3 : i32
      %shift_right_logical3A_663 = vector.broadcast %shift_right_logical3A_662 : i32 to vector<16xi32>
      %shift_right_logical3A_664 = arith.shrui %get3A_659, %shift_right_logical3A_663 : vector<16xi32>
      %swap3A_665 = arith.constant 16 : index
      %swap3A_666 = tpu.vector_load %arg21[%swap3A_665] {strides = array<i32>} : memref<128xi32, #tpu.memory_space<vmem>>, vector<16xi32>,
      tpu.vector_store %arg21[%swap3A_665], %shift_right_logical3A_664 {strides = array<i32>} : memref<128xi32, #tpu.memory_space<vmem>>, vector<16xi32>,
      %and3A_667 = arith.constant 7 : i32
      %and3A_668 = vector.broadcast %and3A_667 : i32 to vector<16xi32>
      %and3A_669 = arith.andi %get3A_659, %and3A_668 : vector<16xi32>
      %swap3A_670 = arith.constant 16 : index
      %swap3A_671 = tpu.vector_load %arg22[%swap3A_670] {strides = array<i32>} : memref<144xi32, #tpu.memory_space<vmem>>, vector<16xi32>,
      tpu.vector_store %arg22[%swap3A_670], %and3A_669 {strides = array<i32>} : memref<144xi32, #tpu.memory_space<vmem>>, vector<16xi32>,
      %get3A_672 = arith.constant 16 : index
      %get3A_673 = tpu.vector_load %arg18[%get3A_672] {strides = array<i32>} : memref<128xi32, #tpu.memory_space<vmem>>, vector<16xi32>,
      %add3A_674 = arith.addi %get3A_673, %broadcast_in_dim3A_36 : vector<16xi32>
      %swap3A_675 = arith.constant 16 : index
      %swap3A_676 = tpu.vector_load %arg18[%swap3A_675] {strides = array<i32>} : memref<128xi32, #tpu.memory_space<vmem>>, vector<16xi32>,
      tpu.vector_store %arg18[%swap3A_675], %add3A_674 {strides = array<i32>} : memref<128xi32, #tpu.memory_space<vmem>>, vector<16xi32>,
      %get3A_677 = arith.constant 16 : index
      %get3A_678 = tpu.vector_load %arg19[%get3A_677] {strides = array<i32>} : memref<128xi32, #tpu.memory_space<vmem>>, vector<16xi32>,
      %add3A_679 = arith.addi %get3A_678, %broadcast_in_dim3A_36 : vector<16xi32>
      %swap3A_680 = arith.constant 16 : index
      %swap3A_681 = tpu.vector_load %arg19[%swap3A_680] {strides = array<i32>} : memref<128xi32, #tpu.memory_space<vmem>>, vector<16xi32>,
      tpu.vector_store %arg19[%swap3A_680], %add3A_679 {strides = array<i32>} : memref<128xi32, #tpu.memory_space<vmem>>, vector<16xi32>,
      %get3A_682 = arith.constant 32 : index
      %get3A_683 = tpu.vector_load %arg20[%get3A_682] {strides = array<i32>} : memref<128xi32, #tpu.memory_space<vmem>>, vector<16xi32>,
      %swap3A_684 = arith.constant 32 : index
      %swap3A_685 = tpu.vector_load %arg28[%swap3A_684] {strides = array<i32>} : memref<128xi32, #tpu.memory_space<vmem>>, vector<16xi32>,
      tpu.vector_store %arg28[%swap3A_684], %get3A_683 {strides = array<i32>} : memref<128xi32, #tpu.memory_space<vmem>>, vector<16xi32>,
      %shift_right_logical3A_686 = arith.constant 3 : i32
      %shift_right_logical3A_687 = vector.broadcast %shift_right_logical3A_686 : i32 to vector<16xi32>
      %shift_right_logical3A_688 = arith.shrui %get3A_683, %shift_right_logical3A_687 : vector<16xi32>
      %swap3A_689 = arith.constant 32 : index
      %swap3A_690 = tpu.vector_load %arg21[%swap3A_689] {strides = array<i32>} : memref<128xi32, #tpu.memory_space<vmem>>, vector<16xi32>,
      tpu.vector_store %arg21[%swap3A_689], %shift_right_logical3A_688 {strides = array<i32>} : memref<128xi32, #tpu.memory_space<vmem>>, vector<16xi32>,
      %and3A_691 = arith.constant 7 : i32
      %and3A_692 = vector.broadcast %and3A_691 : i32 to vector<16xi32>
      %and3A_693 = arith.andi %get3A_683, %and3A_692 : vector<16xi32>
      %swap3A_694 = arith.constant 32 : index
      %swap3A_695 = tpu.vector_load %arg22[%swap3A_694] {strides = array<i32>} : memref<144xi32, #tpu.memory_space<vmem>>, vector<16xi32>,
      tpu.vector_store %arg22[%swap3A_694], %and3A_693 {strides = array<i32>} : memref<144xi32, #tpu.memory_space<vmem>>, vector<16xi32>,
      %get3A_696 = arith.constant 32 : index
      %get3A_697 = tpu.vector_load %arg18[%get3A_696] {strides = array<i32>} : memref<128xi32, #tpu.memory_space<vmem>>, vector<16xi32>,
      %add3A_698 = arith.addi %get3A_697, %broadcast_in_dim3A_36 : vector<16xi32>
      %swap3A_699 = arith.constant 32 : index
      %swap3A_700 = tpu.vector_load %arg18[%swap3A_699] {strides = array<i32>} : memref<128xi32, #tpu.memory_space<vmem>>, vector<16xi32>,
      tpu.vector_store %arg18[%swap3A_699], %add3A_698 {strides = array<i32>} : memref<128xi32, #tpu.memory_space<vmem>>, vector<16xi32>,
      %get3A_701 = arith.constant 32 : index
      %get3A_702 = tpu.vector_load %arg19[%get3A_701] {strides = array<i32>} : memref<128xi32, #tpu.memory_space<vmem>>, vector<16xi32>,
      %add3A_703 = arith.addi %get3A_702, %broadcast_in_dim3A_36 : vector<16xi32>
      %swap3A_704 = arith.constant 32 : index
      %swap3A_705 = tpu.vector_load %arg19[%swap3A_704] {strides = array<i32>} : memref<128xi32, #tpu.memory_space<vmem>>, vector<16xi32>,
      tpu.vector_store %arg19[%swap3A_704], %add3A_703 {strides = array<i32>} : memref<128xi32, #tpu.memory_space<vmem>>, vector<16xi32>,
      %get3A_706 = arith.constant 48 : index
      %get3A_707 = tpu.vector_load %arg20[%get3A_706] {strides = array<i32>} : memref<128xi32, #tpu.memory_space<vmem>>, vector<16xi32>,
      %swap3A_708 = arith.constant 48 : index
      %swap3A_709 = tpu.vector_load %arg28[%swap3A_708] {strides = array<i32>} : memref<128xi32, #tpu.memory_space<vmem>>, vector<16xi32>,
      tpu.vector_store %arg28[%swap3A_708], %get3A_707 {strides = array<i32>} : memref<128xi32, #tpu.memory_space<vmem>>, vector<16xi32>,
      %shift_right_logical3A_710 = arith.constant 3 : i32
      %shift_right_logical3A_711 = vector.broadcast %shift_right_logical3A_710 : i32 to vector<16xi32>
      %shift_right_logical3A_712 = arith.shrui %get3A_707, %shift_right_logical3A_711 : vector<16xi32>
      %swap3A_713 = arith.constant 48 : index
      %swap3A_714 = tpu.vector_load %arg21[%swap3A_713] {strides = array<i32>} : memref<128xi32, #tpu.memory_space<vmem>>, vector<16xi32>,
      tpu.vector_store %arg21[%swap3A_713], %shift_right_logical3A_712 {strides = array<i32>} : memref<128xi32, #tpu.memory_space<vmem>>, vector<16xi32>,
      %and3A_715 = arith.constant 7 : i32
      %and3A_716 = vector.broadcast %and3A_715 : i32 to vector<16xi32>
      %and3A_717 = arith.andi %get3A_707, %and3A_716 : vector<16xi32>
      %swap3A_718 = arith.constant 48 : index
      %swap3A_719 = tpu.vector_load %arg22[%swap3A_718] {strides = array<i32>} : memref<144xi32, #tpu.memory_space<vmem>>, vector<16xi32>,
      tpu.vector_store %arg22[%swap3A_718], %and3A_717 {strides = array<i32>} : memref<144xi32, #tpu.memory_space<vmem>>, vector<16xi32>,
      %get3A_720 = arith.constant 48 : index
      %get3A_721 = tpu.vector_load %arg18[%get3A_720] {strides = array<i32>} : memref<128xi32, #tpu.memory_space<vmem>>, vector<16xi32>,
      %add3A_722 = arith.addi %get3A_721, %broadcast_in_dim3A_36 : vector<16xi32>
      %swap3A_723 = arith.constant 48 : index
      %swap3A_724 = tpu.vector_load %arg18[%swap3A_723] {strides = array<i32>} : memref<128xi32, #tpu.memory_space<vmem>>, vector<16xi32>,
      tpu.vector_store %arg18[%swap3A_723], %add3A_722 {strides = array<i32>} : memref<128xi32, #tpu.memory_space<vmem>>, vector<16xi32>,
      %get3A_725 = arith.constant 48 : index
      %get3A_726 = tpu.vector_load %arg19[%get3A_725] {strides = array<i32>} : memref<128xi32, #tpu.memory_space<vmem>>, vector<16xi32>,
      %add3A_727 = arith.addi %get3A_726, %broadcast_in_dim3A_36 : vector<16xi32>
      %swap3A_728 = arith.constant 48 : index
      %swap3A_729 = tpu.vector_load %arg19[%swap3A_728] {strides = array<i32>} : memref<128xi32, #tpu.memory_space<vmem>>, vector<16xi32>,
      tpu.vector_store %arg19[%swap3A_728], %add3A_727 {strides = array<i32>} : memref<128xi32, #tpu.memory_space<vmem>>, vector<16xi32>,
      %get3A_730 = arith.constant 64 : index
      %get3A_731 = tpu.vector_load %arg20[%get3A_730] {strides = array<i32>} : memref<128xi32, #tpu.memory_space<vmem>>, vector<16xi32>,
      %swap3A_732 = arith.constant 64 : index
      %swap3A_733 = tpu.vector_load %arg28[%swap3A_732] {strides = array<i32>} : memref<128xi32, #tpu.memory_space<vmem>>, vector<16xi32>,
      tpu.vector_store %arg28[%swap3A_732], %get3A_731 {strides = array<i32>} : memref<128xi32, #tpu.memory_space<vmem>>, vector<16xi32>,
      %shift_right_logical3A_734 = arith.constant 3 : i32
      %shift_right_logical3A_735 = vector.broadcast %shift_right_logical3A_734 : i32 to vector<16xi32>
      %shift_right_logical3A_736 = arith.shrui %get3A_731, %shift_right_logical3A_735 : vector<16xi32>
      %swap3A_737 = arith.constant 64 : index
      %swap3A_738 = tpu.vector_load %arg21[%swap3A_737] {strides = array<i32>} : memref<128xi32, #tpu.memory_space<vmem>>, vector<16xi32>,
      tpu.vector_store %arg21[%swap3A_737], %shift_right_logical3A_736 {strides = array<i32>} : memref<128xi32, #tpu.memory_space<vmem>>, vector<16xi32>,
      %and3A_739 = arith.constant 7 : i32
      %and3A_740 = vector.broadcast %and3A_739 : i32 to vector<16xi32>
      %and3A_741 = arith.andi %get3A_731, %and3A_740 : vector<16xi32>
      %swap3A_742 = arith.constant 64 : index
      %swap3A_743 = tpu.vector_load %arg22[%swap3A_742] {strides = array<i32>} : memref<144xi32, #tpu.memory_space<vmem>>, vector<16xi32>,
      tpu.vector_store %arg22[%swap3A_742], %and3A_741 {strides = array<i32>} : memref<144xi32, #tpu.memory_space<vmem>>, vector<16xi32>,
      %get3A_744 = arith.constant 64 : index
      %get3A_745 = tpu.vector_load %arg18[%get3A_744] {strides = array<i32>} : memref<128xi32, #tpu.memory_space<vmem>>, vector<16xi32>,
      %add3A_746 = arith.addi %get3A_745, %broadcast_in_dim3A_36 : vector<16xi32>
      %swap3A_747 = arith.constant 64 : index
      %swap3A_748 = tpu.vector_load %arg18[%swap3A_747] {strides = array<i32>} : memref<128xi32, #tpu.memory_space<vmem>>, vector<16xi32>,
      tpu.vector_store %arg18[%swap3A_747], %add3A_746 {strides = array<i32>} : memref<128xi32, #tpu.memory_space<vmem>>, vector<16xi32>,
      %get3A_749 = arith.constant 64 : index
      %get3A_750 = tpu.vector_load %arg19[%get3A_749] {strides = array<i32>} : memref<128xi32, #tpu.memory_space<vmem>>, vector<16xi32>,
      %add3A_751 = arith.addi %get3A_750, %broadcast_in_dim3A_36 : vector<16xi32>
      %swap3A_752 = arith.constant 64 : index
      %swap3A_753 = tpu.vector_load %arg19[%swap3A_752] {strides = array<i32>} : memref<128xi32, #tpu.memory_space<vmem>>, vector<16xi32>,
      tpu.vector_store %arg19[%swap3A_752], %add3A_751 {strides = array<i32>} : memref<128xi32, #tpu.memory_space<vmem>>, vector<16xi32>,
      %get3A_754 = arith.constant 80 : index
      %get3A_755 = tpu.vector_load %arg20[%get3A_754] {strides = array<i32>} : memref<128xi32, #tpu.memory_space<vmem>>, vector<16xi32>,
      %swap3A_756 = arith.constant 80 : index
      %swap3A_757 = tpu.vector_load %arg28[%swap3A_756] {strides = array<i32>} : memref<128xi32, #tpu.memory_space<vmem>>, vector<16xi32>,
      tpu.vector_store %arg28[%swap3A_756], %get3A_755 {strides = array<i32>} : memref<128xi32, #tpu.memory_space<vmem>>, vector<16xi32>,
      %shift_right_logical3A_758 = arith.constant 3 : i32
      %shift_right_logical3A_759 = vector.broadcast %shift_right_logical3A_758 : i32 to vector<16xi32>
      %shift_right_logical3A_760 = arith.shrui %get3A_755, %shift_right_logical3A_759 : vector<16xi32>
      %swap3A_761 = arith.constant 80 : index
      %swap3A_762 = tpu.vector_load %arg21[%swap3A_761] {strides = array<i32>} : memref<128xi32, #tpu.memory_space<vmem>>, vector<16xi32>,
      tpu.vector_store %arg21[%swap3A_761], %shift_right_logical3A_760 {strides = array<i32>} : memref<128xi32, #tpu.memory_space<vmem>>, vector<16xi32>,
      %and3A_763 = arith.constant 7 : i32
      %and3A_764 = vector.broadcast %and3A_763 : i32 to vector<16xi32>
      %and3A_765 = arith.andi %get3A_755, %and3A_764 : vector<16xi32>
      %swap3A_766 = arith.constant 80 : index
      %swap3A_767 = tpu.vector_load %arg22[%swap3A_766] {strides = array<i32>} : memref<144xi32, #tpu.memory_space<vmem>>, vector<16xi32>,
      tpu.vector_store %arg22[%swap3A_766], %and3A_765 {strides = array<i32>} : memref<144xi32, #tpu.memory_space<vmem>>, vector<16xi32>,
      %get3A_768 = arith.constant 80 : index
      %get3A_769 = tpu.vector_load %arg18[%get3A_768] {strides = array<i32>} : memref<128xi32, #tpu.memory_space<vmem>>, vector<16xi32>,
      %add3A_770 = arith.addi %get3A_769, %broadcast_in_dim3A_36 : vector<16xi32>
      %swap3A_771 = arith.constant 80 : index
      %swap3A_772 = tpu.vector_load %arg18[%swap3A_771] {strides = array<i32>} : memref<128xi32, #tpu.memory_space<vmem>>, vector<16xi32>,
      tpu.vector_store %arg18[%swap3A_771], %add3A_770 {strides = array<i32>} : memref<128xi32, #tpu.memory_space<vmem>>, vector<16xi32>,
      %get3A_773 = arith.constant 80 : index
      %get3A_774 = tpu.vector_load %arg19[%get3A_773] {strides = array<i32>} : memref<128xi32, #tpu.memory_space<vmem>>, vector<16xi32>,
      %add3A_775 = arith.addi %get3A_774, %broadcast_in_dim3A_36 : vector<16xi32>
      %swap3A_776 = arith.constant 80 : index
      %swap3A_777 = tpu.vector_load %arg19[%swap3A_776] {strides = array<i32>} : memref<128xi32, #tpu.memory_space<vmem>>, vector<16xi32>,
      tpu.vector_store %arg19[%swap3A_776], %add3A_775 {strides = array<i32>} : memref<128xi32, #tpu.memory_space<vmem>>, vector<16xi32>,
      %get3A_778 = arith.constant 96 : index
      %get3A_779 = tpu.vector_load %arg20[%get3A_778] {strides = array<i32>} : memref<128xi32, #tpu.memory_space<vmem>>, vector<16xi32>,
      %swap3A_780 = arith.constant 96 : index
      %swap3A_781 = tpu.vector_load %arg28[%swap3A_780] {strides = array<i32>} : memref<128xi32, #tpu.memory_space<vmem>>, vector<16xi32>,
      tpu.vector_store %arg28[%swap3A_780], %get3A_779 {strides = array<i32>} : memref<128xi32, #tpu.memory_space<vmem>>, vector<16xi32>,
      %shift_right_logical3A_782 = arith.constant 3 : i32
      %shift_right_logical3A_783 = vector.broadcast %shift_right_logical3A_782 : i32 to vector<16xi32>
      %shift_right_logical3A_784 = arith.shrui %get3A_779, %shift_right_logical3A_783 : vector<16xi32>
      %swap3A_785 = arith.constant 96 : index
      %swap3A_786 = tpu.vector_load %arg21[%swap3A_785] {strides = array<i32>} : memref<128xi32, #tpu.memory_space<vmem>>, vector<16xi32>,
      tpu.vector_store %arg21[%swap3A_785], %shift_right_logical3A_784 {strides = array<i32>} : memref<128xi32, #tpu.memory_space<vmem>>, vector<16xi32>,
      %and3A_787 = arith.constant 7 : i32
      %and3A_788 = vector.broadcast %and3A_787 : i32 to vector<16xi32>
      %and3A_789 = arith.andi %get3A_779, %and3A_788 : vector<16xi32>
      %swap3A_790 = arith.constant 96 : index
      %swap3A_791 = tpu.vector_load %arg22[%swap3A_790] {strides = array<i32>} : memref<144xi32, #tpu.memory_space<vmem>>, vector<16xi32>,
      tpu.vector_store %arg22[%swap3A_790], %and3A_789 {strides = array<i32>} : memref<144xi32, #tpu.memory_space<vmem>>, vector<16xi32>,
      %get3A_792 = arith.constant 96 : index
      %get3A_793 = tpu.vector_load %arg18[%get3A_792] {strides = array<i32>} : memref<128xi32, #tpu.memory_space<vmem>>, vector<16xi32>,
      %add3A_794 = arith.addi %get3A_793, %broadcast_in_dim3A_36 : vector<16xi32>
      %swap3A_795 = arith.constant 96 : index
      %swap3A_796 = tpu.vector_load %arg18[%swap3A_795] {strides = array<i32>} : memref<128xi32, #tpu.memory_space<vmem>>, vector<16xi32>,
      tpu.vector_store %arg18[%swap3A_795], %add3A_794 {strides = array<i32>} : memref<128xi32, #tpu.memory_space<vmem>>, vector<16xi32>,
      %get3A_797 = arith.constant 96 : index
      %get3A_798 = tpu.vector_load %arg19[%get3A_797] {strides = array<i32>} : memref<128xi32, #tpu.memory_space<vmem>>, vector<16xi32>,
      %add3A_799 = arith.addi %get3A_798, %broadcast_in_dim3A_36 : vector<16xi32>
      %swap3A_800 = arith.constant 96 : index
      %swap3A_801 = tpu.vector_load %arg19[%swap3A_800] {strides = array<i32>} : memref<128xi32, #tpu.memory_space<vmem>>, vector<16xi32>,
      tpu.vector_store %arg19[%swap3A_800], %add3A_799 {strides = array<i32>} : memref<128xi32, #tpu.memory_space<vmem>>, vector<16xi32>,
      %get3A_802 = arith.constant 112 : index
      %get3A_803 = tpu.vector_load %arg20[%get3A_802] {strides = array<i32>} : memref<128xi32, #tpu.memory_space<vmem>>, vector<16xi32>,
      %swap3A_804 = arith.constant 112 : index
      %swap3A_805 = tpu.vector_load %arg28[%swap3A_804] {strides = array<i32>} : memref<128xi32, #tpu.memory_space<vmem>>, vector<16xi32>,
      tpu.vector_store %arg28[%swap3A_804], %get3A_803 {strides = array<i32>} : memref<128xi32, #tpu.memory_space<vmem>>, vector<16xi32>,
      %shift_right_logical3A_806 = arith.constant 3 : i32
      %shift_right_logical3A_807 = vector.broadcast %shift_right_logical3A_806 : i32 to vector<16xi32>
      %shift_right_logical3A_808 = arith.shrui %get3A_803, %shift_right_logical3A_807 : vector<16xi32>
      %swap3A_809 = arith.constant 112 : index
      %swap3A_810 = tpu.vector_load %arg21[%swap3A_809] {strides = array<i32>} : memref<128xi32, #tpu.memory_space<vmem>>, vector<16xi32>,
      tpu.vector_store %arg21[%swap3A_809], %shift_right_logical3A_808 {strides = array<i32>} : memref<128xi32, #tpu.memory_space<vmem>>, vector<16xi32>,
      %and3A_811 = arith.constant 7 : i32
      %and3A_812 = vector.broadcast %and3A_811 : i32 to vector<16xi32>
      %and3A_813 = arith.andi %get3A_803, %and3A_812 : vector<16xi32>
      %swap3A_814 = arith.constant 112 : index
      %swap3A_815 = tpu.vector_load %arg22[%swap3A_814] {strides = array<i32>} : memref<144xi32, #tpu.memory_space<vmem>>, vector<16xi32>,
      tpu.vector_store %arg22[%swap3A_814], %and3A_813 {strides = array<i32>} : memref<144xi32, #tpu.memory_space<vmem>>, vector<16xi32>,
      %get3A_816 = arith.constant 112 : index
      %get3A_817 = tpu.vector_load %arg18[%get3A_816] {strides = array<i32>} : memref<128xi32, #tpu.memory_space<vmem>>, vector<16xi32>,
      %add3A_818 = arith.addi %get3A_817, %broadcast_in_dim3A_36 : vector<16xi32>
      %swap3A_819 = arith.constant 112 : index
      %swap3A_820 = tpu.vector_load %arg18[%swap3A_819] {strides = array<i32>} : memref<128xi32, #tpu.memory_space<vmem>>, vector<16xi32>,
      tpu.vector_store %arg18[%swap3A_819], %add3A_818 {strides = array<i32>} : memref<128xi32, #tpu.memory_space<vmem>>, vector<16xi32>,
      %get3A_821 = arith.constant 112 : index
      %get3A_822 = tpu.vector_load %arg19[%get3A_821] {strides = array<i32>} : memref<128xi32, #tpu.memory_space<vmem>>, vector<16xi32>,
      %add3A_823 = arith.addi %get3A_822, %broadcast_in_dim3A_36 : vector<16xi32>
      %swap3A_824 = arith.constant 112 : index
      %swap3A_825 = tpu.vector_load %arg19[%swap3A_824] {strides = array<i32>} : memref<128xi32, #tpu.memory_space<vmem>>, vector<16xi32>,
      tpu.vector_store %arg19[%swap3A_824], %add3A_823 {strides = array<i32>} : memref<128xi32, #tpu.memory_space<vmem>>, vector<16xi32>,
      %dma_start3A_826 = arith.constant 0 : i32
      %dma_start3A_827 = arith.constant 0 : i32
      %dma_start3A_828 = tpu.memref_slice %arg2[%dma_start3A_826, %dma_start3A_827] : memref<100000x32xf32, #tpu.memory_space<hbm>> -> memref<100000x32xf32, #tpu.memory_space<hbm>>
      tpu.enqueue_indirect_dma source(%dma_start3A_828 : memref<100000x32xf32, #tpu.memory_space<hbm>>) target(%arg12 : memref<128x32xf32, #tpu.memory_space<vmem>>) offsets(%arg18 : memref<128xi32, #tpu.memory_space<vmem>>) semaphore(%arg31 : memref<!tpu.dma_semaphore, #tpu.memory_space<semaphore_mem>>)
      %dma_start3A_829 = arith.constant 0 : i32
      %dma_start3A_830 = arith.constant 0 : i32
      %dma_start3A_831 = tpu.memref_slice %arg3[%dma_start3A_829, %dma_start3A_830] : memref<100000x32xf32, #tpu.memory_space<hbm>> -> memref<100000x32xf32, #tpu.memory_space<hbm>>
      tpu.enqueue_indirect_dma source(%dma_start3A_831 : memref<100000x32xf32, #tpu.memory_space<hbm>>) target(%arg13 : memref<128x32xf32, #tpu.memory_space<vmem>>) offsets(%arg19 : memref<128xi32, #tpu.memory_space<vmem>>) semaphore(%arg31 : memref<!tpu.dma_semaphore, #tpu.memory_space<semaphore_mem>>)
      %dma_wait3A_832 = arith.constant 0 : i32
      %dma_wait3A_833 = arith.constant 0 : i32
      %dma_wait3A_834 = tpu.memref_slice %arg2[%dma_wait3A_832, %dma_wait3A_833] : memref<100000x32xf32, #tpu.memory_space<hbm>> -> memref<128x32xf32, #tpu.memory_space<hbm>>
      %dma_wait3A_835 = arith.constant 0 : i32
      %dma_wait3A_836 = arith.constant 0 : i32
      %dma_wait3A_837 = tpu.memref_slice %arg2[%dma_wait3A_835, %dma_wait3A_836] : memref<100000x32xf32, #tpu.memory_space<hbm>> -> memref<128x32xf32, #tpu.memory_space<hbm>>
      tpu.wait_dma2 semaphore(%arg32 : memref<!tpu.dma_semaphore, #tpu.memory_space<semaphore_mem>>) src(%dma_wait3A_837 : memref<128x32xf32, #tpu.memory_space<hbm>>) dst(%arg14 : memref<128x32xf32, #tpu.memory_space<vmem>>)
      %dma_wait3A_838 = arith.constant 0 : i32
      %dma_wait3A_839 = arith.constant 0 : i32
      %dma_wait3A_840 = tpu.memref_slice %arg2[%dma_wait3A_838, %dma_wait3A_839] : memref<100000x32xf32, #tpu.memory_space<hbm>> -> memref<128x32xf32, #tpu.memory_space<hbm>>
      %dma_wait3A_841 = arith.constant 0 : i32
      %dma_wait3A_842 = arith.constant 0 : i32
      %dma_wait3A_843 = tpu.memref_slice %arg2[%dma_wait3A_841, %dma_wait3A_842] : memref<100000x32xf32, #tpu.memory_space<hbm>> -> memref<128x32xf32, #tpu.memory_space<hbm>>
      tpu.wait_dma2 semaphore(%arg32 : memref<!tpu.dma_semaphore, #tpu.memory_space<semaphore_mem>>) src(%dma_wait3A_843 : memref<128x32xf32, #tpu.memory_space<hbm>>) dst(%arg15 : memref<128x32xf32, #tpu.memory_space<vmem>>)
      %add3A_844 = arith.addi %mul3A_0, %mul3A_341 : i32
      %add3A_845 = arith.constant 3 : i32
      %add3A_846 = arith.addi %add3A_844, %add3A_845 : i32
      %dma_start3A_847 = arith.constant 0 : i32
      %dma_start3A_848 = tpu.memref_slice %arg4[%add3A_846, %dma_start3A_847] : memref<6274x128xi32, #tpu.memory_space<hbm>> -> memref<1x128xi32, #tpu.memory_space<hbm>>
      %dma_start3A_849 = tpu.memref_squeeze %dma_start3A_848 : memref<1x128xi32, #tpu.memory_space<hbm>> -> memref<128xi32, #tpu.memory_space<hbm>>
      %dma_start3A_850 = arith.constant 0 : i32
      %dma_start3A_851 = tpu.memref_slice %arg4[%add3A_846, %dma_start3A_850] : memref<6274x128xi32, #tpu.memory_space<hbm>> -> memref<1x128xi32, #tpu.memory_space<hbm>>
      %dma_start3A_852 = tpu.memref_squeeze %dma_start3A_851 : memref<1x128xi32, #tpu.memory_space<hbm>> -> memref<128xi32, #tpu.memory_space<hbm>>
      tpu.enqueue_dma source(%dma_start3A_852 : memref<128xi32, #tpu.memory_space<hbm>>) target(%arg23 : memref<128xi32, #tpu.memory_space<vmem>>) target_semaphore(%arg34 : memref<!tpu.dma_semaphore, #tpu.memory_space<semaphore_mem>>)
      %dma_start3A_853 = arith.constant 0 : i32
      %dma_start3A_854 = tpu.memref_slice %arg5[%add3A_846, %dma_start3A_853] : memref<6274x128xi32, #tpu.memory_space<hbm>> -> memref<1x128xi32, #tpu.memory_space<hbm>>
      %dma_start3A_855 = tpu.memref_squeeze %dma_start3A_854 : memref<1x128xi32, #tpu.memory_space<hbm>> -> memref<128xi32, #tpu.memory_space<hbm>>
      %dma_start3A_856 = arith.constant 0 : i32
      %dma_start3A_857 = tpu.memref_slice %arg5[%add3A_846, %dma_start3A_856] : memref<6274x128xi32, #tpu.memory_space<hbm>> -> memref<1x128xi32, #tpu.memory_space<hbm>>
      %dma_start3A_858 = tpu.memref_squeeze %dma_start3A_857 : memref<1x128xi32, #tpu.memory_space<hbm>> -> memref<128xi32, #tpu.memory_space<hbm>>
      tpu.enqueue_dma source(%dma_start3A_858 : memref<128xi32, #tpu.memory_space<hbm>>) target(%arg24 : memref<128xi32, #tpu.memory_space<vmem>>) target_semaphore(%arg34 : memref<!tpu.dma_semaphore, #tpu.memory_space<semaphore_mem>>)
      %dma_start3A_859 = arith.constant 0 : i32
      %dma_start3A_860 = tpu.memref_slice %arg6[%add3A_846, %dma_start3A_859] : memref<6274x128xi32, #tpu.memory_space<hbm>> -> memref<1x128xi32, #tpu.memory_space<hbm>>
      %dma_start3A_861 = tpu.memref_squeeze %dma_start3A_860 : memref<1x128xi32, #tpu.memory_space<hbm>> -> memref<128xi32, #tpu.memory_space<hbm>>
      %dma_start3A_862 = arith.constant 0 : i32
      %dma_start3A_863 = tpu.memref_slice %arg6[%add3A_846, %dma_start3A_862] : memref<6274x128xi32, #tpu.memory_space<hbm>> -> memref<1x128xi32, #tpu.memory_space<hbm>>
      %dma_start3A_864 = tpu.memref_squeeze %dma_start3A_863 : memref<1x128xi32, #tpu.memory_space<hbm>> -> memref<128xi32, #tpu.memory_space<hbm>>
      tpu.enqueue_dma source(%dma_start3A_864 : memref<128xi32, #tpu.memory_space<hbm>>) target(%arg25 : memref<128xi32, #tpu.memory_space<vmem>>) target_semaphore(%arg34 : memref<!tpu.dma_semaphore, #tpu.memory_space<semaphore_mem>>)
      %scan3A_865 = arith.constant 0 : i32
      %scan3A_866 = arith.constant 0 : i32
      %scan3A_867 = arith.constant 128 : i32
      %scan3A_868 = arith.addi %scan3A_866, %scan3A_867 : i32
      %scan3A_869 = arith.constant 1 : i32
      %scan3A_870 = scf.for %scan3A_885 = %scan3A_866 to %scan3A_868 step %scan3A_869 iter_args(%scan3A_886 = %scan3A_865) -> (i32)  : i32 {
        %get3A_887 = arith.index_cast %scan3A_885 : i32 to index
        %get3A_888 = arith.constant 0 : index
        %get3A_889 = tpu.vector_load %arg14[%get3A_887, %get3A_888] {strides = array<i32>} : memref<128x32xf32, #tpu.memory_space<vmem>>, vector<16xf32>,
        %get3A_890 = arith.index_cast %scan3A_885 : i32 to index
        %get3A_891 = arith.constant 16 : index
        %get3A_892 = tpu.vector_load %arg14[%get3A_890, %get3A_891] {strides = array<i32>} : memref<128x32xf32, #tpu.memory_space<vmem>>, vector<16xf32>,
        %get3A_893 = arith.index_cast %scan3A_885 : i32 to index
        %get3A_894 = arith.constant 0 : index
        %get3A_895 = tpu.vector_load %arg15[%get3A_893, %get3A_894] {strides = array<i32>} : memref<128x32xf32, #tpu.memory_space<vmem>>, vector<16xf32>,
        %get3A_896 = arith.index_cast %scan3A_885 : i32 to index
        %get3A_897 = arith.constant 16 : index
        %get3A_898 = tpu.vector_load %arg15[%get3A_896, %get3A_897] {strides = array<i32>} : memref<128x32xf32, #tpu.memory_space<vmem>>, vector<16xf32>,
        %add3A_899 = arith.addf %get3A_889, %get3A_895 : vector<16xf32>
        %add3A_900 = arith.addf %get3A_892, %get3A_898 : vector<16xf32>
        %mul3A_901 = arith.constant 2.000000e-01 : f32
        %mul3A_902 = vector.broadcast %mul3A_901 : f32 to vector<16xf32>
        %mul3A_903 = arith.mulf %mul3A_902, %add3A_899 : vector<16xf32>
        %max3A = arith.maximumf %add3A_899, %mul3A_903 : vector<16xf32>
        %mul3A_904 = arith.mulf %max3A, %get3A_32 : vector<16xf32>
        %mul3A_905 = arith.constant 2.000000e-01 : f32
        %mul3A_906 = vector.broadcast %mul3A_905 : f32 to vector<16xf32>
        %mul3A_907 = arith.mulf %mul3A_906, %add3A_900 : vector<16xf32>
        %max3A_908 = arith.maximumf %add3A_900, %mul3A_907 : vector<16xf32>
        %mul3A_909 = arith.mulf %max3A_908, %get3A_35 : vector<16xf32>
        %add3A_910 = arith.addf %mul3A_904, %mul3A_909 : vector<16xf32>
        %reduce_sum3A = arith.constant true
        %reduce_sum3A_911 = vector.broadcast %reduce_sum3A : i1 to vector<16xi1>
        %reduce_sum3A_912 = tpu.scan <sum>, %add3A_910 masked %reduce_sum3A_911 : vector<16xf32>, vector<16xi1> -> vector<16xf32>
        %reduce_sum3A_913 = vector.extract %reduce_sum3A_912[15] : f32 from vector<16xf32>
        %broadcast_in_dim3A_914 = vector.broadcast %reduce_sum3A_913 : f32 to vector<16xf32>
        %exp3A = math.exp %broadcast_in_dim3A_914 : vector<16xf32>
        %mul3A_915 = arith.mulf %get3A_889, %exp3A : vector<16xf32>
        %swap3A_916 = arith.index_cast %scan3A_885 : i32 to index
        %swap3A_917 = arith.constant 0 : index
        %swap3A_918 = tpu.vector_load %arg16[%swap3A_916, %swap3A_917] {strides = array<i32>} : memref<128x32xf32, #tpu.memory_space<vmem>>, vector<16xf32>,
        tpu.vector_store %arg16[%swap3A_916, %swap3A_917], %mul3A_915 {strides = array<i32>} : memref<128x32xf32, #tpu.memory_space<vmem>>, vector<16xf32>,
        %mul3A_919 = arith.mulf %get3A_892, %exp3A : vector<16xf32>
        %swap3A_920 = arith.index_cast %scan3A_885 : i32 to index
        %swap3A_921 = arith.constant 16 : index
        %swap3A_922 = tpu.vector_load %arg16[%swap3A_920, %swap3A_921] {strides = array<i32>} : memref<128x32xf32, #tpu.memory_space<vmem>>, vector<16xf32>,
        tpu.vector_store %arg16[%swap3A_920, %swap3A_921], %mul3A_919 {strides = array<i32>} : memref<128x32xf32, #tpu.memory_space<vmem>>, vector<16xf32>,
        %get3A_923 = arith.index_cast %scan3A_885 : i32 to index
        %get3A_924 = tpu.vector_load %arg27[%get3A_923] {strides = array<i32>} : memref<144xi32, #tpu.memory_space<vmem>>, vector<16xi32>,
        %slice3A = vector.extract_strided_slice %get3A_924 {offsets = [0], sizes = [1], strides = [1]} : vector<16xi32> to vector<1xi32>
        %squeeze3A = vector.extract %slice3A[0] : i32 from vector<1xi32>
        %broadcast_in_dim3A_925 = vector.broadcast %squeeze3A : i32 to vector<16xi32>
        %eq3A = arith.cmpi eq, %iota3A, %broadcast_in_dim3A_925 : vector<16xi32>
        %jit3A = arith.constant 0.000000e+00 : f32
        %broadcast_in_dim3A_926 = vector.broadcast %jit3A : f32 to vector<16xf32>
        %select_n3A = arith.select %eq3A, %exp3A, %broadcast_in_dim3A_926 : vector<16xi1>, vector<16xf32>
        %swap3A_927 = arith.index_cast %scan3A_885 : i32 to index
        %swap3A_928 = arith.constant 0 : index
        %swap3A_929 = tpu.vector_load %arg17[%swap3A_927, %swap3A_928] {strides = array<i32>} : memref<128x16xf32, #tpu.memory_space<vmem>>, vector<16xf32>,
        tpu.vector_store %arg17[%swap3A_927, %swap3A_928], %select_n3A {strides = array<i32>} : memref<128x16xf32, #tpu.memory_space<vmem>>, vector<16xf32>,
        %scan3A_930 = arith.constant 0 : i32
        scf.yield %scan3A_930 : i32
      }
      %scan3A_871 = arith.constant 128 : i32
      %dma_start3A_872 = arith.constant 0 : i32
      %dma_start3A_873 = arith.constant 0 : i32
      %dma_start3A_874 = tpu.memref_slice %arg10[%dma_start3A_872, %dma_start3A_873] : memref<50016x32xf32, #tpu.memory_space<vmem_shared>> -> memref<50016x32xf32, #tpu.memory_space<vmem_shared>>
      tpu.enqueue_indirect_dma source(%arg16 : memref<128x32xf32, #tpu.memory_space<vmem>>) target(%dma_start3A_874 : memref<50016x32xf32, #tpu.memory_space<vmem_shared>>) offsets(%arg29 : memref<128xi32, #tpu.memory_space<vmem>>) semaphore(%arg35 : memref<!tpu.dma_semaphore, #tpu.memory_space<semaphore_mem>>) {add = true}
      %dma_start3A_875 = arith.constant 0 : i32
      %dma_start3A_876 = arith.constant 0 : i32
      %dma_start3A_877 = tpu.memref_slice %arg11[%dma_start3A_875, %dma_start3A_876] : memref<6256x16xf32, #tpu.memory_space<vmem_shared>> -> memref<6256x16xf32, #tpu.memory_space<vmem_shared>>
      tpu.enqueue_indirect_dma source(%arg17 : memref<128x16xf32, #tpu.memory_space<vmem>>) target(%dma_start3A_877 : memref<6256x16xf32, #tpu.memory_space<vmem_shared>>) offsets(%arg26 : memref<128xi32, #tpu.memory_space<vmem>>) semaphore(%arg35 : memref<!tpu.dma_semaphore, #tpu.memory_space<semaphore_mem>>) {add = true}
      %dma_wait3A_878 = arith.constant 0 : i32
      %dma_wait3A_879 = arith.constant 0 : i32
      %dma_wait3A_880 = tpu.memref_slice %arg10[%dma_wait3A_878, %dma_wait3A_879] : memref<50016x32xf32, #tpu.memory_space<vmem_shared>> -> memref<50016x32xf32, #tpu.memory_space<vmem_shared>>
      tpu.wait_indirect_dma semaphore(%arg35 : memref<!tpu.dma_semaphore, #tpu.memory_space<semaphore_mem>>) src(%arg16 : memref<128x32xf32, #tpu.memory_space<vmem>>) dst(%dma_wait3A_880 : memref<50016x32xf32, #tpu.memory_space<vmem_shared>>)
      %dma_wait3A_881 = arith.constant 0 : i32
      %dma_wait3A_882 = arith.constant 0 : i32
      %dma_wait3A_883 = tpu.memref_slice %arg11[%dma_wait3A_881, %dma_wait3A_882] : memref<6256x16xf32, #tpu.memory_space<vmem_shared>> -> memref<6256x16xf32, #tpu.memory_space<vmem_shared>>
      tpu.wait_indirect_dma semaphore(%arg35 : memref<!tpu.dma_semaphore, #tpu.memory_space<semaphore_mem>>) src(%arg17 : memref<128x16xf32, #tpu.memory_space<vmem>>) dst(%dma_wait3A_883 : memref<6256x16xf32, #tpu.memory_space<vmem_shared>>)
      %scan3A_884 = arith.constant 0 : i32
      scf.yield %scan3A_884 : i32
    }
    %scan3A_295 = arith.constant 196 : i32
    %dma_wait3A_296 = arith.constant 0 : i32
    %dma_wait3A_297 = arith.constant 0 : i32
    %dma_wait3A_298 = tpu.memref_slice %arg2[%dma_wait3A_296, %dma_wait3A_297] : memref<100000x32xf32, #tpu.memory_space<hbm>> -> memref<128x32xf32, #tpu.memory_space<hbm>>
    %dma_wait3A_299 = arith.constant 0 : i32
    %dma_wait3A_300 = arith.constant 0 : i32
    %dma_wait3A_301 = tpu.memref_slice %arg2[%dma_wait3A_299, %dma_wait3A_300] : memref<100000x32xf32, #tpu.memory_space<hbm>> -> memref<128x32xf32, #tpu.memory_space<hbm>>
    tpu.wait_dma2 semaphore(%arg31 : memref<!tpu.dma_semaphore, #tpu.memory_space<semaphore_mem>>) src(%dma_wait3A_301 : memref<128x32xf32, #tpu.memory_space<hbm>>) dst(%arg12 : memref<128x32xf32, #tpu.memory_space<vmem>>)
    %dma_wait3A_302 = arith.constant 0 : i32
    %dma_wait3A_303 = arith.constant 0 : i32
    %dma_wait3A_304 = tpu.memref_slice %arg2[%dma_wait3A_302, %dma_wait3A_303] : memref<100000x32xf32, #tpu.memory_space<hbm>> -> memref<128x32xf32, #tpu.memory_space<hbm>>
    %dma_wait3A_305 = arith.constant 0 : i32
    %dma_wait3A_306 = arith.constant 0 : i32
    %dma_wait3A_307 = tpu.memref_slice %arg2[%dma_wait3A_305, %dma_wait3A_306] : memref<100000x32xf32, #tpu.memory_space<hbm>> -> memref<128x32xf32, #tpu.memory_space<hbm>>
    tpu.wait_dma2 semaphore(%arg31 : memref<!tpu.dma_semaphore, #tpu.memory_space<semaphore_mem>>) src(%dma_wait3A_307 : memref<128x32xf32, #tpu.memory_space<hbm>>) dst(%arg13 : memref<128x32xf32, #tpu.memory_space<vmem>>)
    %dma_wait3A_308 = arith.constant 0 : i32
    %dma_wait3A_309 = arith.constant 0 : i32
    %dma_wait3A_310 = tpu.memref_slice %arg4[%dma_wait3A_308, %dma_wait3A_309] : memref<6274x128xi32, #tpu.memory_space<hbm>> -> memref<1x128xi32, #tpu.memory_space<hbm>>
    %dma_wait3A_311 = tpu.memref_squeeze %dma_wait3A_310 : memref<1x128xi32, #tpu.memory_space<hbm>> -> memref<128xi32, #tpu.memory_space<hbm>>
    %dma_wait3A_312 = arith.constant 0 : i32
    %dma_wait3A_313 = tpu.memref_slice %arg4[%dma_wait3A_308, %dma_wait3A_312] : memref<6274x128xi32, #tpu.memory_space<hbm>> -> memref<1x128xi32, #tpu.memory_space<hbm>>
    %dma_wait3A_314 = tpu.memref_squeeze %dma_wait3A_313 : memref<1x128xi32, #tpu.memory_space<hbm>> -> memref<128xi32, #tpu.memory_space<hbm>>
    tpu.wait_dma2 semaphore(%arg34 : memref<!tpu.dma_semaphore, #tpu.memory_space<semaphore_mem>>) src(%dma_wait3A_314 : memref<128xi32, #tpu.memory_space<hbm>>) dst(%arg23 : memref<128xi32, #tpu.memory_space<vmem>>)
    %dma_wait3A_315 = arith.constant 0 : i32
    %dma_wait3A_316 = arith.constant 0 : i32
    %dma_wait3A_317 = tpu.memref_slice %arg4[%dma_wait3A_315, %dma_wait3A_316] : memref<6274x128xi32, #tpu.memory_space<hbm>> -> memref<1x128xi32, #tpu.memory_space<hbm>>
    %dma_wait3A_318 = tpu.memref_squeeze %dma_wait3A_317 : memref<1x128xi32, #tpu.memory_space<hbm>> -> memref<128xi32, #tpu.memory_space<hbm>>
    %dma_wait3A_319 = arith.constant 0 : i32
    %dma_wait3A_320 = tpu.memref_slice %arg4[%dma_wait3A_315, %dma_wait3A_319] : memref<6274x128xi32, #tpu.memory_space<hbm>> -> memref<1x128xi32, #tpu.memory_space<hbm>>
    %dma_wait3A_321 = tpu.memref_squeeze %dma_wait3A_320 : memref<1x128xi32, #tpu.memory_space<hbm>> -> memref<128xi32, #tpu.memory_space<hbm>>
    tpu.wait_dma2 semaphore(%arg34 : memref<!tpu.dma_semaphore, #tpu.memory_space<semaphore_mem>>) src(%dma_wait3A_321 : memref<128xi32, #tpu.memory_space<hbm>>) dst(%arg24 : memref<128xi32, #tpu.memory_space<vmem>>)
    %dma_wait3A_322 = arith.constant 0 : i32
    %dma_wait3A_323 = arith.constant 0 : i32
    %dma_wait3A_324 = tpu.memref_slice %arg4[%dma_wait3A_322, %dma_wait3A_323] : memref<6274x128xi32, #tpu.memory_space<hbm>> -> memref<1x128xi32, #tpu.memory_space<hbm>>
    %dma_wait3A_325 = tpu.memref_squeeze %dma_wait3A_324 : memref<1x128xi32, #tpu.memory_space<hbm>> -> memref<128xi32, #tpu.memory_space<hbm>>
    %dma_wait3A_326 = arith.constant 0 : i32
    %dma_wait3A_327 = tpu.memref_slice %arg4[%dma_wait3A_322, %dma_wait3A_326] : memref<6274x128xi32, #tpu.memory_space<hbm>> -> memref<1x128xi32, #tpu.memory_space<hbm>>
    %dma_wait3A_328 = tpu.memref_squeeze %dma_wait3A_327 : memref<1x128xi32, #tpu.memory_space<hbm>> -> memref<128xi32, #tpu.memory_space<hbm>>
    tpu.wait_dma2 semaphore(%arg34 : memref<!tpu.dma_semaphore, #tpu.memory_space<semaphore_mem>>) src(%dma_wait3A_328 : memref<128xi32, #tpu.memory_space<hbm>>) dst(%arg25 : memref<128xi32, #tpu.memory_space<vmem>>)
    %barrier3A_329 = arith.constant 0 : index
    tpu.barrier barrier_id(%barrier3A_329)
    %mul3A_330 = arith.constant 3126 : i32
    %mul3A_331 = arith.muli %arg1, %mul3A_330 : i32
    %mul3A_332 = arith.constant 3126 : i32
    %mul3A_333 = arith.muli %arg1, %mul3A_332 : i32
    "tpu.region"() ({
      %run_scoped3A = tpu.sem_alloc : memref<!tpu.dma_semaphore, #tpu.memory_space<semaphore_mem>>
      %dma_start3A_338 = arith.constant 0 : i32
      %dma_start3A_339 = tpu.memref_slice %arg8[%arg0, %mul3A_333, %dma_start3A_338] : memref<2x50016x32xf32, #tpu.memory_space<hbm>> -> memref<1x3126x32xf32, #tpu.memory_space<hbm>>
      %dma_start3A_340 = tpu.memref_squeeze %dma_start3A_339 : memref<1x3126x32xf32, #tpu.memory_space<hbm>> -> memref<3126x32xf32, #tpu.memory_space<hbm>>
      %dma_start3A_341 = arith.constant 0 : i32
      %dma_start3A_342 = tpu.memref_slice %arg10[%mul3A_331, %dma_start3A_341] : memref<50016x32xf32, #tpu.memory_space<vmem_shared>> -> memref<3126x32xf32, #tpu.memory_space<vmem_shared>>
      tpu.enqueue_dma source(%dma_start3A_342 : memref<3126x32xf32, #tpu.memory_space<vmem_shared>>) target(%dma_start3A_340 : memref<3126x32xf32, #tpu.memory_space<hbm>>) target_semaphore(%run_scoped3A : memref<!tpu.dma_semaphore, #tpu.memory_space<semaphore_mem>>)
      %dma_wait3A_343 = arith.constant 0 : i32
      %dma_wait3A_344 = tpu.memref_slice %arg8[%arg0, %mul3A_333, %dma_wait3A_343] : memref<2x50016x32xf32, #tpu.memory_space<hbm>> -> memref<1x3126x32xf32, #tpu.memory_space<hbm>>
      %dma_wait3A_345 = tpu.memref_squeeze %dma_wait3A_344 : memref<1x3126x32xf32, #tpu.memory_space<hbm>> -> memref<3126x32xf32, #tpu.memory_space<hbm>>
      %dma_wait3A_346 = arith.constant 0 : i32
      %dma_wait3A_347 = tpu.memref_slice %arg10[%mul3A_331, %dma_wait3A_346] : memref<50016x32xf32, #tpu.memory_space<vmem_shared>> -> memref<3126x32xf32, #tpu.memory_space<vmem_shared>>
      tpu.wait_dma2 semaphore(%run_scoped3A : memref<!tpu.dma_semaphore, #tpu.memory_space<semaphore_mem>>) src(%dma_wait3A_347 : memref<3126x32xf32, #tpu.memory_space<vmem_shared>>) dst(%dma_wait3A_345 : memref<3126x32xf32, #tpu.memory_space<hbm>>)
      tpu.yield
    }) : () -> ()
    %mul3A_334 = arith.constant 391 : i32
    %mul3A_335 = arith.muli %arg1, %mul3A_334 : i32
    %mul3A_336 = arith.constant 391 : i32
    %mul3A_337 = arith.muli %arg1, %mul3A_336 : i32
    "tpu.region"() ({
      %run_scoped3A = tpu.sem_alloc : memref<!tpu.dma_semaphore, #tpu.memory_space<semaphore_mem>>
      %dma_start3A_338 = arith.constant 0 : i32
      %dma_start3A_339 = tpu.memref_slice %arg9[%arg0, %mul3A_337, %dma_start3A_338] : memref<2x6256x16xf32, #tpu.memory_space<hbm>> -> memref<1x391x16xf32, #tpu.memory_space<hbm>>
      %dma_start3A_340 = tpu.memref_squeeze %dma_start3A_339 : memref<1x391x16xf32, #tpu.memory_space<hbm>> -> memref<391x16xf32, #tpu.memory_space<hbm>>
      %dma_start3A_341 = arith.constant 0 : i32
      %dma_start3A_342 = tpu.memref_slice %arg11[%mul3A_335, %dma_start3A_341] : memref<6256x16xf32, #tpu.memory_space<vmem_shared>> -> memref<391x16xf32, #tpu.memory_space<vmem_shared>>
      tpu.enqueue_dma source(%dma_start3A_342 : memref<391x16xf32, #tpu.memory_space<vmem_shared>>) target(%dma_start3A_340 : memref<391x16xf32, #tpu.memory_space<hbm>>) target_semaphore(%run_scoped3A : memref<!tpu.dma_semaphore, #tpu.memory_space<semaphore_mem>>)
      %dma_wait3A_343 = arith.constant 0 : i32
      %dma_wait3A_344 = tpu.memref_slice %arg9[%arg0, %mul3A_337, %dma_wait3A_343] : memref<2x6256x16xf32, #tpu.memory_space<hbm>> -> memref<1x391x16xf32, #tpu.memory_space<hbm>>
      %dma_wait3A_345 = tpu.memref_squeeze %dma_wait3A_344 : memref<1x391x16xf32, #tpu.memory_space<hbm>> -> memref<391x16xf32, #tpu.memory_space<hbm>>
      %dma_wait3A_346 = arith.constant 0 : i32
      %dma_wait3A_347 = tpu.memref_slice %arg11[%mul3A_335, %dma_wait3A_346] : memref<6256x16xf32, #tpu.memory_space<vmem_shared>> -> memref<391x16xf32, #tpu.memory_space<vmem_shared>>
      tpu.wait_dma2 semaphore(%run_scoped3A : memref<!tpu.dma_semaphore, #tpu.memory_space<semaphore_mem>>) src(%dma_wait3A_347 : memref<391x16xf32, #tpu.memory_space<vmem_shared>>) dst(%dma_wait3A_345 : memref<391x16xf32, #tpu.memory_space<hbm>>)
      tpu.yield
    }) : () -> ()
    return
  }
}

#map = affine_map<(d0, d1) -> (0, 0)>
#map1 = affine_map<(d0, d1) -> (0, 0, 0)>
module attributes {stable_mosaic.version = 14 : i64} {
  func.func @_edge_body(%arg0: i32, %arg1: i32, %arg2: memref<50000x32xf32, #tpu.memory_space<hbm>>, %arg3: memref<50000x32xf32, #tpu.memory_space<hbm>>, %arg4: memref<6274x128xi32, #tpu.memory_space<hbm>>, %arg5: memref<6274x128xi32, #tpu.memory_space<hbm>>, %arg6: memref<6274x128xi32, #tpu.memory_space<hbm>>, %arg7: memref<1x32xf32, #tpu.memory_space<hbm>>, %arg8: memref<2x50016x32xf32, #tpu.memory_space<hbm>>, %arg9: memref<2x6256x16xf32, #tpu.memory_space<hbm>>, %arg10: memref<50016x32xf32, #tpu.memory_space<vmem_shared>>, %arg11: memref<6256x16xf32, #tpu.memory_space<vmem_shared>>, %arg12: memref<128x32xf32, #tpu.memory_space<vmem>>, %arg13: memref<128x32xf32, #tpu.memory_space<vmem>>, %arg14: memref<128x32xf32, #tpu.memory_space<vmem>>, %arg15: memref<128x32xf32, #tpu.memory_space<vmem>>, %arg16: memref<128x32xf32, #tpu.memory_space<vmem>>, %arg17: memref<128x16xf32, #tpu.memory_space<vmem>>, %arg18: memref<128xi32, #tpu.memory_space<vmem>>, %arg19: memref<128xi32, #tpu.memory_space<vmem>>, %arg20: memref<128xi32, #tpu.memory_space<vmem>>, %arg21: memref<128xi32, #tpu.memory_space<vmem>>, %arg22: memref<144xi32, #tpu.memory_space<vmem>>, %arg23: memref<128xi32, #tpu.memory_space<vmem>>, %arg24: memref<128xi32, #tpu.memory_space<vmem>>, %arg25: memref<128xi32, #tpu.memory_space<vmem>>, %arg26: memref<128xi32, #tpu.memory_space<vmem>>, %arg27: memref<144xi32, #tpu.memory_space<vmem>>, %arg28: memref<128xi32, #tpu.memory_space<vmem>>, %arg29: memref<128xi32, #tpu.memory_space<vmem>>, %arg30: memref<1x32xf32, #tpu.memory_space<vmem>>, %arg31: memref<!tpu.dma_semaphore, #tpu.memory_space<semaphore_mem>>, %arg32: memref<!tpu.dma_semaphore, #tpu.memory_space<semaphore_mem>>, %arg33: memref<!tpu.dma_semaphore, #tpu.memory_space<semaphore_mem>>, %arg34: memref<!tpu.dma_semaphore, #tpu.memory_space<semaphore_mem>>, %arg35: memref<!tpu.dma_semaphore, #tpu.memory_space<semaphore_mem>>) attributes {dimension_semantics = [#tpu.dimension_semantics<core_parallel>, #tpu.dimension_semantics<subcore_parallel>], iteration_bounds = array<i64: 2, 16>, scalar_prefetch = 0 : i64, scratch_operands = 26 : i64, tpu.core_type = #tpu.core_type<sc_vector_subcore>, window_params = [{transform_indices = #map}, {transform_indices = #map}, {transform_indices = #map}, {transform_indices = #map}, {transform_indices = #map}, {transform_indices = #map}, {transform_indices = #map1}, {transform_indices = #map1}]} {
    %mul3A = arith.constant 2 : i32
    %mul3A_0 = arith.muli %arg1, %mul3A : i32
    %add3A = arith.addi %mul3A_0, %arg0 : i32
    %mul3A_1 = arith.constant 196 : i32
    %mul3A_2 = arith.muli %add3A, %mul3A_1 : i32
    %broadcast_in_dim3A = arith.constant 0.000000e+00 : f32
    %broadcast_in_dim3A_3 = vector.broadcast %broadcast_in_dim3A : f32 to vector<16xf32>
    %scan3A = arith.constant 0 : i32
    %scan3A_4 = arith.constant 0 : i32
    %scan3A_5 = arith.constant 128 : i32
    %scan3A_6 = arith.addi %scan3A_4, %scan3A_5 : i32
    %scan3A_7 = arith.constant 1 : i32
    %scan3A_8 = scf.for %scan3A_260 = %scan3A_4 to %scan3A_6 step %scan3A_7 iter_args(%scan3A_261 = %scan3A) -> (i32)  : i32 {
      %swap3A_262 = arith.index_cast %scan3A_260 : i32 to index
      %swap3A_263 = arith.constant 0 : index
      %swap3A_264 = tpu.vector_load %arg16[%swap3A_262, %swap3A_263] {strides = array<i32>} : memref<128x32xf32, #tpu.memory_space<vmem>>, vector<16xf32>,
      tpu.vector_store %arg16[%swap3A_262, %swap3A_263], %broadcast_in_dim3A_3 {strides = array<i32>} : memref<128x32xf32, #tpu.memory_space<vmem>>, vector<16xf32>,
      %swap3A_265 = arith.index_cast %scan3A_260 : i32 to index
      %swap3A_266 = arith.constant 16 : index
      %swap3A_267 = tpu.vector_load %arg16[%swap3A_265, %swap3A_266] {strides = array<i32>} : memref<128x32xf32, #tpu.memory_space<vmem>>, vector<16xf32>,
      tpu.vector_store %arg16[%swap3A_265, %swap3A_266], %broadcast_in_dim3A_3 {strides = array<i32>} : memref<128x32xf32, #tpu.memory_space<vmem>>, vector<16xf32>,
      %swap3A_268 = arith.index_cast %scan3A_260 : i32 to index
      %swap3A_269 = arith.constant 0 : index
      %swap3A_270 = tpu.vector_load %arg17[%swap3A_268, %swap3A_269] {strides = array<i32>} : memref<128x16xf32, #tpu.memory_space<vmem>>, vector<16xf32>,
      tpu.vector_store %arg17[%swap3A_268, %swap3A_269], %broadcast_in_dim3A_3 {strides = array<i32>} : memref<128x16xf32, #tpu.memory_space<vmem>>, vector<16xf32>,
      %scan3A_271 = arith.constant 0 : i32
      scf.yield %scan3A_271 : i32
    }
    %scan3A_9 = arith.constant 128 : i32
    %scan3A_10 = arith.constant 0 : i32
    %scan3A_11 = arith.constant 0 : i32
    %scan3A_12 = arith.constant 24 : i32
    %scan3A_13 = arith.addi %scan3A_11, %scan3A_12 : i32
    %scan3A_14 = arith.constant 1 : i32
    %scan3A_15 = scf.for %scan3A_260 = %scan3A_11 to %scan3A_13 step %scan3A_14 iter_args(%scan3A_261 = %scan3A_10) -> (i32)  : i32 {
      %mul3A_262 = arith.constant 3126 : i32
      %mul3A_263 = arith.muli %arg1, %mul3A_262 : i32
      %mul3A_264 = arith.constant 128 : i32
      %mul3A_265 = arith.muli %scan3A_260, %mul3A_264 : i32
      %add3A_266 = arith.addi %mul3A_263, %mul3A_265 : i32
      "tpu.region"() ({
        %run_scoped3A = tpu.sem_alloc : memref<!tpu.dma_semaphore, #tpu.memory_space<semaphore_mem>>
        %dma_start3A_268 = arith.constant 0 : i32
        %dma_start3A_269 = tpu.memref_slice %arg10[%add3A_266, %dma_start3A_268] : memref<50016x32xf32, #tpu.memory_space<vmem_shared>> -> memref<128x32xf32, #tpu.memory_space<vmem_shared>>
        %dma_start3A_270 = arith.constant 0 : i32
        %dma_start3A_271 = tpu.memref_slice %arg10[%add3A_266, %dma_start3A_270] : memref<50016x32xf32, #tpu.memory_space<vmem_shared>> -> memref<128x32xf32, #tpu.memory_space<vmem_shared>>
        tpu.enqueue_dma source(%arg16 : memref<128x32xf32, #tpu.memory_space<vmem>>) target(%dma_start3A_271 : memref<128x32xf32, #tpu.memory_space<vmem_shared>>) target_semaphore(%run_scoped3A : memref<!tpu.dma_semaphore, #tpu.memory_space<semaphore_mem>>)
        %dma_wait3A_272 = arith.constant 0 : i32
        %dma_wait3A_273 = tpu.memref_slice %arg10[%add3A_266, %dma_wait3A_272] : memref<50016x32xf32, #tpu.memory_space<vmem_shared>> -> memref<128x32xf32, #tpu.memory_space<vmem_shared>>
        %dma_wait3A_274 = arith.constant 0 : i32
        %dma_wait3A_275 = tpu.memref_slice %arg10[%add3A_266, %dma_wait3A_274] : memref<50016x32xf32, #tpu.memory_space<vmem_shared>> -> memref<128x32xf32, #tpu.memory_space<vmem_shared>>
        tpu.wait_dma2 semaphore(%run_scoped3A : memref<!tpu.dma_semaphore, #tpu.memory_space<semaphore_mem>>) src(%arg16 : memref<128x32xf32, #tpu.memory_space<vmem>>) dst(%dma_wait3A_275 : memref<128x32xf32, #tpu.memory_space<vmem_shared>>)
        tpu.yield
      }) : () -> ()
      %scan3A_267 = arith.constant 0 : i32
      scf.yield %scan3A_267 : i32
    }
    %scan3A_16 = arith.constant 24 : i32
    %mul3A_17 = arith.constant 3126 : i32
    %mul3A_18 = arith.muli %arg1, %mul3A_17 : i32
    %add3A_19 = arith.constant 3072 : i32
    %add3A_20 = arith.addi %mul3A_18, %add3A_19 : i32
    "tpu.region"() ({
      %run_scoped3A = tpu.sem_alloc : memref<!tpu.dma_semaphore, #tpu.memory_space<semaphore_mem>>
      %dma_start3A_260 = arith.constant 0 : i32
      %dma_start3A_261 = arith.constant 0 : i32
      %dma_start3A_262 = tpu.memref_slice %arg16[%dma_start3A_260, %dma_start3A_261] : memref<128x32xf32, #tpu.memory_space<vmem>> -> memref<54x32xf32, #tpu.memory_space<vmem>>
      %dma_start3A_263 = arith.constant 0 : i32
      %dma_start3A_264 = tpu.memref_slice %arg10[%add3A_20, %dma_start3A_263] : memref<50016x32xf32, #tpu.memory_space<vmem_shared>> -> memref<54x32xf32, #tpu.memory_space<vmem_shared>>
      %dma_start3A_265 = arith.constant 0 : i32
      %dma_start3A_266 = tpu.memref_slice %arg10[%add3A_20, %dma_start3A_265] : memref<50016x32xf32, #tpu.memory_space<vmem_shared>> -> memref<54x32xf32, #tpu.memory_space<vmem_shared>>
      %dma_start3A_267 = arith.constant 0 : i32
      %dma_start3A_268 = arith.constant 0 : i32
      %dma_start3A_269 = tpu.memref_slice %arg16[%dma_start3A_267, %dma_start3A_268] : memref<128x32xf32, #tpu.memory_space<vmem>> -> memref<54x32xf32, #tpu.memory_space<vmem>>
      tpu.enqueue_dma source(%dma_start3A_269 : memref<54x32xf32, #tpu.memory_space<vmem>>) target(%dma_start3A_266 : memref<54x32xf32, #tpu.memory_space<vmem_shared>>) target_semaphore(%run_scoped3A : memref<!tpu.dma_semaphore, #tpu.memory_space<semaphore_mem>>)
      %dma_wait3A_270 = arith.constant 0 : i32
      %dma_wait3A_271 = arith.constant 0 : i32
      %dma_wait3A_272 = tpu.memref_slice %arg16[%dma_wait3A_270, %dma_wait3A_271] : memref<128x32xf32, #tpu.memory_space<vmem>> -> memref<54x32xf32, #tpu.memory_space<vmem>>
      %dma_wait3A_273 = arith.constant 0 : i32
      %dma_wait3A_274 = tpu.memref_slice %arg10[%add3A_20, %dma_wait3A_273] : memref<50016x32xf32, #tpu.memory_space<vmem_shared>> -> memref<54x32xf32, #tpu.memory_space<vmem_shared>>
      %dma_wait3A_275 = arith.constant 0 : i32
      %dma_wait3A_276 = tpu.memref_slice %arg10[%add3A_20, %dma_wait3A_275] : memref<50016x32xf32, #tpu.memory_space<vmem_shared>> -> memref<54x32xf32, #tpu.memory_space<vmem_shared>>
      %dma_wait3A_277 = arith.constant 0 : i32
      %dma_wait3A_278 = arith.constant 0 : i32
      %dma_wait3A_279 = tpu.memref_slice %arg16[%dma_wait3A_277, %dma_wait3A_278] : memref<128x32xf32, #tpu.memory_space<vmem>> -> memref<54x32xf32, #tpu.memory_space<vmem>>
      tpu.wait_dma2 semaphore(%run_scoped3A : memref<!tpu.dma_semaphore, #tpu.memory_space<semaphore_mem>>) src(%dma_wait3A_279 : memref<54x32xf32, #tpu.memory_space<vmem>>) dst(%dma_wait3A_276 : memref<54x32xf32, #tpu.memory_space<vmem_shared>>)
      tpu.yield
    }) : () -> ()
    %scan3A_21 = arith.constant 0 : i32
    %scan3A_22 = arith.constant 0 : i32
    %scan3A_23 = arith.constant 3 : i32
    %scan3A_24 = arith.addi %scan3A_22, %scan3A_23 : i32
    %scan3A_25 = arith.constant 1 : i32
    %scan3A_26 = scf.for %scan3A_260 = %scan3A_22 to %scan3A_24 step %scan3A_25 iter_args(%scan3A_261 = %scan3A_21) -> (i32)  : i32 {
      %mul3A_262 = arith.constant 391 : i32
      %mul3A_263 = arith.muli %arg1, %mul3A_262 : i32
      %mul3A_264 = arith.constant 128 : i32
      %mul3A_265 = arith.muli %scan3A_260, %mul3A_264 : i32
      %add3A_266 = arith.addi %mul3A_263, %mul3A_265 : i32
      "tpu.region"() ({
        %run_scoped3A = tpu.sem_alloc : memref<!tpu.dma_semaphore, #tpu.memory_space<semaphore_mem>>
        %dma_start3A_268 = arith.constant 0 : i32
        %dma_start3A_269 = tpu.memref_slice %arg11[%add3A_266, %dma_start3A_268] : memref<6256x16xf32, #tpu.memory_space<vmem_shared>> -> memref<128x16xf32, #tpu.memory_space<vmem_shared>>
        %dma_start3A_270 = arith.constant 0 : i32
        %dma_start3A_271 = tpu.memref_slice %arg11[%add3A_266, %dma_start3A_270] : memref<6256x16xf32, #tpu.memory_space<vmem_shared>> -> memref<128x16xf32, #tpu.memory_space<vmem_shared>>
        tpu.enqueue_dma source(%arg17 : memref<128x16xf32, #tpu.memory_space<vmem>>) target(%dma_start3A_271 : memref<128x16xf32, #tpu.memory_space<vmem_shared>>) target_semaphore(%run_scoped3A : memref<!tpu.dma_semaphore, #tpu.memory_space<semaphore_mem>>)
        %dma_wait3A_272 = arith.constant 0 : i32
        %dma_wait3A_273 = tpu.memref_slice %arg11[%add3A_266, %dma_wait3A_272] : memref<6256x16xf32, #tpu.memory_space<vmem_shared>> -> memref<128x16xf32, #tpu.memory_space<vmem_shared>>
        %dma_wait3A_274 = arith.constant 0 : i32
        %dma_wait3A_275 = tpu.memref_slice %arg11[%add3A_266, %dma_wait3A_274] : memref<6256x16xf32, #tpu.memory_space<vmem_shared>> -> memref<128x16xf32, #tpu.memory_space<vmem_shared>>
        tpu.wait_dma2 semaphore(%run_scoped3A : memref<!tpu.dma_semaphore, #tpu.memory_space<semaphore_mem>>) src(%arg17 : memref<128x16xf32, #tpu.memory_space<vmem>>) dst(%dma_wait3A_275 : memref<128x16xf32, #tpu.memory_space<vmem_shared>>)
        tpu.yield
      }) : () -> ()
      %scan3A_267 = arith.constant 0 : i32
      scf.yield %scan3A_267 : i32
    }
    %scan3A_27 = arith.constant 3 : i32
    %mul3A_28 = arith.constant 391 : i32
    %mul3A_29 = arith.muli %arg1, %mul3A_28 : i32
    %add3A_30 = arith.constant 384 : i32
    %add3A_31 = arith.addi %mul3A_29, %add3A_30 : i32
    "tpu.region"() ({
      %run_scoped3A = tpu.sem_alloc : memref<!tpu.dma_semaphore, #tpu.memory_space<semaphore_mem>>
      %dma_start3A_260 = arith.constant 0 : i32
      %dma_start3A_261 = arith.constant 0 : i32
      %dma_start3A_262 = tpu.memref_slice %arg17[%dma_start3A_260, %dma_start3A_261] : memref<128x16xf32, #tpu.memory_space<vmem>> -> memref<7x16xf32, #tpu.memory_space<vmem>>
      %dma_start3A_263 = arith.constant 0 : i32
      %dma_start3A_264 = tpu.memref_slice %arg11[%add3A_31, %dma_start3A_263] : memref<6256x16xf32, #tpu.memory_space<vmem_shared>> -> memref<7x16xf32, #tpu.memory_space<vmem_shared>>
      %dma_start3A_265 = arith.constant 0 : i32
      %dma_start3A_266 = tpu.memref_slice %arg11[%add3A_31, %dma_start3A_265] : memref<6256x16xf32, #tpu.memory_space<vmem_shared>> -> memref<7x16xf32, #tpu.memory_space<vmem_shared>>
      %dma_start3A_267 = arith.constant 0 : i32
      %dma_start3A_268 = arith.constant 0 : i32
      %dma_start3A_269 = tpu.memref_slice %arg17[%dma_start3A_267, %dma_start3A_268] : memref<128x16xf32, #tpu.memory_space<vmem>> -> memref<7x16xf32, #tpu.memory_space<vmem>>
      tpu.enqueue_dma source(%dma_start3A_269 : memref<7x16xf32, #tpu.memory_space<vmem>>) target(%dma_start3A_266 : memref<7x16xf32, #tpu.memory_space<vmem_shared>>) target_semaphore(%run_scoped3A : memref<!tpu.dma_semaphore, #tpu.memory_space<semaphore_mem>>)
      %dma_wait3A_270 = arith.constant 0 : i32
      %dma_wait3A_271 = arith.constant 0 : i32
      %dma_wait3A_272 = tpu.memref_slice %arg17[%dma_wait3A_270, %dma_wait3A_271] : memref<128x16xf32, #tpu.memory_space<vmem>> -> memref<7x16xf32, #tpu.memory_space<vmem>>
      %dma_wait3A_273 = arith.constant 0 : i32
      %dma_wait3A_274 = tpu.memref_slice %arg11[%add3A_31, %dma_wait3A_273] : memref<6256x16xf32, #tpu.memory_space<vmem_shared>> -> memref<7x16xf32, #tpu.memory_space<vmem_shared>>
      %dma_wait3A_275 = arith.constant 0 : i32
      %dma_wait3A_276 = tpu.memref_slice %arg11[%add3A_31, %dma_wait3A_275] : memref<6256x16xf32, #tpu.memory_space<vmem_shared>> -> memref<7x16xf32, #tpu.memory_space<vmem_shared>>
      %dma_wait3A_277 = arith.constant 0 : i32
      %dma_wait3A_278 = arith.constant 0 : i32
      %dma_wait3A_279 = tpu.memref_slice %arg17[%dma_wait3A_277, %dma_wait3A_278] : memref<128x16xf32, #tpu.memory_space<vmem>> -> memref<7x16xf32, #tpu.memory_space<vmem>>
      tpu.wait_dma2 semaphore(%run_scoped3A : memref<!tpu.dma_semaphore, #tpu.memory_space<semaphore_mem>>) src(%dma_wait3A_279 : memref<7x16xf32, #tpu.memory_space<vmem>>) dst(%dma_wait3A_276 : memref<7x16xf32, #tpu.memory_space<vmem_shared>>)
      tpu.yield
    }) : () -> ()
    %barrier3A = arith.constant 0 : index
    tpu.barrier barrier_id(%barrier3A)
    "tpu.region"() ({
      %run_scoped3A = tpu.sem_alloc : memref<!tpu.dma_semaphore, #tpu.memory_space<semaphore_mem>>
      tpu.enqueue_dma source(%arg7 : memref<1x32xf32, #tpu.memory_space<hbm>>) target(%arg30 : memref<1x32xf32, #tpu.memory_space<vmem>>) target_semaphore(%run_scoped3A : memref<!tpu.dma_semaphore, #tpu.memory_space<semaphore_mem>>)
      tpu.wait_dma2 semaphore(%run_scoped3A : memref<!tpu.dma_semaphore, #tpu.memory_space<semaphore_mem>>) src(%arg7 : memref<1x32xf32, #tpu.memory_space<hbm>>) dst(%arg30 : memref<1x32xf32, #tpu.memory_space<vmem>>)
      tpu.yield
    }) : () -> ()
    %get3A = arith.constant 0 : i32
    %get3A_32 = arith.index_cast %get3A : i32 to index
    %get3A_33 = arith.constant 0 : index
    %get3A_34 = tpu.vector_load %arg30[%get3A_32, %get3A_33] {strides = array<i32>} : memref<1x32xf32, #tpu.memory_space<vmem>>, vector<16xf32>,
    %get3A_35 = arith.constant 0 : i32
    %get3A_36 = arith.index_cast %get3A_35 : i32 to index
    %get3A_37 = arith.constant 16 : index
    %get3A_38 = tpu.vector_load %arg30[%get3A_36, %get3A_37] {strides = array<i32>} : memref<1x32xf32, #tpu.memory_space<vmem>>, vector<16xf32>,
    %iota3A = tpu.iota {dimensions = array<i32: 0>} : vector<16xi32>
    %dma_start3A = arith.constant 0 : i32
    %dma_start3A_39 = tpu.memref_slice %arg4[%mul3A_2, %dma_start3A] : memref<6274x128xi32, #tpu.memory_space<hbm>> -> memref<1x128xi32, #tpu.memory_space<hbm>>
    %dma_start3A_40 = tpu.memref_squeeze %dma_start3A_39 : memref<1x128xi32, #tpu.memory_space<hbm>> -> memref<128xi32, #tpu.memory_space<hbm>>
    %dma_start3A_41 = arith.constant 0 : i32
    %dma_start3A_42 = tpu.memref_slice %arg4[%mul3A_2, %dma_start3A_41] : memref<6274x128xi32, #tpu.memory_space<hbm>> -> memref<1x128xi32, #tpu.memory_space<hbm>>
    %dma_start3A_43 = tpu.memref_squeeze %dma_start3A_42 : memref<1x128xi32, #tpu.memory_space<hbm>> -> memref<128xi32, #tpu.memory_space<hbm>>
    tpu.enqueue_dma source(%dma_start3A_43 : memref<128xi32, #tpu.memory_space<hbm>>) target(%arg18 : memref<128xi32, #tpu.memory_space<vmem>>) target_semaphore(%arg33 : memref<!tpu.dma_semaphore, #tpu.memory_space<semaphore_mem>>)
    %dma_start3A_44 = arith.constant 0 : i32
    %dma_start3A_45 = tpu.memref_slice %arg5[%mul3A_2, %dma_start3A_44] : memref<6274x128xi32, #tpu.memory_space<hbm>> -> memref<1x128xi32, #tpu.memory_space<hbm>>
    %dma_start3A_46 = tpu.memref_squeeze %dma_start3A_45 : memref<1x128xi32, #tpu.memory_space<hbm>> -> memref<128xi32, #tpu.memory_space<hbm>>
    %dma_start3A_47 = arith.constant 0 : i32
    %dma_start3A_48 = tpu.memref_slice %arg5[%mul3A_2, %dma_start3A_47] : memref<6274x128xi32, #tpu.memory_space<hbm>> -> memref<1x128xi32, #tpu.memory_space<hbm>>
    %dma_start3A_49 = tpu.memref_squeeze %dma_start3A_48 : memref<1x128xi32, #tpu.memory_space<hbm>> -> memref<128xi32, #tpu.memory_space<hbm>>
    tpu.enqueue_dma source(%dma_start3A_49 : memref<128xi32, #tpu.memory_space<hbm>>) target(%arg19 : memref<128xi32, #tpu.memory_space<vmem>>) target_semaphore(%arg33 : memref<!tpu.dma_semaphore, #tpu.memory_space<semaphore_mem>>)
    %dma_start3A_50 = arith.constant 0 : i32
    %dma_start3A_51 = tpu.memref_slice %arg6[%mul3A_2, %dma_start3A_50] : memref<6274x128xi32, #tpu.memory_space<hbm>> -> memref<1x128xi32, #tpu.memory_space<hbm>>
    %dma_start3A_52 = tpu.memref_squeeze %dma_start3A_51 : memref<1x128xi32, #tpu.memory_space<hbm>> -> memref<128xi32, #tpu.memory_space<hbm>>
    %dma_start3A_53 = arith.constant 0 : i32
    %dma_start3A_54 = tpu.memref_slice %arg6[%mul3A_2, %dma_start3A_53] : memref<6274x128xi32, #tpu.memory_space<hbm>> -> memref<1x128xi32, #tpu.memory_space<hbm>>
    %dma_start3A_55 = tpu.memref_squeeze %dma_start3A_54 : memref<1x128xi32, #tpu.memory_space<hbm>> -> memref<128xi32, #tpu.memory_space<hbm>>
    tpu.enqueue_dma source(%dma_start3A_55 : memref<128xi32, #tpu.memory_space<hbm>>) target(%arg20 : memref<128xi32, #tpu.memory_space<vmem>>) target_semaphore(%arg33 : memref<!tpu.dma_semaphore, #tpu.memory_space<semaphore_mem>>)
    %dma_wait3A = arith.constant 0 : i32
    %dma_wait3A_56 = arith.constant 0 : i32
    %dma_wait3A_57 = tpu.memref_slice %arg4[%dma_wait3A, %dma_wait3A_56] : memref<6274x128xi32, #tpu.memory_space<hbm>> -> memref<1x128xi32, #tpu.memory_space<hbm>>
    %dma_wait3A_58 = tpu.memref_squeeze %dma_wait3A_57 : memref<1x128xi32, #tpu.memory_space<hbm>> -> memref<128xi32, #tpu.memory_space<hbm>>
    %dma_wait3A_59 = arith.constant 0 : i32
    %dma_wait3A_60 = tpu.memref_slice %arg4[%dma_wait3A, %dma_wait3A_59] : memref<6274x128xi32, #tpu.memory_space<hbm>> -> memref<1x128xi32, #tpu.memory_space<hbm>>
    %dma_wait3A_61 = tpu.memref_squeeze %dma_wait3A_60 : memref<1x128xi32, #tpu.memory_space<hbm>> -> memref<128xi32, #tpu.memory_space<hbm>>
    tpu.wait_dma2 semaphore(%arg33 : memref<!tpu.dma_semaphore, #tpu.memory_space<semaphore_mem>>) src(%dma_wait3A_61 : memref<128xi32, #tpu.memory_space<hbm>>) dst(%arg18 : memref<128xi32, #tpu.memory_space<vmem>>)
    %dma_wait3A_62 = arith.constant 0 : i32
    %dma_wait3A_63 = arith.constant 0 : i32
    %dma_wait3A_64 = tpu.memref_slice %arg4[%dma_wait3A_62, %dma_wait3A_63] : memref<6274x128xi32, #tpu.memory_space<hbm>> -> memref<1x128xi32, #tpu.memory_space<hbm>>
    %dma_wait3A_65 = tpu.memref_squeeze %dma_wait3A_64 : memref<1x128xi32, #tpu.memory_space<hbm>> -> memref<128xi32, #tpu.memory_space<hbm>>
    %dma_wait3A_66 = arith.constant 0 : i32
    %dma_wait3A_67 = tpu.memref_slice %arg4[%dma_wait3A_62, %dma_wait3A_66] : memref<6274x128xi32, #tpu.memory_space<hbm>> -> memref<1x128xi32, #tpu.memory_space<hbm>>
    %dma_wait3A_68 = tpu.memref_squeeze %dma_wait3A_67 : memref<1x128xi32, #tpu.memory_space<hbm>> -> memref<128xi32, #tpu.memory_space<hbm>>
    tpu.wait_dma2 semaphore(%arg33 : memref<!tpu.dma_semaphore, #tpu.memory_space<semaphore_mem>>) src(%dma_wait3A_68 : memref<128xi32, #tpu.memory_space<hbm>>) dst(%arg19 : memref<128xi32, #tpu.memory_space<vmem>>)
    %dma_wait3A_69 = arith.constant 0 : i32
    %dma_wait3A_70 = arith.constant 0 : i32
    %dma_wait3A_71 = tpu.memref_slice %arg4[%dma_wait3A_69, %dma_wait3A_70] : memref<6274x128xi32, #tpu.memory_space<hbm>> -> memref<1x128xi32, #tpu.memory_space<hbm>>
    %dma_wait3A_72 = tpu.memref_squeeze %dma_wait3A_71 : memref<1x128xi32, #tpu.memory_space<hbm>> -> memref<128xi32, #tpu.memory_space<hbm>>
    %dma_wait3A_73 = arith.constant 0 : i32
    %dma_wait3A_74 = tpu.memref_slice %arg4[%dma_wait3A_69, %dma_wait3A_73] : memref<6274x128xi32, #tpu.memory_space<hbm>> -> memref<1x128xi32, #tpu.memory_space<hbm>>
    %dma_wait3A_75 = tpu.memref_squeeze %dma_wait3A_74 : memref<1x128xi32, #tpu.memory_space<hbm>> -> memref<128xi32, #tpu.memory_space<hbm>>
    tpu.wait_dma2 semaphore(%arg33 : memref<!tpu.dma_semaphore, #tpu.memory_space<semaphore_mem>>) src(%dma_wait3A_75 : memref<128xi32, #tpu.memory_space<hbm>>) dst(%arg20 : memref<128xi32, #tpu.memory_space<vmem>>)
    %get3A_76 = arith.constant 0 : index
    %get3A_77 = tpu.vector_load %arg20[%get3A_76] {strides = array<i32>} : memref<128xi32, #tpu.memory_space<vmem>>, vector<16xi32>,
    %swap3A = arith.constant 0 : index
    %swap3A_78 = tpu.vector_load %arg28[%swap3A] {strides = array<i32>} : memref<128xi32, #tpu.memory_space<vmem>>, vector<16xi32>,
    tpu.vector_store %arg28[%swap3A], %get3A_77 {strides = array<i32>} : memref<128xi32, #tpu.memory_space<vmem>>, vector<16xi32>,
    %shift_right_logical3A = arith.constant 3 : i32
    %shift_right_logical3A_79 = vector.broadcast %shift_right_logical3A : i32 to vector<16xi32>
    %shift_right_logical3A_80 = arith.shrui %get3A_77, %shift_right_logical3A_79 : vector<16xi32>
    %swap3A_81 = arith.constant 0 : index
    %swap3A_82 = tpu.vector_load %arg21[%swap3A_81] {strides = array<i32>} : memref<128xi32, #tpu.memory_space<vmem>>, vector<16xi32>,
    tpu.vector_store %arg21[%swap3A_81], %shift_right_logical3A_80 {strides = array<i32>} : memref<128xi32, #tpu.memory_space<vmem>>, vector<16xi32>,
    %and3A = arith.constant 7 : i32
    %and3A_83 = vector.broadcast %and3A : i32 to vector<16xi32>
    %and3A_84 = arith.andi %get3A_77, %and3A_83 : vector<16xi32>
    %swap3A_85 = arith.constant 0 : index
    %swap3A_86 = tpu.vector_load %arg22[%swap3A_85] {strides = array<i32>} : memref<144xi32, #tpu.memory_space<vmem>>, vector<16xi32>,
    tpu.vector_store %arg22[%swap3A_85], %and3A_84 {strides = array<i32>} : memref<144xi32, #tpu.memory_space<vmem>>, vector<16xi32>,
    %get3A_87 = arith.constant 16 : index
    %get3A_88 = tpu.vector_load %arg20[%get3A_87] {strides = array<i32>} : memref<128xi32, #tpu.memory_space<vmem>>, vector<16xi32>,
    %swap3A_89 = arith.constant 16 : index
    %swap3A_90 = tpu.vector_load %arg28[%swap3A_89] {strides = array<i32>} : memref<128xi32, #tpu.memory_space<vmem>>, vector<16xi32>,
    tpu.vector_store %arg28[%swap3A_89], %get3A_88 {strides = array<i32>} : memref<128xi32, #tpu.memory_space<vmem>>, vector<16xi32>,
    %shift_right_logical3A_91 = arith.constant 3 : i32
    %shift_right_logical3A_92 = vector.broadcast %shift_right_logical3A_91 : i32 to vector<16xi32>
    %shift_right_logical3A_93 = arith.shrui %get3A_88, %shift_right_logical3A_92 : vector<16xi32>
    %swap3A_94 = arith.constant 16 : index
    %swap3A_95 = tpu.vector_load %arg21[%swap3A_94] {strides = array<i32>} : memref<128xi32, #tpu.memory_space<vmem>>, vector<16xi32>,
    tpu.vector_store %arg21[%swap3A_94], %shift_right_logical3A_93 {strides = array<i32>} : memref<128xi32, #tpu.memory_space<vmem>>, vector<16xi32>,
    %and3A_96 = arith.constant 7 : i32
    %and3A_97 = vector.broadcast %and3A_96 : i32 to vector<16xi32>
    %and3A_98 = arith.andi %get3A_88, %and3A_97 : vector<16xi32>
    %swap3A_99 = arith.constant 16 : index
    %swap3A_100 = tpu.vector_load %arg22[%swap3A_99] {strides = array<i32>} : memref<144xi32, #tpu.memory_space<vmem>>, vector<16xi32>,
    tpu.vector_store %arg22[%swap3A_99], %and3A_98 {strides = array<i32>} : memref<144xi32, #tpu.memory_space<vmem>>, vector<16xi32>,
    %get3A_101 = arith.constant 32 : index
    %get3A_102 = tpu.vector_load %arg20[%get3A_101] {strides = array<i32>} : memref<128xi32, #tpu.memory_space<vmem>>, vector<16xi32>,
    %swap3A_103 = arith.constant 32 : index
    %swap3A_104 = tpu.vector_load %arg28[%swap3A_103] {strides = array<i32>} : memref<128xi32, #tpu.memory_space<vmem>>, vector<16xi32>,
    tpu.vector_store %arg28[%swap3A_103], %get3A_102 {strides = array<i32>} : memref<128xi32, #tpu.memory_space<vmem>>, vector<16xi32>,
    %shift_right_logical3A_105 = arith.constant 3 : i32
    %shift_right_logical3A_106 = vector.broadcast %shift_right_logical3A_105 : i32 to vector<16xi32>
    %shift_right_logical3A_107 = arith.shrui %get3A_102, %shift_right_logical3A_106 : vector<16xi32>
    %swap3A_108 = arith.constant 32 : index
    %swap3A_109 = tpu.vector_load %arg21[%swap3A_108] {strides = array<i32>} : memref<128xi32, #tpu.memory_space<vmem>>, vector<16xi32>,
    tpu.vector_store %arg21[%swap3A_108], %shift_right_logical3A_107 {strides = array<i32>} : memref<128xi32, #tpu.memory_space<vmem>>, vector<16xi32>,
    %and3A_110 = arith.constant 7 : i32
    %and3A_111 = vector.broadcast %and3A_110 : i32 to vector<16xi32>
    %and3A_112 = arith.andi %get3A_102, %and3A_111 : vector<16xi32>
    %swap3A_113 = arith.constant 32 : index
    %swap3A_114 = tpu.vector_load %arg22[%swap3A_113] {strides = array<i32>} : memref<144xi32, #tpu.memory_space<vmem>>, vector<16xi32>,
    tpu.vector_store %arg22[%swap3A_113], %and3A_112 {strides = array<i32>} : memref<144xi32, #tpu.memory_space<vmem>>, vector<16xi32>,
    %get3A_115 = arith.constant 48 : index
    %get3A_116 = tpu.vector_load %arg20[%get3A_115] {strides = array<i32>} : memref<128xi32, #tpu.memory_space<vmem>>, vector<16xi32>,
    %swap3A_117 = arith.constant 48 : index
    %swap3A_118 = tpu.vector_load %arg28[%swap3A_117] {strides = array<i32>} : memref<128xi32, #tpu.memory_space<vmem>>, vector<16xi32>,
    tpu.vector_store %arg28[%swap3A_117], %get3A_116 {strides = array<i32>} : memref<128xi32, #tpu.memory_space<vmem>>, vector<16xi32>,
    %shift_right_logical3A_119 = arith.constant 3 : i32
    %shift_right_logical3A_120 = vector.broadcast %shift_right_logical3A_119 : i32 to vector<16xi32>
    %shift_right_logical3A_121 = arith.shrui %get3A_116, %shift_right_logical3A_120 : vector<16xi32>
    %swap3A_122 = arith.constant 48 : index
    %swap3A_123 = tpu.vector_load %arg21[%swap3A_122] {strides = array<i32>} : memref<128xi32, #tpu.memory_space<vmem>>, vector<16xi32>,
    tpu.vector_store %arg21[%swap3A_122], %shift_right_logical3A_121 {strides = array<i32>} : memref<128xi32, #tpu.memory_space<vmem>>, vector<16xi32>,
    %and3A_124 = arith.constant 7 : i32
    %and3A_125 = vector.broadcast %and3A_124 : i32 to vector<16xi32>
    %and3A_126 = arith.andi %get3A_116, %and3A_125 : vector<16xi32>
    %swap3A_127 = arith.constant 48 : index
    %swap3A_128 = tpu.vector_load %arg22[%swap3A_127] {strides = array<i32>} : memref<144xi32, #tpu.memory_space<vmem>>, vector<16xi32>,
    tpu.vector_store %arg22[%swap3A_127], %and3A_126 {strides = array<i32>} : memref<144xi32, #tpu.memory_space<vmem>>, vector<16xi32>,
    %get3A_129 = arith.constant 64 : index
    %get3A_130 = tpu.vector_load %arg20[%get3A_129] {strides = array<i32>} : memref<128xi32, #tpu.memory_space<vmem>>, vector<16xi32>,
    %swap3A_131 = arith.constant 64 : index
    %swap3A_132 = tpu.vector_load %arg28[%swap3A_131] {strides = array<i32>} : memref<128xi32, #tpu.memory_space<vmem>>, vector<16xi32>,
    tpu.vector_store %arg28[%swap3A_131], %get3A_130 {strides = array<i32>} : memref<128xi32, #tpu.memory_space<vmem>>, vector<16xi32>,
    %shift_right_logical3A_133 = arith.constant 3 : i32
    %shift_right_logical3A_134 = vector.broadcast %shift_right_logical3A_133 : i32 to vector<16xi32>
    %shift_right_logical3A_135 = arith.shrui %get3A_130, %shift_right_logical3A_134 : vector<16xi32>
    %swap3A_136 = arith.constant 64 : index
    %swap3A_137 = tpu.vector_load %arg21[%swap3A_136] {strides = array<i32>} : memref<128xi32, #tpu.memory_space<vmem>>, vector<16xi32>,
    tpu.vector_store %arg21[%swap3A_136], %shift_right_logical3A_135 {strides = array<i32>} : memref<128xi32, #tpu.memory_space<vmem>>, vector<16xi32>,
    %and3A_138 = arith.constant 7 : i32
    %and3A_139 = vector.broadcast %and3A_138 : i32 to vector<16xi32>
    %and3A_140 = arith.andi %get3A_130, %and3A_139 : vector<16xi32>
    %swap3A_141 = arith.constant 64 : index
    %swap3A_142 = tpu.vector_load %arg22[%swap3A_141] {strides = array<i32>} : memref<144xi32, #tpu.memory_space<vmem>>, vector<16xi32>,
    tpu.vector_store %arg22[%swap3A_141], %and3A_140 {strides = array<i32>} : memref<144xi32, #tpu.memory_space<vmem>>, vector<16xi32>,
    %get3A_143 = arith.constant 80 : index
    %get3A_144 = tpu.vector_load %arg20[%get3A_143] {strides = array<i32>} : memref<128xi32, #tpu.memory_space<vmem>>, vector<16xi32>,
    %swap3A_145 = arith.constant 80 : index
    %swap3A_146 = tpu.vector_load %arg28[%swap3A_145] {strides = array<i32>} : memref<128xi32, #tpu.memory_space<vmem>>, vector<16xi32>,
    tpu.vector_store %arg28[%swap3A_145], %get3A_144 {strides = array<i32>} : memref<128xi32, #tpu.memory_space<vmem>>, vector<16xi32>,
    %shift_right_logical3A_147 = arith.constant 3 : i32
    %shift_right_logical3A_148 = vector.broadcast %shift_right_logical3A_147 : i32 to vector<16xi32>
    %shift_right_logical3A_149 = arith.shrui %get3A_144, %shift_right_logical3A_148 : vector<16xi32>
    %swap3A_150 = arith.constant 80 : index
    %swap3A_151 = tpu.vector_load %arg21[%swap3A_150] {strides = array<i32>} : memref<128xi32, #tpu.memory_space<vmem>>, vector<16xi32>,
    tpu.vector_store %arg21[%swap3A_150], %shift_right_logical3A_149 {strides = array<i32>} : memref<128xi32, #tpu.memory_space<vmem>>, vector<16xi32>,
    %and3A_152 = arith.constant 7 : i32
    %and3A_153 = vector.broadcast %and3A_152 : i32 to vector<16xi32>
    %and3A_154 = arith.andi %get3A_144, %and3A_153 : vector<16xi32>
    %swap3A_155 = arith.constant 80 : index
    %swap3A_156 = tpu.vector_load %arg22[%swap3A_155] {strides = array<i32>} : memref<144xi32, #tpu.memory_space<vmem>>, vector<16xi32>,
    tpu.vector_store %arg22[%swap3A_155], %and3A_154 {strides = array<i32>} : memref<144xi32, #tpu.memory_space<vmem>>, vector<16xi32>,
    %get3A_157 = arith.constant 96 : index
    %get3A_158 = tpu.vector_load %arg20[%get3A_157] {strides = array<i32>} : memref<128xi32, #tpu.memory_space<vmem>>, vector<16xi32>,
    %swap3A_159 = arith.constant 96 : index
    %swap3A_160 = tpu.vector_load %arg28[%swap3A_159] {strides = array<i32>} : memref<128xi32, #tpu.memory_space<vmem>>, vector<16xi32>,
    tpu.vector_store %arg28[%swap3A_159], %get3A_158 {strides = array<i32>} : memref<128xi32, #tpu.memory_space<vmem>>, vector<16xi32>,
    %shift_right_logical3A_161 = arith.constant 3 : i32
    %shift_right_logical3A_162 = vector.broadcast %shift_right_logical3A_161 : i32 to vector<16xi32>
    %shift_right_logical3A_163 = arith.shrui %get3A_158, %shift_right_logical3A_162 : vector<16xi32>
    %swap3A_164 = arith.constant 96 : index
    %swap3A_165 = tpu.vector_load %arg21[%swap3A_164] {strides = array<i32>} : memref<128xi32, #tpu.memory_space<vmem>>, vector<16xi32>,
    tpu.vector_store %arg21[%swap3A_164], %shift_right_logical3A_163 {strides = array<i32>} : memref<128xi32, #tpu.memory_space<vmem>>, vector<16xi32>,
    %and3A_166 = arith.constant 7 : i32
    %and3A_167 = vector.broadcast %and3A_166 : i32 to vector<16xi32>
    %and3A_168 = arith.andi %get3A_158, %and3A_167 : vector<16xi32>
    %swap3A_169 = arith.constant 96 : index
    %swap3A_170 = tpu.vector_load %arg22[%swap3A_169] {strides = array<i32>} : memref<144xi32, #tpu.memory_space<vmem>>, vector<16xi32>,
    tpu.vector_store %arg22[%swap3A_169], %and3A_168 {strides = array<i32>} : memref<144xi32, #tpu.memory_space<vmem>>, vector<16xi32>,
    %get3A_171 = arith.constant 112 : index
    %get3A_172 = tpu.vector_load %arg20[%get3A_171] {strides = array<i32>} : memref<128xi32, #tpu.memory_space<vmem>>, vector<16xi32>,
    %swap3A_173 = arith.constant 112 : index
    %swap3A_174 = tpu.vector_load %arg28[%swap3A_173] {strides = array<i32>} : memref<128xi32, #tpu.memory_space<vmem>>, vector<16xi32>,
    tpu.vector_store %arg28[%swap3A_173], %get3A_172 {strides = array<i32>} : memref<128xi32, #tpu.memory_space<vmem>>, vector<16xi32>,
    %shift_right_logical3A_175 = arith.constant 3 : i32
    %shift_right_logical3A_176 = vector.broadcast %shift_right_logical3A_175 : i32 to vector<16xi32>
    %shift_right_logical3A_177 = arith.shrui %get3A_172, %shift_right_logical3A_176 : vector<16xi32>
    %swap3A_178 = arith.constant 112 : index
    %swap3A_179 = tpu.vector_load %arg21[%swap3A_178] {strides = array<i32>} : memref<128xi32, #tpu.memory_space<vmem>>, vector<16xi32>,
    tpu.vector_store %arg21[%swap3A_178], %shift_right_logical3A_177 {strides = array<i32>} : memref<128xi32, #tpu.memory_space<vmem>>, vector<16xi32>,
    %and3A_180 = arith.constant 7 : i32
    %and3A_181 = vector.broadcast %and3A_180 : i32 to vector<16xi32>
    %and3A_182 = arith.andi %get3A_172, %and3A_181 : vector<16xi32>
    %swap3A_183 = arith.constant 112 : index
    %swap3A_184 = tpu.vector_load %arg22[%swap3A_183] {strides = array<i32>} : memref<144xi32, #tpu.memory_space<vmem>>, vector<16xi32>,
    tpu.vector_store %arg22[%swap3A_183], %and3A_182 {strides = array<i32>} : memref<144xi32, #tpu.memory_space<vmem>>, vector<16xi32>,
    %dma_start3A_185 = arith.constant 0 : i32
    %dma_start3A_186 = arith.constant 0 : i32
    %dma_start3A_187 = tpu.memref_slice %arg2[%dma_start3A_185, %dma_start3A_186] : memref<50000x32xf32, #tpu.memory_space<hbm>> -> memref<50000x32xf32, #tpu.memory_space<hbm>>
    tpu.enqueue_indirect_dma source(%dma_start3A_187 : memref<50000x32xf32, #tpu.memory_space<hbm>>) target(%arg12 : memref<128x32xf32, #tpu.memory_space<vmem>>) offsets(%arg18 : memref<128xi32, #tpu.memory_space<vmem>>) semaphore(%arg31 : memref<!tpu.dma_semaphore, #tpu.memory_space<semaphore_mem>>)
    %dma_start3A_188 = arith.constant 0 : i32
    %dma_start3A_189 = arith.constant 0 : i32
    %dma_start3A_190 = tpu.memref_slice %arg3[%dma_start3A_188, %dma_start3A_189] : memref<50000x32xf32, #tpu.memory_space<hbm>> -> memref<50000x32xf32, #tpu.memory_space<hbm>>
    tpu.enqueue_indirect_dma source(%dma_start3A_190 : memref<50000x32xf32, #tpu.memory_space<hbm>>) target(%arg13 : memref<128x32xf32, #tpu.memory_space<vmem>>) offsets(%arg19 : memref<128xi32, #tpu.memory_space<vmem>>) semaphore(%arg31 : memref<!tpu.dma_semaphore, #tpu.memory_space<semaphore_mem>>)
    %add3A_191 = arith.constant 1 : i32
    %add3A_192 = arith.addi %mul3A_2, %add3A_191 : i32
    %dma_start3A_193 = arith.constant 0 : i32
    %dma_start3A_194 = tpu.memref_slice %arg4[%add3A_192, %dma_start3A_193] : memref<6274x128xi32, #tpu.memory_space<hbm>> -> memref<1x128xi32, #tpu.memory_space<hbm>>
    %dma_start3A_195 = tpu.memref_squeeze %dma_start3A_194 : memref<1x128xi32, #tpu.memory_space<hbm>> -> memref<128xi32, #tpu.memory_space<hbm>>
    %dma_start3A_196 = arith.constant 0 : i32
    %dma_start3A_197 = tpu.memref_slice %arg4[%add3A_192, %dma_start3A_196] : memref<6274x128xi32, #tpu.memory_space<hbm>> -> memref<1x128xi32, #tpu.memory_space<hbm>>
    %dma_start3A_198 = tpu.memref_squeeze %dma_start3A_197 : memref<1x128xi32, #tpu.memory_space<hbm>> -> memref<128xi32, #tpu.memory_space<hbm>>
    tpu.enqueue_dma source(%dma_start3A_198 : memref<128xi32, #tpu.memory_space<hbm>>) target(%arg23 : memref<128xi32, #tpu.memory_space<vmem>>) target_semaphore(%arg34 : memref<!tpu.dma_semaphore, #tpu.memory_space<semaphore_mem>>)
    %dma_start3A_199 = arith.constant 0 : i32
    %dma_start3A_200 = tpu.memref_slice %arg5[%add3A_192, %dma_start3A_199] : memref<6274x128xi32, #tpu.memory_space<hbm>> -> memref<1x128xi32, #tpu.memory_space<hbm>>
    %dma_start3A_201 = tpu.memref_squeeze %dma_start3A_200 : memref<1x128xi32, #tpu.memory_space<hbm>> -> memref<128xi32, #tpu.memory_space<hbm>>
    %dma_start3A_202 = arith.constant 0 : i32
    %dma_start3A_203 = tpu.memref_slice %arg5[%add3A_192, %dma_start3A_202] : memref<6274x128xi32, #tpu.memory_space<hbm>> -> memref<1x128xi32, #tpu.memory_space<hbm>>
    %dma_start3A_204 = tpu.memref_squeeze %dma_start3A_203 : memref<1x128xi32, #tpu.memory_space<hbm>> -> memref<128xi32, #tpu.memory_space<hbm>>
    tpu.enqueue_dma source(%dma_start3A_204 : memref<128xi32, #tpu.memory_space<hbm>>) target(%arg24 : memref<128xi32, #tpu.memory_space<vmem>>) target_semaphore(%arg34 : memref<!tpu.dma_semaphore, #tpu.memory_space<semaphore_mem>>)
    %dma_start3A_205 = arith.constant 0 : i32
    %dma_start3A_206 = tpu.memref_slice %arg6[%add3A_192, %dma_start3A_205] : memref<6274x128xi32, #tpu.memory_space<hbm>> -> memref<1x128xi32, #tpu.memory_space<hbm>>
    %dma_start3A_207 = tpu.memref_squeeze %dma_start3A_206 : memref<1x128xi32, #tpu.memory_space<hbm>> -> memref<128xi32, #tpu.memory_space<hbm>>
    %dma_start3A_208 = arith.constant 0 : i32
    %dma_start3A_209 = tpu.memref_slice %arg6[%add3A_192, %dma_start3A_208] : memref<6274x128xi32, #tpu.memory_space<hbm>> -> memref<1x128xi32, #tpu.memory_space<hbm>>
    %dma_start3A_210 = tpu.memref_squeeze %dma_start3A_209 : memref<1x128xi32, #tpu.memory_space<hbm>> -> memref<128xi32, #tpu.memory_space<hbm>>
    tpu.enqueue_dma source(%dma_start3A_210 : memref<128xi32, #tpu.memory_space<hbm>>) target(%arg25 : memref<128xi32, #tpu.memory_space<vmem>>) target_semaphore(%arg34 : memref<!tpu.dma_semaphore, #tpu.memory_space<semaphore_mem>>)
    %scan3A_211 = arith.constant 0 : i32
    %scan3A_212 = arith.constant 0 : i32
    %scan3A_213 = arith.constant 98 : i32
    %scan3A_214 = arith.addi %scan3A_212, %scan3A_213 : i32
    %scan3A_215 = arith.constant 1 : i32
    %scan3A_216 = scf.for %scan3A_260 = %scan3A_212 to %scan3A_214 step %scan3A_215 iter_args(%scan3A_261 = %scan3A_211) -> (i32)  : i32 {
      %mul3A_262 = arith.constant 2 : i32
      %mul3A_263 = arith.muli %scan3A_260, %mul3A_262 : i32
      %dma_wait3A_264 = arith.constant 0 : i32
      %dma_wait3A_265 = arith.constant 0 : i32
      %dma_wait3A_266 = tpu.memref_slice %arg4[%dma_wait3A_264, %dma_wait3A_265] : memref<6274x128xi32, #tpu.memory_space<hbm>> -> memref<1x128xi32, #tpu.memory_space<hbm>>
      %dma_wait3A_267 = tpu.memref_squeeze %dma_wait3A_266 : memref<1x128xi32, #tpu.memory_space<hbm>> -> memref<128xi32, #tpu.memory_space<hbm>>
      %dma_wait3A_268 = arith.constant 0 : i32
      %dma_wait3A_269 = tpu.memref_slice %arg4[%dma_wait3A_264, %dma_wait3A_268] : memref<6274x128xi32, #tpu.memory_space<hbm>> -> memref<1x128xi32, #tpu.memory_space<hbm>>
      %dma_wait3A_270 = tpu.memref_squeeze %dma_wait3A_269 : memref<1x128xi32, #tpu.memory_space<hbm>> -> memref<128xi32, #tpu.memory_space<hbm>>
      tpu.wait_dma2 semaphore(%arg34 : memref<!tpu.dma_semaphore, #tpu.memory_space<semaphore_mem>>) src(%dma_wait3A_270 : memref<128xi32, #tpu.memory_space<hbm>>) dst(%arg23 : memref<128xi32, #tpu.memory_space<vmem>>)
      %dma_wait3A_271 = arith.constant 0 : i32
      %dma_wait3A_272 = arith.constant 0 : i32
      %dma_wait3A_273 = tpu.memref_slice %arg4[%dma_wait3A_271, %dma_wait3A_272] : memref<6274x128xi32, #tpu.memory_space<hbm>> -> memref<1x128xi32, #tpu.memory_space<hbm>>
      %dma_wait3A_274 = tpu.memref_squeeze %dma_wait3A_273 : memref<1x128xi32, #tpu.memory_space<hbm>> -> memref<128xi32, #tpu.memory_space<hbm>>
      %dma_wait3A_275 = arith.constant 0 : i32
      %dma_wait3A_276 = tpu.memref_slice %arg4[%dma_wait3A_271, %dma_wait3A_275] : memref<6274x128xi32, #tpu.memory_space<hbm>> -> memref<1x128xi32, #tpu.memory_space<hbm>>
      %dma_wait3A_277 = tpu.memref_squeeze %dma_wait3A_276 : memref<1x128xi32, #tpu.memory_space<hbm>> -> memref<128xi32, #tpu.memory_space<hbm>>
      tpu.wait_dma2 semaphore(%arg34 : memref<!tpu.dma_semaphore, #tpu.memory_space<semaphore_mem>>) src(%dma_wait3A_277 : memref<128xi32, #tpu.memory_space<hbm>>) dst(%arg24 : memref<128xi32, #tpu.memory_space<vmem>>)
      %dma_wait3A_278 = arith.constant 0 : i32
      %dma_wait3A_279 = arith.constant 0 : i32
      %dma_wait3A_280 = tpu.memref_slice %arg4[%dma_wait3A_278, %dma_wait3A_279] : memref<6274x128xi32, #tpu.memory_space<hbm>> -> memref<1x128xi32, #tpu.memory_space<hbm>>
      %dma_wait3A_281 = tpu.memref_squeeze %dma_wait3A_280 : memref<1x128xi32, #tpu.memory_space<hbm>> -> memref<128xi32, #tpu.memory_space<hbm>>
      %dma_wait3A_282 = arith.constant 0 : i32
      %dma_wait3A_283 = tpu.memref_slice %arg4[%dma_wait3A_278, %dma_wait3A_282] : memref<6274x128xi32, #tpu.memory_space<hbm>> -> memref<1x128xi32, #tpu.memory_space<hbm>>
      %dma_wait3A_284 = tpu.memref_squeeze %dma_wait3A_283 : memref<1x128xi32, #tpu.memory_space<hbm>> -> memref<128xi32, #tpu.memory_space<hbm>>
      tpu.wait_dma2 semaphore(%arg34 : memref<!tpu.dma_semaphore, #tpu.memory_space<semaphore_mem>>) src(%dma_wait3A_284 : memref<128xi32, #tpu.memory_space<hbm>>) dst(%arg25 : memref<128xi32, #tpu.memory_space<vmem>>)
      %get3A_285 = arith.constant 0 : index
      %get3A_286 = tpu.vector_load %arg25[%get3A_285] {strides = array<i32>} : memref<128xi32, #tpu.memory_space<vmem>>, vector<16xi32>,
      %swap3A_287 = arith.constant 0 : index
      %swap3A_288 = tpu.vector_load %arg29[%swap3A_287] {strides = array<i32>} : memref<128xi32, #tpu.memory_space<vmem>>, vector<16xi32>,
      tpu.vector_store %arg29[%swap3A_287], %get3A_286 {strides = array<i32>} : memref<128xi32, #tpu.memory_space<vmem>>, vector<16xi32>,
      %shift_right_logical3A_289 = arith.constant 3 : i32
      %shift_right_logical3A_290 = vector.broadcast %shift_right_logical3A_289 : i32 to vector<16xi32>
      %shift_right_logical3A_291 = arith.shrui %get3A_286, %shift_right_logical3A_290 : vector<16xi32>
      %swap3A_292 = arith.constant 0 : index
      %swap3A_293 = tpu.vector_load %arg26[%swap3A_292] {strides = array<i32>} : memref<128xi32, #tpu.memory_space<vmem>>, vector<16xi32>,
      tpu.vector_store %arg26[%swap3A_292], %shift_right_logical3A_291 {strides = array<i32>} : memref<128xi32, #tpu.memory_space<vmem>>, vector<16xi32>,
      %and3A_294 = arith.constant 7 : i32
      %and3A_295 = vector.broadcast %and3A_294 : i32 to vector<16xi32>
      %and3A_296 = arith.andi %get3A_286, %and3A_295 : vector<16xi32>
      %swap3A_297 = arith.constant 0 : index
      %swap3A_298 = tpu.vector_load %arg27[%swap3A_297] {strides = array<i32>} : memref<144xi32, #tpu.memory_space<vmem>>, vector<16xi32>,
      tpu.vector_store %arg27[%swap3A_297], %and3A_296 {strides = array<i32>} : memref<144xi32, #tpu.memory_space<vmem>>, vector<16xi32>,
      %get3A_299 = arith.constant 16 : index
      %get3A_300 = tpu.vector_load %arg25[%get3A_299] {strides = array<i32>} : memref<128xi32, #tpu.memory_space<vmem>>, vector<16xi32>,
      %swap3A_301 = arith.constant 16 : index
      %swap3A_302 = tpu.vector_load %arg29[%swap3A_301] {strides = array<i32>} : memref<128xi32, #tpu.memory_space<vmem>>, vector<16xi32>,
      tpu.vector_store %arg29[%swap3A_301], %get3A_300 {strides = array<i32>} : memref<128xi32, #tpu.memory_space<vmem>>, vector<16xi32>,
      %shift_right_logical3A_303 = arith.constant 3 : i32
      %shift_right_logical3A_304 = vector.broadcast %shift_right_logical3A_303 : i32 to vector<16xi32>
      %shift_right_logical3A_305 = arith.shrui %get3A_300, %shift_right_logical3A_304 : vector<16xi32>
      %swap3A_306 = arith.constant 16 : index
      %swap3A_307 = tpu.vector_load %arg26[%swap3A_306] {strides = array<i32>} : memref<128xi32, #tpu.memory_space<vmem>>, vector<16xi32>,
      tpu.vector_store %arg26[%swap3A_306], %shift_right_logical3A_305 {strides = array<i32>} : memref<128xi32, #tpu.memory_space<vmem>>, vector<16xi32>,
      %and3A_308 = arith.constant 7 : i32
      %and3A_309 = vector.broadcast %and3A_308 : i32 to vector<16xi32>
      %and3A_310 = arith.andi %get3A_300, %and3A_309 : vector<16xi32>
      %swap3A_311 = arith.constant 16 : index
      %swap3A_312 = tpu.vector_load %arg27[%swap3A_311] {strides = array<i32>} : memref<144xi32, #tpu.memory_space<vmem>>, vector<16xi32>,
      tpu.vector_store %arg27[%swap3A_311], %and3A_310 {strides = array<i32>} : memref<144xi32, #tpu.memory_space<vmem>>, vector<16xi32>,
      %get3A_313 = arith.constant 32 : index
      %get3A_314 = tpu.vector_load %arg25[%get3A_313] {strides = array<i32>} : memref<128xi32, #tpu.memory_space<vmem>>, vector<16xi32>,
      %swap3A_315 = arith.constant 32 : index
      %swap3A_316 = tpu.vector_load %arg29[%swap3A_315] {strides = array<i32>} : memref<128xi32, #tpu.memory_space<vmem>>, vector<16xi32>,
      tpu.vector_store %arg29[%swap3A_315], %get3A_314 {strides = array<i32>} : memref<128xi32, #tpu.memory_space<vmem>>, vector<16xi32>,
      %shift_right_logical3A_317 = arith.constant 3 : i32
      %shift_right_logical3A_318 = vector.broadcast %shift_right_logical3A_317 : i32 to vector<16xi32>
      %shift_right_logical3A_319 = arith.shrui %get3A_314, %shift_right_logical3A_318 : vector<16xi32>
      %swap3A_320 = arith.constant 32 : index
      %swap3A_321 = tpu.vector_load %arg26[%swap3A_320] {strides = array<i32>} : memref<128xi32, #tpu.memory_space<vmem>>, vector<16xi32>,
      tpu.vector_store %arg26[%swap3A_320], %shift_right_logical3A_319 {strides = array<i32>} : memref<128xi32, #tpu.memory_space<vmem>>, vector<16xi32>,
      %and3A_322 = arith.constant 7 : i32
      %and3A_323 = vector.broadcast %and3A_322 : i32 to vector<16xi32>
      %and3A_324 = arith.andi %get3A_314, %and3A_323 : vector<16xi32>
      %swap3A_325 = arith.constant 32 : index
      %swap3A_326 = tpu.vector_load %arg27[%swap3A_325] {strides = array<i32>} : memref<144xi32, #tpu.memory_space<vmem>>, vector<16xi32>,
      tpu.vector_store %arg27[%swap3A_325], %and3A_324 {strides = array<i32>} : memref<144xi32, #tpu.memory_space<vmem>>, vector<16xi32>,
      %get3A_327 = arith.constant 48 : index
      %get3A_328 = tpu.vector_load %arg25[%get3A_327] {strides = array<i32>} : memref<128xi32, #tpu.memory_space<vmem>>, vector<16xi32>,
      %swap3A_329 = arith.constant 48 : index
      %swap3A_330 = tpu.vector_load %arg29[%swap3A_329] {strides = array<i32>} : memref<128xi32, #tpu.memory_space<vmem>>, vector<16xi32>,
      tpu.vector_store %arg29[%swap3A_329], %get3A_328 {strides = array<i32>} : memref<128xi32, #tpu.memory_space<vmem>>, vector<16xi32>,
      %shift_right_logical3A_331 = arith.constant 3 : i32
      %shift_right_logical3A_332 = vector.broadcast %shift_right_logical3A_331 : i32 to vector<16xi32>
      %shift_right_logical3A_333 = arith.shrui %get3A_328, %shift_right_logical3A_332 : vector<16xi32>
      %swap3A_334 = arith.constant 48 : index
      %swap3A_335 = tpu.vector_load %arg26[%swap3A_334] {strides = array<i32>} : memref<128xi32, #tpu.memory_space<vmem>>, vector<16xi32>,
      tpu.vector_store %arg26[%swap3A_334], %shift_right_logical3A_333 {strides = array<i32>} : memref<128xi32, #tpu.memory_space<vmem>>, vector<16xi32>,
      %and3A_336 = arith.constant 7 : i32
      %and3A_337 = vector.broadcast %and3A_336 : i32 to vector<16xi32>
      %and3A_338 = arith.andi %get3A_328, %and3A_337 : vector<16xi32>
      %swap3A_339 = arith.constant 48 : index
      %swap3A_340 = tpu.vector_load %arg27[%swap3A_339] {strides = array<i32>} : memref<144xi32, #tpu.memory_space<vmem>>, vector<16xi32>,
      tpu.vector_store %arg27[%swap3A_339], %and3A_338 {strides = array<i32>} : memref<144xi32, #tpu.memory_space<vmem>>, vector<16xi32>,
      %get3A_341 = arith.constant 64 : index
      %get3A_342 = tpu.vector_load %arg25[%get3A_341] {strides = array<i32>} : memref<128xi32, #tpu.memory_space<vmem>>, vector<16xi32>,
      %swap3A_343 = arith.constant 64 : index
      %swap3A_344 = tpu.vector_load %arg29[%swap3A_343] {strides = array<i32>} : memref<128xi32, #tpu.memory_space<vmem>>, vector<16xi32>,
      tpu.vector_store %arg29[%swap3A_343], %get3A_342 {strides = array<i32>} : memref<128xi32, #tpu.memory_space<vmem>>, vector<16xi32>,
      %shift_right_logical3A_345 = arith.constant 3 : i32
      %shift_right_logical3A_346 = vector.broadcast %shift_right_logical3A_345 : i32 to vector<16xi32>
      %shift_right_logical3A_347 = arith.shrui %get3A_342, %shift_right_logical3A_346 : vector<16xi32>
      %swap3A_348 = arith.constant 64 : index
      %swap3A_349 = tpu.vector_load %arg26[%swap3A_348] {strides = array<i32>} : memref<128xi32, #tpu.memory_space<vmem>>, vector<16xi32>,
      tpu.vector_store %arg26[%swap3A_348], %shift_right_logical3A_347 {strides = array<i32>} : memref<128xi32, #tpu.memory_space<vmem>>, vector<16xi32>,
      %and3A_350 = arith.constant 7 : i32
      %and3A_351 = vector.broadcast %and3A_350 : i32 to vector<16xi32>
      %and3A_352 = arith.andi %get3A_342, %and3A_351 : vector<16xi32>
      %swap3A_353 = arith.constant 64 : index
      %swap3A_354 = tpu.vector_load %arg27[%swap3A_353] {strides = array<i32>} : memref<144xi32, #tpu.memory_space<vmem>>, vector<16xi32>,
      tpu.vector_store %arg27[%swap3A_353], %and3A_352 {strides = array<i32>} : memref<144xi32, #tpu.memory_space<vmem>>, vector<16xi32>,
      %get3A_355 = arith.constant 80 : index
      %get3A_356 = tpu.vector_load %arg25[%get3A_355] {strides = array<i32>} : memref<128xi32, #tpu.memory_space<vmem>>, vector<16xi32>,
      %swap3A_357 = arith.constant 80 : index
      %swap3A_358 = tpu.vector_load %arg29[%swap3A_357] {strides = array<i32>} : memref<128xi32, #tpu.memory_space<vmem>>, vector<16xi32>,
      tpu.vector_store %arg29[%swap3A_357], %get3A_356 {strides = array<i32>} : memref<128xi32, #tpu.memory_space<vmem>>, vector<16xi32>,
      %shift_right_logical3A_359 = arith.constant 3 : i32
      %shift_right_logical3A_360 = vector.broadcast %shift_right_logical3A_359 : i32 to vector<16xi32>
      %shift_right_logical3A_361 = arith.shrui %get3A_356, %shift_right_logical3A_360 : vector<16xi32>
      %swap3A_362 = arith.constant 80 : index
      %swap3A_363 = tpu.vector_load %arg26[%swap3A_362] {strides = array<i32>} : memref<128xi32, #tpu.memory_space<vmem>>, vector<16xi32>,
      tpu.vector_store %arg26[%swap3A_362], %shift_right_logical3A_361 {strides = array<i32>} : memref<128xi32, #tpu.memory_space<vmem>>, vector<16xi32>,
      %and3A_364 = arith.constant 7 : i32
      %and3A_365 = vector.broadcast %and3A_364 : i32 to vector<16xi32>
      %and3A_366 = arith.andi %get3A_356, %and3A_365 : vector<16xi32>
      %swap3A_367 = arith.constant 80 : index
      %swap3A_368 = tpu.vector_load %arg27[%swap3A_367] {strides = array<i32>} : memref<144xi32, #tpu.memory_space<vmem>>, vector<16xi32>,
      tpu.vector_store %arg27[%swap3A_367], %and3A_366 {strides = array<i32>} : memref<144xi32, #tpu.memory_space<vmem>>, vector<16xi32>,
      %get3A_369 = arith.constant 96 : index
      %get3A_370 = tpu.vector_load %arg25[%get3A_369] {strides = array<i32>} : memref<128xi32, #tpu.memory_space<vmem>>, vector<16xi32>,
      %swap3A_371 = arith.constant 96 : index
      %swap3A_372 = tpu.vector_load %arg29[%swap3A_371] {strides = array<i32>} : memref<128xi32, #tpu.memory_space<vmem>>, vector<16xi32>,
      tpu.vector_store %arg29[%swap3A_371], %get3A_370 {strides = array<i32>} : memref<128xi32, #tpu.memory_space<vmem>>, vector<16xi32>,
      %shift_right_logical3A_373 = arith.constant 3 : i32
      %shift_right_logical3A_374 = vector.broadcast %shift_right_logical3A_373 : i32 to vector<16xi32>
      %shift_right_logical3A_375 = arith.shrui %get3A_370, %shift_right_logical3A_374 : vector<16xi32>
      %swap3A_376 = arith.constant 96 : index
      %swap3A_377 = tpu.vector_load %arg26[%swap3A_376] {strides = array<i32>} : memref<128xi32, #tpu.memory_space<vmem>>, vector<16xi32>,
      tpu.vector_store %arg26[%swap3A_376], %shift_right_logical3A_375 {strides = array<i32>} : memref<128xi32, #tpu.memory_space<vmem>>, vector<16xi32>,
      %and3A_378 = arith.constant 7 : i32
      %and3A_379 = vector.broadcast %and3A_378 : i32 to vector<16xi32>
      %and3A_380 = arith.andi %get3A_370, %and3A_379 : vector<16xi32>
      %swap3A_381 = arith.constant 96 : index
      %swap3A_382 = tpu.vector_load %arg27[%swap3A_381] {strides = array<i32>} : memref<144xi32, #tpu.memory_space<vmem>>, vector<16xi32>,
      tpu.vector_store %arg27[%swap3A_381], %and3A_380 {strides = array<i32>} : memref<144xi32, #tpu.memory_space<vmem>>, vector<16xi32>,
      %get3A_383 = arith.constant 112 : index
      %get3A_384 = tpu.vector_load %arg25[%get3A_383] {strides = array<i32>} : memref<128xi32, #tpu.memory_space<vmem>>, vector<16xi32>,
      %swap3A_385 = arith.constant 112 : index
      %swap3A_386 = tpu.vector_load %arg29[%swap3A_385] {strides = array<i32>} : memref<128xi32, #tpu.memory_space<vmem>>, vector<16xi32>,
      tpu.vector_store %arg29[%swap3A_385], %get3A_384 {strides = array<i32>} : memref<128xi32, #tpu.memory_space<vmem>>, vector<16xi32>,
      %shift_right_logical3A_387 = arith.constant 3 : i32
      %shift_right_logical3A_388 = vector.broadcast %shift_right_logical3A_387 : i32 to vector<16xi32>
      %shift_right_logical3A_389 = arith.shrui %get3A_384, %shift_right_logical3A_388 : vector<16xi32>
      %swap3A_390 = arith.constant 112 : index
      %swap3A_391 = tpu.vector_load %arg26[%swap3A_390] {strides = array<i32>} : memref<128xi32, #tpu.memory_space<vmem>>, vector<16xi32>,
      tpu.vector_store %arg26[%swap3A_390], %shift_right_logical3A_389 {strides = array<i32>} : memref<128xi32, #tpu.memory_space<vmem>>, vector<16xi32>,
      %and3A_392 = arith.constant 7 : i32
      %and3A_393 = vector.broadcast %and3A_392 : i32 to vector<16xi32>
      %and3A_394 = arith.andi %get3A_384, %and3A_393 : vector<16xi32>
      %swap3A_395 = arith.constant 112 : index
      %swap3A_396 = tpu.vector_load %arg27[%swap3A_395] {strides = array<i32>} : memref<144xi32, #tpu.memory_space<vmem>>, vector<16xi32>,
      tpu.vector_store %arg27[%swap3A_395], %and3A_394 {strides = array<i32>} : memref<144xi32, #tpu.memory_space<vmem>>, vector<16xi32>,
      %dma_start3A_397 = arith.constant 0 : i32
      %dma_start3A_398 = arith.constant 0 : i32
      %dma_start3A_399 = tpu.memref_slice %arg2[%dma_start3A_397, %dma_start3A_398] : memref<50000x32xf32, #tpu.memory_space<hbm>> -> memref<50000x32xf32, #tpu.memory_space<hbm>>
      tpu.enqueue_indirect_dma source(%dma_start3A_399 : memref<50000x32xf32, #tpu.memory_space<hbm>>) target(%arg14 : memref<128x32xf32, #tpu.memory_space<vmem>>) offsets(%arg23 : memref<128xi32, #tpu.memory_space<vmem>>) semaphore(%arg32 : memref<!tpu.dma_semaphore, #tpu.memory_space<semaphore_mem>>)
      %dma_start3A_400 = arith.constant 0 : i32
      %dma_start3A_401 = arith.constant 0 : i32
      %dma_start3A_402 = tpu.memref_slice %arg3[%dma_start3A_400, %dma_start3A_401] : memref<50000x32xf32, #tpu.memory_space<hbm>> -> memref<50000x32xf32, #tpu.memory_space<hbm>>
      tpu.enqueue_indirect_dma source(%dma_start3A_402 : memref<50000x32xf32, #tpu.memory_space<hbm>>) target(%arg15 : memref<128x32xf32, #tpu.memory_space<vmem>>) offsets(%arg24 : memref<128xi32, #tpu.memory_space<vmem>>) semaphore(%arg32 : memref<!tpu.dma_semaphore, #tpu.memory_space<semaphore_mem>>)
      %dma_wait3A_403 = arith.constant 0 : i32
      %dma_wait3A_404 = arith.constant 0 : i32
      %dma_wait3A_405 = tpu.memref_slice %arg2[%dma_wait3A_403, %dma_wait3A_404] : memref<50000x32xf32, #tpu.memory_space<hbm>> -> memref<128x32xf32, #tpu.memory_space<hbm>>
      %dma_wait3A_406 = arith.constant 0 : i32
      %dma_wait3A_407 = arith.constant 0 : i32
      %dma_wait3A_408 = tpu.memref_slice %arg2[%dma_wait3A_406, %dma_wait3A_407] : memref<50000x32xf32, #tpu.memory_space<hbm>> -> memref<128x32xf32, #tpu.memory_space<hbm>>
      tpu.wait_dma2 semaphore(%arg31 : memref<!tpu.dma_semaphore, #tpu.memory_space<semaphore_mem>>) src(%dma_wait3A_408 : memref<128x32xf32, #tpu.memory_space<hbm>>) dst(%arg12 : memref<128x32xf32, #tpu.memory_space<vmem>>)
      %dma_wait3A_409 = arith.constant 0 : i32
      %dma_wait3A_410 = arith.constant 0 : i32
      %dma_wait3A_411 = tpu.memref_slice %arg2[%dma_wait3A_409, %dma_wait3A_410] : memref<50000x32xf32, #tpu.memory_space<hbm>> -> memref<128x32xf32, #tpu.memory_space<hbm>>
      %dma_wait3A_412 = arith.constant 0 : i32
      %dma_wait3A_413 = arith.constant 0 : i32
      %dma_wait3A_414 = tpu.memref_slice %arg2[%dma_wait3A_412, %dma_wait3A_413] : memref<50000x32xf32, #tpu.memory_space<hbm>> -> memref<128x32xf32, #tpu.memory_space<hbm>>
      tpu.wait_dma2 semaphore(%arg31 : memref<!tpu.dma_semaphore, #tpu.memory_space<semaphore_mem>>) src(%dma_wait3A_414 : memref<128x32xf32, #tpu.memory_space<hbm>>) dst(%arg13 : memref<128x32xf32, #tpu.memory_space<vmem>>)
      %add3A_415 = arith.addi %mul3A_2, %mul3A_263 : i32
      %add3A_416 = arith.constant 2 : i32
      %add3A_417 = arith.addi %add3A_415, %add3A_416 : i32
      %dma_start3A_418 = arith.constant 0 : i32
      %dma_start3A_419 = tpu.memref_slice %arg4[%add3A_417, %dma_start3A_418] : memref<6274x128xi32, #tpu.memory_space<hbm>> -> memref<1x128xi32, #tpu.memory_space<hbm>>
      %dma_start3A_420 = tpu.memref_squeeze %dma_start3A_419 : memref<1x128xi32, #tpu.memory_space<hbm>> -> memref<128xi32, #tpu.memory_space<hbm>>
      %dma_start3A_421 = arith.constant 0 : i32
      %dma_start3A_422 = tpu.memref_slice %arg4[%add3A_417, %dma_start3A_421] : memref<6274x128xi32, #tpu.memory_space<hbm>> -> memref<1x128xi32, #tpu.memory_space<hbm>>
      %dma_start3A_423 = tpu.memref_squeeze %dma_start3A_422 : memref<1x128xi32, #tpu.memory_space<hbm>> -> memref<128xi32, #tpu.memory_space<hbm>>
      tpu.enqueue_dma source(%dma_start3A_423 : memref<128xi32, #tpu.memory_space<hbm>>) target(%arg18 : memref<128xi32, #tpu.memory_space<vmem>>) target_semaphore(%arg33 : memref<!tpu.dma_semaphore, #tpu.memory_space<semaphore_mem>>)
      %dma_start3A_424 = arith.constant 0 : i32
      %dma_start3A_425 = tpu.memref_slice %arg5[%add3A_417, %dma_start3A_424] : memref<6274x128xi32, #tpu.memory_space<hbm>> -> memref<1x128xi32, #tpu.memory_space<hbm>>
      %dma_start3A_426 = tpu.memref_squeeze %dma_start3A_425 : memref<1x128xi32, #tpu.memory_space<hbm>> -> memref<128xi32, #tpu.memory_space<hbm>>
      %dma_start3A_427 = arith.constant 0 : i32
      %dma_start3A_428 = tpu.memref_slice %arg5[%add3A_417, %dma_start3A_427] : memref<6274x128xi32, #tpu.memory_space<hbm>> -> memref<1x128xi32, #tpu.memory_space<hbm>>
      %dma_start3A_429 = tpu.memref_squeeze %dma_start3A_428 : memref<1x128xi32, #tpu.memory_space<hbm>> -> memref<128xi32, #tpu.memory_space<hbm>>
      tpu.enqueue_dma source(%dma_start3A_429 : memref<128xi32, #tpu.memory_space<hbm>>) target(%arg19 : memref<128xi32, #tpu.memory_space<vmem>>) target_semaphore(%arg33 : memref<!tpu.dma_semaphore, #tpu.memory_space<semaphore_mem>>)
      %dma_start3A_430 = arith.constant 0 : i32
      %dma_start3A_431 = tpu.memref_slice %arg6[%add3A_417, %dma_start3A_430] : memref<6274x128xi32, #tpu.memory_space<hbm>> -> memref<1x128xi32, #tpu.memory_space<hbm>>
      %dma_start3A_432 = tpu.memref_squeeze %dma_start3A_431 : memref<1x128xi32, #tpu.memory_space<hbm>> -> memref<128xi32, #tpu.memory_space<hbm>>
      %dma_start3A_433 = arith.constant 0 : i32
      %dma_start3A_434 = tpu.memref_slice %arg6[%add3A_417, %dma_start3A_433] : memref<6274x128xi32, #tpu.memory_space<hbm>> -> memref<1x128xi32, #tpu.memory_space<hbm>>
      %dma_start3A_435 = tpu.memref_squeeze %dma_start3A_434 : memref<1x128xi32, #tpu.memory_space<hbm>> -> memref<128xi32, #tpu.memory_space<hbm>>
      tpu.enqueue_dma source(%dma_start3A_435 : memref<128xi32, #tpu.memory_space<hbm>>) target(%arg20 : memref<128xi32, #tpu.memory_space<vmem>>) target_semaphore(%arg33 : memref<!tpu.dma_semaphore, #tpu.memory_space<semaphore_mem>>)
      %scan3A_436 = arith.constant 0 : i32
      %scan3A_437 = arith.constant 0 : i32
      %scan3A_438 = arith.constant 128 : i32
      %scan3A_439 = arith.addi %scan3A_437, %scan3A_438 : i32
      %scan3A_440 = arith.constant 1 : i32
      %scan3A_441 = scf.for %scan3A_647 = %scan3A_437 to %scan3A_439 step %scan3A_440 iter_args(%scan3A_648 = %scan3A_436) -> (i32)  : i32 {
        %get3A_649 = arith.index_cast %scan3A_647 : i32 to index
        %get3A_650 = arith.constant 0 : index
        %get3A_651 = tpu.vector_load %arg12[%get3A_649, %get3A_650] {strides = array<i32>} : memref<128x32xf32, #tpu.memory_space<vmem>>, vector<16xf32>,
        %get3A_652 = arith.index_cast %scan3A_647 : i32 to index
        %get3A_653 = arith.constant 16 : index
        %get3A_654 = tpu.vector_load %arg12[%get3A_652, %get3A_653] {strides = array<i32>} : memref<128x32xf32, #tpu.memory_space<vmem>>, vector<16xf32>,
        %get3A_655 = arith.index_cast %scan3A_647 : i32 to index
        %get3A_656 = arith.constant 0 : index
        %get3A_657 = tpu.vector_load %arg13[%get3A_655, %get3A_656] {strides = array<i32>} : memref<128x32xf32, #tpu.memory_space<vmem>>, vector<16xf32>,
        %get3A_658 = arith.index_cast %scan3A_647 : i32 to index
        %get3A_659 = arith.constant 16 : index
        %get3A_660 = tpu.vector_load %arg13[%get3A_658, %get3A_659] {strides = array<i32>} : memref<128x32xf32, #tpu.memory_space<vmem>>, vector<16xf32>,
        %add3A_661 = arith.addf %get3A_651, %get3A_657 : vector<16xf32>
        %add3A_662 = arith.addf %get3A_654, %get3A_660 : vector<16xf32>
        %mul3A_663 = arith.constant 2.000000e-01 : f32
        %mul3A_664 = vector.broadcast %mul3A_663 : f32 to vector<16xf32>
        %mul3A_665 = arith.mulf %mul3A_664, %add3A_661 : vector<16xf32>
        %max3A = arith.maximumf %add3A_661, %mul3A_665 : vector<16xf32>
        %mul3A_666 = arith.mulf %max3A, %get3A_34 : vector<16xf32>
        %mul3A_667 = arith.constant 2.000000e-01 : f32
        %mul3A_668 = vector.broadcast %mul3A_667 : f32 to vector<16xf32>
        %mul3A_669 = arith.mulf %mul3A_668, %add3A_662 : vector<16xf32>
        %max3A_670 = arith.maximumf %add3A_662, %mul3A_669 : vector<16xf32>
        %mul3A_671 = arith.mulf %max3A_670, %get3A_38 : vector<16xf32>
        %add3A_672 = arith.addf %mul3A_666, %mul3A_671 : vector<16xf32>
        %reduce_sum3A = arith.constant true
        %reduce_sum3A_673 = vector.broadcast %reduce_sum3A : i1 to vector<16xi1>
        %reduce_sum3A_674 = tpu.scan <sum>, %add3A_672 masked %reduce_sum3A_673 : vector<16xf32>, vector<16xi1> -> vector<16xf32>
        %reduce_sum3A_675 = vector.extract %reduce_sum3A_674[15] : f32 from vector<16xf32>
        %broadcast_in_dim3A_676 = vector.broadcast %reduce_sum3A_675 : f32 to vector<16xf32>
        %exp3A = math.exp %broadcast_in_dim3A_676 : vector<16xf32>
        %mul3A_677 = arith.mulf %get3A_651, %exp3A : vector<16xf32>
        %swap3A_678 = arith.index_cast %scan3A_647 : i32 to index
        %swap3A_679 = arith.constant 0 : index
        %swap3A_680 = tpu.vector_load %arg16[%swap3A_678, %swap3A_679] {strides = array<i32>} : memref<128x32xf32, #tpu.memory_space<vmem>>, vector<16xf32>,
        tpu.vector_store %arg16[%swap3A_678, %swap3A_679], %mul3A_677 {strides = array<i32>} : memref<128x32xf32, #tpu.memory_space<vmem>>, vector<16xf32>,
        %mul3A_681 = arith.mulf %get3A_654, %exp3A : vector<16xf32>
        %swap3A_682 = arith.index_cast %scan3A_647 : i32 to index
        %swap3A_683 = arith.constant 16 : index
        %swap3A_684 = tpu.vector_load %arg16[%swap3A_682, %swap3A_683] {strides = array<i32>} : memref<128x32xf32, #tpu.memory_space<vmem>>, vector<16xf32>,
        tpu.vector_store %arg16[%swap3A_682, %swap3A_683], %mul3A_681 {strides = array<i32>} : memref<128x32xf32, #tpu.memory_space<vmem>>, vector<16xf32>,
        %get3A_685 = arith.index_cast %scan3A_647 : i32 to index
        %get3A_686 = tpu.vector_load %arg22[%get3A_685] {strides = array<i32>} : memref<144xi32, #tpu.memory_space<vmem>>, vector<16xi32>,
        %slice3A = vector.extract_strided_slice %get3A_686 {offsets = [0], sizes = [1], strides = [1]} : vector<16xi32> to vector<1xi32>
        %squeeze3A = vector.extract %slice3A[0] : i32 from vector<1xi32>
        %broadcast_in_dim3A_687 = vector.broadcast %squeeze3A : i32 to vector<16xi32>
        %eq3A = arith.cmpi eq, %iota3A, %broadcast_in_dim3A_687 : vector<16xi32>
        %jit3A = arith.constant 0.000000e+00 : f32
        %broadcast_in_dim3A_688 = vector.broadcast %jit3A : f32 to vector<16xf32>
        %select_n3A = arith.select %eq3A, %exp3A, %broadcast_in_dim3A_688 : vector<16xi1>, vector<16xf32>
        %swap3A_689 = arith.index_cast %scan3A_647 : i32 to index
        %swap3A_690 = arith.constant 0 : index
        %swap3A_691 = tpu.vector_load %arg17[%swap3A_689, %swap3A_690] {strides = array<i32>} : memref<128x16xf32, #tpu.memory_space<vmem>>, vector<16xf32>,
        tpu.vector_store %arg17[%swap3A_689, %swap3A_690], %select_n3A {strides = array<i32>} : memref<128x16xf32, #tpu.memory_space<vmem>>, vector<16xf32>,
        %scan3A_692 = arith.constant 0 : i32
        scf.yield %scan3A_692 : i32
      }
      %scan3A_442 = arith.constant 128 : i32
      %dma_start3A_443 = arith.constant 0 : i32
      %dma_start3A_444 = arith.constant 0 : i32
      %dma_start3A_445 = tpu.memref_slice %arg10[%dma_start3A_443, %dma_start3A_444] : memref<50016x32xf32, #tpu.memory_space<vmem_shared>> -> memref<50016x32xf32, #tpu.memory_space<vmem_shared>>
      tpu.enqueue_indirect_dma source(%arg16 : memref<128x32xf32, #tpu.memory_space<vmem>>) target(%dma_start3A_445 : memref<50016x32xf32, #tpu.memory_space<vmem_shared>>) offsets(%arg28 : memref<128xi32, #tpu.memory_space<vmem>>) semaphore(%arg35 : memref<!tpu.dma_semaphore, #tpu.memory_space<semaphore_mem>>) {add = true}
      %dma_start3A_446 = arith.constant 0 : i32
      %dma_start3A_447 = arith.constant 0 : i32
      %dma_start3A_448 = tpu.memref_slice %arg11[%dma_start3A_446, %dma_start3A_447] : memref<6256x16xf32, #tpu.memory_space<vmem_shared>> -> memref<6256x16xf32, #tpu.memory_space<vmem_shared>>
      tpu.enqueue_indirect_dma source(%arg17 : memref<128x16xf32, #tpu.memory_space<vmem>>) target(%dma_start3A_448 : memref<6256x16xf32, #tpu.memory_space<vmem_shared>>) offsets(%arg21 : memref<128xi32, #tpu.memory_space<vmem>>) semaphore(%arg35 : memref<!tpu.dma_semaphore, #tpu.memory_space<semaphore_mem>>) {add = true}
      %dma_wait3A_449 = arith.constant 0 : i32
      %dma_wait3A_450 = arith.constant 0 : i32
      %dma_wait3A_451 = tpu.memref_slice %arg10[%dma_wait3A_449, %dma_wait3A_450] : memref<50016x32xf32, #tpu.memory_space<vmem_shared>> -> memref<50016x32xf32, #tpu.memory_space<vmem_shared>>
      tpu.wait_indirect_dma semaphore(%arg35 : memref<!tpu.dma_semaphore, #tpu.memory_space<semaphore_mem>>) src(%arg16 : memref<128x32xf32, #tpu.memory_space<vmem>>) dst(%dma_wait3A_451 : memref<50016x32xf32, #tpu.memory_space<vmem_shared>>)
      %dma_wait3A_452 = arith.constant 0 : i32
      %dma_wait3A_453 = arith.constant 0 : i32
      %dma_wait3A_454 = tpu.memref_slice %arg11[%dma_wait3A_452, %dma_wait3A_453] : memref<6256x16xf32, #tpu.memory_space<vmem_shared>> -> memref<6256x16xf32, #tpu.memory_space<vmem_shared>>
      tpu.wait_indirect_dma semaphore(%arg35 : memref<!tpu.dma_semaphore, #tpu.memory_space<semaphore_mem>>) src(%arg17 : memref<128x16xf32, #tpu.memory_space<vmem>>) dst(%dma_wait3A_454 : memref<6256x16xf32, #tpu.memory_space<vmem_shared>>)
      %dma_wait3A_455 = arith.constant 0 : i32
      %dma_wait3A_456 = arith.constant 0 : i32
      %dma_wait3A_457 = tpu.memref_slice %arg4[%dma_wait3A_455, %dma_wait3A_456] : memref<6274x128xi32, #tpu.memory_space<hbm>> -> memref<1x128xi32, #tpu.memory_space<hbm>>
      %dma_wait3A_458 = tpu.memref_squeeze %dma_wait3A_457 : memref<1x128xi32, #tpu.memory_space<hbm>> -> memref<128xi32, #tpu.memory_space<hbm>>
      %dma_wait3A_459 = arith.constant 0 : i32
      %dma_wait3A_460 = tpu.memref_slice %arg4[%dma_wait3A_455, %dma_wait3A_459] : memref<6274x128xi32, #tpu.memory_space<hbm>> -> memref<1x128xi32, #tpu.memory_space<hbm>>
      %dma_wait3A_461 = tpu.memref_squeeze %dma_wait3A_460 : memref<1x128xi32, #tpu.memory_space<hbm>> -> memref<128xi32, #tpu.memory_space<hbm>>
      tpu.wait_dma2 semaphore(%arg33 : memref<!tpu.dma_semaphore, #tpu.memory_space<semaphore_mem>>) src(%dma_wait3A_461 : memref<128xi32, #tpu.memory_space<hbm>>) dst(%arg18 : memref<128xi32, #tpu.memory_space<vmem>>)
      %dma_wait3A_462 = arith.constant 0 : i32
      %dma_wait3A_463 = arith.constant 0 : i32
      %dma_wait3A_464 = tpu.memref_slice %arg4[%dma_wait3A_462, %dma_wait3A_463] : memref<6274x128xi32, #tpu.memory_space<hbm>> -> memref<1x128xi32, #tpu.memory_space<hbm>>
      %dma_wait3A_465 = tpu.memref_squeeze %dma_wait3A_464 : memref<1x128xi32, #tpu.memory_space<hbm>> -> memref<128xi32, #tpu.memory_space<hbm>>
      %dma_wait3A_466 = arith.constant 0 : i32
      %dma_wait3A_467 = tpu.memref_slice %arg4[%dma_wait3A_462, %dma_wait3A_466] : memref<6274x128xi32, #tpu.memory_space<hbm>> -> memref<1x128xi32, #tpu.memory_space<hbm>>
      %dma_wait3A_468 = tpu.memref_squeeze %dma_wait3A_467 : memref<1x128xi32, #tpu.memory_space<hbm>> -> memref<128xi32, #tpu.memory_space<hbm>>
      tpu.wait_dma2 semaphore(%arg33 : memref<!tpu.dma_semaphore, #tpu.memory_space<semaphore_mem>>) src(%dma_wait3A_468 : memref<128xi32, #tpu.memory_space<hbm>>) dst(%arg19 : memref<128xi32, #tpu.memory_space<vmem>>)
      %dma_wait3A_469 = arith.constant 0 : i32
      %dma_wait3A_470 = arith.constant 0 : i32
      %dma_wait3A_471 = tpu.memref_slice %arg4[%dma_wait3A_469, %dma_wait3A_470] : memref<6274x128xi32, #tpu.memory_space<hbm>> -> memref<1x128xi32, #tpu.memory_space<hbm>>
      %dma_wait3A_472 = tpu.memref_squeeze %dma_wait3A_471 : memref<1x128xi32, #tpu.memory_space<hbm>> -> memref<128xi32, #tpu.memory_space<hbm>>
      %dma_wait3A_473 = arith.constant 0 : i32
      %dma_wait3A_474 = tpu.memref_slice %arg4[%dma_wait3A_469, %dma_wait3A_473] : memref<6274x128xi32, #tpu.memory_space<hbm>> -> memref<1x128xi32, #tpu.memory_space<hbm>>
      %dma_wait3A_475 = tpu.memref_squeeze %dma_wait3A_474 : memref<1x128xi32, #tpu.memory_space<hbm>> -> memref<128xi32, #tpu.memory_space<hbm>>
      tpu.wait_dma2 semaphore(%arg33 : memref<!tpu.dma_semaphore, #tpu.memory_space<semaphore_mem>>) src(%dma_wait3A_475 : memref<128xi32, #tpu.memory_space<hbm>>) dst(%arg20 : memref<128xi32, #tpu.memory_space<vmem>>)
      %get3A_476 = arith.constant 0 : index
      %get3A_477 = tpu.vector_load %arg20[%get3A_476] {strides = array<i32>} : memref<128xi32, #tpu.memory_space<vmem>>, vector<16xi32>,
      %swap3A_478 = arith.constant 0 : index
      %swap3A_479 = tpu.vector_load %arg28[%swap3A_478] {strides = array<i32>} : memref<128xi32, #tpu.memory_space<vmem>>, vector<16xi32>,
      tpu.vector_store %arg28[%swap3A_478], %get3A_477 {strides = array<i32>} : memref<128xi32, #tpu.memory_space<vmem>>, vector<16xi32>,
      %shift_right_logical3A_480 = arith.constant 3 : i32
      %shift_right_logical3A_481 = vector.broadcast %shift_right_logical3A_480 : i32 to vector<16xi32>
      %shift_right_logical3A_482 = arith.shrui %get3A_477, %shift_right_logical3A_481 : vector<16xi32>
      %swap3A_483 = arith.constant 0 : index
      %swap3A_484 = tpu.vector_load %arg21[%swap3A_483] {strides = array<i32>} : memref<128xi32, #tpu.memory_space<vmem>>, vector<16xi32>,
      tpu.vector_store %arg21[%swap3A_483], %shift_right_logical3A_482 {strides = array<i32>} : memref<128xi32, #tpu.memory_space<vmem>>, vector<16xi32>,
      %and3A_485 = arith.constant 7 : i32
      %and3A_486 = vector.broadcast %and3A_485 : i32 to vector<16xi32>
      %and3A_487 = arith.andi %get3A_477, %and3A_486 : vector<16xi32>
      %swap3A_488 = arith.constant 0 : index
      %swap3A_489 = tpu.vector_load %arg22[%swap3A_488] {strides = array<i32>} : memref<144xi32, #tpu.memory_space<vmem>>, vector<16xi32>,
      tpu.vector_store %arg22[%swap3A_488], %and3A_487 {strides = array<i32>} : memref<144xi32, #tpu.memory_space<vmem>>, vector<16xi32>,
      %get3A_490 = arith.constant 16 : index
      %get3A_491 = tpu.vector_load %arg20[%get3A_490] {strides = array<i32>} : memref<128xi32, #tpu.memory_space<vmem>>, vector<16xi32>,
      %swap3A_492 = arith.constant 16 : index
      %swap3A_493 = tpu.vector_load %arg28[%swap3A_492] {strides = array<i32>} : memref<128xi32, #tpu.memory_space<vmem>>, vector<16xi32>,
      tpu.vector_store %arg28[%swap3A_492], %get3A_491 {strides = array<i32>} : memref<128xi32, #tpu.memory_space<vmem>>, vector<16xi32>,
      %shift_right_logical3A_494 = arith.constant 3 : i32
      %shift_right_logical3A_495 = vector.broadcast %shift_right_logical3A_494 : i32 to vector<16xi32>
      %shift_right_logical3A_496 = arith.shrui %get3A_491, %shift_right_logical3A_495 : vector<16xi32>
      %swap3A_497 = arith.constant 16 : index
      %swap3A_498 = tpu.vector_load %arg21[%swap3A_497] {strides = array<i32>} : memref<128xi32, #tpu.memory_space<vmem>>, vector<16xi32>,
      tpu.vector_store %arg21[%swap3A_497], %shift_right_logical3A_496 {strides = array<i32>} : memref<128xi32, #tpu.memory_space<vmem>>, vector<16xi32>,
      %and3A_499 = arith.constant 7 : i32
      %and3A_500 = vector.broadcast %and3A_499 : i32 to vector<16xi32>
      %and3A_501 = arith.andi %get3A_491, %and3A_500 : vector<16xi32>
      %swap3A_502 = arith.constant 16 : index
      %swap3A_503 = tpu.vector_load %arg22[%swap3A_502] {strides = array<i32>} : memref<144xi32, #tpu.memory_space<vmem>>, vector<16xi32>,
      tpu.vector_store %arg22[%swap3A_502], %and3A_501 {strides = array<i32>} : memref<144xi32, #tpu.memory_space<vmem>>, vector<16xi32>,
      %get3A_504 = arith.constant 32 : index
      %get3A_505 = tpu.vector_load %arg20[%get3A_504] {strides = array<i32>} : memref<128xi32, #tpu.memory_space<vmem>>, vector<16xi32>,
      %swap3A_506 = arith.constant 32 : index
      %swap3A_507 = tpu.vector_load %arg28[%swap3A_506] {strides = array<i32>} : memref<128xi32, #tpu.memory_space<vmem>>, vector<16xi32>,
      tpu.vector_store %arg28[%swap3A_506], %get3A_505 {strides = array<i32>} : memref<128xi32, #tpu.memory_space<vmem>>, vector<16xi32>,
      %shift_right_logical3A_508 = arith.constant 3 : i32
      %shift_right_logical3A_509 = vector.broadcast %shift_right_logical3A_508 : i32 to vector<16xi32>
      %shift_right_logical3A_510 = arith.shrui %get3A_505, %shift_right_logical3A_509 : vector<16xi32>
      %swap3A_511 = arith.constant 32 : index
      %swap3A_512 = tpu.vector_load %arg21[%swap3A_511] {strides = array<i32>} : memref<128xi32, #tpu.memory_space<vmem>>, vector<16xi32>,
      tpu.vector_store %arg21[%swap3A_511], %shift_right_logical3A_510 {strides = array<i32>} : memref<128xi32, #tpu.memory_space<vmem>>, vector<16xi32>,
      %and3A_513 = arith.constant 7 : i32
      %and3A_514 = vector.broadcast %and3A_513 : i32 to vector<16xi32>
      %and3A_515 = arith.andi %get3A_505, %and3A_514 : vector<16xi32>
      %swap3A_516 = arith.constant 32 : index
      %swap3A_517 = tpu.vector_load %arg22[%swap3A_516] {strides = array<i32>} : memref<144xi32, #tpu.memory_space<vmem>>, vector<16xi32>,
      tpu.vector_store %arg22[%swap3A_516], %and3A_515 {strides = array<i32>} : memref<144xi32, #tpu.memory_space<vmem>>, vector<16xi32>,
      %get3A_518 = arith.constant 48 : index
      %get3A_519 = tpu.vector_load %arg20[%get3A_518] {strides = array<i32>} : memref<128xi32, #tpu.memory_space<vmem>>, vector<16xi32>,
      %swap3A_520 = arith.constant 48 : index
      %swap3A_521 = tpu.vector_load %arg28[%swap3A_520] {strides = array<i32>} : memref<128xi32, #tpu.memory_space<vmem>>, vector<16xi32>,
      tpu.vector_store %arg28[%swap3A_520], %get3A_519 {strides = array<i32>} : memref<128xi32, #tpu.memory_space<vmem>>, vector<16xi32>,
      %shift_right_logical3A_522 = arith.constant 3 : i32
      %shift_right_logical3A_523 = vector.broadcast %shift_right_logical3A_522 : i32 to vector<16xi32>
      %shift_right_logical3A_524 = arith.shrui %get3A_519, %shift_right_logical3A_523 : vector<16xi32>
      %swap3A_525 = arith.constant 48 : index
      %swap3A_526 = tpu.vector_load %arg21[%swap3A_525] {strides = array<i32>} : memref<128xi32, #tpu.memory_space<vmem>>, vector<16xi32>,
      tpu.vector_store %arg21[%swap3A_525], %shift_right_logical3A_524 {strides = array<i32>} : memref<128xi32, #tpu.memory_space<vmem>>, vector<16xi32>,
      %and3A_527 = arith.constant 7 : i32
      %and3A_528 = vector.broadcast %and3A_527 : i32 to vector<16xi32>
      %and3A_529 = arith.andi %get3A_519, %and3A_528 : vector<16xi32>
      %swap3A_530 = arith.constant 48 : index
      %swap3A_531 = tpu.vector_load %arg22[%swap3A_530] {strides = array<i32>} : memref<144xi32, #tpu.memory_space<vmem>>, vector<16xi32>,
      tpu.vector_store %arg22[%swap3A_530], %and3A_529 {strides = array<i32>} : memref<144xi32, #tpu.memory_space<vmem>>, vector<16xi32>,
      %get3A_532 = arith.constant 64 : index
      %get3A_533 = tpu.vector_load %arg20[%get3A_532] {strides = array<i32>} : memref<128xi32, #tpu.memory_space<vmem>>, vector<16xi32>,
      %swap3A_534 = arith.constant 64 : index
      %swap3A_535 = tpu.vector_load %arg28[%swap3A_534] {strides = array<i32>} : memref<128xi32, #tpu.memory_space<vmem>>, vector<16xi32>,
      tpu.vector_store %arg28[%swap3A_534], %get3A_533 {strides = array<i32>} : memref<128xi32, #tpu.memory_space<vmem>>, vector<16xi32>,
      %shift_right_logical3A_536 = arith.constant 3 : i32
      %shift_right_logical3A_537 = vector.broadcast %shift_right_logical3A_536 : i32 to vector<16xi32>
      %shift_right_logical3A_538 = arith.shrui %get3A_533, %shift_right_logical3A_537 : vector<16xi32>
      %swap3A_539 = arith.constant 64 : index
      %swap3A_540 = tpu.vector_load %arg21[%swap3A_539] {strides = array<i32>} : memref<128xi32, #tpu.memory_space<vmem>>, vector<16xi32>,
      tpu.vector_store %arg21[%swap3A_539], %shift_right_logical3A_538 {strides = array<i32>} : memref<128xi32, #tpu.memory_space<vmem>>, vector<16xi32>,
      %and3A_541 = arith.constant 7 : i32
      %and3A_542 = vector.broadcast %and3A_541 : i32 to vector<16xi32>
      %and3A_543 = arith.andi %get3A_533, %and3A_542 : vector<16xi32>
      %swap3A_544 = arith.constant 64 : index
      %swap3A_545 = tpu.vector_load %arg22[%swap3A_544] {strides = array<i32>} : memref<144xi32, #tpu.memory_space<vmem>>, vector<16xi32>,
      tpu.vector_store %arg22[%swap3A_544], %and3A_543 {strides = array<i32>} : memref<144xi32, #tpu.memory_space<vmem>>, vector<16xi32>,
      %get3A_546 = arith.constant 80 : index
      %get3A_547 = tpu.vector_load %arg20[%get3A_546] {strides = array<i32>} : memref<128xi32, #tpu.memory_space<vmem>>, vector<16xi32>,
      %swap3A_548 = arith.constant 80 : index
      %swap3A_549 = tpu.vector_load %arg28[%swap3A_548] {strides = array<i32>} : memref<128xi32, #tpu.memory_space<vmem>>, vector<16xi32>,
      tpu.vector_store %arg28[%swap3A_548], %get3A_547 {strides = array<i32>} : memref<128xi32, #tpu.memory_space<vmem>>, vector<16xi32>,
      %shift_right_logical3A_550 = arith.constant 3 : i32
      %shift_right_logical3A_551 = vector.broadcast %shift_right_logical3A_550 : i32 to vector<16xi32>
      %shift_right_logical3A_552 = arith.shrui %get3A_547, %shift_right_logical3A_551 : vector<16xi32>
      %swap3A_553 = arith.constant 80 : index
      %swap3A_554 = tpu.vector_load %arg21[%swap3A_553] {strides = array<i32>} : memref<128xi32, #tpu.memory_space<vmem>>, vector<16xi32>,
      tpu.vector_store %arg21[%swap3A_553], %shift_right_logical3A_552 {strides = array<i32>} : memref<128xi32, #tpu.memory_space<vmem>>, vector<16xi32>,
      %and3A_555 = arith.constant 7 : i32
      %and3A_556 = vector.broadcast %and3A_555 : i32 to vector<16xi32>
      %and3A_557 = arith.andi %get3A_547, %and3A_556 : vector<16xi32>
      %swap3A_558 = arith.constant 80 : index
      %swap3A_559 = tpu.vector_load %arg22[%swap3A_558] {strides = array<i32>} : memref<144xi32, #tpu.memory_space<vmem>>, vector<16xi32>,
      tpu.vector_store %arg22[%swap3A_558], %and3A_557 {strides = array<i32>} : memref<144xi32, #tpu.memory_space<vmem>>, vector<16xi32>,
      %get3A_560 = arith.constant 96 : index
      %get3A_561 = tpu.vector_load %arg20[%get3A_560] {strides = array<i32>} : memref<128xi32, #tpu.memory_space<vmem>>, vector<16xi32>,
      %swap3A_562 = arith.constant 96 : index
      %swap3A_563 = tpu.vector_load %arg28[%swap3A_562] {strides = array<i32>} : memref<128xi32, #tpu.memory_space<vmem>>, vector<16xi32>,
      tpu.vector_store %arg28[%swap3A_562], %get3A_561 {strides = array<i32>} : memref<128xi32, #tpu.memory_space<vmem>>, vector<16xi32>,
      %shift_right_logical3A_564 = arith.constant 3 : i32
      %shift_right_logical3A_565 = vector.broadcast %shift_right_logical3A_564 : i32 to vector<16xi32>
      %shift_right_logical3A_566 = arith.shrui %get3A_561, %shift_right_logical3A_565 : vector<16xi32>
      %swap3A_567 = arith.constant 96 : index
      %swap3A_568 = tpu.vector_load %arg21[%swap3A_567] {strides = array<i32>} : memref<128xi32, #tpu.memory_space<vmem>>, vector<16xi32>,
      tpu.vector_store %arg21[%swap3A_567], %shift_right_logical3A_566 {strides = array<i32>} : memref<128xi32, #tpu.memory_space<vmem>>, vector<16xi32>,
      %and3A_569 = arith.constant 7 : i32
      %and3A_570 = vector.broadcast %and3A_569 : i32 to vector<16xi32>
      %and3A_571 = arith.andi %get3A_561, %and3A_570 : vector<16xi32>
      %swap3A_572 = arith.constant 96 : index
      %swap3A_573 = tpu.vector_load %arg22[%swap3A_572] {strides = array<i32>} : memref<144xi32, #tpu.memory_space<vmem>>, vector<16xi32>,
      tpu.vector_store %arg22[%swap3A_572], %and3A_571 {strides = array<i32>} : memref<144xi32, #tpu.memory_space<vmem>>, vector<16xi32>,
      %get3A_574 = arith.constant 112 : index
      %get3A_575 = tpu.vector_load %arg20[%get3A_574] {strides = array<i32>} : memref<128xi32, #tpu.memory_space<vmem>>, vector<16xi32>,
      %swap3A_576 = arith.constant 112 : index
      %swap3A_577 = tpu.vector_load %arg28[%swap3A_576] {strides = array<i32>} : memref<128xi32, #tpu.memory_space<vmem>>, vector<16xi32>,
      tpu.vector_store %arg28[%swap3A_576], %get3A_575 {strides = array<i32>} : memref<128xi32, #tpu.memory_space<vmem>>, vector<16xi32>,
      %shift_right_logical3A_578 = arith.constant 3 : i32
      %shift_right_logical3A_579 = vector.broadcast %shift_right_logical3A_578 : i32 to vector<16xi32>
      %shift_right_logical3A_580 = arith.shrui %get3A_575, %shift_right_logical3A_579 : vector<16xi32>
      %swap3A_581 = arith.constant 112 : index
      %swap3A_582 = tpu.vector_load %arg21[%swap3A_581] {strides = array<i32>} : memref<128xi32, #tpu.memory_space<vmem>>, vector<16xi32>,
      tpu.vector_store %arg21[%swap3A_581], %shift_right_logical3A_580 {strides = array<i32>} : memref<128xi32, #tpu.memory_space<vmem>>, vector<16xi32>,
      %and3A_583 = arith.constant 7 : i32
      %and3A_584 = vector.broadcast %and3A_583 : i32 to vector<16xi32>
      %and3A_585 = arith.andi %get3A_575, %and3A_584 : vector<16xi32>
      %swap3A_586 = arith.constant 112 : index
      %swap3A_587 = tpu.vector_load %arg22[%swap3A_586] {strides = array<i32>} : memref<144xi32, #tpu.memory_space<vmem>>, vector<16xi32>,
      tpu.vector_store %arg22[%swap3A_586], %and3A_585 {strides = array<i32>} : memref<144xi32, #tpu.memory_space<vmem>>, vector<16xi32>,
      %dma_start3A_588 = arith.constant 0 : i32
      %dma_start3A_589 = arith.constant 0 : i32
      %dma_start3A_590 = tpu.memref_slice %arg2[%dma_start3A_588, %dma_start3A_589] : memref<50000x32xf32, #tpu.memory_space<hbm>> -> memref<50000x32xf32, #tpu.memory_space<hbm>>
      tpu.enqueue_indirect_dma source(%dma_start3A_590 : memref<50000x32xf32, #tpu.memory_space<hbm>>) target(%arg12 : memref<128x32xf32, #tpu.memory_space<vmem>>) offsets(%arg18 : memref<128xi32, #tpu.memory_space<vmem>>) semaphore(%arg31 : memref<!tpu.dma_semaphore, #tpu.memory_space<semaphore_mem>>)
      %dma_start3A_591 = arith.constant 0 : i32
      %dma_start3A_592 = arith.constant 0 : i32
      %dma_start3A_593 = tpu.memref_slice %arg3[%dma_start3A_591, %dma_start3A_592] : memref<50000x32xf32, #tpu.memory_space<hbm>> -> memref<50000x32xf32, #tpu.memory_space<hbm>>
      tpu.enqueue_indirect_dma source(%dma_start3A_593 : memref<50000x32xf32, #tpu.memory_space<hbm>>) target(%arg13 : memref<128x32xf32, #tpu.memory_space<vmem>>) offsets(%arg19 : memref<128xi32, #tpu.memory_space<vmem>>) semaphore(%arg31 : memref<!tpu.dma_semaphore, #tpu.memory_space<semaphore_mem>>)
      %dma_wait3A_594 = arith.constant 0 : i32
      %dma_wait3A_595 = arith.constant 0 : i32
      %dma_wait3A_596 = tpu.memref_slice %arg2[%dma_wait3A_594, %dma_wait3A_595] : memref<50000x32xf32, #tpu.memory_space<hbm>> -> memref<128x32xf32, #tpu.memory_space<hbm>>
      %dma_wait3A_597 = arith.constant 0 : i32
      %dma_wait3A_598 = arith.constant 0 : i32
      %dma_wait3A_599 = tpu.memref_slice %arg2[%dma_wait3A_597, %dma_wait3A_598] : memref<50000x32xf32, #tpu.memory_space<hbm>> -> memref<128x32xf32, #tpu.memory_space<hbm>>
      tpu.wait_dma2 semaphore(%arg32 : memref<!tpu.dma_semaphore, #tpu.memory_space<semaphore_mem>>) src(%dma_wait3A_599 : memref<128x32xf32, #tpu.memory_space<hbm>>) dst(%arg14 : memref<128x32xf32, #tpu.memory_space<vmem>>)
      %dma_wait3A_600 = arith.constant 0 : i32
      %dma_wait3A_601 = arith.constant 0 : i32
      %dma_wait3A_602 = tpu.memref_slice %arg2[%dma_wait3A_600, %dma_wait3A_601] : memref<50000x32xf32, #tpu.memory_space<hbm>> -> memref<128x32xf32, #tpu.memory_space<hbm>>
      %dma_wait3A_603 = arith.constant 0 : i32
      %dma_wait3A_604 = arith.constant 0 : i32
      %dma_wait3A_605 = tpu.memref_slice %arg2[%dma_wait3A_603, %dma_wait3A_604] : memref<50000x32xf32, #tpu.memory_space<hbm>> -> memref<128x32xf32, #tpu.memory_space<hbm>>
      tpu.wait_dma2 semaphore(%arg32 : memref<!tpu.dma_semaphore, #tpu.memory_space<semaphore_mem>>) src(%dma_wait3A_605 : memref<128x32xf32, #tpu.memory_space<hbm>>) dst(%arg15 : memref<128x32xf32, #tpu.memory_space<vmem>>)
      %add3A_606 = arith.addi %mul3A_2, %mul3A_263 : i32
      %add3A_607 = arith.constant 3 : i32
      %add3A_608 = arith.addi %add3A_606, %add3A_607 : i32
      %dma_start3A_609 = arith.constant 0 : i32
      %dma_start3A_610 = tpu.memref_slice %arg4[%add3A_608, %dma_start3A_609] : memref<6274x128xi32, #tpu.memory_space<hbm>> -> memref<1x128xi32, #tpu.memory_space<hbm>>
      %dma_start3A_611 = tpu.memref_squeeze %dma_start3A_610 : memref<1x128xi32, #tpu.memory_space<hbm>> -> memref<128xi32, #tpu.memory_space<hbm>>
      %dma_start3A_612 = arith.constant 0 : i32
      %dma_start3A_613 = tpu.memref_slice %arg4[%add3A_608, %dma_start3A_612] : memref<6274x128xi32, #tpu.memory_space<hbm>> -> memref<1x128xi32, #tpu.memory_space<hbm>>
      %dma_start3A_614 = tpu.memref_squeeze %dma_start3A_613 : memref<1x128xi32, #tpu.memory_space<hbm>> -> memref<128xi32, #tpu.memory_space<hbm>>
      tpu.enqueue_dma source(%dma_start3A_614 : memref<128xi32, #tpu.memory_space<hbm>>) target(%arg23 : memref<128xi32, #tpu.memory_space<vmem>>) target_semaphore(%arg34 : memref<!tpu.dma_semaphore, #tpu.memory_space<semaphore_mem>>)
      %dma_start3A_615 = arith.constant 0 : i32
      %dma_start3A_616 = tpu.memref_slice %arg5[%add3A_608, %dma_start3A_615] : memref<6274x128xi32, #tpu.memory_space<hbm>> -> memref<1x128xi32, #tpu.memory_space<hbm>>
      %dma_start3A_617 = tpu.memref_squeeze %dma_start3A_616 : memref<1x128xi32, #tpu.memory_space<hbm>> -> memref<128xi32, #tpu.memory_space<hbm>>
      %dma_start3A_618 = arith.constant 0 : i32
      %dma_start3A_619 = tpu.memref_slice %arg5[%add3A_608, %dma_start3A_618] : memref<6274x128xi32, #tpu.memory_space<hbm>> -> memref<1x128xi32, #tpu.memory_space<hbm>>
      %dma_start3A_620 = tpu.memref_squeeze %dma_start3A_619 : memref<1x128xi32, #tpu.memory_space<hbm>> -> memref<128xi32, #tpu.memory_space<hbm>>
      tpu.enqueue_dma source(%dma_start3A_620 : memref<128xi32, #tpu.memory_space<hbm>>) target(%arg24 : memref<128xi32, #tpu.memory_space<vmem>>) target_semaphore(%arg34 : memref<!tpu.dma_semaphore, #tpu.memory_space<semaphore_mem>>)
      %dma_start3A_621 = arith.constant 0 : i32
      %dma_start3A_622 = tpu.memref_slice %arg6[%add3A_608, %dma_start3A_621] : memref<6274x128xi32, #tpu.memory_space<hbm>> -> memref<1x128xi32, #tpu.memory_space<hbm>>
      %dma_start3A_623 = tpu.memref_squeeze %dma_start3A_622 : memref<1x128xi32, #tpu.memory_space<hbm>> -> memref<128xi32, #tpu.memory_space<hbm>>
      %dma_start3A_624 = arith.constant 0 : i32
      %dma_start3A_625 = tpu.memref_slice %arg6[%add3A_608, %dma_start3A_624] : memref<6274x128xi32, #tpu.memory_space<hbm>> -> memref<1x128xi32, #tpu.memory_space<hbm>>
      %dma_start3A_626 = tpu.memref_squeeze %dma_start3A_625 : memref<1x128xi32, #tpu.memory_space<hbm>> -> memref<128xi32, #tpu.memory_space<hbm>>
      tpu.enqueue_dma source(%dma_start3A_626 : memref<128xi32, #tpu.memory_space<hbm>>) target(%arg25 : memref<128xi32, #tpu.memory_space<vmem>>) target_semaphore(%arg34 : memref<!tpu.dma_semaphore, #tpu.memory_space<semaphore_mem>>)
      %scan3A_627 = arith.constant 0 : i32
      %scan3A_628 = arith.constant 0 : i32
      %scan3A_629 = arith.constant 128 : i32
      %scan3A_630 = arith.addi %scan3A_628, %scan3A_629 : i32
      %scan3A_631 = arith.constant 1 : i32
      %scan3A_632 = scf.for %scan3A_647 = %scan3A_628 to %scan3A_630 step %scan3A_631 iter_args(%scan3A_648 = %scan3A_627) -> (i32)  : i32 {
        %get3A_649 = arith.index_cast %scan3A_647 : i32 to index
        %get3A_650 = arith.constant 0 : index
        %get3A_651 = tpu.vector_load %arg14[%get3A_649, %get3A_650] {strides = array<i32>} : memref<128x32xf32, #tpu.memory_space<vmem>>, vector<16xf32>,
        %get3A_652 = arith.index_cast %scan3A_647 : i32 to index
        %get3A_653 = arith.constant 16 : index
        %get3A_654 = tpu.vector_load %arg14[%get3A_652, %get3A_653] {strides = array<i32>} : memref<128x32xf32, #tpu.memory_space<vmem>>, vector<16xf32>,
        %get3A_655 = arith.index_cast %scan3A_647 : i32 to index
        %get3A_656 = arith.constant 0 : index
        %get3A_657 = tpu.vector_load %arg15[%get3A_655, %get3A_656] {strides = array<i32>} : memref<128x32xf32, #tpu.memory_space<vmem>>, vector<16xf32>,
        %get3A_658 = arith.index_cast %scan3A_647 : i32 to index
        %get3A_659 = arith.constant 16 : index
        %get3A_660 = tpu.vector_load %arg15[%get3A_658, %get3A_659] {strides = array<i32>} : memref<128x32xf32, #tpu.memory_space<vmem>>, vector<16xf32>,
        %add3A_661 = arith.addf %get3A_651, %get3A_657 : vector<16xf32>
        %add3A_662 = arith.addf %get3A_654, %get3A_660 : vector<16xf32>
        %mul3A_663 = arith.constant 2.000000e-01 : f32
        %mul3A_664 = vector.broadcast %mul3A_663 : f32 to vector<16xf32>
        %mul3A_665 = arith.mulf %mul3A_664, %add3A_661 : vector<16xf32>
        %max3A = arith.maximumf %add3A_661, %mul3A_665 : vector<16xf32>
        %mul3A_666 = arith.mulf %max3A, %get3A_34 : vector<16xf32>
        %mul3A_667 = arith.constant 2.000000e-01 : f32
        %mul3A_668 = vector.broadcast %mul3A_667 : f32 to vector<16xf32>
        %mul3A_669 = arith.mulf %mul3A_668, %add3A_662 : vector<16xf32>
        %max3A_670 = arith.maximumf %add3A_662, %mul3A_669 : vector<16xf32>
        %mul3A_671 = arith.mulf %max3A_670, %get3A_38 : vector<16xf32>
        %add3A_672 = arith.addf %mul3A_666, %mul3A_671 : vector<16xf32>
        %reduce_sum3A = arith.constant true
        %reduce_sum3A_673 = vector.broadcast %reduce_sum3A : i1 to vector<16xi1>
        %reduce_sum3A_674 = tpu.scan <sum>, %add3A_672 masked %reduce_sum3A_673 : vector<16xf32>, vector<16xi1> -> vector<16xf32>
        %reduce_sum3A_675 = vector.extract %reduce_sum3A_674[15] : f32 from vector<16xf32>
        %broadcast_in_dim3A_676 = vector.broadcast %reduce_sum3A_675 : f32 to vector<16xf32>
        %exp3A = math.exp %broadcast_in_dim3A_676 : vector<16xf32>
        %mul3A_677 = arith.mulf %get3A_651, %exp3A : vector<16xf32>
        %swap3A_678 = arith.index_cast %scan3A_647 : i32 to index
        %swap3A_679 = arith.constant 0 : index
        %swap3A_680 = tpu.vector_load %arg16[%swap3A_678, %swap3A_679] {strides = array<i32>} : memref<128x32xf32, #tpu.memory_space<vmem>>, vector<16xf32>,
        tpu.vector_store %arg16[%swap3A_678, %swap3A_679], %mul3A_677 {strides = array<i32>} : memref<128x32xf32, #tpu.memory_space<vmem>>, vector<16xf32>,
        %mul3A_681 = arith.mulf %get3A_654, %exp3A : vector<16xf32>
        %swap3A_682 = arith.index_cast %scan3A_647 : i32 to index
        %swap3A_683 = arith.constant 16 : index
        %swap3A_684 = tpu.vector_load %arg16[%swap3A_682, %swap3A_683] {strides = array<i32>} : memref<128x32xf32, #tpu.memory_space<vmem>>, vector<16xf32>,
        tpu.vector_store %arg16[%swap3A_682, %swap3A_683], %mul3A_681 {strides = array<i32>} : memref<128x32xf32, #tpu.memory_space<vmem>>, vector<16xf32>,
        %get3A_685 = arith.index_cast %scan3A_647 : i32 to index
        %get3A_686 = tpu.vector_load %arg27[%get3A_685] {strides = array<i32>} : memref<144xi32, #tpu.memory_space<vmem>>, vector<16xi32>,
        %slice3A = vector.extract_strided_slice %get3A_686 {offsets = [0], sizes = [1], strides = [1]} : vector<16xi32> to vector<1xi32>
        %squeeze3A = vector.extract %slice3A[0] : i32 from vector<1xi32>
        %broadcast_in_dim3A_687 = vector.broadcast %squeeze3A : i32 to vector<16xi32>
        %eq3A = arith.cmpi eq, %iota3A, %broadcast_in_dim3A_687 : vector<16xi32>
        %jit3A = arith.constant 0.000000e+00 : f32
        %broadcast_in_dim3A_688 = vector.broadcast %jit3A : f32 to vector<16xf32>
        %select_n3A = arith.select %eq3A, %exp3A, %broadcast_in_dim3A_688 : vector<16xi1>, vector<16xf32>
        %swap3A_689 = arith.index_cast %scan3A_647 : i32 to index
        %swap3A_690 = arith.constant 0 : index
        %swap3A_691 = tpu.vector_load %arg17[%swap3A_689, %swap3A_690] {strides = array<i32>} : memref<128x16xf32, #tpu.memory_space<vmem>>, vector<16xf32>,
        tpu.vector_store %arg17[%swap3A_689, %swap3A_690], %select_n3A {strides = array<i32>} : memref<128x16xf32, #tpu.memory_space<vmem>>, vector<16xf32>,
        %scan3A_692 = arith.constant 0 : i32
        scf.yield %scan3A_692 : i32
      }
      %scan3A_633 = arith.constant 128 : i32
      %dma_start3A_634 = arith.constant 0 : i32
      %dma_start3A_635 = arith.constant 0 : i32
      %dma_start3A_636 = tpu.memref_slice %arg10[%dma_start3A_634, %dma_start3A_635] : memref<50016x32xf32, #tpu.memory_space<vmem_shared>> -> memref<50016x32xf32, #tpu.memory_space<vmem_shared>>
      tpu.enqueue_indirect_dma source(%arg16 : memref<128x32xf32, #tpu.memory_space<vmem>>) target(%dma_start3A_636 : memref<50016x32xf32, #tpu.memory_space<vmem_shared>>) offsets(%arg29 : memref<128xi32, #tpu.memory_space<vmem>>) semaphore(%arg35 : memref<!tpu.dma_semaphore, #tpu.memory_space<semaphore_mem>>) {add = true}
      %dma_start3A_637 = arith.constant 0 : i32
      %dma_start3A_638 = arith.constant 0 : i32
      %dma_start3A_639 = tpu.memref_slice %arg11[%dma_start3A_637, %dma_start3A_638] : memref<6256x16xf32, #tpu.memory_space<vmem_shared>> -> memref<6256x16xf32, #tpu.memory_space<vmem_shared>>
      tpu.enqueue_indirect_dma source(%arg17 : memref<128x16xf32, #tpu.memory_space<vmem>>) target(%dma_start3A_639 : memref<6256x16xf32, #tpu.memory_space<vmem_shared>>) offsets(%arg26 : memref<128xi32, #tpu.memory_space<vmem>>) semaphore(%arg35 : memref<!tpu.dma_semaphore, #tpu.memory_space<semaphore_mem>>) {add = true}
      %dma_wait3A_640 = arith.constant 0 : i32
      %dma_wait3A_641 = arith.constant 0 : i32
      %dma_wait3A_642 = tpu.memref_slice %arg10[%dma_wait3A_640, %dma_wait3A_641] : memref<50016x32xf32, #tpu.memory_space<vmem_shared>> -> memref<50016x32xf32, #tpu.memory_space<vmem_shared>>
      tpu.wait_indirect_dma semaphore(%arg35 : memref<!tpu.dma_semaphore, #tpu.memory_space<semaphore_mem>>) src(%arg16 : memref<128x32xf32, #tpu.memory_space<vmem>>) dst(%dma_wait3A_642 : memref<50016x32xf32, #tpu.memory_space<vmem_shared>>)
      %dma_wait3A_643 = arith.constant 0 : i32
      %dma_wait3A_644 = arith.constant 0 : i32
      %dma_wait3A_645 = tpu.memref_slice %arg11[%dma_wait3A_643, %dma_wait3A_644] : memref<6256x16xf32, #tpu.memory_space<vmem_shared>> -> memref<6256x16xf32, #tpu.memory_space<vmem_shared>>
      tpu.wait_indirect_dma semaphore(%arg35 : memref<!tpu.dma_semaphore, #tpu.memory_space<semaphore_mem>>) src(%arg17 : memref<128x16xf32, #tpu.memory_space<vmem>>) dst(%dma_wait3A_645 : memref<6256x16xf32, #tpu.memory_space<vmem_shared>>)
      %scan3A_646 = arith.constant 0 : i32
      scf.yield %scan3A_646 : i32
    }
    %scan3A_217 = arith.constant 98 : i32
    %dma_wait3A_218 = arith.constant 0 : i32
    %dma_wait3A_219 = arith.constant 0 : i32
    %dma_wait3A_220 = tpu.memref_slice %arg2[%dma_wait3A_218, %dma_wait3A_219] : memref<50000x32xf32, #tpu.memory_space<hbm>> -> memref<128x32xf32, #tpu.memory_space<hbm>>
    %dma_wait3A_221 = arith.constant 0 : i32
    %dma_wait3A_222 = arith.constant 0 : i32
    %dma_wait3A_223 = tpu.memref_slice %arg2[%dma_wait3A_221, %dma_wait3A_222] : memref<50000x32xf32, #tpu.memory_space<hbm>> -> memref<128x32xf32, #tpu.memory_space<hbm>>
    tpu.wait_dma2 semaphore(%arg31 : memref<!tpu.dma_semaphore, #tpu.memory_space<semaphore_mem>>) src(%dma_wait3A_223 : memref<128x32xf32, #tpu.memory_space<hbm>>) dst(%arg12 : memref<128x32xf32, #tpu.memory_space<vmem>>)
    %dma_wait3A_224 = arith.constant 0 : i32
    %dma_wait3A_225 = arith.constant 0 : i32
    %dma_wait3A_226 = tpu.memref_slice %arg2[%dma_wait3A_224, %dma_wait3A_225] : memref<50000x32xf32, #tpu.memory_space<hbm>> -> memref<128x32xf32, #tpu.memory_space<hbm>>
    %dma_wait3A_227 = arith.constant 0 : i32
    %dma_wait3A_228 = arith.constant 0 : i32
    %dma_wait3A_229 = tpu.memref_slice %arg2[%dma_wait3A_227, %dma_wait3A_228] : memref<50000x32xf32, #tpu.memory_space<hbm>> -> memref<128x32xf32, #tpu.memory_space<hbm>>
    tpu.wait_dma2 semaphore(%arg31 : memref<!tpu.dma_semaphore, #tpu.memory_space<semaphore_mem>>) src(%dma_wait3A_229 : memref<128x32xf32, #tpu.memory_space<hbm>>) dst(%arg13 : memref<128x32xf32, #tpu.memory_space<vmem>>)
    %dma_wait3A_230 = arith.constant 0 : i32
    %dma_wait3A_231 = arith.constant 0 : i32
    %dma_wait3A_232 = tpu.memref_slice %arg4[%dma_wait3A_230, %dma_wait3A_231] : memref<6274x128xi32, #tpu.memory_space<hbm>> -> memref<1x128xi32, #tpu.memory_space<hbm>>
    %dma_wait3A_233 = tpu.memref_squeeze %dma_wait3A_232 : memref<1x128xi32, #tpu.memory_space<hbm>> -> memref<128xi32, #tpu.memory_space<hbm>>
    %dma_wait3A_234 = arith.constant 0 : i32
    %dma_wait3A_235 = tpu.memref_slice %arg4[%dma_wait3A_230, %dma_wait3A_234] : memref<6274x128xi32, #tpu.memory_space<hbm>> -> memref<1x128xi32, #tpu.memory_space<hbm>>
    %dma_wait3A_236 = tpu.memref_squeeze %dma_wait3A_235 : memref<1x128xi32, #tpu.memory_space<hbm>> -> memref<128xi32, #tpu.memory_space<hbm>>
    tpu.wait_dma2 semaphore(%arg34 : memref<!tpu.dma_semaphore, #tpu.memory_space<semaphore_mem>>) src(%dma_wait3A_236 : memref<128xi32, #tpu.memory_space<hbm>>) dst(%arg23 : memref<128xi32, #tpu.memory_space<vmem>>)
    %dma_wait3A_237 = arith.constant 0 : i32
    %dma_wait3A_238 = arith.constant 0 : i32
    %dma_wait3A_239 = tpu.memref_slice %arg4[%dma_wait3A_237, %dma_wait3A_238] : memref<6274x128xi32, #tpu.memory_space<hbm>> -> memref<1x128xi32, #tpu.memory_space<hbm>>
    %dma_wait3A_240 = tpu.memref_squeeze %dma_wait3A_239 : memref<1x128xi32, #tpu.memory_space<hbm>> -> memref<128xi32, #tpu.memory_space<hbm>>
    %dma_wait3A_241 = arith.constant 0 : i32
    %dma_wait3A_242 = tpu.memref_slice %arg4[%dma_wait3A_237, %dma_wait3A_241] : memref<6274x128xi32, #tpu.memory_space<hbm>> -> memref<1x128xi32, #tpu.memory_space<hbm>>
    %dma_wait3A_243 = tpu.memref_squeeze %dma_wait3A_242 : memref<1x128xi32, #tpu.memory_space<hbm>> -> memref<128xi32, #tpu.memory_space<hbm>>
    tpu.wait_dma2 semaphore(%arg34 : memref<!tpu.dma_semaphore, #tpu.memory_space<semaphore_mem>>) src(%dma_wait3A_243 : memref<128xi32, #tpu.memory_space<hbm>>) dst(%arg24 : memref<128xi32, #tpu.memory_space<vmem>>)
    %dma_wait3A_244 = arith.constant 0 : i32
    %dma_wait3A_245 = arith.constant 0 : i32
    %dma_wait3A_246 = tpu.memref_slice %arg4[%dma_wait3A_244, %dma_wait3A_245] : memref<6274x128xi32, #tpu.memory_space<hbm>> -> memref<1x128xi32, #tpu.memory_space<hbm>>
    %dma_wait3A_247 = tpu.memref_squeeze %dma_wait3A_246 : memref<1x128xi32, #tpu.memory_space<hbm>> -> memref<128xi32, #tpu.memory_space<hbm>>
    %dma_wait3A_248 = arith.constant 0 : i32
    %dma_wait3A_249 = tpu.memref_slice %arg4[%dma_wait3A_244, %dma_wait3A_248] : memref<6274x128xi32, #tpu.memory_space<hbm>> -> memref<1x128xi32, #tpu.memory_space<hbm>>
    %dma_wait3A_250 = tpu.memref_squeeze %dma_wait3A_249 : memref<1x128xi32, #tpu.memory_space<hbm>> -> memref<128xi32, #tpu.memory_space<hbm>>
    tpu.wait_dma2 semaphore(%arg34 : memref<!tpu.dma_semaphore, #tpu.memory_space<semaphore_mem>>) src(%dma_wait3A_250 : memref<128xi32, #tpu.memory_space<hbm>>) dst(%arg25 : memref<128xi32, #tpu.memory_space<vmem>>)
    %barrier3A_251 = arith.constant 0 : index
    tpu.barrier barrier_id(%barrier3A_251)
    %mul3A_252 = arith.constant 3126 : i32
    %mul3A_253 = arith.muli %arg1, %mul3A_252 : i32
    %mul3A_254 = arith.constant 3126 : i32
    %mul3A_255 = arith.muli %arg1, %mul3A_254 : i32
    "tpu.region"() ({
      %run_scoped3A = tpu.sem_alloc : memref<!tpu.dma_semaphore, #tpu.memory_space<semaphore_mem>>
      %dma_start3A_260 = arith.constant 0 : i32
      %dma_start3A_261 = tpu.memref_slice %arg8[%arg0, %mul3A_255, %dma_start3A_260] : memref<2x50016x32xf32, #tpu.memory_space<hbm>> -> memref<1x3126x32xf32, #tpu.memory_space<hbm>>
      %dma_start3A_262 = tpu.memref_squeeze %dma_start3A_261 : memref<1x3126x32xf32, #tpu.memory_space<hbm>> -> memref<3126x32xf32, #tpu.memory_space<hbm>>
      %dma_start3A_263 = arith.constant 0 : i32
      %dma_start3A_264 = tpu.memref_slice %arg10[%mul3A_253, %dma_start3A_263] : memref<50016x32xf32, #tpu.memory_space<vmem_shared>> -> memref<3126x32xf32, #tpu.memory_space<vmem_shared>>
      tpu.enqueue_dma source(%dma_start3A_264 : memref<3126x32xf32, #tpu.memory_space<vmem_shared>>) target(%dma_start3A_262 : memref<3126x32xf32, #tpu.memory_space<hbm>>) target_semaphore(%run_scoped3A : memref<!tpu.dma_semaphore, #tpu.memory_space<semaphore_mem>>)
      %dma_wait3A_265 = arith.constant 0 : i32
      %dma_wait3A_266 = tpu.memref_slice %arg8[%arg0, %mul3A_255, %dma_wait3A_265] : memref<2x50016x32xf32, #tpu.memory_space<hbm>> -> memref<1x3126x32xf32, #tpu.memory_space<hbm>>
      %dma_wait3A_267 = tpu.memref_squeeze %dma_wait3A_266 : memref<1x3126x32xf32, #tpu.memory_space<hbm>> -> memref<3126x32xf32, #tpu.memory_space<hbm>>
      %dma_wait3A_268 = arith.constant 0 : i32
      %dma_wait3A_269 = tpu.memref_slice %arg10[%mul3A_253, %dma_wait3A_268] : memref<50016x32xf32, #tpu.memory_space<vmem_shared>> -> memref<3126x32xf32, #tpu.memory_space<vmem_shared>>
      tpu.wait_dma2 semaphore(%run_scoped3A : memref<!tpu.dma_semaphore, #tpu.memory_space<semaphore_mem>>) src(%dma_wait3A_269 : memref<3126x32xf32, #tpu.memory_space<vmem_shared>>) dst(%dma_wait3A_267 : memref<3126x32xf32, #tpu.memory_space<hbm>>)
      tpu.yield
    }) : () -> ()
    %mul3A_256 = arith.constant 391 : i32
    %mul3A_257 = arith.muli %arg1, %mul3A_256 : i32
    %mul3A_258 = arith.constant 391 : i32
    %mul3A_259 = arith.muli %arg1, %mul3A_258 : i32
    "tpu.region"() ({
      %run_scoped3A = tpu.sem_alloc : memref<!tpu.dma_semaphore, #tpu.memory_space<semaphore_mem>>
      %dma_start3A_260 = arith.constant 0 : i32
      %dma_start3A_261 = tpu.memref_slice %arg9[%arg0, %mul3A_259, %dma_start3A_260] : memref<2x6256x16xf32, #tpu.memory_space<hbm>> -> memref<1x391x16xf32, #tpu.memory_space<hbm>>
      %dma_start3A_262 = tpu.memref_squeeze %dma_start3A_261 : memref<1x391x16xf32, #tpu.memory_space<hbm>> -> memref<391x16xf32, #tpu.memory_space<hbm>>
      %dma_start3A_263 = arith.constant 0 : i32
      %dma_start3A_264 = tpu.memref_slice %arg11[%mul3A_257, %dma_start3A_263] : memref<6256x16xf32, #tpu.memory_space<vmem_shared>> -> memref<391x16xf32, #tpu.memory_space<vmem_shared>>
      tpu.enqueue_dma source(%dma_start3A_264 : memref<391x16xf32, #tpu.memory_space<vmem_shared>>) target(%dma_start3A_262 : memref<391x16xf32, #tpu.memory_space<hbm>>) target_semaphore(%run_scoped3A : memref<!tpu.dma_semaphore, #tpu.memory_space<semaphore_mem>>)
      %dma_wait3A_265 = arith.constant 0 : i32
      %dma_wait3A_266 = tpu.memref_slice %arg9[%arg0, %mul3A_259, %dma_wait3A_265] : memref<2x6256x16xf32, #tpu.memory_space<hbm>> -> memref<1x391x16xf32, #tpu.memory_space<hbm>>
      %dma_wait3A_267 = tpu.memref_squeeze %dma_wait3A_266 : memref<1x391x16xf32, #tpu.memory_space<hbm>> -> memref<391x16xf32, #tpu.memory_space<hbm>>
      %dma_wait3A_268 = arith.constant 0 : i32
      %dma_wait3A_269 = tpu.memref_slice %arg11[%mul3A_257, %dma_wait3A_268] : memref<6256x16xf32, #tpu.memory_space<vmem_shared>> -> memref<391x16xf32, #tpu.memory_space<vmem_shared>>
      tpu.wait_dma2 semaphore(%run_scoped3A : memref<!tpu.dma_semaphore, #tpu.memory_space<semaphore_mem>>) src(%dma_wait3A_269 : memref<391x16xf32, #tpu.memory_space<vmem_shared>>) dst(%dma_wait3A_267 : memref<391x16xf32, #tpu.memory_space<hbm>>)
      tpu.yield
    }) : () -> ()
    return
  }
}

module attributes {stable_mosaic.version = 14 : i64} {
  func.func @_mm1_body(%arg0: i32, %arg1: memref<2000x26xf32, #tpu.memory_space<vmem>>, %arg2: memref<26x64xf32, #tpu.memory_space<vmem>>, %arg3: memref<26x64xf32, #tpu.memory_space<vmem>>, %arg4: memref<2x2000x32xf32, #tpu.memory_space<vmem>>, %arg5: memref<2x2000x32xf32, #tpu.memory_space<vmem>>) attributes {dimension_semantics = [#tpu.dimension_semantics<arbitrary>], iteration_bounds = array<i64: 25>, scalar_prefetch = 0 : i64, scratch_operands = 0 : i64, tpu.core_type = #tpu.core_type<tc>, window_params = [{transform_indices = @transform_0, window_bounds = array<i64: 2000, 26>}, {pipeline_mode = #tpu.pipeline_mode<synchronous>, transform_indices = @transform_1, window_bounds = array<i64: 26, 64>}, {pipeline_mode = #tpu.pipeline_mode<synchronous>, transform_indices = @transform_2, window_bounds = array<i64: 26, 64>}, {transform_indices = @transform_3, window_bounds = array<i64: 2, 2000, 32>}, {transform_indices = @transform_4, window_bounds = array<i64: 2, 2000, 32>}]} {
    %get3A = arith.constant 0 : index
    %get3A_0 = arith.constant 0 : index
    %get3A_1 = vector.load %arg1[%get3A, %get3A_0] : memref<2000x26xf32, #tpu.memory_space<vmem>>, vector<2000x26xf32>
    %get3A_2 = arith.constant 0 : index
    %get3A_3 = arith.constant 0 : index
    %get3A_4 = vector.load %arg2[%get3A_2, %get3A_3] : memref<26x64xf32, #tpu.memory_space<vmem>>, vector<26x64xf32>
    %dot_general3A = arith.constant dense<0.000000e+00> : vector<2000x64xf32>
    %dot_general3A_5 = tpu.matmul %get3A_1, %get3A_4, %dot_general3A {dimension_numbers = #tpu.dot_dimension_numbers<[1], [0], [0], [1], [0, 0, 1, 1], [], []>, transpose_lhs_hint = false} : vector<2000x26xf32>, vector<26x64xf32>, vector<2000x64xf32> -> vector<2000x64xf32>
    %get3A_6 = arith.constant 0 : index
    %get3A_7 = arith.constant 0 : index
    %get3A_8 = vector.load %arg3[%get3A_6, %get3A_7] : memref<26x64xf32, #tpu.memory_space<vmem>>, vector<26x64xf32>
    %dot_general3A_9 = arith.constant dense<0.000000e+00> : vector<2000x64xf32>
    %dot_general3A_10 = tpu.matmul %get3A_1, %get3A_8, %dot_general3A_9 {dimension_numbers = #tpu.dot_dimension_numbers<[1], [0], [0], [1], [0, 0, 1, 1], [], []>, transpose_lhs_hint = false} : vector<2000x26xf32>, vector<26x64xf32>, vector<2000x64xf32> -> vector<2000x64xf32>
    %slice3A = vector.extract_strided_slice %dot_general3A_5 {offsets = [0, 0], sizes = [2000, 32], strides = [1, 1]} : vector<2000x64xf32> to vector<2000x32xf32>
    %swap3A = arith.constant 0 : index
    %swap3A_11 = arith.constant 0 : index
    %swap3A_12 = arith.constant 0 : index
    %swap3A_13 = vector.load %arg4[%swap3A, %swap3A_11, %swap3A_12] : memref<2x2000x32xf32, #tpu.memory_space<vmem>>, vector<1x2000x32xf32>
    %swap3A_14 = vector.shape_cast %swap3A_13 : vector<1x2000x32xf32> to vector<2000x32xf32>
    %swap3A_15 = vector.shape_cast %slice3A : vector<2000x32xf32> to vector<1x2000x32xf32>
    tpu.vector_store %arg4[%swap3A, %swap3A_11, %swap3A_12], %swap3A_15 {strides = array<i32>} : memref<2x2000x32xf32, #tpu.memory_space<vmem>>, vector<1x2000x32xf32>,
    %slice3A_16 = vector.extract_strided_slice %dot_general3A_5 {offsets = [0, 32], sizes = [2000, 32], strides = [1, 1]} : vector<2000x64xf32> to vector<2000x32xf32>
    %swap3A_17 = arith.constant 1 : index
    %swap3A_18 = arith.constant 0 : index
    %swap3A_19 = arith.constant 0 : index
    %swap3A_20 = vector.load %arg4[%swap3A_17, %swap3A_18, %swap3A_19] : memref<2x2000x32xf32, #tpu.memory_space<vmem>>, vector<1x2000x32xf32>
    %swap3A_21 = vector.shape_cast %swap3A_20 : vector<1x2000x32xf32> to vector<2000x32xf32>
    %swap3A_22 = vector.shape_cast %slice3A_16 : vector<2000x32xf32> to vector<1x2000x32xf32>
    tpu.vector_store %arg4[%swap3A_17, %swap3A_18, %swap3A_19], %swap3A_22 {strides = array<i32>} : memref<2x2000x32xf32, #tpu.memory_space<vmem>>, vector<1x2000x32xf32>,
    %slice3A_23 = vector.extract_strided_slice %dot_general3A_10 {offsets = [0, 0], sizes = [2000, 32], strides = [1, 1]} : vector<2000x64xf32> to vector<2000x32xf32>
    %swap3A_24 = arith.constant 0 : index
    %swap3A_25 = arith.constant 0 : index
    %swap3A_26 = arith.constant 0 : index
    %swap3A_27 = vector.load %arg5[%swap3A_24, %swap3A_25, %swap3A_26] : memref<2x2000x32xf32, #tpu.memory_space<vmem>>, vector<1x2000x32xf32>
    %swap3A_28 = vector.shape_cast %swap3A_27 : vector<1x2000x32xf32> to vector<2000x32xf32>
    %swap3A_29 = vector.shape_cast %slice3A_23 : vector<2000x32xf32> to vector<1x2000x32xf32>
    tpu.vector_store %arg5[%swap3A_24, %swap3A_25, %swap3A_26], %swap3A_29 {strides = array<i32>} : memref<2x2000x32xf32, #tpu.memory_space<vmem>>, vector<1x2000x32xf32>,
    %slice3A_30 = vector.extract_strided_slice %dot_general3A_10 {offsets = [0, 32], sizes = [2000, 32], strides = [1, 1]} : vector<2000x64xf32> to vector<2000x32xf32>
    %swap3A_31 = arith.constant 1 : index
    %swap3A_32 = arith.constant 0 : index
    %swap3A_33 = arith.constant 0 : index
    %swap3A_34 = vector.load %arg5[%swap3A_31, %swap3A_32, %swap3A_33] : memref<2x2000x32xf32, #tpu.memory_space<vmem>>, vector<1x2000x32xf32>
    %swap3A_35 = vector.shape_cast %swap3A_34 : vector<1x2000x32xf32> to vector<2000x32xf32>
    %swap3A_36 = vector.shape_cast %slice3A_30 : vector<2000x32xf32> to vector<1x2000x32xf32>
    tpu.vector_store %arg5[%swap3A_31, %swap3A_32, %swap3A_33], %swap3A_36 {strides = array<i32>} : memref<2x2000x32xf32, #tpu.memory_space<vmem>>, vector<1x2000x32xf32>,
    return
  }
  func.func @transform_0(%arg0: i32) -> (i32, i32) {
    %c0_i32 = arith.constant 0 : i32
    %c0_i32_0 = arith.constant 0 : i32
    return %arg0, %c0_i32 : i32, i32
  }
  func.func @transform_1(%arg0: i32) -> (i32, i32) {
    %c0_i32 = arith.constant 0 : i32
    %c0_i32_0 = arith.constant 0 : i32
    %c0_i32_1 = arith.constant 0 : i32
    return %c0_i32, %c0_i32_0 : i32, i32
  }
  func.func @transform_2(%arg0: i32) -> (i32, i32) {
    %c0_i32 = arith.constant 0 : i32
    %c0_i32_0 = arith.constant 0 : i32
    %c0_i32_1 = arith.constant 0 : i32
    return %c0_i32, %c0_i32_0 : i32, i32
  }
  func.func @transform_3(%arg0: i32) -> (i32, i32, i32) {
    %c0_i32 = arith.constant 0 : i32
    %c0_i32_0 = arith.constant 0 : i32
    %c0_i32_1 = arith.constant 0 : i32
    return %c0_i32, %arg0, %c0_i32_0 : i32, i32, i32
  }
  func.func @transform_4(%arg0: i32) -> (i32, i32, i32) {
    %c0_i32 = arith.constant 0 : i32
    %c0_i32_0 = arith.constant 0 : i32
    %c0_i32_1 = arith.constant 0 : i32
    return %c0_i32, %arg0, %c0_i32_0 : i32, i32, i32
  }
}

module attributes {stable_mosaic.version = 14 : i64} {
  func.func @_norm1_body(%arg0: i32, %arg1: memref<2x2000x32xf32, #tpu.memory_space<vmem>>, %arg2: memref<2x2000x1xf32, #tpu.memory_space<vmem>>, %arg3: memref<2x2000x32xf32, #tpu.memory_space<vmem>>, %arg4: memref<2x2000x32xf32, #tpu.memory_space<vmem>>, %arg5: memref<2x32xf32, #tpu.memory_space<vmem>>, %arg6: memref<64xf32, #tpu.memory_space<vmem>>, %arg7: memref<2000x64xf32, #tpu.memory_space<vmem>>, %arg8: memref<8x64xf32, #tpu.memory_space<vmem>>) attributes {dimension_semantics = [#tpu.dimension_semantics<arbitrary>], iteration_bounds = array<i64: 25>, scalar_prefetch = 0 : i64, scratch_operands = 0 : i64, tpu.core_type = #tpu.core_type<tc>, window_params = [{transform_indices = @transform_0, window_bounds = array<i64: 2, 2000, 32>}, {transform_indices = @transform_1, window_bounds = array<i64: 2, 2000, 1>}, {transform_indices = @transform_2, window_bounds = array<i64: 2, 2000, 32>}, {transform_indices = @transform_3, window_bounds = array<i64: 2, 2000, 32>}, {pipeline_mode = #tpu.pipeline_mode<synchronous>, transform_indices = @transform_4, window_bounds = array<i64: 2, 32>}, {pipeline_mode = #tpu.pipeline_mode<synchronous>, transform_indices = @transform_5, window_bounds = array<i64: 64>}, {transform_indices = @transform_6, window_bounds = array<i64: 2000, 64>}, {pipeline_mode = #tpu.pipeline_mode<synchronous>, transform_indices = @transform_7, window_bounds = array<i64: 8, 64>}]} {
    %get3A = arith.constant 0 : index
    %get3A_0 = arith.constant 0 : index
    %get3A_1 = arith.constant 0 : index
    %get3A_2 = vector.load %arg1[%get3A, %get3A_0, %get3A_1] : memref<2x2000x32xf32, #tpu.memory_space<vmem>>, vector<1x2000x32xf32>
    %get3A_3 = vector.shape_cast %get3A_2 : vector<1x2000x32xf32> to vector<2000x32xf32>
    %get3A_4 = arith.constant 0 : index
    %get3A_5 = arith.constant 0 : index
    %get3A_6 = arith.constant 0 : index
    %get3A_7 = vector.load %arg2[%get3A_4, %get3A_5, %get3A_6] : memref<2x2000x1xf32, #tpu.memory_space<vmem>>, vector<1x2000x1xf32>
    %get3A_8 = vector.shape_cast %get3A_7 : vector<1x2000x1xf32> to vector<2000x1xf32>
    %get3A_9 = arith.constant 0 : index
    %get3A_10 = arith.constant 0 : index
    %get3A_11 = arith.constant 0 : index
    %get3A_12 = vector.load %arg3[%get3A_9, %get3A_10, %get3A_11] : memref<2x2000x32xf32, #tpu.memory_space<vmem>>, vector<1x2000x32xf32>
    %get3A_13 = vector.shape_cast %get3A_12 : vector<1x2000x32xf32> to vector<2000x32xf32>
    %get3A_14 = arith.constant 0 : index
    %get3A_15 = arith.constant 0 : index
    %get3A_16 = arith.constant 0 : index
    %get3A_17 = vector.load %arg4[%get3A_14, %get3A_15, %get3A_16] : memref<2x2000x32xf32, #tpu.memory_space<vmem>>, vector<1x2000x32xf32>
    %get3A_18 = vector.shape_cast %get3A_17 : vector<1x2000x32xf32> to vector<2000x32xf32>
    %add3A = arith.addf %get3A_13, %get3A_18 : vector<2000x32xf32>
    %mul3A = arith.constant 2.000000e-01 : f32
    %mul3A_19 = vector.broadcast %mul3A : f32 to vector<2000x32xf32>
    %mul3A_20 = arith.mulf %mul3A_19, %add3A : vector<2000x32xf32>
    %max3A = arith.maximumf %add3A, %mul3A_20 : vector<2000x32xf32>
    %get3A_21 = arith.constant 0 : index
    %get3A_22 = arith.constant 0 : index
    %get3A_23 = vector.load %arg5[%get3A_21, %get3A_22] : memref<2x32xf32, #tpu.memory_space<vmem>>, vector<1x32xf32>
    %get3A_24 = vector.shape_cast %get3A_23 : vector<1x32xf32> to vector<32xf32>
    %broadcast_in_dim3A = vector.shape_cast %get3A_24 : vector<32xf32> to vector<1x32xf32>
    %mul3A_25 = vector.broadcast %broadcast_in_dim3A : vector<1x32xf32> to vector<2000x32xf32>
    %mul3A_26 = arith.mulf %max3A, %mul3A_25 : vector<2000x32xf32>
    %reduce_sum3A = arith.constant dense<0.000000e+00> : vector<2000xf32>
    %reduce_sum3A_27 = vector.multi_reduction <add>, %mul3A_26, %reduce_sum3A [1] : vector<2000x32xf32> to vector<2000xf32>
    %broadcast_in_dim3A_28 = vector.shape_cast %reduce_sum3A_27 : vector<2000xf32> to vector<2000x1xf32>
    %exp3A = math.exp %broadcast_in_dim3A_28 : vector<2000x1xf32>
    %mul3A_29 = vector.broadcast %exp3A : vector<2000x1xf32> to vector<2000x32xf32>
    %mul3A_30 = arith.mulf %mul3A_29, %get3A_13 : vector<2000x32xf32>
    %add3A_31 = arith.addf %get3A_3, %mul3A_30 : vector<2000x32xf32>
    %add3A_32 = arith.addf %get3A_8, %exp3A : vector<2000x1xf32>
    %add3A_33 = arith.constant 1.000000e-16 : f32
    %add3A_34 = vector.broadcast %add3A_33 : f32 to vector<2000x1xf32>
    %add3A_35 = arith.addf %add3A_32, %add3A_34 : vector<2000x1xf32>
    %div3A = vector.broadcast %add3A_35 : vector<2000x1xf32> to vector<2000x32xf32>
    %div3A_36 = arith.divf %add3A_31, %div3A : vector<2000x32xf32>
    %get3A_37 = arith.constant 1 : index
    %get3A_38 = arith.constant 0 : index
    %get3A_39 = arith.constant 0 : index
    %get3A_40 = vector.load %arg1[%get3A_37, %get3A_38, %get3A_39] : memref<2x2000x32xf32, #tpu.memory_space<vmem>>, vector<1x2000x32xf32>
    %get3A_41 = vector.shape_cast %get3A_40 : vector<1x2000x32xf32> to vector<2000x32xf32>
    %get3A_42 = arith.constant 1 : index
    %get3A_43 = arith.constant 0 : index
    %get3A_44 = arith.constant 0 : index
    %get3A_45 = vector.load %arg2[%get3A_42, %get3A_43, %get3A_44] : memref<2x2000x1xf32, #tpu.memory_space<vmem>>, vector<1x2000x1xf32>
    %get3A_46 = vector.shape_cast %get3A_45 : vector<1x2000x1xf32> to vector<2000x1xf32>
    %get3A_47 = arith.constant 1 : index
    %get3A_48 = arith.constant 0 : index
    %get3A_49 = arith.constant 0 : index
    %get3A_50 = vector.load %arg3[%get3A_47, %get3A_48, %get3A_49] : memref<2x2000x32xf32, #tpu.memory_space<vmem>>, vector<1x2000x32xf32>
    %get3A_51 = vector.shape_cast %get3A_50 : vector<1x2000x32xf32> to vector<2000x32xf32>
    %get3A_52 = arith.constant 1 : index
    %get3A_53 = arith.constant 0 : index
    %get3A_54 = arith.constant 0 : index
    %get3A_55 = vector.load %arg4[%get3A_52, %get3A_53, %get3A_54] : memref<2x2000x32xf32, #tpu.memory_space<vmem>>, vector<1x2000x32xf32>
    %get3A_56 = vector.shape_cast %get3A_55 : vector<1x2000x32xf32> to vector<2000x32xf32>
    %add3A_57 = arith.addf %get3A_51, %get3A_56 : vector<2000x32xf32>
    %mul3A_58 = arith.constant 2.000000e-01 : f32
    %mul3A_59 = vector.broadcast %mul3A_58 : f32 to vector<2000x32xf32>
    %mul3A_60 = arith.mulf %mul3A_59, %add3A_57 : vector<2000x32xf32>
    %max3A_61 = arith.maximumf %add3A_57, %mul3A_60 : vector<2000x32xf32>
    %get3A_62 = arith.constant 1 : index
    %get3A_63 = arith.constant 0 : index
    %get3A_64 = vector.load %arg5[%get3A_62, %get3A_63] : memref<2x32xf32, #tpu.memory_space<vmem>>, vector<1x32xf32>
    %get3A_65 = vector.shape_cast %get3A_64 : vector<1x32xf32> to vector<32xf32>
    %broadcast_in_dim3A_66 = vector.shape_cast %get3A_65 : vector<32xf32> to vector<1x32xf32>
    %mul3A_67 = vector.broadcast %broadcast_in_dim3A_66 : vector<1x32xf32> to vector<2000x32xf32>
    %mul3A_68 = arith.mulf %max3A_61, %mul3A_67 : vector<2000x32xf32>
    %reduce_sum3A_69 = arith.constant dense<0.000000e+00> : vector<2000xf32>
    %reduce_sum3A_70 = vector.multi_reduction <add>, %mul3A_68, %reduce_sum3A_69 [1] : vector<2000x32xf32> to vector<2000xf32>
    %broadcast_in_dim3A_71 = vector.shape_cast %reduce_sum3A_70 : vector<2000xf32> to vector<2000x1xf32>
    %exp3A_72 = math.exp %broadcast_in_dim3A_71 : vector<2000x1xf32>
    %mul3A_73 = vector.broadcast %exp3A_72 : vector<2000x1xf32> to vector<2000x32xf32>
    %mul3A_74 = arith.mulf %mul3A_73, %get3A_51 : vector<2000x32xf32>
    %add3A_75 = arith.addf %get3A_41, %mul3A_74 : vector<2000x32xf32>
    %add3A_76 = arith.addf %get3A_46, %exp3A_72 : vector<2000x1xf32>
    %add3A_77 = arith.constant 1.000000e-16 : f32
    %add3A_78 = vector.broadcast %add3A_77 : f32 to vector<2000x1xf32>
    %add3A_79 = arith.addf %add3A_76, %add3A_78 : vector<2000x1xf32>
    %div3A_80 = vector.broadcast %add3A_79 : vector<2000x1xf32> to vector<2000x32xf32>
    %div3A_81 = arith.divf %add3A_75, %div3A_80 : vector<2000x32xf32>
    %concatenate3A = tpu.concatenate %div3A_36, %div3A_81 in 1 : vector<2000x32xf32>, vector<2000x32xf32> -> vector<2000x64xf32>
    %get3A_82 = arith.constant 0 : index
    %get3A_83 = vector.load %arg6[%get3A_82] : memref<64xf32, #tpu.memory_space<vmem>>, vector<64xf32>
    %broadcast_in_dim3A_84 = vector.shape_cast %get3A_83 : vector<64xf32> to vector<1x64xf32>
    %add3A_85 = vector.broadcast %broadcast_in_dim3A_84 : vector<1x64xf32> to vector<2000x64xf32>
    %add3A_86 = arith.addf %concatenate3A, %add3A_85 : vector<2000x64xf32>
    %swap3A = arith.constant 0 : index
    %swap3A_87 = arith.constant 0 : index
    %swap3A_88 = vector.load %arg7[%swap3A, %swap3A_87] : memref<2000x64xf32, #tpu.memory_space<vmem>>, vector<2000x64xf32>
    tpu.vector_store %arg7[%swap3A, %swap3A_87], %add3A_86 {strides = array<i32>} : memref<2000x64xf32, #tpu.memory_space<vmem>>, vector<2000x64xf32>,
    %eq3A = arith.constant 0 : i32
    %eq3A_89 = arith.cmpi eq, %arg0, %eq3A : i32
    %convert_element_type3A = arith.extui %eq3A_89 : i1 to i32
    %cond3A = arith.constant 0 : i32
    %cond3A_90 = arith.cmpi ne, %convert_element_type3A, %cond3A : i32
    scf.if %cond3A_90 {
      %broadcast_in_dim3A_112 = arith.constant 0.000000e+00 : f32
      %broadcast_in_dim3A_113 = vector.broadcast %broadcast_in_dim3A_112 : f32 to vector<8x64xf32>
      %swap3A_114 = arith.constant 0 : index
      %swap3A_115 = arith.constant 0 : index
      %swap3A_116 = vector.load %arg8[%swap3A_114, %swap3A_115] : memref<8x64xf32, #tpu.memory_space<vmem>>, vector<8x64xf32>
      tpu.vector_store %arg8[%swap3A_114, %swap3A_115], %broadcast_in_dim3A_113 {strides = array<i32>} : memref<8x64xf32, #tpu.memory_space<vmem>>, vector<8x64xf32>,
    } else {
    }
    %get3A_91 = arith.constant 0 : index
    %get3A_92 = arith.constant 0 : index
    %get3A_93 = vector.load %arg8[%get3A_91, %get3A_92] : memref<8x64xf32, #tpu.memory_space<vmem>>, vector<1x64xf32>
    %reduce_sum3A_94 = arith.constant dense<0.000000e+00> : vector<64xf32>
    %reduce_sum3A_95 = vector.multi_reduction <add>, %add3A_86, %reduce_sum3A_94 [0] : vector<2000x64xf32> to vector<64xf32>
    %broadcast_in_dim3A_96 = vector.shape_cast %reduce_sum3A_95 : vector<64xf32> to vector<1x64xf32>
    %add3A_97 = arith.addf %get3A_93, %broadcast_in_dim3A_96 : vector<1x64xf32>
    %swap3A_98 = arith.constant 0 : index
    %swap3A_99 = arith.constant 0 : index
    %swap3A_100 = vector.load %arg8[%swap3A_98, %swap3A_99] : memref<8x64xf32, #tpu.memory_space<vmem>>, vector<1x64xf32>
    tpu.vector_store %arg8[%swap3A_98, %swap3A_99], %add3A_97 {strides = array<i32>} : memref<8x64xf32, #tpu.memory_space<vmem>>, vector<1x64xf32>,
    %get3A_101 = arith.constant 1 : index
    %get3A_102 = arith.constant 0 : index
    %get3A_103 = vector.load %arg8[%get3A_101, %get3A_102] : memref<8x64xf32, #tpu.memory_space<vmem>>, vector<1x64xf32>
    %mul3A_104 = arith.mulf %add3A_86, %add3A_86 : vector<2000x64xf32>
    %reduce_sum3A_105 = arith.constant dense<0.000000e+00> : vector<64xf32>
    %reduce_sum3A_106 = vector.multi_reduction <add>, %mul3A_104, %reduce_sum3A_105 [0] : vector<2000x64xf32> to vector<64xf32>
    %broadcast_in_dim3A_107 = vector.shape_cast %reduce_sum3A_106 : vector<64xf32> to vector<1x64xf32>
    %add3A_108 = arith.addf %get3A_103, %broadcast_in_dim3A_107 : vector<1x64xf32>
    %swap3A_109 = arith.constant 1 : index
    %swap3A_110 = arith.constant 0 : index
    %swap3A_111 = vector.load %arg8[%swap3A_109, %swap3A_110] : memref<8x64xf32, #tpu.memory_space<vmem>>, vector<1x64xf32>
    tpu.vector_store %arg8[%swap3A_109, %swap3A_110], %add3A_108 {strides = array<i32>} : memref<8x64xf32, #tpu.memory_space<vmem>>, vector<1x64xf32>,
    return
  }
  func.func @transform_0(%arg0: i32) -> (i32, i32, i32) {
    %c0_i32 = arith.constant 0 : i32
    %c0_i32_0 = arith.constant 0 : i32
    %c0_i32_1 = arith.constant 0 : i32
    return %c0_i32, %arg0, %c0_i32_0 : i32, i32, i32
  }
  func.func @transform_1(%arg0: i32) -> (i32, i32, i32) {
    %c0_i32 = arith.constant 0 : i32
    %c0_i32_0 = arith.constant 0 : i32
    %c0_i32_1 = arith.constant 0 : i32
    return %c0_i32, %arg0, %c0_i32_0 : i32, i32, i32
  }
  func.func @transform_2(%arg0: i32) -> (i32, i32, i32) {
    %c0_i32 = arith.constant 0 : i32
    %c0_i32_0 = arith.constant 0 : i32
    %c0_i32_1 = arith.constant 0 : i32
    return %c0_i32, %arg0, %c0_i32_0 : i32, i32, i32
  }
  func.func @transform_3(%arg0: i32) -> (i32, i32, i32) {
    %c0_i32 = arith.constant 0 : i32
    %c0_i32_0 = arith.constant 0 : i32
    %c0_i32_1 = arith.constant 0 : i32
    return %c0_i32, %arg0, %c0_i32_0 : i32, i32, i32
  }
  func.func @transform_4(%arg0: i32) -> (i32, i32) {
    %c0_i32 = arith.constant 0 : i32
    %c0_i32_0 = arith.constant 0 : i32
    %c0_i32_1 = arith.constant 0 : i32
    return %c0_i32, %c0_i32_0 : i32, i32
  }
  func.func @transform_5(%arg0: i32) -> i32 {
    %c0_i32 = arith.constant 0 : i32
    %c0_i32_0 = arith.constant 0 : i32
    return %c0_i32 : i32
  }
  func.func @transform_6(%arg0: i32) -> (i32, i32) {
    %c0_i32 = arith.constant 0 : i32
    %c0_i32_0 = arith.constant 0 : i32
    return %arg0, %c0_i32 : i32, i32
  }
  func.func @transform_7(%arg0: i32) -> (i32, i32) {
    %c0_i32 = arith.constant 0 : i32
    %c0_i32_0 = arith.constant 0 : i32
    %c0_i32_1 = arith.constant 0 : i32
    return %c0_i32, %c0_i32_0 : i32, i32
  }
}

module attributes {stable_mosaic.version = 14 : i64} {
  func.func @_x2_body(%arg0: i32, %arg1: memref<2000x64xf32, #tpu.memory_space<vmem>>, %arg2: memref<64xf32, #tpu.memory_space<vmem>>, %arg3: memref<64xf32, #tpu.memory_space<vmem>>, %arg4: memref<64x32xf32, #tpu.memory_space<vmem>>, %arg5: memref<64x32xf32, #tpu.memory_space<vmem>>, %arg6: memref<2000x32xf32, #tpu.memory_space<vmem>>, %arg7: memref<2000x32xf32, #tpu.memory_space<vmem>>) attributes {dimension_semantics = [#tpu.dimension_semantics<arbitrary>], iteration_bounds = array<i64: 25>, scalar_prefetch = 0 : i64, scratch_operands = 0 : i64, tpu.core_type = #tpu.core_type<tc>, window_params = [{transform_indices = @transform_0, window_bounds = array<i64: 2000, 64>}, {pipeline_mode = #tpu.pipeline_mode<synchronous>, transform_indices = @transform_1, window_bounds = array<i64: 64>}, {pipeline_mode = #tpu.pipeline_mode<synchronous>, transform_indices = @transform_2, window_bounds = array<i64: 64>}, {pipeline_mode = #tpu.pipeline_mode<synchronous>, transform_indices = @transform_3, window_bounds = array<i64: 64, 32>}, {pipeline_mode = #tpu.pipeline_mode<synchronous>, transform_indices = @transform_4, window_bounds = array<i64: 64, 32>}, {transform_indices = @transform_5, window_bounds = array<i64: 2000, 32>}, {transform_indices = @transform_6, window_bounds = array<i64: 2000, 32>}]} {
    %get3A = arith.constant 0 : index
    %get3A_0 = arith.constant 0 : index
    %get3A_1 = vector.load %arg1[%get3A, %get3A_0] : memref<2000x64xf32, #tpu.memory_space<vmem>>, vector<2000x64xf32>
    %get3A_2 = arith.constant 0 : index
    %get3A_3 = vector.load %arg2[%get3A_2] : memref<64xf32, #tpu.memory_space<vmem>>, vector<64xf32>
    %broadcast_in_dim3A = vector.shape_cast %get3A_3 : vector<64xf32> to vector<1x64xf32>
    %mul3A = vector.broadcast %broadcast_in_dim3A : vector<1x64xf32> to vector<2000x64xf32>
    %mul3A_4 = arith.mulf %get3A_1, %mul3A : vector<2000x64xf32>
    %get3A_5 = arith.constant 0 : index
    %get3A_6 = vector.load %arg3[%get3A_5] : memref<64xf32, #tpu.memory_space<vmem>>, vector<64xf32>
    %broadcast_in_dim3A_7 = vector.shape_cast %get3A_6 : vector<64xf32> to vector<1x64xf32>
    %add3A = vector.broadcast %broadcast_in_dim3A_7 : vector<1x64xf32> to vector<2000x64xf32>
    %add3A_8 = arith.addf %mul3A_4, %add3A : vector<2000x64xf32>
    %gt3A = arith.constant 0.000000e+00 : f32
    %gt3A_9 = vector.broadcast %gt3A : f32 to vector<2000x64xf32>
    %gt3A_10 = arith.cmpf ogt, %add3A_8, %gt3A_9 : vector<2000x64xf32>
    %exp3A = math.exp %add3A_8 : vector<2000x64xf32>
    %sub3A = arith.constant 1.000000e+00 : f32
    %sub3A_11 = vector.broadcast %sub3A : f32 to vector<2000x64xf32>
    %sub3A_12 = arith.subf %exp3A, %sub3A_11 : vector<2000x64xf32>
    %select_n3A = arith.select %gt3A_10, %add3A_8, %sub3A_12 : vector<2000x64xi1>, vector<2000x64xf32>
    %get3A_13 = arith.constant 0 : index
    %get3A_14 = arith.constant 0 : index
    %get3A_15 = vector.load %arg4[%get3A_13, %get3A_14] : memref<64x32xf32, #tpu.memory_space<vmem>>, vector<64x32xf32>
    %dot_general3A = arith.constant dense<0.000000e+00> : vector<2000x32xf32>
    %dot_general3A_16 = tpu.matmul %select_n3A, %get3A_15, %dot_general3A {dimension_numbers = #tpu.dot_dimension_numbers<[1], [0], [0], [1], [0, 0, 1, 1], [], []>, transpose_lhs_hint = false} : vector<2000x64xf32>, vector<64x32xf32>, vector<2000x32xf32> -> vector<2000x32xf32>
    %swap3A = arith.constant 0 : index
    %swap3A_17 = arith.constant 0 : index
    %swap3A_18 = vector.load %arg6[%swap3A, %swap3A_17] : memref<2000x32xf32, #tpu.memory_space<vmem>>, vector<2000x32xf32>
    tpu.vector_store %arg6[%swap3A, %swap3A_17], %dot_general3A_16 {strides = array<i32>} : memref<2000x32xf32, #tpu.memory_space<vmem>>, vector<2000x32xf32>,
    %get3A_19 = arith.constant 0 : index
    %get3A_20 = arith.constant 0 : index
    %get3A_21 = vector.load %arg5[%get3A_19, %get3A_20] : memref<64x32xf32, #tpu.memory_space<vmem>>, vector<64x32xf32>
    %dot_general3A_22 = arith.constant dense<0.000000e+00> : vector<2000x32xf32>
    %dot_general3A_23 = tpu.matmul %select_n3A, %get3A_21, %dot_general3A_22 {dimension_numbers = #tpu.dot_dimension_numbers<[1], [0], [0], [1], [0, 0, 1, 1], [], []>, transpose_lhs_hint = false} : vector<2000x64xf32>, vector<64x32xf32>, vector<2000x32xf32> -> vector<2000x32xf32>
    %swap3A_24 = arith.constant 0 : index
    %swap3A_25 = arith.constant 0 : index
    %swap3A_26 = vector.load %arg7[%swap3A_24, %swap3A_25] : memref<2000x32xf32, #tpu.memory_space<vmem>>, vector<2000x32xf32>
    tpu.vector_store %arg7[%swap3A_24, %swap3A_25], %dot_general3A_23 {strides = array<i32>} : memref<2000x32xf32, #tpu.memory_space<vmem>>, vector<2000x32xf32>,
    return
  }
  func.func @transform_0(%arg0: i32) -> (i32, i32) {
    %c0_i32 = arith.constant 0 : i32
    %c0_i32_0 = arith.constant 0 : i32
    return %arg0, %c0_i32 : i32, i32
  }
  func.func @transform_1(%arg0: i32) -> i32 {
    %c0_i32 = arith.constant 0 : i32
    %c0_i32_0 = arith.constant 0 : i32
    return %c0_i32 : i32
  }
  func.func @transform_2(%arg0: i32) -> i32 {
    %c0_i32 = arith.constant 0 : i32
    %c0_i32_0 = arith.constant 0 : i32
    return %c0_i32 : i32
  }
  func.func @transform_3(%arg0: i32) -> (i32, i32) {
    %c0_i32 = arith.constant 0 : i32
    %c0_i32_0 = arith.constant 0 : i32
    %c0_i32_1 = arith.constant 0 : i32
    return %c0_i32, %c0_i32_0 : i32, i32
  }
  func.func @transform_4(%arg0: i32) -> (i32, i32) {
    %c0_i32 = arith.constant 0 : i32
    %c0_i32_0 = arith.constant 0 : i32
    %c0_i32_1 = arith.constant 0 : i32
    return %c0_i32, %c0_i32_0 : i32, i32
  }
  func.func @transform_5(%arg0: i32) -> (i32, i32) {
    %c0_i32 = arith.constant 0 : i32
    %c0_i32_0 = arith.constant 0 : i32
    return %arg0, %c0_i32 : i32, i32
  }
  func.func @transform_6(%arg0: i32) -> (i32, i32) {
    %c0_i32 = arith.constant 0 : i32
    %c0_i32_0 = arith.constant 0 : i32
    return %arg0, %c0_i32 : i32, i32
  }
}

module attributes {stable_mosaic.version = 14 : i64} {
  func.func @_norm2_body(%arg0: i32, %arg1: memref<2x2000x32xf32, #tpu.memory_space<vmem>>, %arg2: memref<2x2000x1xf32, #tpu.memory_space<vmem>>, %arg3: memref<2000x32xf32, #tpu.memory_space<vmem>>, %arg4: memref<2000x32xf32, #tpu.memory_space<vmem>>, %arg5: memref<1x32xf32, #tpu.memory_space<vmem>>, %arg6: memref<32xf32, #tpu.memory_space<vmem>>, %arg7: memref<2000x32xf32, #tpu.memory_space<vmem>>, %arg8: memref<8x32xf32, #tpu.memory_space<vmem>>) attributes {dimension_semantics = [#tpu.dimension_semantics<arbitrary>], iteration_bounds = array<i64: 25>, scalar_prefetch = 0 : i64, scratch_operands = 0 : i64, tpu.core_type = #tpu.core_type<tc>, window_params = [{transform_indices = @transform_0, window_bounds = array<i64: 2, 2000, 32>}, {transform_indices = @transform_1, window_bounds = array<i64: 2, 2000, 1>}, {transform_indices = @transform_2, window_bounds = array<i64: 2000, 32>}, {transform_indices = @transform_3, window_bounds = array<i64: 2000, 32>}, {pipeline_mode = #tpu.pipeline_mode<synchronous>, transform_indices = @transform_4, window_bounds = array<i64: 1, 32>}, {pipeline_mode = #tpu.pipeline_mode<synchronous>, transform_indices = @transform_5, window_bounds = array<i64: 32>}, {transform_indices = @transform_6, window_bounds = array<i64: 2000, 32>}, {pipeline_mode = #tpu.pipeline_mode<synchronous>, transform_indices = @transform_7, window_bounds = array<i64: 8, 32>}]} {
    %get3A = arith.constant 0 : index
    %get3A_0 = arith.constant 0 : index
    %get3A_1 = arith.constant 0 : index
    %get3A_2 = vector.load %arg1[%get3A, %get3A_0, %get3A_1] : memref<2x2000x32xf32, #tpu.memory_space<vmem>>, vector<1x2000x32xf32>
    %get3A_3 = vector.shape_cast %get3A_2 : vector<1x2000x32xf32> to vector<2000x32xf32>
    %get3A_4 = arith.constant 1 : index
    %get3A_5 = arith.constant 0 : index
    %get3A_6 = arith.constant 0 : index
    %get3A_7 = vector.load %arg1[%get3A_4, %get3A_5, %get3A_6] : memref<2x2000x32xf32, #tpu.memory_space<vmem>>, vector<1x2000x32xf32>
    %get3A_8 = vector.shape_cast %get3A_7 : vector<1x2000x32xf32> to vector<2000x32xf32>
    %add3A = arith.addf %get3A_3, %get3A_8 : vector<2000x32xf32>
    %get3A_9 = arith.constant 0 : index
    %get3A_10 = arith.constant 0 : index
    %get3A_11 = arith.constant 0 : index
    %get3A_12 = vector.load %arg2[%get3A_9, %get3A_10, %get3A_11] : memref<2x2000x1xf32, #tpu.memory_space<vmem>>, vector<1x2000x1xf32>
    %get3A_13 = vector.shape_cast %get3A_12 : vector<1x2000x1xf32> to vector<2000x1xf32>
    %get3A_14 = arith.constant 1 : index
    %get3A_15 = arith.constant 0 : index
    %get3A_16 = arith.constant 0 : index
    %get3A_17 = vector.load %arg2[%get3A_14, %get3A_15, %get3A_16] : memref<2x2000x1xf32, #tpu.memory_space<vmem>>, vector<1x2000x1xf32>
    %get3A_18 = vector.shape_cast %get3A_17 : vector<1x2000x1xf32> to vector<2000x1xf32>
    %add3A_19 = arith.addf %get3A_13, %get3A_18 : vector<2000x1xf32>
    %get3A_20 = arith.constant 0 : index
    %get3A_21 = arith.constant 0 : index
    %get3A_22 = vector.load %arg3[%get3A_20, %get3A_21] : memref<2000x32xf32, #tpu.memory_space<vmem>>, vector<2000x32xf32>
    %get3A_23 = arith.constant 0 : index
    %get3A_24 = arith.constant 0 : index
    %get3A_25 = vector.load %arg4[%get3A_23, %get3A_24] : memref<2000x32xf32, #tpu.memory_space<vmem>>, vector<2000x32xf32>
    %add3A_26 = arith.addf %get3A_22, %get3A_25 : vector<2000x32xf32>
    %mul3A = arith.constant 2.000000e-01 : f32
    %mul3A_27 = vector.broadcast %mul3A : f32 to vector<2000x32xf32>
    %mul3A_28 = arith.mulf %mul3A_27, %add3A_26 : vector<2000x32xf32>
    %max3A = arith.maximumf %add3A_26, %mul3A_28 : vector<2000x32xf32>
    %get3A_29 = arith.constant 0 : index
    %get3A_30 = arith.constant 0 : index
    %get3A_31 = vector.load %arg5[%get3A_29, %get3A_30] : memref<1x32xf32, #tpu.memory_space<vmem>>, vector<1x32xf32>
    %get3A_32 = vector.shape_cast %get3A_31 : vector<1x32xf32> to vector<32xf32>
    %broadcast_in_dim3A = vector.shape_cast %get3A_32 : vector<32xf32> to vector<1x32xf32>
    %mul3A_33 = vector.broadcast %broadcast_in_dim3A : vector<1x32xf32> to vector<2000x32xf32>
    %mul3A_34 = arith.mulf %max3A, %mul3A_33 : vector<2000x32xf32>
    %reduce_sum3A = arith.constant dense<0.000000e+00> : vector<2000xf32>
    %reduce_sum3A_35 = vector.multi_reduction <add>, %mul3A_34, %reduce_sum3A [1] : vector<2000x32xf32> to vector<2000xf32>
    %broadcast_in_dim3A_36 = vector.shape_cast %reduce_sum3A_35 : vector<2000xf32> to vector<2000x1xf32>
    %exp3A = math.exp %broadcast_in_dim3A_36 : vector<2000x1xf32>
    %mul3A_37 = vector.broadcast %exp3A : vector<2000x1xf32> to vector<2000x32xf32>
    %mul3A_38 = arith.mulf %mul3A_37, %get3A_22 : vector<2000x32xf32>
    %add3A_39 = arith.addf %add3A, %mul3A_38 : vector<2000x32xf32>
    %add3A_40 = arith.addf %add3A_19, %exp3A : vector<2000x1xf32>
    %add3A_41 = arith.constant 1.000000e-16 : f32
    %add3A_42 = vector.broadcast %add3A_41 : f32 to vector<2000x1xf32>
    %add3A_43 = arith.addf %add3A_40, %add3A_42 : vector<2000x1xf32>
    %div3A = vector.broadcast %add3A_43 : vector<2000x1xf32> to vector<2000x32xf32>
    %div3A_44 = arith.divf %add3A_39, %div3A : vector<2000x32xf32>
    %get3A_45 = arith.constant 0 : index
    %get3A_46 = vector.load %arg6[%get3A_45] : memref<32xf32, #tpu.memory_space<vmem>>, vector<32xf32>
    %broadcast_in_dim3A_47 = vector.shape_cast %get3A_46 : vector<32xf32> to vector<1x32xf32>
    %add3A_48 = vector.broadcast %broadcast_in_dim3A_47 : vector<1x32xf32> to vector<2000x32xf32>
    %add3A_49 = arith.addf %div3A_44, %add3A_48 : vector<2000x32xf32>
    %swap3A = arith.constant 0 : index
    %swap3A_50 = arith.constant 0 : index
    %swap3A_51 = vector.load %arg7[%swap3A, %swap3A_50] : memref<2000x32xf32, #tpu.memory_space<vmem>>, vector<2000x32xf32>
    tpu.vector_store %arg7[%swap3A, %swap3A_50], %add3A_49 {strides = array<i32>} : memref<2000x32xf32, #tpu.memory_space<vmem>>, vector<2000x32xf32>,
    %eq3A = arith.constant 0 : i32
    %eq3A_52 = arith.cmpi eq, %arg0, %eq3A : i32
    %convert_element_type3A = arith.extui %eq3A_52 : i1 to i32
    %cond3A = arith.constant 0 : i32
    %cond3A_53 = arith.cmpi ne, %convert_element_type3A, %cond3A : i32
    scf.if %cond3A_53 {
      %broadcast_in_dim3A_75 = arith.constant 0.000000e+00 : f32
      %broadcast_in_dim3A_76 = vector.broadcast %broadcast_in_dim3A_75 : f32 to vector<8x32xf32>
      %swap3A_77 = arith.constant 0 : index
      %swap3A_78 = arith.constant 0 : index
      %swap3A_79 = vector.load %arg8[%swap3A_77, %swap3A_78] : memref<8x32xf32, #tpu.memory_space<vmem>>, vector<8x32xf32>
      tpu.vector_store %arg8[%swap3A_77, %swap3A_78], %broadcast_in_dim3A_76 {strides = array<i32>} : memref<8x32xf32, #tpu.memory_space<vmem>>, vector<8x32xf32>,
    } else {
    }
    %get3A_54 = arith.constant 0 : index
    %get3A_55 = arith.constant 0 : index
    %get3A_56 = vector.load %arg8[%get3A_54, %get3A_55] : memref<8x32xf32, #tpu.memory_space<vmem>>, vector<1x32xf32>
    %reduce_sum3A_57 = arith.constant dense<0.000000e+00> : vector<32xf32>
    %reduce_sum3A_58 = vector.multi_reduction <add>, %add3A_49, %reduce_sum3A_57 [0] : vector<2000x32xf32> to vector<32xf32>
    %broadcast_in_dim3A_59 = vector.shape_cast %reduce_sum3A_58 : vector<32xf32> to vector<1x32xf32>
    %add3A_60 = arith.addf %get3A_56, %broadcast_in_dim3A_59 : vector<1x32xf32>
    %swap3A_61 = arith.constant 0 : index
    %swap3A_62 = arith.constant 0 : index
    %swap3A_63 = vector.load %arg8[%swap3A_61, %swap3A_62] : memref<8x32xf32, #tpu.memory_space<vmem>>, vector<1x32xf32>
    tpu.vector_store %arg8[%swap3A_61, %swap3A_62], %add3A_60 {strides = array<i32>} : memref<8x32xf32, #tpu.memory_space<vmem>>, vector<1x32xf32>,
    %get3A_64 = arith.constant 1 : index
    %get3A_65 = arith.constant 0 : index
    %get3A_66 = vector.load %arg8[%get3A_64, %get3A_65] : memref<8x32xf32, #tpu.memory_space<vmem>>, vector<1x32xf32>
    %mul3A_67 = arith.mulf %add3A_49, %add3A_49 : vector<2000x32xf32>
    %reduce_sum3A_68 = arith.constant dense<0.000000e+00> : vector<32xf32>
    %reduce_sum3A_69 = vector.multi_reduction <add>, %mul3A_67, %reduce_sum3A_68 [0] : vector<2000x32xf32> to vector<32xf32>
    %broadcast_in_dim3A_70 = vector.shape_cast %reduce_sum3A_69 : vector<32xf32> to vector<1x32xf32>
    %add3A_71 = arith.addf %get3A_66, %broadcast_in_dim3A_70 : vector<1x32xf32>
    %swap3A_72 = arith.constant 1 : index
    %swap3A_73 = arith.constant 0 : index
    %swap3A_74 = vector.load %arg8[%swap3A_72, %swap3A_73] : memref<8x32xf32, #tpu.memory_space<vmem>>, vector<1x32xf32>
    tpu.vector_store %arg8[%swap3A_72, %swap3A_73], %add3A_71 {strides = array<i32>} : memref<8x32xf32, #tpu.memory_space<vmem>>, vector<1x32xf32>,
    return
  }
  func.func @transform_0(%arg0: i32) -> (i32, i32, i32) {
    %c0_i32 = arith.constant 0 : i32
    %c0_i32_0 = arith.constant 0 : i32
    %c0_i32_1 = arith.constant 0 : i32
    return %c0_i32, %arg0, %c0_i32_0 : i32, i32, i32
  }
  func.func @transform_1(%arg0: i32) -> (i32, i32, i32) {
    %c0_i32 = arith.constant 0 : i32
    %c0_i32_0 = arith.constant 0 : i32
    %c0_i32_1 = arith.constant 0 : i32
    return %c0_i32, %arg0, %c0_i32_0 : i32, i32, i32
  }
  func.func @transform_2(%arg0: i32) -> (i32, i32) {
    %c0_i32 = arith.constant 0 : i32
    %c0_i32_0 = arith.constant 0 : i32
    return %arg0, %c0_i32 : i32, i32
  }
  func.func @transform_3(%arg0: i32) -> (i32, i32) {
    %c0_i32 = arith.constant 0 : i32
    %c0_i32_0 = arith.constant 0 : i32
    return %arg0, %c0_i32 : i32, i32
  }
  func.func @transform_4(%arg0: i32) -> (i32, i32) {
    %c0_i32 = arith.constant 0 : i32
    %c0_i32_0 = arith.constant 0 : i32
    %c0_i32_1 = arith.constant 0 : i32
    return %c0_i32, %c0_i32_0 : i32, i32
  }
  func.func @transform_5(%arg0: i32) -> i32 {
    %c0_i32 = arith.constant 0 : i32
    %c0_i32_0 = arith.constant 0 : i32
    return %c0_i32 : i32
  }
  func.func @transform_6(%arg0: i32) -> (i32, i32) {
    %c0_i32 = arith.constant 0 : i32
    %c0_i32_0 = arith.constant 0 : i32
    return %arg0, %c0_i32 : i32, i32
  }
  func.func @transform_7(%arg0: i32) -> (i32, i32) {
    %c0_i32 = arith.constant 0 : i32
    %c0_i32_0 = arith.constant 0 : i32
    %c0_i32_1 = arith.constant 0 : i32
    return %c0_i32, %c0_i32_0 : i32, i32
  }
}

module attributes {stable_mosaic.version = 14 : i64} {
  func.func @_final_body(%arg0: i32, %arg1: memref<2000x32xf32, #tpu.memory_space<vmem>>, %arg2: memref<32xf32, #tpu.memory_space<vmem>>, %arg3: memref<32xf32, #tpu.memory_space<vmem>>, %arg4: memref<32x16xf32, #tpu.memory_space<vmem>>, %arg5: memref<16xf32, #tpu.memory_space<vmem>>, %arg6: memref<16x1xf32, #tpu.memory_space<vmem>>, %arg7: memref<1xf32, #tpu.memory_space<vmem>>, %arg8: memref<1x1x2000xi32, #tpu.memory_space<vmem>>, %arg9: memref<2000x1xf32, #tpu.memory_space<vmem>>, %arg10: memref<33x16xf32, #tpu.memory_space<vmem>>, %arg11: memref<16xf32, #tpu.memory_space<vmem>>, %arg12: memref<16x1xf32, #tpu.memory_space<vmem>>, %arg13: memref<1xf32, #tpu.memory_space<vmem>>, %arg14: memref<512x1xf32, #tpu.memory_space<vmem>>, %arg15: memref<512x32xf32, #tpu.memory_space<vmem>>, %arg16: memref<512x8xf32, #tpu.memory_space<vmem>>) attributes {dimension_semantics = [#tpu.dimension_semantics<arbitrary>], iteration_bounds = array<i64: 25>, scalar_prefetch = 0 : i64, scratch_operands = 2 : i64, tpu.core_type = #tpu.core_type<tc>, window_params = [{transform_indices = @transform_0, window_bounds = array<i64: 2000, 32>}, {pipeline_mode = #tpu.pipeline_mode<synchronous>, transform_indices = @transform_1, window_bounds = array<i64: 32>}, {pipeline_mode = #tpu.pipeline_mode<synchronous>, transform_indices = @transform_2, window_bounds = array<i64: 32>}, {pipeline_mode = #tpu.pipeline_mode<synchronous>, transform_indices = @transform_3, window_bounds = array<i64: 32, 16>}, {pipeline_mode = #tpu.pipeline_mode<synchronous>, transform_indices = @transform_4, window_bounds = array<i64: 16>}, {pipeline_mode = #tpu.pipeline_mode<synchronous>, transform_indices = @transform_5, window_bounds = array<i64: 16, 1>}, {pipeline_mode = #tpu.pipeline_mode<synchronous>, transform_indices = @transform_6, window_bounds = array<i64: 1>}, {transform_indices = @transform_7, window_bounds = array<i64: 1, 1, 2000>}, {transform_indices = @transform_8, window_bounds = array<i64: 2000, 1>}, {pipeline_mode = #tpu.pipeline_mode<synchronous>, transform_indices = @transform_9, window_bounds = array<i64: 33, 16>}, {pipeline_mode = #tpu.pipeline_mode<synchronous>, transform_indices = @transform_10, window_bounds = array<i64: 16>}, {pipeline_mode = #tpu.pipeline_mode<synchronous>, transform_indices = @transform_11, window_bounds = array<i64: 16, 1>}, {pipeline_mode = #tpu.pipeline_mode<synchronous>, transform_indices = @transform_12, window_bounds = array<i64: 1>}, {pipeline_mode = #tpu.pipeline_mode<synchronous>, transform_indices = @transform_13, window_bounds = array<i64: 512, 1>}]} {
    %eq3A = arith.constant 0 : i32
    %eq3A_0 = arith.cmpi eq, %arg0, %eq3A : i32
    %convert_element_type3A = arith.extui %eq3A_0 : i1 to i32
    %cond3A = arith.constant 0 : i32
    %cond3A_1 = arith.cmpi ne, %convert_element_type3A, %cond3A : i32
    scf.if %cond3A_1 {
      %broadcast_in_dim3A_77 = arith.constant 0.000000e+00 : f32
      %broadcast_in_dim3A_78 = vector.broadcast %broadcast_in_dim3A_77 : f32 to vector<512x32xf32>
      %swap3A_79 = arith.constant 0 : index
      %swap3A_80 = arith.constant 0 : index
      %swap3A_81 = vector.load %arg15[%swap3A_79, %swap3A_80] : memref<512x32xf32, #tpu.memory_space<vmem>>, vector<512x32xf32>
      tpu.vector_store %arg15[%swap3A_79, %swap3A_80], %broadcast_in_dim3A_78 {strides = array<i32>} : memref<512x32xf32, #tpu.memory_space<vmem>>, vector<512x32xf32>,
      %broadcast_in_dim3A_82 = arith.constant 0.000000e+00 : f32
      %broadcast_in_dim3A_83 = vector.broadcast %broadcast_in_dim3A_82 : f32 to vector<512x8xf32>
      %swap3A_84 = arith.constant 0 : index
      %swap3A_85 = arith.constant 0 : index
      %swap3A_86 = vector.load %arg16[%swap3A_84, %swap3A_85] : memref<512x8xf32, #tpu.memory_space<vmem>>, vector<512x8xf32>
      tpu.vector_store %arg16[%swap3A_84, %swap3A_85], %broadcast_in_dim3A_83 {strides = array<i32>} : memref<512x8xf32, #tpu.memory_space<vmem>>, vector<512x8xf32>,
      %broadcast_in_dim3A_87 = arith.constant 0.000000e+00 : f32
      %broadcast_in_dim3A_88 = vector.broadcast %broadcast_in_dim3A_87 : f32 to vector<512x1xf32>
      %swap3A_89 = arith.constant 0 : index
      %swap3A_90 = arith.constant 0 : index
      %swap3A_91 = vector.load %arg14[%swap3A_89, %swap3A_90] : memref<512x1xf32, #tpu.memory_space<vmem>>, vector<512x1xf32>
      tpu.vector_store %arg14[%swap3A_89, %swap3A_90], %broadcast_in_dim3A_88 {strides = array<i32>} : memref<512x1xf32, #tpu.memory_space<vmem>>, vector<512x1xf32>,
    } else {
    }
    %get3A = arith.constant 0 : index
    %get3A_2 = arith.constant 0 : index
    %get3A_3 = vector.load %arg1[%get3A, %get3A_2] : memref<2000x32xf32, #tpu.memory_space<vmem>>, vector<2000x32xf32>
    %get3A_4 = arith.constant 0 : index
    %get3A_5 = vector.load %arg2[%get3A_4] : memref<32xf32, #tpu.memory_space<vmem>>, vector<32xf32>
    %broadcast_in_dim3A = vector.shape_cast %get3A_5 : vector<32xf32> to vector<1x32xf32>
    %mul3A = vector.broadcast %broadcast_in_dim3A : vector<1x32xf32> to vector<2000x32xf32>
    %mul3A_6 = arith.mulf %get3A_3, %mul3A : vector<2000x32xf32>
    %get3A_7 = arith.constant 0 : index
    %get3A_8 = vector.load %arg3[%get3A_7] : memref<32xf32, #tpu.memory_space<vmem>>, vector<32xf32>
    %broadcast_in_dim3A_9 = vector.shape_cast %get3A_8 : vector<32xf32> to vector<1x32xf32>
    %add3A = vector.broadcast %broadcast_in_dim3A_9 : vector<1x32xf32> to vector<2000x32xf32>
    %add3A_10 = arith.addf %mul3A_6, %add3A : vector<2000x32xf32>
    %gt3A = arith.constant 0.000000e+00 : f32
    %gt3A_11 = vector.broadcast %gt3A : f32 to vector<2000x32xf32>
    %gt3A_12 = arith.cmpf ogt, %add3A_10, %gt3A_11 : vector<2000x32xf32>
    %exp3A = math.exp %add3A_10 : vector<2000x32xf32>
    %sub3A = arith.constant 1.000000e+00 : f32
    %sub3A_13 = vector.broadcast %sub3A : f32 to vector<2000x32xf32>
    %sub3A_14 = arith.subf %exp3A, %sub3A_13 : vector<2000x32xf32>
    %select_n3A = arith.select %gt3A_12, %add3A_10, %sub3A_14 : vector<2000x32xi1>, vector<2000x32xf32>
    %get3A_15 = arith.constant 0 : index
    %get3A_16 = arith.constant 0 : index
    %get3A_17 = vector.load %arg4[%get3A_15, %get3A_16] : memref<32x16xf32, #tpu.memory_space<vmem>>, vector<32x16xf32>
    %dot_general3A = arith.constant dense<0.000000e+00> : vector<2000x16xf32>
    %dot_general3A_18 = tpu.matmul %select_n3A, %get3A_17, %dot_general3A {dimension_numbers = #tpu.dot_dimension_numbers<[1], [0], [0], [1], [0, 0, 1, 1], [], []>, transpose_lhs_hint = false} : vector<2000x32xf32>, vector<32x16xf32>, vector<2000x16xf32> -> vector<2000x16xf32>
    %get3A_19 = arith.constant 0 : index
    %get3A_20 = vector.load %arg5[%get3A_19] : memref<16xf32, #tpu.memory_space<vmem>>, vector<16xf32>
    %broadcast_in_dim3A_21 = vector.shape_cast %get3A_20 : vector<16xf32> to vector<1x16xf32>
    %add3A_22 = vector.broadcast %broadcast_in_dim3A_21 : vector<1x16xf32> to vector<2000x16xf32>
    %add3A_23 = arith.addf %dot_general3A_18, %add3A_22 : vector<2000x16xf32>
    %max3A = arith.constant 0.000000e+00 : f32
    %max3A_24 = vector.broadcast %max3A : f32 to vector<2000x16xf32>
    %max3A_25 = arith.maximumf %add3A_23, %max3A_24 : vector<2000x16xf32>
    %get3A_26 = arith.constant 0 : index
    %get3A_27 = arith.constant 0 : index
    %get3A_28 = vector.load %arg6[%get3A_26, %get3A_27] : memref<16x1xf32, #tpu.memory_space<vmem>>, vector<16x1xf32>
    %dot_general3A_29 = arith.constant dense<0.000000e+00> : vector<2000x1xf32>
    %dot_general3A_30 = tpu.matmul %max3A_25, %get3A_28, %dot_general3A_29 {dimension_numbers = #tpu.dot_dimension_numbers<[1], [0], [0], [1], [0, 0, 1, 1], [], []>, transpose_lhs_hint = false} : vector<2000x16xf32>, vector<16x1xf32>, vector<2000x1xf32> -> vector<2000x1xf32>
    %get3A_31 = arith.constant 0 : index
    %get3A_32 = vector.load %arg7[%get3A_31] : memref<1xf32, #tpu.memory_space<vmem>>, vector<1xf32>
    %broadcast_in_dim3A_33 = vector.shape_cast %get3A_32 : vector<1xf32> to vector<1x1xf32>
    %add3A_34 = vector.broadcast %broadcast_in_dim3A_33 : vector<1x1xf32> to vector<2000x1xf32>
    %add3A_35 = arith.addf %dot_general3A_30, %add3A_34 : vector<2000x1xf32>
    %exp3A_36 = math.exp %add3A_35 : vector<2000x1xf32>
    %get3A_37 = arith.constant 0 : index
    %get3A_38 = arith.constant 0 : index
    %get3A_39 = arith.constant 0 : index
    %get3A_40 = vector.load %arg8[%get3A_37, %get3A_38, %get3A_39] : memref<1x1x2000xi32, #tpu.memory_space<vmem>>, vector<1x1x2000xi32>
    %get3A_41 = vector.shape_cast %get3A_40 : vector<1x1x2000xi32> to vector<1x2000xi32>
    %iota3A = tpu.iota {dimensions = array<i32: 0>} : vector<512x2000xi32>
    %eq3A_42 = vector.broadcast %get3A_41 : vector<1x2000xi32> to vector<512x2000xi32>
    %eq3A_43 = arith.cmpi eq, %iota3A, %eq3A_42 : vector<512x2000xi32>
    %jit3A = arith.constant 1.000000e+00 : f32
    %jit3A_44 = arith.constant 0.000000e+00 : f32
    %broadcast_in_dim3A_45 = vector.broadcast %jit3A : f32 to vector<512x2000xf32>
    %broadcast_in_dim3A_46 = vector.broadcast %jit3A_44 : f32 to vector<512x2000xf32>
    %select_n3A_47 = arith.select %eq3A_43, %broadcast_in_dim3A_45, %broadcast_in_dim3A_46 : vector<512x2000xi1>, vector<512x2000xf32>
    %get3A_48 = arith.constant 0 : index
    %get3A_49 = arith.constant 0 : index
    %get3A_50 = vector.load %arg15[%get3A_48, %get3A_49] : memref<512x32xf32, #tpu.memory_space<vmem>>, vector<512x32xf32>
    %mul3A_51 = vector.broadcast %exp3A_36 : vector<2000x1xf32> to vector<2000x32xf32>
    %mul3A_52 = arith.mulf %mul3A_51, %select_n3A : vector<2000x32xf32>
    %dot_general3A_53 = arith.constant dense<0.000000e+00> : vector<512x32xf32>
    %dot_general3A_54 = tpu.matmul %select_n3A_47, %mul3A_52, %dot_general3A_53 {dimension_numbers = #tpu.dot_dimension_numbers<[1], [0], [0], [1], [0, 0, 1, 1], [], []>, transpose_lhs_hint = false} : vector<512x2000xf32>, vector<2000x32xf32>, vector<512x32xf32> -> vector<512x32xf32>
    %add3A_55 = arith.addf %get3A_50, %dot_general3A_54 : vector<512x32xf32>
    %swap3A = arith.constant 0 : index
    %swap3A_56 = arith.constant 0 : index
    %swap3A_57 = vector.load %arg15[%swap3A, %swap3A_56] : memref<512x32xf32, #tpu.memory_space<vmem>>, vector<512x32xf32>
    tpu.vector_store %arg15[%swap3A, %swap3A_56], %add3A_55 {strides = array<i32>} : memref<512x32xf32, #tpu.memory_space<vmem>>, vector<512x32xf32>,
    %broadcast_in_dim3A_58 = arith.constant 1.000000e+00 : f32
    %broadcast_in_dim3A_59 = vector.broadcast %broadcast_in_dim3A_58 : f32 to vector<2000x1xf32>
    %get3A_60 = arith.constant 0 : index
    %get3A_61 = arith.constant 0 : index
    %get3A_62 = vector.load %arg9[%get3A_60, %get3A_61] : memref<2000x1xf32, #tpu.memory_space<vmem>>, vector<2000x1xf32>
    %concatenate3A = tpu.concatenate %exp3A_36, %broadcast_in_dim3A_59, %get3A_62 in 1 : vector<2000x1xf32>, vector<2000x1xf32>, vector<2000x1xf32> -> vector<2000x3xf32>
    %get3A_63 = arith.constant 0 : index
    %get3A_64 = arith.constant 0 : index
    %get3A_65 = vector.load %arg16[%get3A_63, %get3A_64] : memref<512x8xf32, #tpu.memory_space<vmem>>, vector<512x3xf32>
    %dot_general3A_66 = arith.constant dense<0.000000e+00> : vector<512x3xf32>
    %dot_general3A_67 = tpu.matmul %select_n3A_47, %concatenate3A, %dot_general3A_66 {dimension_numbers = #tpu.dot_dimension_numbers<[1], [0], [0], [1], [0, 0, 1, 1], [], []>, transpose_lhs_hint = false} : vector<512x2000xf32>, vector<2000x3xf32>, vector<512x3xf32> -> vector<512x3xf32>
    %add3A_68 = arith.addf %get3A_65, %dot_general3A_67 : vector<512x3xf32>
    %swap3A_69 = arith.constant 0 : index
    %swap3A_70 = arith.constant 0 : index
    %swap3A_71 = vector.load %arg16[%swap3A_69, %swap3A_70] : memref<512x8xf32, #tpu.memory_space<vmem>>, vector<512x3xf32>
    tpu.vector_store %arg16[%swap3A_69, %swap3A_70], %add3A_68 {strides = array<i32>} : memref<512x8xf32, #tpu.memory_space<vmem>>, vector<512x3xf32>,
    %eq3A_72 = arith.constant 24 : i32
    %eq3A_73 = arith.cmpi eq, %arg0, %eq3A_72 : i32
    %convert_element_type3A_74 = arith.extui %eq3A_73 : i1 to i32
    %cond3A_75 = arith.constant 0 : i32
    %cond3A_76 = arith.cmpi ne, %convert_element_type3A_74, %cond3A_75 : i32
    scf.if %cond3A_76 {
      %get3A_77 = arith.constant 0 : index
      %get3A_78 = arith.constant 0 : index
      %get3A_79 = vector.load %arg15[%get3A_77, %get3A_78] : memref<512x32xf32, #tpu.memory_space<vmem>>, vector<512x32xf32>
      %get3A_80 = arith.constant 0 : index
      %get3A_81 = arith.constant 0 : index
      %get3A_82 = vector.load %arg16[%get3A_80, %get3A_81] : memref<512x8xf32, #tpu.memory_space<vmem>>, vector<512x8xf32>
      %slice3A = vector.extract_strided_slice %get3A_82 {offsets = [0, 0], sizes = [512, 1], strides = [1, 1]} : vector<512x8xf32> to vector<512x1xf32>
      %add3A_83 = arith.constant 1.000000e-16 : f32
      %add3A_84 = vector.broadcast %add3A_83 : f32 to vector<512x1xf32>
      %add3A_85 = arith.addf %slice3A, %add3A_84 : vector<512x1xf32>
      %div3A = vector.broadcast %add3A_85 : vector<512x1xf32> to vector<512x32xf32>
      %div3A_86 = arith.divf %get3A_79, %div3A : vector<512x32xf32>
      %slice3A_87 = vector.extract_strided_slice %get3A_82 {offsets = [0, 2], sizes = [512, 1], strides = [1, 1]} : vector<512x8xf32> to vector<512x1xf32>
      %slice3A_88 = vector.extract_strided_slice %get3A_82 {offsets = [0, 1], sizes = [512, 1], strides = [1, 1]} : vector<512x8xf32> to vector<512x1xf32>
      %max3A_89 = arith.constant 1.000000e+00 : f32
      %max3A_90 = vector.broadcast %max3A_89 : f32 to vector<512x1xf32>
      %max3A_91 = arith.maximumf %slice3A_88, %max3A_90 : vector<512x1xf32>
      %div3A_92 = arith.divf %slice3A_87, %max3A_91 : vector<512x1xf32>
      %concatenate3A_93 = tpu.concatenate %div3A_86, %div3A_92 in 1 : vector<512x32xf32>, vector<512x1xf32> -> vector<512x33xf32>
      %get3A_94 = arith.constant 0 : index
      %get3A_95 = arith.constant 0 : index
      %get3A_96 = vector.load %arg10[%get3A_94, %get3A_95] : memref<33x16xf32, #tpu.memory_space<vmem>>, vector<33x16xf32>
      %dot_general3A_97 = arith.constant dense<0.000000e+00> : vector<512x16xf32>
      %dot_general3A_98 = tpu.matmul %concatenate3A_93, %get3A_96, %dot_general3A_97 {dimension_numbers = #tpu.dot_dimension_numbers<[1], [0], [0], [1], [0, 0, 1, 1], [], []>, transpose_lhs_hint = false} : vector<512x33xf32>, vector<33x16xf32>, vector<512x16xf32> -> vector<512x16xf32>
      %get3A_99 = arith.constant 0 : index
      %get3A_100 = vector.load %arg11[%get3A_99] : memref<16xf32, #tpu.memory_space<vmem>>, vector<16xf32>
      %broadcast_in_dim3A_101 = vector.shape_cast %get3A_100 : vector<16xf32> to vector<1x16xf32>
      %add3A_102 = vector.broadcast %broadcast_in_dim3A_101 : vector<1x16xf32> to vector<512x16xf32>
      %add3A_103 = arith.addf %dot_general3A_98, %add3A_102 : vector<512x16xf32>
      %max3A_104 = arith.constant 0.000000e+00 : f32
      %max3A_105 = vector.broadcast %max3A_104 : f32 to vector<512x16xf32>
      %max3A_106 = arith.maximumf %add3A_103, %max3A_105 : vector<512x16xf32>
      %get3A_107 = arith.constant 0 : index
      %get3A_108 = arith.constant 0 : index
      %get3A_109 = vector.load %arg12[%get3A_107, %get3A_108] : memref<16x1xf32, #tpu.memory_space<vmem>>, vector<16x1xf32>
      %dot_general3A_110 = arith.constant dense<0.000000e+00> : vector<512x1xf32>
      %dot_general3A_111 = tpu.matmul %max3A_106, %get3A_109, %dot_general3A_110 {dimension_numbers = #tpu.dot_dimension_numbers<[1], [0], [0], [1], [0, 0, 1, 1], [], []>, transpose_lhs_hint = false} : vector<512x16xf32>, vector<16x1xf32>, vector<512x1xf32> -> vector<512x1xf32>
      %get3A_112 = arith.constant 0 : index
      %get3A_113 = vector.load %arg13[%get3A_112] : memref<1xf32, #tpu.memory_space<vmem>>, vector<1xf32>
      %broadcast_in_dim3A_114 = vector.shape_cast %get3A_113 : vector<1xf32> to vector<1x1xf32>
      %add3A_115 = vector.broadcast %broadcast_in_dim3A_114 : vector<1x1xf32> to vector<512x1xf32>
      %add3A_116 = arith.addf %dot_general3A_111, %add3A_115 : vector<512x1xf32>
      %swap3A_117 = arith.constant 0 : index
      %swap3A_118 = arith.constant 0 : index
      %swap3A_119 = vector.load %arg14[%swap3A_117, %swap3A_118] : memref<512x1xf32, #tpu.memory_space<vmem>>, vector<512x1xf32>
      tpu.vector_store %arg14[%swap3A_117, %swap3A_118], %add3A_116 {strides = array<i32>} : memref<512x1xf32, #tpu.memory_space<vmem>>, vector<512x1xf32>,
    } else {
    }
    return
  }
  func.func @transform_0(%arg0: i32) -> (i32, i32) {
    %c0_i32 = arith.constant 0 : i32
    %c0_i32_0 = arith.constant 0 : i32
    return %arg0, %c0_i32 : i32, i32
  }
  func.func @transform_1(%arg0: i32) -> i32 {
    %c0_i32 = arith.constant 0 : i32
    %c0_i32_0 = arith.constant 0 : i32
    return %c0_i32 : i32
  }
  func.func @transform_2(%arg0: i32) -> i32 {
    %c0_i32 = arith.constant 0 : i32
    %c0_i32_0 = arith.constant 0 : i32
    return %c0_i32 : i32
  }
  func.func @transform_3(%arg0: i32) -> (i32, i32) {
    %c0_i32 = arith.constant 0 : i32
    %c0_i32_0 = arith.constant 0 : i32
    %c0_i32_1 = arith.constant 0 : i32
    return %c0_i32, %c0_i32_0 : i32, i32
  }
  func.func @transform_4(%arg0: i32) -> i32 {
    %c0_i32 = arith.constant 0 : i32
    %c0_i32_0 = arith.constant 0 : i32
    return %c0_i32 : i32
  }
  func.func @transform_5(%arg0: i32) -> (i32, i32) {
    %c0_i32 = arith.constant 0 : i32
    %c0_i32_0 = arith.constant 0 : i32
    %c0_i32_1 = arith.constant 0 : i32
    return %c0_i32, %c0_i32_0 : i32, i32
  }
  func.func @transform_6(%arg0: i32) -> i32 {
    %c0_i32 = arith.constant 0 : i32
    %c0_i32_0 = arith.constant 0 : i32
    return %c0_i32 : i32
  }
  func.func @transform_7(%arg0: i32) -> (i32, i32, i32) {
    %c0_i32 = arith.constant 0 : i32
    %c0_i32_0 = arith.constant 0 : i32
    %c0_i32_1 = arith.constant 0 : i32
    return %arg0, %c0_i32, %c0_i32_0 : i32, i32, i32
  }
  func.func @transform_8(%arg0: i32) -> (i32, i32) {
    %c0_i32 = arith.constant 0 : i32
    %c0_i32_0 = arith.constant 0 : i32
    return %arg0, %c0_i32 : i32, i32
  }
  func.func @transform_9(%arg0: i32) -> (i32, i32) {
    %c0_i32 = arith.constant 0 : i32
    %c0_i32_0 = arith.constant 0 : i32
    %c0_i32_1 = arith.constant 0 : i32
    return %c0_i32, %c0_i32_0 : i32, i32
  }
  func.func @transform_10(%arg0: i32) -> i32 {
    %c0_i32 = arith.constant 0 : i32
    %c0_i32_0 = arith.constant 0 : i32
    return %c0_i32 : i32
  }
  func.func @transform_11(%arg0: i32) -> (i32, i32) {
    %c0_i32 = arith.constant 0 : i32
    %c0_i32_0 = arith.constant 0 : i32
    %c0_i32_1 = arith.constant 0 : i32
    return %c0_i32, %c0_i32_0 : i32, i32
  }
  func.func @transform_12(%arg0: i32) -> i32 {
    %c0_i32 = arith.constant 0 : i32
    %c0_i32_0 = arith.constant 0 : i32
    return %c0_i32 : i32
  }
  func.func @transform_13(%arg0: i32) -> (i32, i32) {
    %c0_i32 = arith.constant 0 : i32
    %c0_i32_0 = arith.constant 0 : i32
    %c0_i32_1 = arith.constant 0 : i32
    return %c0_i32, %c0_i32_0 : i32, i32
  }
}

</mosaic_0001>

<sc_bundles>
// kernel: kernel.12.cloned.1.call-start
scs
__scs_entry_jumppad:
0x0: {  	(pc) =	sbr.rel $0x88, $3  }
0x1: {  	(tag) =	ssettag $0x0;
	lr =	simm.s32 $0x1  }
0x2: {  	[smem:$0x3F8A] =	sst lr;
	_ =	strace $0xD0000000  }
0x3: {  	_ = 	snop  }
0x4: {  	_ = 	snop  }
0x5: {  	_ = 	snop  }
0x6: {  	_ = 	snop  }
0x7: {  	_ = 	snop  }
__scs_overlays_trampoline_lowered:
0x8: {  	[smem:$0x3F99] =	sst s0  }
0x9: {  	[smem:$0x3F9A] =	sst s1  }
0xa: {  	[smem:$0x3F9B] =	sst s2  }
0xb: {  	[smem:$0x3F9C] =	sst s3  }
0xc: {  	[smem:$0x3F9D] =	sst s4  }
0xd: {  	[smem:$0x3F9E] =	sst s5  }
0xe: {  	[smem:$0x3F9F] =	sst s6  }
0xf: {  	[smem:$0x3FA0] =	sst s7  }
0x10: {  	[smem:$0x3FA1] =	sst s8  }
0x11: {  	[smem:$0x3FA2] =	sst s9;
	s0 =	simm.s32 @!p0 $0x0  }
0x12: {  	s1 =	sld [smem:$0x3F88];
	s0 =	simm.s32 @p0 $0x1  }
0x13: {  	[smem:$0x3FA3] =	sst s0;
	s0 =	simm.s32 @!p1 $0x0  }
0x14: {  	s2 =	sld [smem:$0x3F87];
	s0 =	simm.s32 @p1 $0x1  }
0x15: {  	[smem:$0x3FA4] =	sst s0;
	s0 =	simm.s32 @!p2 $0x0  }
0x16: {  	s3 =	sld [smem:$0x3FDB];
	s0 =	simm.s32 @p2 $0x1  }
0x17: {  	s4 =	simm.s32 $0x1BF5;
	[smem:$0x3FA6] =	sst s0  }
0x18: {  	s0 =	sld [smem:$0x3F89];
	_ =	swait.ge [sflag:s4], $0x0  }
0x19: {  	s7 =	sld [smem:$0x3F8A]  }
0x1a: {  	s8 =	sadd.s32 $0xFFFFE003, lr  }
0x1b: {  	s9 =	sadd.s32 $0xFFFFFEF7, lr;
	s5 =	simm.s32 $0xFFFFFFFF;
	p2 =	slt.u32 s8, $0xFFFFF086  }
0x1c: {  	p1 =	slt.u32 s9, $0xF7A;
	s5 =	simm.s32 @!p2 $0x0  }
0x1d: {  	s5 =	simm.s32 @p1 $0x1;
	p0 =	seq.s32 s7, s2  }
0x1e: {  	s7 =	smul.u32 @!p0 $0xF7A, s2;
	p2 =	seq.s32 @!p0 s5, $0x0  }
0x1f: {  	s9 =	smul.u32 $0xF7A, s1;
	s8 =	simm.s32 @!p0 $0x1BF5;
	p2 =	por !p2, p0  }
0x20: {  	[sflag:s8] =	ssyncset.s32 @!p0 $0xFFFFF086;
	s6 =	sadd.s32 @!p0 s3, s7;
	s7 =	simm.s32 @!p0 $0x108  }
0x21: {  	s3 =	sadd.s32 s3, s9;
	s6 =	sadd.s32 @!p0 $0x88, s6;
	s7 =	simm.s32 @p2 $0x1082  }
0x22: {  	[simem:s7], [sflag:s8] =	dma.local @!p0 [hbm:s6], $0xF7A  }
0x23: {  	s9 =	sor.u32 $0xD0000000, s2;
	s6 =	simm.s32 $0x108;
	_ =	swait.ge @!p0 [sflag:s8], $0x0  }
0x24: {  	s3 =	sadd.s32 $0x88, s3;
	s6 =	simm.s32 @!p1 $0x1082;
	[sflag:s4] =	ssyncset.s32 $0xFFFFF086  }
0x25: {  	[simem:s6], [sflag:s4] =	dma.local [hbm:s3], $0xF7A  }
0x26: {  	[smem:$0x3F8A] =	sst s1;
	(tag) =	ssettag s2;
	_ =	strace s9  }
0x27: {  	s1 =	sld [smem:$0x3F9A]  }
0x28: {  	s2 =	sld [smem:$0x3F9B]  }
0x29: {  	s4 =	sld [smem:$0x3F9D]  }
0x2a: {  	p0 =	seq.s32 s5, $0x0;
	s5 =	sld [smem:$0x3F9E]  }
0x2b: {  	s6 =	sld [smem:$0x3F9F]  }
0x2c: {  	s7 =	sld [smem:$0x3FA0]  }
0x2d: {  	s3 =	simm.s32 $0x108;
	s8 =	sld [smem:$0x3FA1]  }
0x2e: {  	s3 =	simm.s32 @!p0 $0x1082;
	s9 =	sld [smem:$0x3FA2]  }
0x2f: {  	lr =	sadd.s32 s0, s3;
	s0 =	sld [smem:$0x3F99]  }
0x30: {  	s3 =	sld [smem:$0x3F9C]  }
0x31: {  	[smem:$0x3FA5] =	sst s10  }
0x32: {  	s10 =	sld [smem:$0x3FA3];
	_ =	sdelay $0x3  }
0x33: {  	p0 =	seq.s32 s10, $0x1;
	s10 =	sld [smem:$0x3FA5];
	_ =	sdelay $0x3  }
0x34: {  	[smem:$0x3FA5] =	sst s10  }
0x35: {  	s10 =	sld [smem:$0x3FA4];
	_ =	sdelay $0x3  }
0x36: {  	p1 =	seq.s32 s10, $0x1;
	s10 =	sld [smem:$0x3FA5];
	_ =	sdelay $0x3  }
0x37: {  	[smem:$0x3FA5] =	sst s10  }
0x38: {  	s10 =	sld [smem:$0x3FA6]  }
0x39: {  	_ = 	snop;
	(pc) =	sbr.ind lr, $3  }
0x3a: {  	_ = 	snop  }
0x3b: {  	_ = 	snop  }
0x3c: {  	p2 =	seq.s32 s10, $0x1;
	s10 =	sld [smem:$0x3FA5]  }
0x3d: {  	_ =	shalt  }
0x3e: {  	_ =	shalt  }
0x3f: {  	_ =	shalt  }
0x40: {  	_ =	shalt  }
0x41: {  	_ =	shalt  }
0x42: {  	_ =	shalt  }
0x43: {  	_ =	shalt  }
0x44: {  	_ =	shalt  }
0x45: {  	_ =	shalt  }
0x46: {  	_ =	shalt  }
0x47: {  	_ =	shalt  }
0x48: {  	_ =	shalt  }
0x49: {  	_ =	shalt  }
0x4a: {  	_ =	shalt  }
0x4b: {  	_ =	shalt  }
0x4c: {  	_ =	shalt  }
0x4d: {  	_ =	shalt  }
0x4e: {  	_ =	shalt  }
0x4f: {  	_ =	shalt  }
0x50: {  	_ =	shalt  }
0x51: {  	_ =	shalt  }
0x52: {  	_ =	shalt  }
0x53: {  	_ =	shalt  }
0x54: {  	_ =	shalt  }
0x55: {  	_ =	shalt  }
0x56: {  	_ =	shalt  }
0x57: {  	_ =	shalt  }
0x58: {  	_ =	shalt  }
0x59: {  	_ =	shalt  }
0x5a: {  	_ =	shalt  }
0x5b: {  	_ =	shalt  }
0x5c: {  	_ =	shalt  }
0x5d: {  	_ =	shalt  }
0x5e: {  	_ =	shalt  }
0x5f: {  	_ =	shalt  }
0x60: {  	_ =	shalt  }
0x61: {  	_ =	shalt  }
0x62: {  	_ =	shalt  }
0x63: {  	_ =	shalt  }
0x64: {  	_ =	shalt  }
0x65: {  	_ =	shalt  }
0x66: {  	_ =	shalt  }
0x67: {  	_ =	shalt  }
0x68: {  	_ =	shalt  }
0x69: {  	_ =	shalt  }
0x6a: {  	_ =	shalt  }
0x6b: {  	_ =	shalt  }
0x6c: {  	_ =	shalt  }
0x6d: {  	_ =	shalt  }
0x6e: {  	_ =	shalt  }
0x6f: {  	_ =	shalt  }
0x70: {  	_ =	shalt  }
0x71: {  	_ =	shalt  }
0x72: {  	_ =	shalt  }
0x73: {  	_ =	shalt  }
0x74: {  	_ =	shalt  }
0x75: {  	_ =	shalt  }
0x76: {  	_ =	shalt  }
0x77: {  	_ =	shalt  }
0x78: {  	_ =	shalt  }
0x79: {  	_ =	shalt  }
0x7a: {  	_ =	shalt  }
0x7b: {  	_ =	shalt  }
0x7c: {  	_ =	shalt  }
0x7d: {  	_ =	shalt  }
0x7e: {  	_ =	shalt  }
0x7f: {  	_ =	shalt  }
0x80: {  	_ =	shalt  }
0x81: {  	_ =	shalt  }
0x82: {  	_ =	shalt  }
0x83: {  	_ =	shalt  }
0x84: {  	_ =	shalt  }
0x85: {  	_ =	shalt  }
0x86: {  	_ =	shalt  }
0x87: {  	_ =	shalt  }
.Lfunc_end0:
.L_simem_size_0:
called_computation.1_lowered:
.L_overlay_start_0:
0x88: {  	s2 =	sld [smem:$0x3FD9]  }
0x89: {  	s3 =	sld [smem:$0x3FFE];
	_ =	sdelay $0x1  }
0x8a: {  	s1 =	srdreg.scid  }
0x8b: {  	s0 =	sand.u32 $0x1, s1  }
0x8c: {  	s17 =	sshll.u32 s0, $0xA;
	s2 =	sadd.s32 s3, s2  }
0x8d: {  	s2 =	sadd.s32 s2, s17  }
0x8e: {  	[smem:$0x3FB1] =	sst s2  }
0x8f: {  	_ = 	snop  }
0x90: {  	s2 =	sld [smem:$0x3FBE];
	(tm) =	ssettm $0x1  }
0x91: {  	s18 =	sld [smem:$0x3FFB];
	_ =	sdelay $0x3  }
0x92: {  	_ =	strace s18  }
0x93: {  	s3 =	sld [smem:$0x3FFC];
	_ =	sdelay $0x3  }
0x94: {  	_ =	strace s3  }
0x95: {  	s3 =	sld [smem:$0x3FFD];
	_ =	sdelay $0x3  }
0x96: {  	_ =	strace s3  }
0x97: {  	_ =	strace $0x8FFFFFFF  }
0x98: {  	s19 =	sld [smem:$0x3FDB];
	_ =	sdelay $0x1  }
0x99: {  	s4 =	simm.s32 $_scs_section_size  }
0x9a: {  	s5 =	simm.s32 $_size__tile_overlayer_lowered;
	s6 =	simm.s32 $_tile_overlayer_lowered  }
0x9b: {  	s22 =	simm.s32 $0x1BFF;
	s21 =	sshll.u32 s6, $0x1;
	s3 =	sadd.s32 s4, s19  }
0x9c: {  	s7 =	simm.s32 $0x0;
	s20 =	sshll.u32 s5, $0x1;
	s5 =	sadd.s32 s21, s3  }
0x9d: {  	[timem:s7], [sflag:s22] =	dma.local [hbm:s5], s20  }
0x9e: {  	_ =	swait.ge [sflag:s22], s20  }
0x9f: {  	s4 =	ssub.s32 $0x0, s20;
	[sflag:s22] =	ssyncset.done $0x0  }
0xa0: {  	[sflag:s22] =	ssyncadd.s32 s4;
	_ =	sdelay $0x1  }
0xa1: {  	s23 =	simm.s32 $0x1B8B  }
0xa2: {  	_ =	swait.ge [sflag:s23], $0x1  }
0xa3: {  	[sflag:s23] =	ssyncset.done $0x0  }
0xa4: {  	s25 =	simm.s32 $0x1B8E;
	s24 =	sld [smem:$0x3FFE];
	[sflag:s23] =	ssyncadd.s32 $0xFFFFFFFF  }
0xa5: {  	s26 =	simm.s32 $execute0_lowered;
	[smem:$0x3FD2] =	sst s25  }
0xa6: {  	s5 =	sshll.u32 s26, $0x1;
	_ =	strace $0x80000049;
	[dreg:$0x1] =	wrdreg $0xFFFFFFFF  }
0xa7: {  	s28 =	simm.s32 $_size_execute0_lowered;
	s3 =	sadd.s32 s3, s5;
	[dreg:$0x0] =	wrdreg $0x0  }
0xa8: {  	s5 =	sshll.u32 s28, $0x1;
	[dreg:$0x2] =	wrdreg s3  }
0xa9: {  	[dreg:$0x3] =	wrdreg s5  }
0xaa: {  	[dreg:$0x4] =	wrdreg $0xC0  }
0xab: {  	_ =	task [dreg:s7], $0x5FFFF  }
0xac: {  	[dreg:$0x1] =	wrdreg $0xFFFFFFFF  }
0xad: {  	[dreg:$0x0] =	wrdreg $0x60  }
0xae: {  	[dreg:$0x2] =	wrdreg s24  }
0xaf: {  	[dreg:$0x3] =	wrdreg s2  }
0xb0: {  	[dreg:$0x4] =	wrdreg $0x0  }
0xb1: {  	[dreg:$0x5] =	wrdreg $0x186C00  }
0xb2: {  	[dreg:$0x6] =	wrdreg $0x9  }
0xb3: {  	_ =	task.clear_ibuf [dreg:s7], $0x7FFFF;
	_ =	strace $0x90000049  }
0xb4: {  	s29 =	simm.s32 $0x9;
	_ =	strace $0x8000004B  }
0xb5: {  	_ =	swait.ge [sflag:s29], $0x1  }
0xb6: {  	[sflag:s29] =	ssyncadd.s32 $0xFFFFFFFF  }
0xb7: {  	_ =	strace $0x9000004B  }
0xb8: {  	_ =	sfence  }
0xb9: {  	s30 =	sld [smem:$0x0];
	_ =	sdelay $0x2  }
0xba: {  	s31 =	sshll.u32 s1, $0xD;
	s1 =	sshrl.u32 s1, $0x2  }
0xbb: {  	s3 =	sand.u32 $0x4000, s31;
	s1 =	sadd.s32 s1, s30  }
0xbc: {  	s0 =	sor.u32 s3, s0;
	s1 =	sshll.u32 s1, $0x11  }
0xbd: {  	s0 =	sor.u32 s1, s0  }
0xbe: {  	s0 =	sadd.s32 $0x8F2B, s0  }
0xbf: {  	[sflag:s0] =	ssyncadd.remote.s32 $0x1  }
0xc0: {  	_ =	sfence.sel $0xFFFF  }
0xc1: {  	[dreg:$0x0] =	wrdreg $0xFFFFFFFF;
	(pc) =	sbr.abs _section_cstart, $3  }
0xc2: {  	[dreg:$0x1] =	wrdreg $0xFFFFFFFF  }
0xc3: {  	_ =	task.clear_ibuf [dreg:s7], $0x2FFFF;
	_ =	strace $0x9FFFFFFF  }
0xc4: {  	(tm) =	ssettm $0x7FFFFFFF  }
0xc5: {  	_ =	shalt  }
tec
execute0_lowered:
.L_overlay_start_1:
0x0: {  	(tag) =	ssettag $0x1  }
0x1: {  	s0 =	rddreg [dreg:$0x0];
	s16 =	stileid.u32  }
0x2: {  	s2 =	rddreg [dreg:$0x2];
	s5 =	smul.u32 $0x186C0, s16  }
0x3: {  	s3 =	rddreg [dreg:$0x3];
	s12 =	smul.u32 $0x1870, s16  }
0x4: {  	s17 =	simm.s32 $0x0;
	s1 =	srdreg.scid;
	s13 =	smul.u32 $0x61B00, s16  }
0x5: {  	[smem:$0x7FF] =	sst s17;
	s1 =	sand.u32 $0x1, s1;
	s15 =	smul.u32 $0x61C0, s16  }
0x6: {  	s16 =	sshll.u32 s16, $0x1;
	s4 =	smul.u32 $0x186C00, s1;
	_ =	strace $0x8000004A  }
0x7: {  	s11 =	smul.u32 $0x18700, s1;
	s14 =	ssub.s32 $0x2, s1;
	s19 =	sadd.s32 s5, s2  }
0x8: {  	s1 =	sor.u32 s1, s16;
	s13 =	sshrl.u32 s13, $0x2;
	s21 =	sshrl.u32 s19, $0x3  }
0x9: {  	s15 =	sshrl.u32 s15, $0x2;
	s16 =	sadd.s32 s13, s2;
	[dreg:$0x12] =	wrdreg s21  }
0xa: {  	s15 =	sadd.s32 s15, s3;
	[dreg:$0x6] =	wrdreg s16  }
0xb: {  	s22 =	sshrl.u32 s14, $0x1;
	s24 =	sadd.s32 $0x18000, s16;
	[dreg:$0x7] =	wrdreg s15  }
0xc: {  	s23 =	ssub.s32 s14, s22;
	s25 =	sadd.s32 $0x1800, s15;
	[dreg:$0x8] =	wrdreg s24  }
0xd: {  	s13 =	smul.u32 $0xC40, s1;
	s1 =	smax.u32 s23, $0x1;
	[dreg:$0x9] =	wrdreg s25  }
0xe: {  	s20 =	sadd.s32 s12, s3;
	s23 =	sadd.s32 $0x1000, s16;
	[dreg:$0x11] =	wrdreg s1  }
0xf: {  	s4 =	sadd.s32 s5, s4;
	s5 =	sadd.s32 $0xA000, s16;
	[dreg:$0x15] =	wrdreg s23  }
0x10: {  	s11 =	sadd.s32 s12, s11;
	s12 =	sadd.s32 $0xC000, s16;
	[dreg:$0x1e] =	wrdreg s5  }
0x11: {  	s14 =	sadd.s32 $0xD000, s16;
	[smem:$0x7F0] =	sst s12  }
0x12: {  	s19 =	sadd.s32 $0xF000, s16;
	[smem:$0x7F1] =	sst s14  }
0x13: {  	s8 =	sadd.s32 $0x97C00, s0;
	s21 =	sadd.s32 $0x11000, s16;
	[smem:$0x7F3] =	sst s19  }
0x14: {  	s9 =	sadd.s32 $0x1D600, s0;
	s26 =	sadd.s32 s8, s13;
	[smem:$0x7F5] =	sst s21  }
0x15: {  	s10 =	sadd.s32 $0x4C00, s0;
	s28 =	sadd.s32 s9, s13;
	[dreg:$0xa] =	wrdreg s26  }
0x16: {  	s22 =	sadd.s32 s10, s13;
	[dreg:$0xb] =	wrdreg s28  }
0x17: {  	s6 =	sadd.s32 $0x237200, s0;
	s24 =	sadd.s32 $0x2000, s16;
	[dreg:$0x14] =	wrdreg s22  }
0x18: {  	s7 =	sadd.s32 $0x36000, s0;
	s25 =	sadd.s32 $0x3000, s16;
	[dreg:$0x16] =	wrdreg s24  }
0x19: {  	s4 =	sshrl.u32 s4, $0x3;
	s1 =	sadd.s32 $0x8000, s16;
	[dreg:$0x17] =	wrdreg s25  }
0x1a: {  	s30 =	sor.u32 $0x10, s13;
	s23 =	sadd.s32 $0x13000, s16;
	[dreg:$0x1c] =	wrdreg s1  }
0x1b: {  	s11 =	sshrl.u32 s11, $0x3;
	s31 =	sadd.s32 s8, s30;
	[smem:$0x7F7] =	sst s23  }
0x1c: {  	s4 =	sadd.s32 s4, s0;
	s18 =	sadd.s32 s9, s30;
	[dreg:$0xc] =	wrdreg s31  }
0x1d: {  	s0 =	sadd.s32 s11, s0;
	s11 =	sadd.s32 s10, s30;
	[dreg:$0xd] =	wrdreg s18  }
0x1e: {  	s4 =	sadd.s32 $0x268000, s4;
	[dreg:$0xe] =	wrdreg s11  }
0x1f: {  	s0 =	sadd.s32 $0x66E00, s0;
	[dreg:$0xf] =	wrdreg s4  }
0x20: {  	s26 =	sadd.s32 $0x4000, s16;
	[dreg:$0x10] =	wrdreg s0  }
0x21: {  	s28 =	sadd.s32 $0x5000, s16;
	[dreg:$0x18] =	wrdreg s26  }
0x22: {  	s30 =	sadd.s32 $0x6000, s16;
	[dreg:$0x19] =	wrdreg s28  }
0x23: {  	s22 =	sadd.s32 $0x12000, s16;
	[dreg:$0x1a] =	wrdreg s30  }
0x24: {  	s24 =	sadd.s32 $0x14000, s16;
	[smem:$0x7F6] =	sst s22  }
0x25: {  	s29 =	simm.s32 $0x1;
	s25 =	sadd.s32 $0x15000, s16;
	[smem:$0x7F8] =	sst s24  }
0x26: {  	s14 =	simm.s32 $0x1EF30;
	s0 =	sshrl.u32 s20, $0x3;
	[smem:$0x7F9] =	sst s25  }
0x27: {  	s19 =	simm.s32 $0x80;
	s31 =	sadd.s32 $0x7000, s16;
	[dreg:$0x13] =	wrdreg s0  }
0x28: {  	s21 =	simm.s32 $0x1AF30;
	s4 =	sadd.s32 $0x9000, s16;
	[dreg:$0x1b] =	wrdreg s31  }
0x29: {  	s12 =	simm.s32 $0x2;
	s11 =	sadd.s32 $0xB000, s16;
	[dreg:$0x1d] =	wrdreg s4  }
0x2a: {  	s1 =	simm.s32 $0x1DF30;
	s18 =	sadd.s32 $0xE000, s16;
	[dreg:$0x1f] =	wrdreg s11  }
0x2b: {  	s23 =	simm.s32 $0x1FA40;
	s20 =	sadd.s32 $0x10000, s16;
	[smem:$0x7F2] =	sst s18  }
0x2c: {  	s26 =	sadd.s32 $0x16000, s16;
	s28 =	sadd.s32 $0x17000, s16;
	[smem:$0x7F4] =	sst s20  }
0x2d: {  	s30 =	sadd.s32 $0x800, s15;
	s16 =	simm.s32 $0x1F7B0;
	[smem:$0x7FA] =	sst s26  }
0x2e: {  	s22 =	simm.s32 $0x1F9C0;
	s24 =	simm.s32 $0x1FAC0;
	[smem:$0x7FB] =	sst s28  }
0x2f: {  	s25 =	simm.s32 $0x4;
	[smem:$0x7FC] =	sst s30;
	s31 =	sadd.s32 $0x1000, s15  }
0x30: {  	s4 =	simm.s32 $0x6;
	s15 =	simm.s32 $0x1F730;
	s18 =	simm.s32 $0x3  }
0x31: {  	v0 =	vimm.f32 $0.0e+00;
	v1 =	vlaneseq.u32;
	s0 =	simm.s32 $0x5;
	s26 =	simm.s32 $0x0;
	[smem:$0x7FD] =	sst s31  }
.LBB2_1:
0x32: {  	s5 =	simm.s32 $0x1DF40  }
0x33: {  	[tilespmem:s5+$0xFFFFFFF0] =	vst v0  }
0x34: {  	[dreg:$0x5] =	wrdreg s17;
	s11 =	simm.s32 $0x40;
	s17 =	simm.s32 $0x0;
	[tilespmem:s5+$0x0] =	vst v0  }
.LBB2_2:
0x35: {  	p0 =	sne.s32 s11, $0x1FC0  }
0x36: {  	[tilespmem:s17+$0x1EF30] =	vst v0;
	s5 =	sadd.s32 $0x20, s5;
	s17 =	smov.u32 s11;
	s11 =	sadd.s32 $0x40, s11  }
.Ltmp0:
0x37: {  	[tilespmem:s5+$0xFFFFFFF0] =	vst v0;
	(pc) =	sbr.rel @p0 .LBB2_2-.Ltmp0, $2  }
0x38: {  	_ =	sdelay $0x2  }
0x39: {  	s17 =	sshra.s32 s17, $0x2;
	[tilespmem:s5+$0x0] =	vst v0  }
0x3a: {  	[tilespmem:s17+$0x1EF30] =	vst v0;
	s5 =	rddreg [dreg:$0x6]  }
0x3b: {  	[spmem:s5] =	stream.linear.scatter [tilespmem:s1], [sflag:$0x6], $0x1000, $0x38;
	[tilespmem:$0x1FD70] =	vst v63  }
0x3c: {  	_ =	swait.ge [sflag:s4], $0x1000  }
0x3d: {  	[sflag:s4] =	ssyncset.done $0x0  }
0x3e: {  	s17 =	rddreg [dreg:$0x15];
	[sflag:s4] =	ssyncadd.s32 $0xFFFFF000  }
0x3f: {  	[spmem:s17] =	stream.linear.scatter [tilespmem:s1], [sflag:$0x6], $0x1000, $0x38;
	[tilespmem:$0x1FD70] =	vst v63  }
0x40: {  	_ =	swait.ge [sflag:s4], $0x1000  }
0x41: {  	[sflag:s4] =	ssyncset.done $0x0  }
0x42: {  	s20 =	rddreg [dreg:$0x16];
	[sflag:s4] =	ssyncadd.s32 $0xFFFFF000  }
0x43: {  	[spmem:s20] =	stream.linear.scatter [tilespmem:s1], [sflag:$0x6], $0x1000, $0x38;
	[tilespmem:$0x1FD70] =	vst v63  }
0x44: {  	_ =	swait.ge [sflag:s4], $0x1000  }
0x45: {  	[sflag:s4] =	ssyncset.done $0x0  }
0x46: {  	s30 =	rddreg [dreg:$0x17];
	[sflag:s4] =	ssyncadd.s32 $0xFFFFF000  }
0x47: {  	[spmem:s30] =	stream.linear.scatter [tilespmem:s1], [sflag:$0x6], $0x1000, $0x38;
	[tilespmem:$0x1FD70] =	vst v63  }
0x48: {  	_ =	swait.ge [sflag:s4], $0x1000  }
0x49: {  	[sflag:s4] =	ssyncset.done $0x0  }
0x4a: {  	s31 =	rddreg [dreg:$0x18];
	[sflag:s4] =	ssyncadd.s32 $0xFFFFF000  }
0x4b: {  	[spmem:s31] =	stream.linear.scatter [tilespmem:s1], [sflag:$0x6], $0x1000, $0x38;
	[tilespmem:$0x1FD70] =	vst v63  }
0x4c: {  	_ =	swait.ge [sflag:s4], $0x1000  }
0x4d: {  	[sflag:s4] =	ssyncset.done $0x0  }
0x4e: {  	s11 =	rddreg [dreg:$0x19];
	[sflag:s4] =	ssyncadd.s32 $0xFFFFF000  }
0x4f: {  	[spmem:s11] =	stream.linear.scatter [tilespmem:s1], [sflag:$0x6], $0x1000, $0x38;
	[tilespmem:$0x1FD70] =	vst v63  }
0x50: {  	_ =	swait.ge [sflag:s4], $0x1000  }
0x51: {  	[sflag:s4] =	ssyncset.done $0x0  }
0x52: {  	s17 =	rddreg [dreg:$0x1a];
	[sflag:s4] =	ssyncadd.s32 $0xFFFFF000  }
0x53: {  	[spmem:s17] =	stream.linear.scatter [tilespmem:s1], [sflag:$0x6], $0x1000, $0x38;
	[tilespmem:$0x1FD70] =	vst v63  }
0x54: {  	_ =	swait.ge [sflag:s4], $0x1000  }
0x55: {  	[sflag:s4] =	ssyncset.done $0x0  }
0x56: {  	s20 =	rddreg [dreg:$0x1b];
	[sflag:s4] =	ssyncadd.s32 $0xFFFFF000  }
0x57: {  	[spmem:s20] =	stream.linear.scatter [tilespmem:s1], [sflag:$0x6], $0x1000, $0x38;
	[tilespmem:$0x1FD70] =	vst v63  }
0x58: {  	_ =	swait.ge [sflag:s4], $0x1000  }
0x59: {  	[sflag:s4] =	ssyncset.done $0x0  }
0x5a: {  	s30 =	rddreg [dreg:$0x1c];
	[sflag:s4] =	ssyncadd.s32 $0xFFFFF000  }
0x5b: {  	[spmem:s30] =	stream.linear.scatter [tilespmem:s1], [sflag:$0x6], $0x1000, $0x38;
	[tilespmem:$0x1FD70] =	vst v63  }
0x5c: {  	_ =	swait.ge [sflag:s4], $0x1000  }
0x5d: {  	[sflag:s4] =	ssyncset.done $0x0  }
0x5e: {  	s31 =	rddreg [dreg:$0x1d];
	[sflag:s4] =	ssyncadd.s32 $0xFFFFF000  }
0x5f: {  	[spmem:s31] =	stream.linear.scatter [tilespmem:s1], [sflag:$0x6], $0x1000, $0x38;
	[tilespmem:$0x1FD70] =	vst v63  }
0x60: {  	_ =	swait.ge [sflag:s4], $0x1000  }
0x61: {  	[sflag:s4] =	ssyncset.done $0x0  }
0x62: {  	s11 =	rddreg [dreg:$0x1e];
	[sflag:s4] =	ssyncadd.s32 $0xFFFFF000  }
0x63: {  	[spmem:s11] =	stream.linear.scatter [tilespmem:s1], [sflag:$0x6], $0x1000, $0x38;
	[tilespmem:$0x1FD70] =	vst v63  }
0x64: {  	_ =	swait.ge [sflag:s4], $0x1000  }
0x65: {  	[sflag:s4] =	ssyncset.done $0x0  }
0x66: {  	s17 =	rddreg [dreg:$0x1f];
	[sflag:s4] =	ssyncadd.s32 $0xFFFFF000  }
0x67: {  	[spmem:s17] =	stream.linear.scatter [tilespmem:s1], [sflag:$0x6], $0x1000, $0x38;
	[tilespmem:$0x1FD70] =	vst v63  }
0x68: {  	_ =	swait.ge [sflag:s4], $0x1000  }
0x69: {  	s20 =	sld [smem:$0x7F0]  }
0x6a: {  	[sflag:s4] =	ssyncset.done $0x0  }
0x6b: {  	[sflag:s4] =	ssyncadd.s32 $0xFFFFF000  }
0x6c: {  	[spmem:s20] =	stream.linear.scatter [tilespmem:s1], [sflag:$0x6], $0x1000, $0x38;
	[tilespmem:$0x1FD70] =	vst v63  }
0x6d: {  	_ =	swait.ge [sflag:s4], $0x1000  }
0x6e: {  	s30 =	sld [smem:$0x7F1]  }
0x6f: {  	[sflag:s4] =	ssyncset.done $0x0  }
0x70: {  	[sflag:s4] =	ssyncadd.s32 $0xFFFFF000  }
0x71: {  	[spmem:s30] =	stream.linear.scatter [tilespmem:s1], [sflag:$0x6], $0x1000, $0x38;
	[tilespmem:$0x1FD70] =	vst v63  }
0x72: {  	_ =	swait.ge [sflag:s4], $0x1000  }
0x73: {  	s31 =	sld [smem:$0x7F2]  }
0x74: {  	[sflag:s4] =	ssyncset.done $0x0  }
0x75: {  	[sflag:s4] =	ssyncadd.s32 $0xFFFFF000  }
0x76: {  	[spmem:s31] =	stream.linear.scatter [tilespmem:s1], [sflag:$0x6], $0x1000, $0x38;
	[tilespmem:$0x1FD70] =	vst v63  }
0x77: {  	_ =	swait.ge [sflag:s4], $0x1000  }
0x78: {  	s11 =	sld [smem:$0x7F3]  }
0x79: {  	[sflag:s4] =	ssyncset.done $0x0  }
0x7a: {  	[sflag:s4] =	ssyncadd.s32 $0xFFFFF000  }
0x7b: {  	[spmem:s11] =	stream.linear.scatter [tilespmem:s1], [sflag:$0x6], $0x1000, $0x38;
	[tilespmem:$0x1FD70] =	vst v63  }
0x7c: {  	_ =	swait.ge [sflag:s4], $0x1000  }
0x7d: {  	s17 =	sld [smem:$0x7F4]  }
0x7e: {  	[sflag:s4] =	ssyncset.done $0x0  }
0x7f: {  	[sflag:s4] =	ssyncadd.s32 $0xFFFFF000  }
0x80: {  	[spmem:s17] =	stream.linear.scatter [tilespmem:s1], [sflag:$0x6], $0x1000, $0x38;
	[tilespmem:$0x1FD70] =	vst v63  }
0x81: {  	_ =	swait.ge [sflag:s4], $0x1000  }
0x82: {  	s20 =	sld [smem:$0x7F5]  }
0x83: {  	[sflag:s4] =	ssyncset.done $0x0  }
0x84: {  	[sflag:s4] =	ssyncadd.s32 $0xFFFFF000  }
0x85: {  	[spmem:s20] =	stream.linear.scatter [tilespmem:s1], [sflag:$0x6], $0x1000, $0x38;
	[tilespmem:$0x1FD70] =	vst v63  }
0x86: {  	_ =	swait.ge [sflag:s4], $0x1000  }
0x87: {  	s30 =	sld [smem:$0x7F6]  }
0x88: {  	[sflag:s4] =	ssyncset.done $0x0  }
0x89: {  	[sflag:s4] =	ssyncadd.s32 $0xFFFFF000  }
0x8a: {  	[spmem:s30] =	stream.linear.scatter [tilespmem:s1], [sflag:$0x6], $0x1000, $0x38;
	[tilespmem:$0x1FD70] =	vst v63  }
0x8b: {  	_ =	swait.ge [sflag:s4], $0x1000  }
0x8c: {  	s31 =	sld [smem:$0x7F7]  }
0x8d: {  	[sflag:s4] =	ssyncset.done $0x0  }
0x8e: {  	[sflag:s4] =	ssyncadd.s32 $0xFFFFF000  }
0x8f: {  	[spmem:s31] =	stream.linear.scatter [tilespmem:s1], [sflag:$0x6], $0x1000, $0x38;
	[tilespmem:$0x1FD70] =	vst v63  }
0x90: {  	_ =	swait.ge [sflag:s4], $0x1000  }
0x91: {  	s11 =	sld [smem:$0x7F8]  }
0x92: {  	[sflag:s4] =	ssyncset.done $0x0  }
0x93: {  	[sflag:s4] =	ssyncadd.s32 $0xFFFFF000  }
0x94: {  	[spmem:s11] =	stream.linear.scatter [tilespmem:s1], [sflag:$0x6], $0x1000, $0x38;
	[tilespmem:$0x1FD70] =	vst v63  }
0x95: {  	_ =	swait.ge [sflag:s4], $0x1000  }
0x96: {  	s17 =	sld [smem:$0x7F9]  }
0x97: {  	[sflag:s4] =	ssyncset.done $0x0  }
0x98: {  	[sflag:s4] =	ssyncadd.s32 $0xFFFFF000  }
0x99: {  	[spmem:s17] =	stream.linear.scatter [tilespmem:s1], [sflag:$0x6], $0x1000, $0x38;
	[tilespmem:$0x1FD70] =	vst v63  }
0x9a: {  	_ =	swait.ge [sflag:s4], $0x1000  }
0x9b: {  	s20 =	sld [smem:$0x7FA]  }
0x9c: {  	[sflag:s4] =	ssyncset.done $0x0  }
0x9d: {  	[sflag:s4] =	ssyncadd.s32 $0xFFFFF000  }
0x9e: {  	[spmem:s20] =	stream.linear.scatter [tilespmem:s1], [sflag:$0x6], $0x1000, $0x38;
	[tilespmem:$0x1FD70] =	vst v63  }
0x9f: {  	_ =	swait.ge [sflag:s4], $0x1000  }
0xa0: {  	s30 =	sld [smem:$0x7FB]  }
0xa1: {  	[sflag:s4] =	ssyncset.done $0x0  }
0xa2: {  	[sflag:s4] =	ssyncadd.s32 $0xFFFFF000  }
0xa3: {  	[spmem:s30] =	stream.linear.scatter [tilespmem:s1], [sflag:$0x6], $0x1000, $0x38;
	[tilespmem:$0x1FD70] =	vst v63  }
0xa4: {  	_ =	swait.ge [sflag:s4], $0x1000  }
0xa5: {  	[sflag:s4] =	ssyncset.done $0x0  }
0xa6: {  	s31 =	rddreg [dreg:$0x8];
	[sflag:s4] =	ssyncadd.s32 $0xFFFFF000  }
0xa7: {  	[spmem:s31] =	stream.linear.scatter [tilespmem:s1], [sflag:$0x6], $0x6C0, $0x38;
	[tilespmem:$0x1FD70] =	vst v63  }
0xa8: {  	_ =	swait.ge [sflag:s4], $0x6C0  }
0xa9: {  	[sflag:s4] =	ssyncset.done $0x0  }
0xaa: {  	s11 =	rddreg [dreg:$0x7];
	[sflag:s4] =	ssyncadd.s32 $0xFFFFF940  }
0xab: {  	[spmem:s11] =	stream.linear.scatter [tilespmem:s14], [sflag:$0x6], $0x800, $0x38;
	[tilespmem:$0x1FD70] =	vst v63  }
0xac: {  	_ =	swait.ge [sflag:s4], $0x800  }
0xad: {  	s17 =	sld [smem:$0x7FC]  }
0xae: {  	[sflag:s4] =	ssyncset.done $0x0  }
0xaf: {  	[sflag:s4] =	ssyncadd.s32 $0xFFFFF800  }
0xb0: {  	[spmem:s17] =	stream.linear.scatter [tilespmem:s14], [sflag:$0x6], $0x800, $0x38;
	[tilespmem:$0x1FD70] =	vst v63  }
0xb1: {  	_ =	swait.ge [sflag:s4], $0x800  }
0xb2: {  	s20 =	sld [smem:$0x7FD]  }
0xb3: {  	[sflag:s4] =	ssyncset.done $0x0  }
0xb4: {  	[sflag:s4] =	ssyncadd.s32 $0xFFFFF800  }
0xb5: {  	[spmem:s20] =	stream.linear.scatter [tilespmem:s14], [sflag:$0x6], $0x800, $0x38;
	[tilespmem:$0x1FD70] =	vst v63  }
0xb6: {  	_ =	swait.ge [sflag:s4], $0x800  }
0xb7: {  	[sflag:s4] =	ssyncset.done $0x0  }
0xb8: {  	s30 =	rddreg [dreg:$0x9];
	[sflag:s4] =	ssyncadd.s32 $0xFFFFF800  }
0xb9: {  	[spmem:s30] =	stream.linear.scatter [tilespmem:s14], [sflag:$0x6], $0x70, $0x38;
	[tilespmem:$0x1FD70] =	vst v63  }
0xba: {  	_ =	swait.ge [sflag:s4], $0x70  }
0xbb: {  	[sflag:s4] =	ssyncset.done $0x0  }
0xbc: {  	[sflag:s4] =	ssyncadd.s32 $0xFFFFFF90  }
0xbd: {  	[bflag:$0x0] =	sbarrier.arrive $0xFFFF  }
0xbe: {  	s11 =	simm.s32 $0x1FD50;
	s31 =	rddreg [dreg:$0x1]  }
0xbf: {  	[tilespmem:s11], [sflag:$0x6] =	stream.linear.gather [hbm4b:s31+s26], $0x20, $0x38;
	[tilespmem:$0x1FD70] =	vst v63  }
0xc0: {  	_ =	swait.ge [sflag:s4], $0x20  }
0xc1: {  	[sflag:s4] =	ssyncset.done $0x0  }
0xc2: {  	[sflag:s4] =	ssyncadd.s32 $0xFFFFFFE0  }
0xc3: {  	s17 =	rddreg [dreg:$0xa];
	v2 =	vld [tilespmem:$0x1FD50]  }
0xc4: {  	v3 =	vld [tilespmem:$0x1FD60];
	[tilespmem:s15], [sflag:$0x3] =	stream.linear.gather [hbm4b:s17+s26], $0x80, $0x38  }
0xc5: {  	s20 =	rddreg [dreg:$0xb]  }
0xc6: {  	[tilespmem:s16], [sflag:$0x3] =	stream.linear.gather [hbm4b:s20+s26], $0x80, $0x38;
	[tilespmem:$0x1FD70] =	vst v63  }
0xc7: {  	s31 =	simm.s32 $0x1F830;
	s30 =	rddreg [dreg:$0x14]  }
0xc8: {  	[tilespmem:s31], [sflag:$0x3] =	stream.linear.gather [hbm4b:s30+s26], $0x80, $0x38;
	[tilespmem:$0x1FD70] =	vst v63  }
0xc9: {  	_ =	swait.ge [sflag:s18], $0x80  }
0xca: {  	[sflag:s18] =	ssyncset.done $0x0  }
0xcb: {  	[sflag:s18] =	ssyncadd.s32 $0xFFFFFF80  }
0xcc: {  	_ =	swait.ge [sflag:s18], $0x80  }
0xcd: {  	[sflag:s18] =	ssyncset.done $0x0  }
0xce: {  	[sflag:s18] =	ssyncadd.s32 $0xFFFFFF80  }
0xcf: {  	_ =	swait.ge [sflag:s18], $0x80  }
0xd0: {  	[sflag:s18] =	ssyncset.done $0x0  }
0xd1: {  	[sflag:s18] =	ssyncadd.s32 $0xFFFFFF80  }
0xd2: {  	v4 =	vld [tilespmem:$0x1F830]  }
0xd3: {  	v5 =	vld [tilespmem:$0x1F840]  }
0xd4: {  	v60 =	vld [tilespmem:$0x1F850]  }
0xd5: {  	v62 =	vld [tilespmem:$0x1F880]  }
0xd6: {  	v63 =	vld [tilespmem:$0x1F8A0]  }
0xd7: {  	[tilespmem:$0x1FC50] =	vst v4  }
0xd8: {  	[tilespmem:$0x1FC60] =	vst v5  }
0xd9: {  	[tilespmem:$0x1FC70] =	vst v60  }
0xda: {  	[tilespmem:$0x1FCA0] =	vst v62  }
0xdb: {  	v6 =	vshrl.u32 v4, $0x3;
	v4 =	vand.u32 $0x7, v4;
	[tilespmem:$0x1FCC0] =	vst v63  }
0xdc: {  	[tilespmem:$0x1F930] =	vst v4;
	v4 =	vshrl.u32 v5, $0x3  }
0xdd: {  	[tilespmem:$0x1F8C0] =	vst v4;
	v4 =	vand.u32 $0x7, v5;
	v5 =	vld [tilespmem:$0x1F860]  }
0xde: {  	[tilespmem:$0x1F940] =	vst v4;
	v4 =	vshrl.u32 v60, $0x3  }
0xdf: {  	[tilespmem:$0x1F8D0] =	vst v4;
	v4 =	vld [tilespmem:$0x1F870]  }
0xe0: {  	[tilespmem:$0x1F8B0] =	vst v6;
	v6 =	vand.u32 $0x7, v60  }
0xe1: {  	[tilespmem:$0x1F950] =	vst v6  }
0xe2: {  	[tilespmem:$0x1FC80] =	vst v5;
	v61 =	vshrl.u32 v5, $0x3  }
0xe3: {  	v5 =	vand.u32 $0x7, v5;
	[tilespmem:$0x1F8E0] =	vst v61  }
0xe4: {  	[tilespmem:$0x1F960] =	vst v5;
	v5 =	vshrl.u32 v4, $0x3  }
0xe5: {  	[tilespmem:$0x1F8F0] =	vst v5;
	v5 =	vld [tilespmem:$0x1F890]  }
0xe6: {  	[tilespmem:$0x1FC90] =	vst v4;
	v4 =	vand.u32 $0x7, v4  }
0xe7: {  	[tilespmem:$0x1F970] =	vst v4;
	v4 =	vshrl.u32 v62, $0x3  }
0xe8: {  	[tilespmem:$0x1F900] =	vst v4;
	v4 =	vand.u32 $0x7, v62  }
0xe9: {  	[tilespmem:$0x1F980] =	vst v4  }
0xea: {  	v4 =	vshrl.u32 v5, $0x3;
	[tilespmem:$0x1FCB0] =	vst v5  }
0xeb: {  	[tilespmem:$0x1F910] =	vst v4;
	v4 =	vand.u32 $0x7, v5  }
0xec: {  	[tilespmem:$0x1F990] =	vst v4;
	v4 =	vshrl.u32 v63, $0x3  }
0xed: {  	[tilespmem:$0x1F920] =	vst v4;
	v4 =	vand.u32 $0x7, v63  }
0xee: {  	s17 =	simm.s32 $0x19F30;
	[tilespmem:$0x1F9A0] =	vst v4  }
0xef: {  	[tilespmem:s17], [sflag:$0x1] =	stream.indirect.gather [hbm4b:s6+s19], $0x20, s15, s19, $0xb8;
	[tilespmem:$0x1FD70] =	vst v63  }
0xf0: {  	_ = 	snop  }
0xf1: {  	[tilespmem:s21], [sflag:$0x1] =	stream.indirect.gather [hbm4b:s7+s19], $0x20, s16, s19, $0xb8;
	[tilespmem:$0x1FD70] =	vst v63  }
0xf2: {  	s20 =	rddreg [dreg:$0xc]  }
0xf3: {  	[tilespmem:s22], [sflag:$0x4] =	stream.linear.gather [hbm4b:s20+s26], $0x80, $0x38;
	[tilespmem:$0x1FD70] =	vst v63  }
0xf4: {  	s30 =	rddreg [dreg:$0xd]  }
0xf5: {  	[tilespmem:s23], [sflag:$0x4] =	stream.linear.gather [hbm4b:s30+s26], $0x80, $0x38;
	[tilespmem:$0x1FD70] =	vst v63  }
0xf6: {  	s28 =	simm.s32 $0x0;
	s31 =	rddreg [dreg:$0xe]  }
0xf7: {  	[tilespmem:s24], [sflag:$0x4] =	stream.linear.gather [hbm4b:s31+s26], $0x80, $0x38;
	[tilespmem:$0x1FD70] =	vst v63  }
.LBB2_4:
0xf8: {  	_ =	swait.ge [sflag:s25], $0x80  }
0xf9: {  	[sflag:s25] =	ssyncset.done $0x0  }
0xfa: {  	[sflag:s25] =	ssyncadd.s32 $0xFFFFFF80  }
0xfb: {  	_ =	swait.ge [sflag:s25], $0x80  }
0xfc: {  	[sflag:s25] =	ssyncset.done $0x0  }
0xfd: {  	[sflag:s25] =	ssyncadd.s32 $0xFFFFFF80  }
0xfe: {  	_ =	swait.ge [sflag:s25], $0x80  }
0xff: {  	[sflag:s25] =	ssyncset.done $0x0  }
0x100: {  	[sflag:s25] =	ssyncadd.s32 $0xFFFFFF80  }
0x101: {  	v4 =	vld [tilespmem:$0x1FAC0]  }
0x102: {  	v5 =	vld [tilespmem:$0x1FAD0];
	_ =	sdelay $0x3  }
0x103: {  	[tilespmem:$0x1FCD0] =	vst v4  }
0x104: {  	v6 =	vshrl.u32 v4, $0x3;
	[tilespmem:$0x1FCE0] =	vst v5  }
0x105: {  	v4 =	vand.u32 $0x7, v4;
	[tilespmem:$0x1FB40] =	vst v6;
	v6 =	vld [tilespmem:$0x1FAE0]  }
0x106: {  	[tilespmem:$0x1FBC0] =	vst v4;
	v4 =	vshrl.u32 v5, $0x3  }
0x107: {  	[tilespmem:$0x1FB50] =	vst v4;
	v4 =	vand.u32 $0x7, v5;
	v5 =	vld [tilespmem:$0x1FAF0];
	_ =	sdelay $0x1  }
0x108: {  	[tilespmem:$0x1FBD0] =	vst v4  }
0x109: {  	[tilespmem:$0x1FCF0] =	vst v6;
	v4 =	vshrl.u32 v6, $0x3  }
0x10a: {  	[tilespmem:$0x1FB60] =	vst v4;
	v4 =	vand.u32 $0x7, v6;
	v6 =	vld [tilespmem:$0x1FB00]  }
0x10b: {  	[tilespmem:$0x1FD00] =	vst v5  }
0x10c: {  	[tilespmem:$0x1FBE0] =	vst v4;
	v4 =	vshrl.u32 v5, $0x3  }
0x10d: {  	[tilespmem:$0x1FB70] =	vst v4;
	v4 =	vand.u32 $0x7, v5;
	v5 =	vld [tilespmem:$0x1FB10]  }
0x10e: {  	[tilespmem:$0x1FBF0] =	vst v4  }
0x10f: {  	[tilespmem:$0x1FD10] =	vst v6;
	v4 =	vshrl.u32 v6, $0x3  }
0x110: {  	[tilespmem:$0x1FB80] =	vst v4;
	v4 =	vand.u32 $0x7, v6;
	v6 =	vld [tilespmem:$0x1FB20]  }
0x111: {  	[tilespmem:$0x1FC00] =	vst v4  }
0x112: {  	[tilespmem:$0x1FD20] =	vst v5;
	v4 =	vshrl.u32 v5, $0x3  }
0x113: {  	[tilespmem:$0x1FB90] =	vst v4;
	v4 =	vand.u32 $0x7, v5;
	v5 =	vld [tilespmem:$0x1FB30]  }
0x114: {  	[tilespmem:$0x1FC10] =	vst v4  }
0x115: {  	[tilespmem:$0x1FD30] =	vst v6;
	v4 =	vshrl.u32 v6, $0x3  }
0x116: {  	[tilespmem:$0x1FBA0] =	vst v4;
	v4 =	vand.u32 $0x7, v6  }
0x117: {  	[tilespmem:$0x1FC20] =	vst v4  }
0x118: {  	[tilespmem:$0x1FD40] =	vst v5;
	v4 =	vshrl.u32 v5, $0x3  }
0x119: {  	[tilespmem:$0x1FBB0] =	vst v4;
	v4 =	vand.u32 $0x7, v5  }
0x11a: {  	s5 =	simm.s32 $0x1BF30;
	[tilespmem:$0x1FC30] =	vst v4  }
0x11b: {  	[tilespmem:s5], [sflag:$0x2] =	stream.indirect.gather [hbm4b:s6+s19], $0x20, s22, s19, $0xb8;
	[tilespmem:$0x1FD70] =	vst v63  }
0x11c: {  	s11 =	simm.s32 $0x1CF30  }
0x11d: {  	[tilespmem:s11], [sflag:$0x2] =	stream.indirect.gather [hbm4b:s7+s19], $0x20, s23, s19, $0xb8;
	[tilespmem:$0x1FD70] =	vst v63  }
0x11e: {  	_ =	swait.ge [sflag:s29], $0x1000  }
0x11f: {  	[sflag:s29] =	ssyncset.done $0x0  }
0x120: {  	s17 =	sshll.u32 s28, $0x5;
	[sflag:s29] =	ssyncadd.s32 $0xFFFFF000  }
0x121: {  	s30 =	sadd.s32 s13, s17;
	_ =	swait.ge [sflag:s29], $0x1000  }
0x122: {  	s5 =	sadd.s32 $0x20, s30;
	[sflag:s29] =	ssyncset.done $0x0  }
0x123: {  	s11 =	sadd.s32 s8, s5;
	[sflag:s29] =	ssyncadd.s32 $0xFFFFF000  }
0x124: {  	[tilespmem:s15], [sflag:$0x3] =	stream.linear.gather [hbm4b:s11+s26], $0x80, $0x38;
	[tilespmem:$0x1FD70] =	vst v63  }
0x125: {  	s20 =	sadd.s32 s9, s5  }
0x126: {  	[tilespmem:s16], [sflag:$0x3] =	stream.linear.gather [hbm4b:s20+s26], $0x80, $0x38;
	[tilespmem:$0x1FD70] =	vst v63  }
0x127: {  	s17 =	simm.s32 $0x1F830;
	s5 =	sadd.s32 s10, s5;
	s20 =	simm.s32 $0x0  }
0x128: {  	[tilespmem:s17], [sflag:$0x3] =	stream.linear.gather [hbm4b:s5+s26], $0x80, $0x38;
	[tilespmem:$0x1FD70] =	vst v63  }
0x129: {  	v4 =	vld [tilespmem:s20+$0x1AF40]  }
0x12a: {  	v5 =	vld [tilespmem:s20+$0x1AF30]  }
0x12b: {  	v6 =	vld [tilespmem:s20+$0x19F30]  }
0x12c: {  	v7 =	vld [tilespmem:s20+$0x19F40];
	_ =	sdelay $0x4  }
0x12d: {  	v5 =	vadd.f32 v5, v6;
	v4 =	vadd.f32 v4, v7;
	_ =	sdelay $0x1  }
0x12e: {  	v8 =	vmul.f32 $2.000000030e-01, v5;
	v9 =	vmul.f32 $2.000000030e-01, v4;
	_ =	sdelay $0x1  }
0x12f: {  	v5 =	vmax.f32 v5, v8;
	v4 =	vmax.f32 v4, v9  }
0x130: {  	v5 =	vmul.f32 v5, v2;
	v4 =	vmul.f32 v4, v3;
	_ =	sdelay $0x1  }
0x131: {  	v4 =	vadd.f32 v4, v5;
	_ =	sdelay $0x1  }
0x132: {  	(xrf2) =	vadd.scan.msk.f32 $0xffff, v4;
	_ =	sdelay $0x9  }
0x133: {  	v4, _, _ =	vpop (xrf2)  }
0x134: {  	v4 =	vmul.f32 $1.442695020e+00, v4;
	_ =	sdelay $0x1  }
0x135: {  	v4 =	vbroadcast v4, $0xF;
	_ =	sdelay $0x1  }
0x136: {  	(erf) = vpow2.f32 v4;
	_ =	sdelay $0x8  }
0x137: {  	v4 =	vpop (erf)  }
0x138: {  	v5 =	vmul.f32 v4, v6  }
0x139: {  	v6 =	vmul.f32 v4, v7  }
0x13a: {  	[tilespmem:s20+$0x1DF30] =	vst v5  }
0x13b: {  	s31 =	simm.s32 $0x1F930;
	[tilespmem:s20+$0x1DF40] =	vst v6  }
0x13c: {  	s11 =	simm.s32 $0x1EF30;
	s17 =	simm.s32 $0x80;
	s5 =	simm.s32 $0x1EF30;
	v5 =	vld.msk [tilespmem:s31+$0x0 ss:$0x0], $0xffff  }
.LBB2_5:
0x13d: {  	_ =	sdelay $0x1  }
0x13e: {  	p0 =	sne.s32 s17, $0x3F80;
	s11 =	sadd.s32 $0x10, s11;
	s31 =	sadd.s32 $0x1, s31  }
0x13f: {  	s20 =	smov.u32 s17;
	s17 =	sadd.s32 $0x80, s17  }
0x140: {  	vm0 =	veq.s32 v5, v1  }
0x141: {  	v4 =	vnsel vm0, $0x0, v4  }
0x142: {  	s20 =	sshra.s32 s20, $0x2;
	[tilespmem:s5+$0x0] =	vst v4;
	s5 =	smov.u32 s11  }
0x143: {  	v4 =	vld [tilespmem:s20+$0x1AF40]  }
0x144: {  	v5 =	vld [tilespmem:s20+$0x1AF30]  }
0x145: {  	v6 =	vld [tilespmem:s20+$0x19F30]  }
0x146: {  	v7 =	vld [tilespmem:s20+$0x19F40];
	_ =	sdelay $0x3  }
0x147: {  	v5 =	vadd.f32 v5, v6  }
0x148: {  	v4 =	vadd.f32 v4, v7  }
0x149: {  	v8 =	vmul.f32 $2.000000030e-01, v5  }
0x14a: {  	v9 =	vmul.f32 $2.000000030e-01, v4  }
0x14b: {  	v5 =	vmax.f32 v5, v8  }
0x14c: {  	v4 =	vmax.f32 v4, v9  }
0x14d: {  	v5 =	vmul.f32 v5, v2;
	v4 =	vmul.f32 v4, v3;
	_ =	sdelay $0x1  }
0x14e: {  	v4 =	vadd.f32 v4, v5;
	_ =	sdelay $0x1  }
0x14f: {  	(xrf2) =	vadd.scan.msk.f32 $0xffff, v4;
	_ =	sdelay $0x9  }
0x150: {  	v4, _, _ =	vpop (xrf2)  }
0x151: {  	v4 =	vmul.f32 $1.442695020e+00, v4;
	_ =	sdelay $0x1  }
0x152: {  	v4 =	vbroadcast v4, $0xF;
	_ =	sdelay $0x1  }
0x153: {  	(erf) = vpow2.f32 v4;
	_ =	sdelay $0x8  }
0x154: {  	v4 =	vpop (erf)  }
.Ltmp1:
0x155: {  	v5 =	vmul.f32 v4, v6;
	v6 =	vmul.f32 v4, v7;
	(pc) =	sbr.rel @p0 .LBB2_5-.Ltmp1, $4  }
0x156: {  	_ = 	snop  }
0x157: {  	[tilespmem:s20+$0x1DF30] =	vst v5  }
0x158: {  	[tilespmem:s20+$0x1DF40] =	vst v6  }
0x159: {  	v5 =	vld.msk [tilespmem:s31+$0x0 ss:$0x0], $0xffff  }
0x15a: {  	_ =	sdelay $0x3  }
0x15b: {  	vm0 =	veq.s32 v5, v1  }
0x15c: {  	v4 =	vnsel vm0, $0x0, v4  }
0x15d: {  	s20 =	simm.s32 $0x1FC50;
	[tilespmem:s5+$0x0] =	vst v4  }
0x15e: {  	[spmem:s2] =	stream.indirect.scatter.add.f32 [tilespmem:s1], [sflag:$0x5], $0x20, s20, s19, $0xb8;
	[tilespmem:$0x1FD70] =	vst v63  }
0x15f: {  	s31 =	simm.s32 $0x1EF30;
	s11 =	simm.s32 $0x1F8B0  }
0x160: {  	[spmem:s3] =	stream.indirect.scatter.add.f32 [tilespmem:s31], [sflag:$0x5], $0x10, s11, s19, $0xb8;
	[tilespmem:$0x1FD70] =	vst v63  }
0x161: {  	_ =	swait.ge [sflag:s0], $0x1000  }
0x162: {  	[sflag:s0] =	ssyncset.done $0x0  }
0x163: {  	[sflag:s0] =	ssyncadd.s32 $0xFFFFF000  }
0x164: {  	_ =	swait.ge [sflag:s0], $0x800  }
0x165: {  	[sflag:s0] =	ssyncset.done $0x0  }
0x166: {  	[sflag:s0] =	ssyncadd.s32 $0xFFFFF800  }
0x167: {  	_ =	swait.ge [sflag:s18], $0x80  }
0x168: {  	[sflag:s18] =	ssyncset.done $0x0  }
0x169: {  	[sflag:s18] =	ssyncadd.s32 $0xFFFFFF80  }
0x16a: {  	_ =	swait.ge [sflag:s18], $0x80  }
0x16b: {  	[sflag:s18] =	ssyncset.done $0x0  }
0x16c: {  	[sflag:s18] =	ssyncadd.s32 $0xFFFFFF80  }
0x16d: {  	_ =	swait.ge [sflag:s18], $0x80  }
0x16e: {  	[sflag:s18] =	ssyncset.done $0x0  }
0x16f: {  	[sflag:s18] =	ssyncadd.s32 $0xFFFFFF80  }
0x170: {  	v4 =	vld [tilespmem:$0x1F830]  }
0x171: {  	v5 =	vld [tilespmem:$0x1F840];
	_ =	sdelay $0x3  }
0x172: {  	[tilespmem:$0x1FC50] =	vst v4  }
0x173: {  	v6 =	vshrl.u32 v4, $0x3;
	[tilespmem:$0x1FC60] =	vst v5  }
0x174: {  	v4 =	vand.u32 $0x7, v4;
	[tilespmem:$0x1F8B0] =	vst v6;
	v6 =	vld [tilespmem:$0x1F850]  }
0x175: {  	[tilespmem:$0x1F930] =	vst v4;
	v4 =	vshrl.u32 v5, $0x3  }
0x176: {  	[tilespmem:$0x1F8C0] =	vst v4;
	v4 =	vand.u32 $0x7, v5;
	v5 =	vld [tilespmem:$0x1F860];
	_ =	sdelay $0x1  }
0x177: {  	[tilespmem:$0x1F940] =	vst v4  }
0x178: {  	[tilespmem:$0x1FC70] =	vst v6;
	v4 =	vshrl.u32 v6, $0x3  }
0x179: {  	[tilespmem:$0x1F8D0] =	vst v4;
	v4 =	vand.u32 $0x7, v6;
	v6 =	vld [tilespmem:$0x1F870]  }
0x17a: {  	[tilespmem:$0x1FC80] =	vst v5  }
0x17b: {  	[tilespmem:$0x1F950] =	vst v4;
	v4 =	vshrl.u32 v5, $0x3  }
0x17c: {  	[tilespmem:$0x1F8E0] =	vst v4;
	v4 =	vand.u32 $0x7, v5;
	v5 =	vld [tilespmem:$0x1F880]  }
0x17d: {  	[tilespmem:$0x1F960] =	vst v4  }
0x17e: {  	[tilespmem:$0x1FC90] =	vst v6;
	v4 =	vshrl.u32 v6, $0x3  }
0x17f: {  	[tilespmem:$0x1F8F0] =	vst v4;
	v4 =	vand.u32 $0x7, v6;
	v6 =	vld [tilespmem:$0x1F890]  }
0x180: {  	[tilespmem:$0x1F970] =	vst v4  }
0x181: {  	[tilespmem:$0x1FCA0] =	vst v5;
	v4 =	vshrl.u32 v5, $0x3  }
0x182: {  	[tilespmem:$0x1F900] =	vst v4;
	v4 =	vand.u32 $0x7, v5;
	v5 =	vld [tilespmem:$0x1F8A0]  }
0x183: {  	[tilespmem:$0x1F980] =	vst v4  }
0x184: {  	[tilespmem:$0x1FCB0] =	vst v6;
	v4 =	vshrl.u32 v6, $0x3  }
0x185: {  	[tilespmem:$0x1F910] =	vst v4;
	v4 =	vand.u32 $0x7, v6  }
0x186: {  	[tilespmem:$0x1F990] =	vst v4  }
0x187: {  	[tilespmem:$0x1FCC0] =	vst v5;
	v4 =	vshrl.u32 v5, $0x3  }
0x188: {  	[tilespmem:$0x1F920] =	vst v4;
	v4 =	vand.u32 $0x7, v5  }
0x189: {  	s17 =	simm.s32 $0x19F30;
	[tilespmem:$0x1F9A0] =	vst v4  }
0x18a: {  	[tilespmem:s17], [sflag:$0x1] =	stream.indirect.gather [hbm4b:s6+s19], $0x20, s15, s19, $0xb8;
	[tilespmem:$0x1FD70] =	vst v63  }
0x18b: {  	_ = 	snop  }
0x18c: {  	[tilespmem:s21], [sflag:$0x1] =	stream.indirect.gather [hbm4b:s7+s19], $0x20, s16, s19, $0xb8;
	[tilespmem:$0x1FD70] =	vst v63  }
0x18d: {  	_ =	swait.ge [sflag:s12], $0x1000  }
0x18e: {  	[sflag:s12] =	ssyncset.done $0x0  }
0x18f: {  	[sflag:s12] =	ssyncadd.s32 $0xFFFFF000  }
0x190: {  	_ =	swait.ge [sflag:s12], $0x1000  }
0x191: {  	s5 =	sadd.s32 $0x30, s30;
	[sflag:s12] =	ssyncset.done $0x0  }
0x192: {  	s11 =	sadd.s32 s8, s5;
	s17 =	simm.s32 $0x0;
	[sflag:s12] =	ssyncadd.s32 $0xFFFFF000  }
0x193: {  	[tilespmem:s22], [sflag:$0x4] =	stream.linear.gather [hbm4b:s11+s17], $0x80, $0x38;
	[tilespmem:$0x1FD70] =	vst v63  }
0x194: {  	s20 =	sadd.s32 s9, s5  }
0x195: {  	[tilespmem:s23], [sflag:$0x4] =	stream.linear.gather [hbm4b:s20+s17], $0x80, $0x38;
	[tilespmem:$0x1FD70] =	vst v63  }
0x196: {  	s5 =	sadd.s32 s10, s5;
	s20 =	simm.s32 $0x0  }
0x197: {  	[tilespmem:s24], [sflag:$0x4] =	stream.linear.gather [hbm4b:s5+s17], $0x80, $0x38;
	[tilespmem:$0x1FD70] =	vst v63  }
0x198: {  	v4 =	vld [tilespmem:s20+$0x1CF40]  }
0x199: {  	v5 =	vld [tilespmem:s20+$0x1CF30]  }
0x19a: {  	v6 =	vld [tilespmem:s20+$0x1BF30]  }
0x19b: {  	v7 =	vld [tilespmem:s20+$0x1BF40];
	_ =	sdelay $0x4  }
0x19c: {  	v5 =	vadd.f32 v5, v6;
	v4 =	vadd.f32 v4, v7;
	_ =	sdelay $0x1  }
0x19d: {  	v8 =	vmul.f32 $2.000000030e-01, v5;
	v9 =	vmul.f32 $2.000000030e-01, v4;
	_ =	sdelay $0x1  }
0x19e: {  	v5 =	vmax.f32 v5, v8;
	v4 =	vmax.f32 v4, v9  }
0x19f: {  	v5 =	vmul.f32 v5, v2;
	v4 =	vmul.f32 v4, v3;
	_ =	sdelay $0x1  }
0x1a0: {  	v4 =	vadd.f32 v4, v5;
	_ =	sdelay $0x1  }
0x1a1: {  	(xrf2) =	vadd.scan.msk.f32 $0xffff, v4;
	_ =	sdelay $0x9  }
0x1a2: {  	v4, _, _ =	vpop (xrf2)  }
0x1a3: {  	v4 =	vmul.f32 $1.442695020e+00, v4;
	_ =	sdelay $0x1  }
0x1a4: {  	v4 =	vbroadcast v4, $0xF;
	_ =	sdelay $0x1  }
0x1a5: {  	(erf) = vpow2.f32 v4;
	_ =	sdelay $0x8  }
0x1a6: {  	v4 =	vpop (erf)  }
0x1a7: {  	v5 =	vmul.f32 v4, v6  }
0x1a8: {  	v6 =	vmul.f32 v4, v7  }
0x1a9: {  	[tilespmem:s20+$0x1DF30] =	vst v5  }
0x1aa: {  	s30 =	simm.s32 $0x1FBC0;
	[tilespmem:s20+$0x1DF40] =	vst v6  }
0x1ab: {  	s11 =	simm.s32 $0x80;
	s5 =	simm.s32 $0x1EF30;
	v5 =	vld.msk [tilespmem:s30+$0x0 ss:$0x0], $0xffff  }
.LBB2_7:
0x1ac: {  	_ =	sdelay $0x1  }
0x1ad: {  	p0 =	sne.s32 s11, $0x3F80;
	s31 =	sadd.s32 $0x10, s31;
	s30 =	sadd.s32 $0x1, s30  }
0x1ae: {  	s17 =	smov.u32 s11;
	s11 =	sadd.s32 $0x80, s11  }
0x1af: {  	vm0 =	veq.s32 v5, v1  }
0x1b0: {  	v4 =	vnsel vm0, $0x0, v4  }
0x1b1: {  	s17 =	sshra.s32 s17, $0x2;
	[tilespmem:s5+$0x0] =	vst v4;
	s5 =	smov.u32 s31  }
0x1b2: {  	v4 =	vld [tilespmem:s17+$0x1CF40]  }
0x1b3: {  	v5 =	vld [tilespmem:s17+$0x1CF30]  }
0x1b4: {  	v6 =	vld [tilespmem:s17+$0x1BF30]  }
0x1b5: {  	v7 =	vld [tilespmem:s17+$0x1BF40];
	_ =	sdelay $0x3  }
0x1b6: {  	v5 =	vadd.f32 v5, v6  }
0x1b7: {  	v4 =	vadd.f32 v4, v7  }
0x1b8: {  	v8 =	vmul.f32 $2.000000030e-01, v5  }
0x1b9: {  	v9 =	vmul.f32 $2.000000030e-01, v4  }
0x1ba: {  	v5 =	vmax.f32 v5, v8  }
0x1bb: {  	v4 =	vmax.f32 v4, v9  }
0x1bc: {  	v5 =	vmul.f32 v5, v2;
	v4 =	vmul.f32 v4, v3;
	_ =	sdelay $0x1  }
0x1bd: {  	v4 =	vadd.f32 v4, v5;
	_ =	sdelay $0x1  }
0x1be: {  	(xrf2) =	vadd.scan.msk.f32 $0xffff, v4;
	_ =	sdelay $0x9  }
0x1bf: {  	v4, _, _ =	vpop (xrf2)  }
0x1c0: {  	v4 =	vmul.f32 $1.442695020e+00, v4;
	_ =	sdelay $0x1  }
0x1c1: {  	v4 =	vbroadcast v4, $0xF;
	_ =	sdelay $0x1  }
0x1c2: {  	(erf) = vpow2.f32 v4;
	_ =	sdelay $0x8  }
0x1c3: {  	v4 =	vpop (erf)  }
.Ltmp2:
0x1c4: {  	v5 =	vmul.f32 v4, v6;
	v6 =	vmul.f32 v4, v7;
	(pc) =	sbr.rel @p0 .LBB2_7-.Ltmp2, $4  }
0x1c5: {  	_ = 	snop  }
0x1c6: {  	[tilespmem:s17+$0x1DF30] =	vst v5  }
0x1c7: {  	[tilespmem:s17+$0x1DF40] =	vst v6  }
0x1c8: {  	v5 =	vld.msk [tilespmem:s30+$0x0 ss:$0x0], $0xffff  }
0x1c9: {  	_ =	sdelay $0x3  }
0x1ca: {  	vm0 =	veq.s32 v5, v1  }
0x1cb: {  	v4 =	vnsel vm0, $0x0, v4  }
0x1cc: {  	s30 =	simm.s32 $0x1FCD0;
	[tilespmem:s5+$0x0] =	vst v4  }
0x1cd: {  	[spmem:s2] =	stream.indirect.scatter.add.f32 [tilespmem:s1], [sflag:$0x5], $0x20, s30, s19, $0xb8;
	[tilespmem:$0x1FD70] =	vst v63  }
0x1ce: {  	s31 =	simm.s32 $0x1FB40;
	s28 =	sadd.s32 $0x1, s28  }
0x1cf: {  	[spmem:s3] =	stream.indirect.scatter.add.f32 [tilespmem:s14], [sflag:$0x5], $0x10, s31, s19, $0xb8;
	[tilespmem:$0x1FD70] =	vst v63  }
0x1d0: {  	p0 =	sne.s32 s28, $0x62;
	_ =	swait.ge [sflag:s0], $0x1000  }
.Ltmp3:
0x1d1: {  	[sflag:s0] =	ssyncset.done $0x0;
	(pc) =	sbr.rel @p0 .LBB2_4-.Ltmp3, $4  }
0x1d2: {  	[sflag:s0] =	ssyncadd.s32 $0xFFFFF000  }
0x1d3: {  	_ =	swait.ge [sflag:s0], $0x800  }
0x1d4: {  	[sflag:s0] =	ssyncset.done $0x0  }
0x1d5: {  	[sflag:s0] =	ssyncadd.s32 $0xFFFFF800  }
0x1d6: {  	_ =	swait.ge [sflag:s29], $0x1000  }
0x1d7: {  	[sflag:s29] =	ssyncset.done $0x0  }
0x1d8: {  	[sflag:s29] =	ssyncadd.s32 $0xFFFFF000  }
0x1d9: {  	_ =	swait.ge [sflag:s29], $0x1000  }
0x1da: {  	[sflag:s29] =	ssyncset.done $0x0  }
0x1db: {  	[sflag:s29] =	ssyncadd.s32 $0xFFFFF000  }
0x1dc: {  	_ =	swait.ge [sflag:s25], $0x80  }
0x1dd: {  	[sflag:s25] =	ssyncset.done $0x0  }
0x1de: {  	[sflag:s25] =	ssyncadd.s32 $0xFFFFFF80  }
0x1df: {  	_ =	swait.ge [sflag:s25], $0x80  }
0x1e0: {  	[sflag:s25] =	ssyncset.done $0x0  }
0x1e1: {  	[sflag:s25] =	ssyncadd.s32 $0xFFFFFF80  }
0x1e2: {  	_ =	swait.ge [sflag:s25], $0x80  }
0x1e3: {  	[sflag:s25] =	ssyncset.done $0x0  }
0x1e4: {  	[sflag:s25] =	ssyncadd.s32 $0xFFFFFF80  }
0x1e5: {  	s5 =	stileid.u32;
	[bflag:$0x0] =	sbarrier.arrive $0xFFFF  }
0x1e6: {  	s5 =	sshll.u32 s5, $0x6;
	s11 =	rddreg [dreg:$0xf]  }
0x1e7: {  	s5 =	sor.u32 $0x1C06, s5;
	s17 =	rddreg [dreg:$0x12]  }
0x1e8: {  	[hbm:s11], [sflag:s5] =	dma.local [spmem:s17], $0x30D8  }
0x1e9: {  	_ =	swait.ge [sflag:s4], $0x30D8  }
0x1ea: {  	[sflag:s4] =	ssyncset.done $0x0;
	s20 =	rddreg [dreg:$0x10]  }
0x1eb: {  	s28 =	rddreg [dreg:$0x13];
	[sflag:s4] =	ssyncadd.s32 $0xFFFFCF28  }
0x1ec: {  	[hbm:s20], [sflag:s5] =	dma.local [spmem:s28], $0x30E  }
0x1ed: {  	_ =	swait.ge [sflag:s4], $0x30E  }
0x1ee: {  	s30 =	rddreg [dreg:$0x5]  }
0x1ef: {  	s31 =	rddreg [dreg:$0x11];
	s17 =	sadd.s32 $0x1, s30  }
0x1f0: {  	p0 =	sne.s32 s17, s31  }
.Ltmp4:
0x1f1: {  	_ = 	snop;
	(pc) =	sbr.rel @p0 .LBB2_1-.Ltmp4, $3  }
0x1f2: {  	_ =	sdelay $0x1  }
0x1f3: {  	[sflag:s4] =	ssyncset.done $0x0  }
0x1f4: {  	[sflag:s4] =	ssyncadd.s32 $0xFFFFFCF2  }
0x1f5: {  	_ =	sfence.sel $0x180000  }
0x1f6: {  	[bflag:$0x0] =	sbarrier.arrive $0xFFFF  }
0x1f7: {  	_ =	strace $0x9000004A  }
0x1f8: {  	s0 =	stileid.u32;
	[bflag:$0x2] =	sbarrier.arrive $0xFFFF  }
0x1f9: {  	p0 =	sne.s32 s0, $0x0;
	s0 =	rddreg [dreg:$0x4]  }
0x1fa: {  	s0 =	sadd.s32 @!p0 $0x100000, s0  }
0x1fb: {  	[sflag:s0] =	ssyncadd.tile.s32 @!p0 $0x1;
	_ =	shalt  }
.Lfunc_end2:
_tile_overlayer_lowered:
.L_overlay_start_2:
0x1fc: {  	(tag) =	ssettag $0x2  }
0x1fd: {  	s0 =	rddreg [dreg:$0x0];
	s2 =	stileid.u32  }
0x1fe: {  	s1 =	rddreg [dreg:$0x1];
	p0 =	sne.s32 s2, $0x0  }
0x1ff: {  	s3 =	rddreg [dreg:$0x2];
	[bflag:$0x3] =	sbarrier.arrive $0xFFFF;
	s2 =	simm.s32 @!p0 $0x1C06  }
0x200: {  	[timem:s3], [sflag:s2] =	dma.local @!p0 [hbm:s0], s1  }
0x201: {  	s0 =	simm.s32 @!p0 $0x6  }
0x202: {  	_ =	swait.ge @!p0 [sflag:s0], s1  }
0x203: {  	s1 =	ssub.s32 @!p0 $0x0, s1;
	[sflag:s0] =	ssyncset.done @!p0 $0x0  }
0x204: {  	[sflag:s0] =	ssyncadd.s32 @!p0 s1  }
0x205: {  	[bflag:$0x3] =	sbarrier.arrive $0xFFFF  }
0x206: {  	_ =	shalt  }

// kernel: kernel.9.cloned.1.call-start
scs
__scs_entry_jumppad:
0x0: {  	(pc) =	sbr.rel $0x88, $3  }
0x1: {  	(tag) =	ssettag $0x0;
	lr =	simm.s32 $0x1  }
0x2: {  	[smem:$0x3F8A] =	sst lr;
	_ =	strace $0xD0000000  }
0x3: {  	_ = 	snop  }
0x4: {  	_ = 	snop  }
0x5: {  	_ = 	snop  }
0x6: {  	_ = 	snop  }
0x7: {  	_ = 	snop  }
__scs_overlays_trampoline_lowered:
0x8: {  	[smem:$0x3F99] =	sst s0  }
0x9: {  	[smem:$0x3F9A] =	sst s1  }
0xa: {  	[smem:$0x3F9B] =	sst s2  }
0xb: {  	[smem:$0x3F9C] =	sst s3  }
0xc: {  	[smem:$0x3F9D] =	sst s4  }
0xd: {  	[smem:$0x3F9E] =	sst s5  }
0xe: {  	[smem:$0x3F9F] =	sst s6  }
0xf: {  	[smem:$0x3FA0] =	sst s7  }
0x10: {  	[smem:$0x3FA1] =	sst s8  }
0x11: {  	[smem:$0x3FA2] =	sst s9;
	s0 =	simm.s32 @!p0 $0x0  }
0x12: {  	s1 =	sld [smem:$0x3F88];
	s0 =	simm.s32 @p0 $0x1  }
0x13: {  	[smem:$0x3FA3] =	sst s0;
	s0 =	simm.s32 @!p1 $0x0  }
0x14: {  	s2 =	sld [smem:$0x3F87];
	s0 =	simm.s32 @p1 $0x1  }
0x15: {  	[smem:$0x3FA4] =	sst s0;
	s0 =	simm.s32 @!p2 $0x0  }
0x16: {  	s3 =	sld [smem:$0x3FDB];
	s0 =	simm.s32 @p2 $0x1  }
0x17: {  	s4 =	simm.s32 $0x1BF5;
	[smem:$0x3FA6] =	sst s0  }
0x18: {  	s0 =	sld [smem:$0x3F89];
	_ =	swait.ge [sflag:s4], $0x0  }
0x19: {  	s7 =	sld [smem:$0x3F8A]  }
0x1a: {  	s8 =	sadd.s32 $0xFFFFE003, lr  }
0x1b: {  	s9 =	sadd.s32 $0xFFFFFEF7, lr;
	s5 =	simm.s32 $0xFFFFFFFF;
	p2 =	slt.u32 s8, $0xFFFFF086  }
0x1c: {  	p1 =	slt.u32 s9, $0xF7A;
	s5 =	simm.s32 @!p2 $0x0  }
0x1d: {  	s5 =	simm.s32 @p1 $0x1;
	p0 =	seq.s32 s7, s2  }
0x1e: {  	s7 =	smul.u32 @!p0 $0xF7A, s2;
	p2 =	seq.s32 @!p0 s5, $0x0  }
0x1f: {  	s9 =	smul.u32 $0xF7A, s1;
	s8 =	simm.s32 @!p0 $0x1BF5;
	p2 =	por !p2, p0  }
0x20: {  	[sflag:s8] =	ssyncset.s32 @!p0 $0xFFFFF086;
	s6 =	sadd.s32 @!p0 s3, s7;
	s7 =	simm.s32 @!p0 $0x108  }
0x21: {  	s3 =	sadd.s32 s3, s9;
	s6 =	sadd.s32 @!p0 $0x88, s6;
	s7 =	simm.s32 @p2 $0x1082  }
0x22: {  	[simem:s7], [sflag:s8] =	dma.local @!p0 [hbm:s6], $0xF7A  }
0x23: {  	s9 =	sor.u32 $0xD0000000, s2;
	s6 =	simm.s32 $0x108;
	_ =	swait.ge @!p0 [sflag:s8], $0x0  }
0x24: {  	s3 =	sadd.s32 $0x88, s3;
	s6 =	simm.s32 @!p1 $0x1082;
	[sflag:s4] =	ssyncset.s32 $0xFFFFF086  }
0x25: {  	[simem:s6], [sflag:s4] =	dma.local [hbm:s3], $0xF7A  }
0x26: {  	[smem:$0x3F8A] =	sst s1;
	(tag) =	ssettag s2;
	_ =	strace s9  }
0x27: {  	s1 =	sld [smem:$0x3F9A]  }
0x28: {  	s2 =	sld [smem:$0x3F9B]  }
0x29: {  	s4 =	sld [smem:$0x3F9D]  }
0x2a: {  	p0 =	seq.s32 s5, $0x0;
	s5 =	sld [smem:$0x3F9E]  }
0x2b: {  	s6 =	sld [smem:$0x3F9F]  }
0x2c: {  	s7 =	sld [smem:$0x3FA0]  }
0x2d: {  	s3 =	simm.s32 $0x108;
	s8 =	sld [smem:$0x3FA1]  }
0x2e: {  	s3 =	simm.s32 @!p0 $0x1082;
	s9 =	sld [smem:$0x3FA2]  }
0x2f: {  	lr =	sadd.s32 s0, s3;
	s0 =	sld [smem:$0x3F99]  }
0x30: {  	s3 =	sld [smem:$0x3F9C]  }
0x31: {  	[smem:$0x3FA5] =	sst s10  }
0x32: {  	s10 =	sld [smem:$0x3FA3];
	_ =	sdelay $0x3  }
0x33: {  	p0 =	seq.s32 s10, $0x1;
	s10 =	sld [smem:$0x3FA5];
	_ =	sdelay $0x3  }
0x34: {  	[smem:$0x3FA5] =	sst s10  }
0x35: {  	s10 =	sld [smem:$0x3FA4];
	_ =	sdelay $0x3  }
0x36: {  	p1 =	seq.s32 s10, $0x1;
	s10 =	sld [smem:$0x3FA5];
	_ =	sdelay $0x3  }
0x37: {  	[smem:$0x3FA5] =	sst s10  }
0x38: {  	s10 =	sld [smem:$0x3FA6]  }
0x39: {  	_ = 	snop;
	(pc) =	sbr.ind lr, $3  }
0x3a: {  	_ = 	snop  }
0x3b: {  	_ = 	snop  }
0x3c: {  	p2 =	seq.s32 s10, $0x1;
	s10 =	sld [smem:$0x3FA5]  }
0x3d: {  	_ =	shalt  }
0x3e: {  	_ =	shalt  }
0x3f: {  	_ =	shalt  }
0x40: {  	_ =	shalt  }
0x41: {  	_ =	shalt  }
0x42: {  	_ =	shalt  }
0x43: {  	_ =	shalt  }
0x44: {  	_ =	shalt  }
0x45: {  	_ =	shalt  }
0x46: {  	_ =	shalt  }
0x47: {  	_ =	shalt  }
0x48: {  	_ =	shalt  }
0x49: {  	_ =	shalt  }
0x4a: {  	_ =	shalt  }
0x4b: {  	_ =	shalt  }
0x4c: {  	_ =	shalt  }
0x4d: {  	_ =	shalt  }
0x4e: {  	_ =	shalt  }
0x4f: {  	_ =	shalt  }
0x50: {  	_ =	shalt  }
0x51: {  	_ =	shalt  }
0x52: {  	_ =	shalt  }
0x53: {  	_ =	shalt  }
0x54: {  	_ =	shalt  }
0x55: {  	_ =	shalt  }
0x56: {  	_ =	shalt  }
0x57: {  	_ =	shalt  }
0x58: {  	_ =	shalt  }
0x59: {  	_ =	shalt  }
0x5a: {  	_ =	shalt  }
0x5b: {  	_ =	shalt  }
0x5c: {  	_ =	shalt  }
0x5d: {  	_ =	shalt  }
0x5e: {  	_ =	shalt  }
0x5f: {  	_ =	shalt  }
0x60: {  	_ =	shalt  }
0x61: {  	_ =	shalt  }
0x62: {  	_ =	shalt  }
0x63: {  	_ =	shalt  }
0x64: {  	_ =	shalt  }
0x65: {  	_ =	shalt  }
0x66: {  	_ =	shalt  }
0x67: {  	_ =	shalt  }
0x68: {  	_ =	shalt  }
0x69: {  	_ =	shalt  }
0x6a: {  	_ =	shalt  }
0x6b: {  	_ =	shalt  }
0x6c: {  	_ =	shalt  }
0x6d: {  	_ =	shalt  }
0x6e: {  	_ =	shalt  }
0x6f: {  	_ =	shalt  }
0x70: {  	_ =	shalt  }
0x71: {  	_ =	shalt  }
0x72: {  	_ =	shalt  }
0x73: {  	_ =	shalt  }
0x74: {  	_ =	shalt  }
0x75: {  	_ =	shalt  }
0x76: {  	_ =	shalt  }
0x77: {  	_ =	shalt  }
0x78: {  	_ =	shalt  }
0x79: {  	_ =	shalt  }
0x7a: {  	_ =	shalt  }
0x7b: {  	_ =	shalt  }
0x7c: {  	_ =	shalt  }
0x7d: {  	_ =	shalt  }
0x7e: {  	_ =	shalt  }
0x7f: {  	_ =	shalt  }
0x80: {  	_ =	shalt  }
0x81: {  	_ =	shalt  }
0x82: {  	_ =	shalt  }
0x83: {  	_ =	shalt  }
0x84: {  	_ =	shalt  }
0x85: {  	_ =	shalt  }
0x86: {  	_ =	shalt  }
0x87: {  	_ =	shalt  }
.Lfunc_end0:
.L_simem_size_0:
called_computation_lowered:
.L_overlay_start_0:
0x88: {  	s2 =	sld [smem:$0x3FD9]  }
0x89: {  	s3 =	sld [smem:$0x3FFE];
	_ =	sdelay $0x1  }
0x8a: {  	s1 =	srdreg.scid  }
0x8b: {  	s0 =	sand.u32 $0x1, s1  }
0x8c: {  	s17 =	sshll.u32 s0, $0xA;
	s2 =	sadd.s32 s3, s2  }
0x8d: {  	s2 =	sadd.s32 s2, s17  }
0x8e: {  	[smem:$0x3FB1] =	sst s2  }
0x8f: {  	_ = 	snop  }
0x90: {  	s2 =	sld [smem:$0x3FD0];
	(tm) =	ssettm $0x1  }
0x91: {  	s18 =	sld [smem:$0x3FFB];
	_ =	sdelay $0x3  }
0x92: {  	_ =	strace s18  }
0x93: {  	s3 =	sld [smem:$0x3FFC];
	_ =	sdelay $0x3  }
0x94: {  	_ =	strace s3  }
0x95: {  	s3 =	sld [smem:$0x3FFD];
	_ =	sdelay $0x3  }
0x96: {  	_ =	strace s3  }
0x97: {  	_ =	strace $0x8FFFFFFF  }
0x98: {  	s19 =	sld [smem:$0x3FDB];
	_ =	sdelay $0x1  }
0x99: {  	s4 =	simm.s32 $_scs_section_size  }
0x9a: {  	s5 =	simm.s32 $_size__tile_overlayer_lowered;
	s6 =	simm.s32 $_tile_overlayer_lowered  }
0x9b: {  	s22 =	simm.s32 $0x1BFF;
	s21 =	sshll.u32 s6, $0x1;
	s3 =	sadd.s32 s4, s19  }
0x9c: {  	s7 =	simm.s32 $0x0;
	s20 =	sshll.u32 s5, $0x1;
	s5 =	sadd.s32 s21, s3  }
0x9d: {  	[timem:s7], [sflag:s22] =	dma.local [hbm:s5], s20  }
0x9e: {  	_ =	swait.ge [sflag:s22], s20  }
0x9f: {  	s4 =	ssub.s32 $0x0, s20;
	[sflag:s22] =	ssyncset.done $0x0  }
0xa0: {  	[sflag:s22] =	ssyncadd.s32 s4;
	_ =	sdelay $0x1  }
0xa1: {  	s23 =	simm.s32 $0x1B8B  }
0xa2: {  	_ =	swait.ge [sflag:s23], $0x1  }
0xa3: {  	[sflag:s23] =	ssyncset.done $0x0  }
0xa4: {  	s25 =	simm.s32 $0x1B8E;
	s24 =	sld [smem:$0x3FFE];
	[sflag:s23] =	ssyncadd.s32 $0xFFFFFFFF  }
0xa5: {  	s26 =	simm.s32 $execute0_lowered;
	[smem:$0x3FD2] =	sst s25  }
0xa6: {  	s5 =	sshll.u32 s26, $0x1;
	_ =	strace $0x80000046;
	[dreg:$0x1] =	wrdreg $0xFFFFFFFF  }
0xa7: {  	s28 =	simm.s32 $_size_execute0_lowered;
	s3 =	sadd.s32 s3, s5;
	[dreg:$0x0] =	wrdreg $0x0  }
0xa8: {  	s5 =	sshll.u32 s28, $0x1;
	[dreg:$0x2] =	wrdreg s3  }
0xa9: {  	[dreg:$0x3] =	wrdreg s5  }
0xaa: {  	[dreg:$0x4] =	wrdreg $0xC0  }
0xab: {  	_ =	task [dreg:s7], $0x5FFFF  }
0xac: {  	[dreg:$0x1] =	wrdreg $0xFFFFFFFF  }
0xad: {  	[dreg:$0x0] =	wrdreg $0x60  }
0xae: {  	[dreg:$0x2] =	wrdreg s24  }
0xaf: {  	[dreg:$0x3] =	wrdreg s2  }
0xb0: {  	[dreg:$0x4] =	wrdreg $0x0  }
0xb1: {  	[dreg:$0x5] =	wrdreg $0x186C00  }
0xb2: {  	[dreg:$0x6] =	wrdreg $0x9  }
0xb3: {  	_ =	task.clear_ibuf [dreg:s7], $0x7FFFF;
	_ =	strace $0x90000046  }
0xb4: {  	s29 =	simm.s32 $0x9;
	_ =	strace $0x80000048  }
0xb5: {  	_ =	swait.ge [sflag:s29], $0x1  }
0xb6: {  	[sflag:s29] =	ssyncadd.s32 $0xFFFFFFFF  }
0xb7: {  	_ =	strace $0x90000048  }
0xb8: {  	_ =	sfence  }
0xb9: {  	s30 =	sld [smem:$0x0];
	_ =	sdelay $0x2  }
0xba: {  	s31 =	sshll.u32 s1, $0xD;
	s1 =	sshrl.u32 s1, $0x2  }
0xbb: {  	s3 =	sand.u32 $0x4000, s31;
	s1 =	sadd.s32 s1, s30  }
0xbc: {  	s0 =	sor.u32 s3, s0;
	s1 =	sshll.u32 s1, $0x11  }
0xbd: {  	s0 =	sor.u32 s1, s0  }
0xbe: {  	s0 =	sadd.s32 $0x8F2B, s0  }
0xbf: {  	[sflag:s0] =	ssyncadd.remote.s32 $0x1  }
0xc0: {  	_ =	sfence.sel $0xFFFF  }
0xc1: {  	[dreg:$0x0] =	wrdreg $0xFFFFFFFF;
	(pc) =	sbr.abs _section_cstart, $3  }
0xc2: {  	[dreg:$0x1] =	wrdreg $0xFFFFFFFF  }
0xc3: {  	_ =	task.clear_ibuf [dreg:s7], $0x2FFFF;
	_ =	strace $0x9FFFFFFF  }
0xc4: {  	(tm) =	ssettm $0x7FFFFFFF  }
0xc5: {  	_ =	shalt  }
tec
execute0_lowered:
.L_overlay_start_1:
0x0: {  	(tag) =	ssettag $0x1  }
0x1: {  	s0 =	rddreg [dreg:$0x0]  }
0x2: {  	s2 =	rddreg [dreg:$0x2]  }
0x3: {  	s3 =	rddreg [dreg:$0x3]  }
0x4: {  	s20 =	simm.s32 $0x0;
	s1 =	srdreg.scid;
	s18 =	stileid.u32  }
0x5: {  	[smem:$0x7FF] =	sst s20;
	s5 =	smul.u32 $0x186C0, s18  }
0x6: {  	s4 =	sand.u32 $0x1, s1;
	s6 =	sadd.s32 $0x406A00, s0;
	s12 =	smul.u32 $0x1870, s18  }
0x7: {  	s7 =	sadd.s32 $0x36000, s0;
	s8 =	sadd.s32 $0x97C00, s0;
	s14 =	smul.u32 $0x61B00, s18  }
0x8: {  	s9 =	sadd.s32 $0x1D600, s0;
	s10 =	sadd.s32 $0x4C00, s0;
	s16 =	smul.u32 $0x61C0, s18  }
0x9: {  	s1 =	smul.u32 $0x186C00, s4;
	_ =	strace $0x80000047;
	s13 =	ssub.s32 $0x2, s4  }
0xa: {  	s11 =	smul.u32 $0x18700, s4;
	s15 =	sshrl.u32 s13, $0x1;
	s14 =	sshrl.u32 s14, $0x2  }
0xb: {  	s31 =	sshrl.u32 s16, $0x2;
	s25 =	sadd.s32 s5, s2;
	s1 =	sadd.s32 s5, s1  }
0xc: {  	s11 =	sadd.s32 s12, s11;
	s13 =	ssub.s32 s13, s15;
	s16 =	sadd.s32 s14, s2  }
0xd: {  	s15 =	sadd.s32 s31, s3;
	s1 =	sshrl.u32 s1, $0x3;
	[dreg:$0x6] =	wrdreg s16  }
0xe: {  	s11 =	sshrl.u32 s11, $0x3;
	s14 =	sadd.s32 $0x18000, s16;
	[dreg:$0x7] =	wrdreg s15  }
0xf: {  	s31 =	smax.u32 s13, $0x1;
	s5 =	sadd.s32 $0xC000, s16;
	[dreg:$0x8] =	wrdreg s14  }
0x10: {  	s17 =	sadd.s32 s1, s0;
	s0 =	sadd.s32 s11, s0;
	[dreg:$0x10] =	wrdreg s31  }
0x11: {  	s11 =	smul.u32 $0x1880, s18;
	s18 =	sadd.s32 $0x1800, s15;
	[smem:$0x7F0] =	sst s5  }
0x12: {  	s1 =	smul.u32 $0xC350, s4;
	s4 =	sshll.u32 s4, $0x5;
	[dreg:$0x9] =	wrdreg s18  }
0x13: {  	s31 =	sadd.s32 $0xA000, s16;
	[dreg:$0xa] =	wrdreg s4  }
0x14: {  	s24 =	sadd.s32 $0x468600, s17;
	[dreg:$0x1f] =	wrdreg s31  }
0x15: {  	s0 =	sadd.s32 $0xB0600, s0;
	[dreg:$0xe] =	wrdreg s24  }
0x16: {  	s4 =	sshrl.u32 s25, $0x3;
	[dreg:$0xf] =	wrdreg s0  }
0x17: {  	s17 =	sadd.s32 $0x1000, s16;
	[dreg:$0x11] =	wrdreg s4  }
0x18: {  	s18 =	sadd.s32 $0x2000, s16;
	[dreg:$0x16] =	wrdreg s17  }
0x19: {  	s25 =	sadd.s32 $0x8000, s16;
	[dreg:$0x17] =	wrdreg s18  }
0x1a: {  	s26 =	sadd.s32 s12, s3;
	s31 =	sadd.s32 $0x1000, s15;
	[dreg:$0x1d] =	wrdreg s25  }
0x1b: {  	s0 =	sshrl.u32 s26, $0x3;
	[smem:$0x7FD] =	sst s31  }
0x1c: {  	s12 =	sadd.s32 s8, s11;
	[dreg:$0x12] =	wrdreg s0  }
0x1d: {  	s13 =	sadd.s32 s9, s11;
	[dreg:$0x13] =	wrdreg s12  }
0x1e: {  	s14 =	sadd.s32 s10, s11;
	[dreg:$0x14] =	wrdreg s13  }
0x1f: {  	s24 =	sadd.s32 $0x7000, s16;
	[dreg:$0x15] =	wrdreg s14  }
0x20: {  	s26 =	sadd.s32 $0x9000, s16;
	[dreg:$0x1c] =	wrdreg s24  }
0x21: {  	s4 =	sadd.s32 $0xB000, s16;
	[dreg:$0x1e] =	wrdreg s26  }
0x22: {  	s17 =	sadd.s32 $0x10000, s16;
	[smem:$0x7EF] =	sst s4  }
0x23: {  	s18 =	sadd.s32 $0x11000, s16;
	[smem:$0x7F4] =	sst s17  }
0x24: {  	s19 =	sor.u32 $0x10, s11;
	s25 =	sadd.s32 $0x17000, s16;
	[smem:$0x7F5] =	sst s18  }
0x25: {  	s21 =	sadd.s32 s8, s19;
	[smem:$0x7FB] =	sst s25  }
0x26: {  	s22 =	sadd.s32 s9, s19;
	[dreg:$0xb] =	wrdreg s21  }
0x27: {  	s28 =	simm.s32 $0x1FAC0;
	s23 =	sadd.s32 s10, s19;
	[dreg:$0xc] =	wrdreg s22  }
0x28: {  	s29 =	simm.s32 $0x4;
	s19 =	sadd.s32 $0x3000, s16;
	[dreg:$0xd] =	wrdreg s23  }
0x29: {  	s30 =	simm.s32 $0x0;
	s12 =	sadd.s32 $0xD000, s16;
	[dreg:$0x18] =	wrdreg s19  }
0x2a: {  	s13 =	sadd.s32 $0xE000, s16;
	s14 =	sadd.s32 $0xF000, s16;
	[smem:$0x7F1] =	sst s12  }
0x2b: {  	s24 =	sadd.s32 $0x16000, s16;
	s26 =	sadd.s32 $0x800, s15;
	[smem:$0x7F2] =	sst s13  }
0x2c: {  	s15 =	simm.s32 $0x6;
	s17 =	simm.s32 $0x1EF30;
	[smem:$0x7F3] =	sst s14  }
0x2d: {  	s18 =	simm.s32 $0x1F730;
	s25 =	simm.s32 $0x1F9C0;
	[smem:$0x7FA] =	sst s24  }
0x2e: {  	s0 =	simm.s32 $0x1;
	s21 =	sadd.s32 $0x4000, s16;
	[smem:$0x7FC] =	sst s26  }
0x2f: {  	s22 =	sadd.s32 $0x5000, s16;
	s23 =	sadd.s32 $0x6000, s16;
	[dreg:$0x19] =	wrdreg s21  }
0x30: {  	s19 =	sadd.s32 $0x12000, s16;
	s14 =	simm.s32 $0x1DF30;
	[dreg:$0x1a] =	wrdreg s22  }
0x31: {  	s24 =	simm.s32 $0x1AF30;
	s26 =	simm.s32 $0x1FA40;
	[dreg:$0x1b] =	wrdreg s23  }
0x32: {  	s13 =	simm.s32 $0x5;
	[smem:$0x7F6] =	sst s19;
	s21 =	sadd.s32 $0x13000, s16  }
0x33: {  	s12 =	simm.s32 $0x2;
	s22 =	sadd.s32 $0x14000, s16;
	[smem:$0x7F7] =	sst s21  }
0x34: {  	s23 =	sadd.s32 $0x15000, s16;
	s19 =	simm.s32 $0x1F7B0;
	[smem:$0x7F8] =	sst s22  }
0x35: {  	v1 =	vimm.f32 $0.0e+00;
	v2 =	vlaneseq.u32;
	v0 =	vmov s1;
	[smem:$0x7F9] =	sst s23;
	s21 =	simm.s32 $0x3;
	s22 =	simm.s32 $0x80  }
.LBB2_1:
0x36: {  	s1 =	simm.s32 $0x1DF40  }
0x37: {  	[tilespmem:s1+$0xFFFFFFF0] =	vst v1  }
0x38: {  	[dreg:$0x5] =	wrdreg s20;
	s4 =	simm.s32 $0x40;
	s5 =	simm.s32 $0x0;
	[tilespmem:s1+$0x0] =	vst v1  }
.LBB2_2:
0x39: {  	p0 =	sne.s32 s4, $0x1FC0  }
0x3a: {  	[tilespmem:s5+$0x1EF30] =	vst v1;
	s1 =	sadd.s32 $0x20, s1;
	s5 =	smov.u32 s4;
	s4 =	sadd.s32 $0x40, s4  }
.Ltmp0:
0x3b: {  	[tilespmem:s1+$0xFFFFFFF0] =	vst v1;
	(pc) =	sbr.rel @p0 .LBB2_2-.Ltmp0, $2  }
0x3c: {  	_ =	sdelay $0x2  }
0x3d: {  	s5 =	sshra.s32 s5, $0x2;
	[tilespmem:s1+$0x0] =	vst v1  }
0x3e: {  	[tilespmem:s5+$0x1EF30] =	vst v1;
	s1 =	rddreg [dreg:$0x6]  }
0x3f: {  	[spmem:s1] =	stream.linear.scatter [tilespmem:s14], [sflag:$0x6], $0x1000, $0x38;
	[tilespmem:$0x1FD90] =	vst v63  }
0x40: {  	_ =	swait.ge [sflag:s15], $0x1000  }
0x41: {  	[sflag:s15] =	ssyncset.done $0x0  }
0x42: {  	s5 =	rddreg [dreg:$0x16];
	[sflag:s15] =	ssyncadd.s32 $0xFFFFF000  }
0x43: {  	[spmem:s5] =	stream.linear.scatter [tilespmem:s14], [sflag:$0x6], $0x1000, $0x38;
	[tilespmem:$0x1FD90] =	vst v63  }
0x44: {  	_ =	swait.ge [sflag:s15], $0x1000  }
0x45: {  	[sflag:s15] =	ssyncset.done $0x0  }
0x46: {  	s16 =	rddreg [dreg:$0x17];
	[sflag:s15] =	ssyncadd.s32 $0xFFFFF000  }
0x47: {  	[spmem:s16] =	stream.linear.scatter [tilespmem:s14], [sflag:$0x6], $0x1000, $0x38;
	[tilespmem:$0x1FD90] =	vst v63  }
0x48: {  	_ =	swait.ge [sflag:s15], $0x1000  }
0x49: {  	[sflag:s15] =	ssyncset.done $0x0  }
0x4a: {  	s20 =	rddreg [dreg:$0x18];
	[sflag:s15] =	ssyncadd.s32 $0xFFFFF000  }
0x4b: {  	[spmem:s20] =	stream.linear.scatter [tilespmem:s14], [sflag:$0x6], $0x1000, $0x38;
	[tilespmem:$0x1FD90] =	vst v63  }
0x4c: {  	_ =	swait.ge [sflag:s15], $0x1000  }
0x4d: {  	[sflag:s15] =	ssyncset.done $0x0  }
0x4e: {  	s23 =	rddreg [dreg:$0x19];
	[sflag:s15] =	ssyncadd.s32 $0xFFFFF000  }
0x4f: {  	[spmem:s23] =	stream.linear.scatter [tilespmem:s14], [sflag:$0x6], $0x1000, $0x38;
	[tilespmem:$0x1FD90] =	vst v63  }
0x50: {  	_ =	swait.ge [sflag:s15], $0x1000  }
0x51: {  	[sflag:s15] =	ssyncset.done $0x0  }
0x52: {  	s4 =	rddreg [dreg:$0x1a];
	[sflag:s15] =	ssyncadd.s32 $0xFFFFF000  }
0x53: {  	[spmem:s4] =	stream.linear.scatter [tilespmem:s14], [sflag:$0x6], $0x1000, $0x38;
	[tilespmem:$0x1FD90] =	vst v63  }
0x54: {  	_ =	swait.ge [sflag:s15], $0x1000  }
0x55: {  	[sflag:s15] =	ssyncset.done $0x0  }
0x56: {  	s5 =	rddreg [dreg:$0x1b];
	[sflag:s15] =	ssyncadd.s32 $0xFFFFF000  }
0x57: {  	[spmem:s5] =	stream.linear.scatter [tilespmem:s14], [sflag:$0x6], $0x1000, $0x38;
	[tilespmem:$0x1FD90] =	vst v63  }
0x58: {  	_ =	swait.ge [sflag:s15], $0x1000  }
0x59: {  	[sflag:s15] =	ssyncset.done $0x0  }
0x5a: {  	s16 =	rddreg [dreg:$0x1c];
	[sflag:s15] =	ssyncadd.s32 $0xFFFFF000  }
0x5b: {  	[spmem:s16] =	stream.linear.scatter [tilespmem:s14], [sflag:$0x6], $0x1000, $0x38;
	[tilespmem:$0x1FD90] =	vst v63  }
0x5c: {  	_ =	swait.ge [sflag:s15], $0x1000  }
0x5d: {  	[sflag:s15] =	ssyncset.done $0x0  }
0x5e: {  	s20 =	rddreg [dreg:$0x1d];
	[sflag:s15] =	ssyncadd.s32 $0xFFFFF000  }
0x5f: {  	[spmem:s20] =	stream.linear.scatter [tilespmem:s14], [sflag:$0x6], $0x1000, $0x38;
	[tilespmem:$0x1FD90] =	vst v63  }
0x60: {  	_ =	swait.ge [sflag:s15], $0x1000  }
0x61: {  	[sflag:s15] =	ssyncset.done $0x0  }
0x62: {  	s23 =	rddreg [dreg:$0x1e];
	[sflag:s15] =	ssyncadd.s32 $0xFFFFF000  }
0x63: {  	[spmem:s23] =	stream.linear.scatter [tilespmem:s14], [sflag:$0x6], $0x1000, $0x38;
	[tilespmem:$0x1FD90] =	vst v63  }
0x64: {  	_ =	swait.ge [sflag:s15], $0x1000  }
0x65: {  	[sflag:s15] =	ssyncset.done $0x0  }
0x66: {  	s4 =	rddreg [dreg:$0x1f];
	[sflag:s15] =	ssyncadd.s32 $0xFFFFF000  }
0x67: {  	[spmem:s4] =	stream.linear.scatter [tilespmem:s14], [sflag:$0x6], $0x1000, $0x38;
	[tilespmem:$0x1FD90] =	vst v63  }
0x68: {  	_ =	swait.ge [sflag:s15], $0x1000  }
0x69: {  	s5 =	sld [smem:$0x7EF]  }
0x6a: {  	[sflag:s15] =	ssyncset.done $0x0  }
0x6b: {  	[sflag:s15] =	ssyncadd.s32 $0xFFFFF000  }
0x6c: {  	[spmem:s5] =	stream.linear.scatter [tilespmem:s14], [sflag:$0x6], $0x1000, $0x38;
	[tilespmem:$0x1FD90] =	vst v63  }
0x6d: {  	_ =	swait.ge [sflag:s15], $0x1000  }
0x6e: {  	s16 =	sld [smem:$0x7F0]  }
0x6f: {  	[sflag:s15] =	ssyncset.done $0x0  }
0x70: {  	[sflag:s15] =	ssyncadd.s32 $0xFFFFF000  }
0x71: {  	[spmem:s16] =	stream.linear.scatter [tilespmem:s14], [sflag:$0x6], $0x1000, $0x38;
	[tilespmem:$0x1FD90] =	vst v63  }
0x72: {  	_ =	swait.ge [sflag:s15], $0x1000  }
0x73: {  	s20 =	sld [smem:$0x7F1]  }
0x74: {  	[sflag:s15] =	ssyncset.done $0x0  }
0x75: {  	[sflag:s15] =	ssyncadd.s32 $0xFFFFF000  }
0x76: {  	[spmem:s20] =	stream.linear.scatter [tilespmem:s14], [sflag:$0x6], $0x1000, $0x38;
	[tilespmem:$0x1FD90] =	vst v63  }
0x77: {  	_ =	swait.ge [sflag:s15], $0x1000  }
0x78: {  	s23 =	sld [smem:$0x7F2]  }
0x79: {  	[sflag:s15] =	ssyncset.done $0x0  }
0x7a: {  	[sflag:s15] =	ssyncadd.s32 $0xFFFFF000  }
0x7b: {  	[spmem:s23] =	stream.linear.scatter [tilespmem:s14], [sflag:$0x6], $0x1000, $0x38;
	[tilespmem:$0x1FD90] =	vst v63  }
0x7c: {  	_ =	swait.ge [sflag:s15], $0x1000  }
0x7d: {  	s4 =	sld [smem:$0x7F3]  }
0x7e: {  	[sflag:s15] =	ssyncset.done $0x0  }
0x7f: {  	[sflag:s15] =	ssyncadd.s32 $0xFFFFF000  }
0x80: {  	[spmem:s4] =	stream.linear.scatter [tilespmem:s14], [sflag:$0x6], $0x1000, $0x38;
	[tilespmem:$0x1FD90] =	vst v63  }
0x81: {  	_ =	swait.ge [sflag:s15], $0x1000  }
0x82: {  	s5 =	sld [smem:$0x7F4]  }
0x83: {  	[sflag:s15] =	ssyncset.done $0x0  }
0x84: {  	[sflag:s15] =	ssyncadd.s32 $0xFFFFF000  }
0x85: {  	[spmem:s5] =	stream.linear.scatter [tilespmem:s14], [sflag:$0x6], $0x1000, $0x38;
	[tilespmem:$0x1FD90] =	vst v63  }
0x86: {  	_ =	swait.ge [sflag:s15], $0x1000  }
0x87: {  	s16 =	sld [smem:$0x7F5]  }
0x88: {  	[sflag:s15] =	ssyncset.done $0x0  }
0x89: {  	[sflag:s15] =	ssyncadd.s32 $0xFFFFF000  }
0x8a: {  	[spmem:s16] =	stream.linear.scatter [tilespmem:s14], [sflag:$0x6], $0x1000, $0x38;
	[tilespmem:$0x1FD90] =	vst v63  }
0x8b: {  	_ =	swait.ge [sflag:s15], $0x1000  }
0x8c: {  	s20 =	sld [smem:$0x7F6]  }
0x8d: {  	[sflag:s15] =	ssyncset.done $0x0  }
0x8e: {  	[sflag:s15] =	ssyncadd.s32 $0xFFFFF000  }
0x8f: {  	[spmem:s20] =	stream.linear.scatter [tilespmem:s14], [sflag:$0x6], $0x1000, $0x38;
	[tilespmem:$0x1FD90] =	vst v63  }
0x90: {  	_ =	swait.ge [sflag:s15], $0x1000  }
0x91: {  	s23 =	sld [smem:$0x7F7]  }
0x92: {  	[sflag:s15] =	ssyncset.done $0x0  }
0x93: {  	[sflag:s15] =	ssyncadd.s32 $0xFFFFF000  }
0x94: {  	[spmem:s23] =	stream.linear.scatter [tilespmem:s14], [sflag:$0x6], $0x1000, $0x38;
	[tilespmem:$0x1FD90] =	vst v63  }
0x95: {  	_ =	swait.ge [sflag:s15], $0x1000  }
0x96: {  	s4 =	sld [smem:$0x7F8]  }
0x97: {  	[sflag:s15] =	ssyncset.done $0x0  }
0x98: {  	[sflag:s15] =	ssyncadd.s32 $0xFFFFF000  }
0x99: {  	[spmem:s4] =	stream.linear.scatter [tilespmem:s14], [sflag:$0x6], $0x1000, $0x38;
	[tilespmem:$0x1FD90] =	vst v63  }
0x9a: {  	_ =	swait.ge [sflag:s15], $0x1000  }
0x9b: {  	s5 =	sld [smem:$0x7F9]  }
0x9c: {  	[sflag:s15] =	ssyncset.done $0x0  }
0x9d: {  	[sflag:s15] =	ssyncadd.s32 $0xFFFFF000  }
0x9e: {  	[spmem:s5] =	stream.linear.scatter [tilespmem:s14], [sflag:$0x6], $0x1000, $0x38;
	[tilespmem:$0x1FD90] =	vst v63  }
0x9f: {  	_ =	swait.ge [sflag:s15], $0x1000  }
0xa0: {  	s16 =	sld [smem:$0x7FA]  }
0xa1: {  	[sflag:s15] =	ssyncset.done $0x0  }
0xa2: {  	[sflag:s15] =	ssyncadd.s32 $0xFFFFF000  }
0xa3: {  	[spmem:s16] =	stream.linear.scatter [tilespmem:s14], [sflag:$0x6], $0x1000, $0x38;
	[tilespmem:$0x1FD90] =	vst v63  }
0xa4: {  	_ =	swait.ge [sflag:s15], $0x1000  }
0xa5: {  	s20 =	sld [smem:$0x7FB]  }
0xa6: {  	[sflag:s15] =	ssyncset.done $0x0  }
0xa7: {  	[sflag:s15] =	ssyncadd.s32 $0xFFFFF000  }
0xa8: {  	[spmem:s20] =	stream.linear.scatter [tilespmem:s14], [sflag:$0x6], $0x1000, $0x38;
	[tilespmem:$0x1FD90] =	vst v63  }
0xa9: {  	_ =	swait.ge [sflag:s15], $0x1000  }
0xaa: {  	[sflag:s15] =	ssyncset.done $0x0  }
0xab: {  	s23 =	rddreg [dreg:$0x8];
	[sflag:s15] =	ssyncadd.s32 $0xFFFFF000  }
0xac: {  	[spmem:s23] =	stream.linear.scatter [tilespmem:s14], [sflag:$0x6], $0x6C0, $0x38;
	[tilespmem:$0x1FD90] =	vst v63  }
0xad: {  	_ =	swait.ge [sflag:s15], $0x6C0  }
0xae: {  	[sflag:s15] =	ssyncset.done $0x0  }
0xaf: {  	s4 =	rddreg [dreg:$0x7];
	[sflag:s15] =	ssyncadd.s32 $0xFFFFF940  }
0xb0: {  	[spmem:s4] =	stream.linear.scatter [tilespmem:s17], [sflag:$0x6], $0x800, $0x38;
	[tilespmem:$0x1FD90] =	vst v63  }
0xb1: {  	_ =	swait.ge [sflag:s15], $0x800  }
0xb2: {  	s5 =	sld [smem:$0x7FC]  }
0xb3: {  	[sflag:s15] =	ssyncset.done $0x0  }
0xb4: {  	[sflag:s15] =	ssyncadd.s32 $0xFFFFF800  }
0xb5: {  	[spmem:s5] =	stream.linear.scatter [tilespmem:s17], [sflag:$0x6], $0x800, $0x38;
	[tilespmem:$0x1FD90] =	vst v63  }
0xb6: {  	_ =	swait.ge [sflag:s15], $0x800  }
0xb7: {  	s16 =	sld [smem:$0x7FD]  }
0xb8: {  	[sflag:s15] =	ssyncset.done $0x0  }
0xb9: {  	[sflag:s15] =	ssyncadd.s32 $0xFFFFF800  }
0xba: {  	[spmem:s16] =	stream.linear.scatter [tilespmem:s17], [sflag:$0x6], $0x800, $0x38;
	[tilespmem:$0x1FD90] =	vst v63  }
0xbb: {  	_ =	swait.ge [sflag:s15], $0x800  }
0xbc: {  	[sflag:s15] =	ssyncset.done $0x0  }
0xbd: {  	s20 =	rddreg [dreg:$0x9];
	[sflag:s15] =	ssyncadd.s32 $0xFFFFF800  }
0xbe: {  	[spmem:s20] =	stream.linear.scatter [tilespmem:s17], [sflag:$0x6], $0x70, $0x38;
	[tilespmem:$0x1FD90] =	vst v63  }
0xbf: {  	_ =	swait.ge [sflag:s15], $0x70  }
0xc0: {  	[sflag:s15] =	ssyncset.done $0x0  }
0xc1: {  	[sflag:s15] =	ssyncadd.s32 $0xFFFFFF90  }
0xc2: {  	[bflag:$0x0] =	sbarrier.arrive $0xFFFF  }
0xc3: {  	s4 =	simm.s32 $0x1FD50;
	s23 =	rddreg [dreg:$0x1]  }
0xc4: {  	[tilespmem:s4], [sflag:$0x6] =	stream.linear.gather [hbm4b:s23+s30], $0x40, $0x38;
	[tilespmem:$0x1FD90] =	vst v63  }
0xc5: {  	_ =	swait.ge [sflag:s15], $0x40  }
0xc6: {  	[sflag:s15] =	ssyncset.done $0x0  }
0xc7: {  	s4 =	rddreg [dreg:$0xa];
	[sflag:s15] =	ssyncadd.s32 $0xFFFFFFC0  }
0xc8: {  	s5 =	rddreg [dreg:$0x13];
	v3 =	vld [tilespmem:s4+$0x1FD50]  }
0xc9: {  	v4 =	vld [tilespmem:s4+$0x1FD60];
	[tilespmem:s18], [sflag:$0x3] =	stream.linear.gather [hbm4b:s5+s30], $0x80, $0x38  }
0xca: {  	s16 =	rddreg [dreg:$0x14]  }
0xcb: {  	[tilespmem:s19], [sflag:$0x3] =	stream.linear.gather [hbm4b:s16+s30], $0x80, $0x38;
	[tilespmem:$0x1FD90] =	vst v63  }
0xcc: {  	s23 =	simm.s32 $0x1F830;
	s20 =	rddreg [dreg:$0x15]  }
0xcd: {  	[tilespmem:s23], [sflag:$0x3] =	stream.linear.gather [hbm4b:s20+s30], $0x80, $0x38;
	[tilespmem:$0x1FD90] =	vst v63  }
0xce: {  	_ =	swait.ge [sflag:s21], $0x80  }
0xcf: {  	[sflag:s21] =	ssyncset.done $0x0  }
0xd0: {  	[sflag:s21] =	ssyncadd.s32 $0xFFFFFF80  }
0xd1: {  	_ =	swait.ge [sflag:s21], $0x80  }
0xd2: {  	[sflag:s21] =	ssyncset.done $0x0  }
0xd3: {  	[sflag:s21] =	ssyncadd.s32 $0xFFFFFF80  }
0xd4: {  	_ =	swait.ge [sflag:s21], $0x80  }
0xd5: {  	[sflag:s21] =	ssyncset.done $0x0  }
0xd6: {  	[sflag:s21] =	ssyncadd.s32 $0xFFFFFF80  }
0xd7: {  	v5 =	vld [tilespmem:$0x1F830]  }
0xd8: {  	v9 =	vld [tilespmem:$0x1F840]  }
0xd9: {  	v6 =	vld [tilespmem:$0x1F730]  }
0xda: {  	v7 =	vld [tilespmem:$0x1F7B0]  }
0xdb: {  	v56 =	vld [tilespmem:$0x1F850]  }
0xdc: {  	[tilespmem:$0x1FC50] =	vst v5  }
0xdd: {  	v8 =	vshrl.u32 v5, $0x3;
	v5 =	vand.u32 $0x7, v5;
	[tilespmem:$0x1FC60] =	vst v9  }
0xde: {  	[tilespmem:$0x1F930] =	vst v5;
	v5 =	vadd.s32 v0, v6;
	v6 =	vld [tilespmem:$0x1F740]  }
0xdf: {  	[tilespmem:$0x1F730] =	vst v5;
	v5 =	vadd.s32 v0, v7;
	v7 =	vld [tilespmem:$0x1F7C0]  }
0xe0: {  	v57 =	vld [tilespmem:$0x1F860];
	[tilespmem:$0x1FC70] =	vst v56  }
0xe1: {  	[tilespmem:$0x1F7B0] =	vst v5;
	v5 =	vshrl.u32 v9, $0x3  }
0xe2: {  	[tilespmem:$0x1F8C0] =	vst v5;
	v5 =	vand.u32 $0x7, v9  }
0xe3: {  	[tilespmem:$0x1F940] =	vst v5;
	v5 =	vadd.s32 v0, v6;
	v6 =	vld [tilespmem:$0x1F750]  }
0xe4: {  	[tilespmem:$0x1F740] =	vst v5;
	v5 =	vadd.s32 v0, v7;
	v7 =	vld [tilespmem:$0x1F7D0]  }
0xe5: {  	v58 =	vld [tilespmem:$0x1F870];
	[tilespmem:$0x1FC80] =	vst v57  }
0xe6: {  	[tilespmem:$0x1F7C0] =	vst v5;
	v5 =	vshrl.u32 v56, $0x3  }
0xe7: {  	[tilespmem:$0x1F8D0] =	vst v5;
	v5 =	vand.u32 $0x7, v56  }
0xe8: {  	[tilespmem:$0x1F950] =	vst v5;
	v5 =	vadd.s32 v0, v6;
	v6 =	vld [tilespmem:$0x1F760]  }
0xe9: {  	[tilespmem:$0x1F750] =	vst v5;
	v5 =	vadd.s32 v0, v7;
	v7 =	vld [tilespmem:$0x1F7E0]  }
0xea: {  	v59 =	vld [tilespmem:$0x1F880];
	[tilespmem:$0x1FC90] =	vst v58  }
0xeb: {  	[tilespmem:$0x1F7D0] =	vst v5;
	v5 =	vshrl.u32 v57, $0x3  }
0xec: {  	[tilespmem:$0x1F8E0] =	vst v5;
	v5 =	vand.u32 $0x7, v57  }
0xed: {  	[tilespmem:$0x1F960] =	vst v5;
	v5 =	vadd.s32 v0, v6;
	v6 =	vld [tilespmem:$0x1F770]  }
0xee: {  	[tilespmem:$0x1F760] =	vst v5;
	v5 =	vadd.s32 v0, v7;
	v7 =	vld [tilespmem:$0x1F7F0]  }
0xef: {  	v63 =	vld [tilespmem:$0x1F8A0];
	[tilespmem:$0x1FCA0] =	vst v59  }
0xf0: {  	[tilespmem:$0x1F7E0] =	vst v5;
	v5 =	vshrl.u32 v58, $0x3  }
0xf1: {  	[tilespmem:$0x1F8F0] =	vst v5;
	v5 =	vand.u32 $0x7, v58  }
0xf2: {  	[tilespmem:$0x1F970] =	vst v5;
	v5 =	vadd.s32 v0, v6;
	v6 =	vld [tilespmem:$0x1F780]  }
0xf3: {  	[tilespmem:$0x1F770] =	vst v5;
	v5 =	vadd.s32 v0, v7;
	v7 =	vld [tilespmem:$0x1F800]  }
0xf4: {  	[tilespmem:$0x1FCC0] =	vst v63  }
0xf5: {  	[tilespmem:$0x1F7F0] =	vst v5;
	v5 =	vld [tilespmem:$0x1F890]  }
0xf6: {  	v60 =	vshrl.u32 v59, $0x3;
	[tilespmem:$0x1F8B0] =	vst v8  }
0xf7: {  	v62 =	vld [tilespmem:$0x1F790];
	[tilespmem:$0x1F900] =	vst v60;
	v6 =	vadd.s32 v0, v6  }
0xf8: {  	[tilespmem:$0x1F780] =	vst v6;
	v6 =	vadd.s32 v0, v7;
	v7 =	vld [tilespmem:$0x1F810]  }
0xf9: {  	[tilespmem:$0x1F800] =	vst v6  }
0xfa: {  	v6 =	vshrl.u32 v5, $0x3;
	[tilespmem:$0x1FCB0] =	vst v5  }
0xfb: {  	v5 =	vand.u32 $0x7, v5;
	[tilespmem:$0x1F910] =	vst v6  }
0xfc: {  	[tilespmem:$0x1F990] =	vst v5;
	v5 =	vadd.s32 v0, v62;
	v6 =	vld [tilespmem:$0x1F7A0]  }
0xfd: {  	v61 =	vand.u32 $0x7, v59;
	[tilespmem:$0x1F790] =	vst v5;
	v5 =	vadd.s32 v0, v7;
	v7 =	vld [tilespmem:$0x1F820]  }
0xfe: {  	[tilespmem:$0x1F980] =	vst v61  }
0xff: {  	[tilespmem:$0x1F810] =	vst v5;
	v5 =	vshrl.u32 v63, $0x3  }
0x100: {  	[tilespmem:$0x1F920] =	vst v5;
	v5 =	vand.u32 $0x7, v63  }
0x101: {  	[tilespmem:$0x1F9A0] =	vst v5;
	v5 =	vadd.s32 v0, v6  }
0x102: {  	[tilespmem:$0x1F7A0] =	vst v5;
	v5 =	vadd.s32 v0, v7  }
0x103: {  	s5 =	simm.s32 $0x19F30;
	[tilespmem:$0x1F820] =	vst v5  }
0x104: {  	[tilespmem:s5], [sflag:$0x1] =	stream.indirect.gather [hbm4b:s6+s22], $0x20, s18, s22, $0xb8;
	[tilespmem:$0x1FD90] =	vst v63  }
0x105: {  	_ = 	snop  }
0x106: {  	[tilespmem:s24], [sflag:$0x1] =	stream.indirect.gather [hbm4b:s7+s22], $0x20, s19, s22, $0xb8;
	[tilespmem:$0x1FD90] =	vst v63  }
0x107: {  	s16 =	rddreg [dreg:$0xb]  }
0x108: {  	[tilespmem:s25], [sflag:$0x4] =	stream.linear.gather [hbm4b:s16+s30], $0x80, $0x38;
	[tilespmem:$0x1FD90] =	vst v63  }
0x109: {  	s20 =	rddreg [dreg:$0xc]  }
0x10a: {  	[tilespmem:s26], [sflag:$0x4] =	stream.linear.gather [hbm4b:s20+s30], $0x80, $0x38;
	[tilespmem:$0x1FD90] =	vst v63  }
0x10b: {  	s31 =	simm.s32 $0x0;
	s23 =	rddreg [dreg:$0xd]  }
0x10c: {  	[tilespmem:s28], [sflag:$0x4] =	stream.linear.gather [hbm4b:s23+s30], $0x80, $0x38;
	[tilespmem:$0x1FD90] =	vst v63  }
.LBB2_4:
0x10d: {  	_ =	swait.ge [sflag:s29], $0x80  }
0x10e: {  	[sflag:s29] =	ssyncset.done $0x0  }
0x10f: {  	[sflag:s29] =	ssyncadd.s32 $0xFFFFFF80  }
0x110: {  	_ =	swait.ge [sflag:s29], $0x80  }
0x111: {  	[sflag:s29] =	ssyncset.done $0x0  }
0x112: {  	[sflag:s29] =	ssyncadd.s32 $0xFFFFFF80  }
0x113: {  	_ =	swait.ge [sflag:s29], $0x80  }
0x114: {  	[sflag:s29] =	ssyncset.done $0x0  }
0x115: {  	[sflag:s29] =	ssyncadd.s32 $0xFFFFFF80  }
0x116: {  	v5 =	vld [tilespmem:$0x1FAC0]  }
0x117: {  	v9 =	vld [tilespmem:$0x1FAD0]  }
0x118: {  	v6 =	vld [tilespmem:$0x1F9C0]  }
0x119: {  	v7 =	vld [tilespmem:$0x1FA40];
	_ =	sdelay $0x1  }
0x11a: {  	[tilespmem:$0x1FCD0] =	vst v5  }
0x11b: {  	v8 =	vshrl.u32 v5, $0x3;
	v5 =	vand.u32 $0x7, v5;
	[tilespmem:$0x1FCE0] =	vst v9  }
0x11c: {  	[tilespmem:$0x1FBC0] =	vst v5;
	v5 =	vadd.s32 v0, v6;
	v6 =	vld [tilespmem:$0x1F9D0]  }
0x11d: {  	[tilespmem:$0x1F9C0] =	vst v5;
	v5 =	vadd.s32 v0, v7;
	v7 =	vld [tilespmem:$0x1FA50]  }
0x11e: {  	v60 =	vld [tilespmem:$0x1FAF0];
	[tilespmem:$0x1FB40] =	vst v8  }
0x11f: {  	v8 =	vld [tilespmem:$0x1FAE0];
	[tilespmem:$0x1FA40] =	vst v5;
	v5 =	vshrl.u32 v9, $0x3  }
0x120: {  	[tilespmem:$0x1FB50] =	vst v5;
	v5 =	vand.u32 $0x7, v9  }
0x121: {  	[tilespmem:$0x1FBD0] =	vst v5;
	v5 =	vadd.s32 v0, v6;
	v6 =	vld [tilespmem:$0x1F9E0]  }
0x122: {  	[tilespmem:$0x1F9D0] =	vst v5;
	v5 =	vadd.s32 v0, v7;
	v7 =	vld [tilespmem:$0x1FA60]  }
0x123: {  	[tilespmem:$0x1FD00] =	vst v60  }
0x124: {  	[tilespmem:$0x1FA50] =	vst v5;
	v5 =	vshrl.u32 v8, $0x3  }
0x125: {  	[tilespmem:$0x1FB60] =	vst v5;
	v5 =	vand.u32 $0x7, v8  }
0x126: {  	[tilespmem:$0x1FBE0] =	vst v5;
	v5 =	vadd.s32 v0, v6;
	v6 =	vld [tilespmem:$0x1F9F0]  }
0x127: {  	[tilespmem:$0x1F9E0] =	vst v5;
	v5 =	vadd.s32 v0, v7;
	v7 =	vld [tilespmem:$0x1FA70]  }
0x128: {  	v61 =	vld [tilespmem:$0x1FB10];
	[tilespmem:$0x1FCF0] =	vst v8  }
0x129: {  	v8 =	vld [tilespmem:$0x1FB00];
	[tilespmem:$0x1FA60] =	vst v5;
	v5 =	vshrl.u32 v60, $0x3  }
0x12a: {  	[tilespmem:$0x1FB70] =	vst v5;
	v5 =	vand.u32 $0x7, v60  }
0x12b: {  	[tilespmem:$0x1FBF0] =	vst v5;
	v5 =	vadd.s32 v0, v6;
	v6 =	vld [tilespmem:$0x1FA00]  }
0x12c: {  	[tilespmem:$0x1F9F0] =	vst v5;
	v5 =	vadd.s32 v0, v7;
	v7 =	vld [tilespmem:$0x1FA80]  }
0x12d: {  	[tilespmem:$0x1FD20] =	vst v61  }
0x12e: {  	[tilespmem:$0x1FA70] =	vst v5;
	v5 =	vshrl.u32 v8, $0x3  }
0x12f: {  	[tilespmem:$0x1FB80] =	vst v5;
	v5 =	vand.u32 $0x7, v8  }
0x130: {  	[tilespmem:$0x1FC00] =	vst v5;
	v5 =	vadd.s32 v0, v6;
	v6 =	vld [tilespmem:$0x1FA10]  }
0x131: {  	[tilespmem:$0x1FA00] =	vst v5;
	v5 =	vadd.s32 v0, v7;
	v7 =	vld [tilespmem:$0x1FA90]  }
0x132: {  	v62 =	vld [tilespmem:$0x1FB30];
	[tilespmem:$0x1FD10] =	vst v8  }
0x133: {  	v8 =	vld [tilespmem:$0x1FB20];
	[tilespmem:$0x1FA80] =	vst v5;
	v5 =	vshrl.u32 v61, $0x3  }
0x134: {  	[tilespmem:$0x1FB90] =	vst v5;
	v5 =	vand.u32 $0x7, v61  }
0x135: {  	[tilespmem:$0x1FC10] =	vst v5;
	v5 =	vadd.s32 v0, v6;
	v6 =	vld [tilespmem:$0x1FA20]  }
0x136: {  	[tilespmem:$0x1FA10] =	vst v5;
	v5 =	vadd.s32 v0, v7;
	v7 =	vld [tilespmem:$0x1FAA0]  }
0x137: {  	[tilespmem:$0x1FD40] =	vst v62  }
0x138: {  	[tilespmem:$0x1FA90] =	vst v5;
	v5 =	vshrl.u32 v8, $0x3  }
0x139: {  	[tilespmem:$0x1FBA0] =	vst v5;
	v5 =	vand.u32 $0x7, v8  }
0x13a: {  	[tilespmem:$0x1FC20] =	vst v5;
	v5 =	vadd.s32 v0, v6;
	v6 =	vld [tilespmem:$0x1FA30]  }
0x13b: {  	[tilespmem:$0x1FA20] =	vst v5;
	v5 =	vadd.s32 v0, v7;
	v7 =	vld [tilespmem:$0x1FAB0]  }
0x13c: {  	[tilespmem:$0x1FD30] =	vst v8  }
0x13d: {  	[tilespmem:$0x1FAA0] =	vst v5;
	v5 =	vshrl.u32 v62, $0x3  }
0x13e: {  	[tilespmem:$0x1FBB0] =	vst v5;
	v5 =	vand.u32 $0x7, v62  }
0x13f: {  	[tilespmem:$0x1FC30] =	vst v5;
	v5 =	vadd.s32 v0, v6  }
0x140: {  	[tilespmem:$0x1FA30] =	vst v5;
	v5 =	vadd.s32 v0, v7  }
0x141: {  	s1 =	simm.s32 $0x1BF30;
	[tilespmem:$0x1FAB0] =	vst v5  }
0x142: {  	[tilespmem:s1], [sflag:$0x2] =	stream.indirect.gather [hbm4b:s6+s22], $0x20, s25, s22, $0xb8;
	[tilespmem:$0x1FD90] =	vst v63  }
0x143: {  	s4 =	simm.s32 $0x1CF30  }
0x144: {  	[tilespmem:s4], [sflag:$0x2] =	stream.indirect.gather [hbm4b:s7+s22], $0x20, s26, s22, $0xb8;
	[tilespmem:$0x1FD90] =	vst v63  }
0x145: {  	_ =	swait.ge [sflag:s0], $0x1000  }
0x146: {  	[sflag:s0] =	ssyncset.done $0x0  }
0x147: {  	s5 =	sshll.u32 s31, $0x5;
	[sflag:s0] =	ssyncadd.s32 $0xFFFFF000  }
0x148: {  	s1 =	sadd.s32 s11, s5;
	_ =	swait.ge [sflag:s0], $0x1000  }
0x149: {  	s4 =	sadd.s32 $0x20, s1;
	[sflag:s0] =	ssyncset.done $0x0  }
0x14a: {  	s5 =	sadd.s32 s8, s4;
	[sflag:s0] =	ssyncadd.s32 $0xFFFFF000  }
0x14b: {  	[tilespmem:s18], [sflag:$0x3] =	stream.linear.gather [hbm4b:s5+s30], $0x80, $0x38;
	[tilespmem:$0x1FD90] =	vst v63  }
0x14c: {  	s16 =	sadd.s32 s9, s4  }
0x14d: {  	[tilespmem:s19], [sflag:$0x3] =	stream.linear.gather [hbm4b:s16+s30], $0x80, $0x38;
	[tilespmem:$0x1FD90] =	vst v63  }
0x14e: {  	s20 =	simm.s32 $0x1F830;
	s23 =	simm.s32 $0x0;
	s4 =	sadd.s32 s10, s4  }
0x14f: {  	[tilespmem:s20], [sflag:$0x3] =	stream.linear.gather [hbm4b:s4+s30], $0x80, $0x38;
	[tilespmem:$0x1FD90] =	vst v63  }
0x150: {  	v5 =	vld [tilespmem:s23+$0x1AF40]  }
0x151: {  	v6 =	vld [tilespmem:s23+$0x1AF30]  }
0x152: {  	v7 =	vld [tilespmem:s23+$0x19F30]  }
0x153: {  	v8 =	vld [tilespmem:s23+$0x19F40];
	_ =	sdelay $0x4  }
0x154: {  	v6 =	vadd.f32 v6, v7;
	v5 =	vadd.f32 v5, v8;
	_ =	sdelay $0x1  }
0x155: {  	v63 =	vmul.f32 $2.000000030e-01, v6;
	v10 =	vmul.f32 $2.000000030e-01, v5;
	_ =	sdelay $0x1  }
0x156: {  	v6 =	vmax.f32 v6, v63;
	v5 =	vmax.f32 v5, v10  }
0x157: {  	v6 =	vmul.f32 v6, v3;
	v5 =	vmul.f32 v5, v4;
	_ =	sdelay $0x1  }
0x158: {  	v5 =	vadd.f32 v5, v6;
	_ =	sdelay $0x1  }
0x159: {  	(xrf2) =	vadd.scan.msk.f32 $0xffff, v5;
	_ =	sdelay $0x9  }
0x15a: {  	v5, _, _ =	vpop (xrf2)  }
0x15b: {  	v5 =	vmul.f32 $1.442695020e+00, v5;
	_ =	sdelay $0x1  }
0x15c: {  	v5 =	vbroadcast v5, $0xF;
	_ =	sdelay $0x1  }
0x15d: {  	(erf) = vpow2.f32 v5;
	_ =	sdelay $0x8  }
0x15e: {  	v5 =	vpop (erf)  }
0x15f: {  	v6 =	vmul.f32 v5, v7  }
0x160: {  	v7 =	vmul.f32 v5, v8  }
0x161: {  	[tilespmem:s23+$0x1DF30] =	vst v6  }
0x162: {  	s4 =	simm.s32 $0x1F930;
	[tilespmem:s23+$0x1DF40] =	vst v7  }
0x163: {  	s5 =	simm.s32 $0x1EF30;
	s16 =	simm.s32 $0x1EF30;
	s20 =	simm.s32 $0x80;
	v6 =	vld.msk [tilespmem:s4+$0x0 ss:$0x0], $0xffff  }
.LBB2_5:
0x164: {  	_ =	sdelay $0x1  }
0x165: {  	p0 =	sne.s32 s20, $0x3F80;
	s16 =	sadd.s32 $0x10, s16;
	s4 =	sadd.s32 $0x1, s4  }
0x166: {  	s23 =	smov.u32 s20;
	s20 =	sadd.s32 $0x80, s20  }
0x167: {  	vm0 =	veq.s32 v6, v2  }
0x168: {  	v5 =	vnsel vm0, $0x0, v5  }
0x169: {  	s23 =	sshra.s32 s23, $0x2;
	[tilespmem:s5+$0x0] =	vst v5;
	s5 =	smov.u32 s16  }
0x16a: {  	v5 =	vld [tilespmem:s23+$0x1AF40]  }
0x16b: {  	v6 =	vld [tilespmem:s23+$0x1AF30]  }
0x16c: {  	v7 =	vld [tilespmem:s23+$0x19F30]  }
0x16d: {  	v8 =	vld [tilespmem:s23+$0x19F40];
	_ =	sdelay $0x3  }
0x16e: {  	v6 =	vadd.f32 v6, v7  }
0x16f: {  	v5 =	vadd.f32 v5, v8  }
0x170: {  	v9 =	vmul.f32 $2.000000030e-01, v6  }
0x171: {  	v10 =	vmul.f32 $2.000000030e-01, v5  }
0x172: {  	v6 =	vmax.f32 v6, v9  }
0x173: {  	v5 =	vmax.f32 v5, v10  }
0x174: {  	v6 =	vmul.f32 v6, v3;
	v5 =	vmul.f32 v5, v4;
	_ =	sdelay $0x1  }
0x175: {  	v5 =	vadd.f32 v5, v6;
	_ =	sdelay $0x1  }
0x176: {  	(xrf2) =	vadd.scan.msk.f32 $0xffff, v5;
	_ =	sdelay $0x9  }
0x177: {  	v5, _, _ =	vpop (xrf2)  }
0x178: {  	v5 =	vmul.f32 $1.442695020e+00, v5;
	_ =	sdelay $0x1  }
0x179: {  	v5 =	vbroadcast v5, $0xF;
	_ =	sdelay $0x1  }
0x17a: {  	(erf) = vpow2.f32 v5;
	_ =	sdelay $0x8  }
0x17b: {  	v5 =	vpop (erf)  }
.Ltmp1:
0x17c: {  	v6 =	vmul.f32 v5, v7;
	v7 =	vmul.f32 v5, v8;
	(pc) =	sbr.rel @p0 .LBB2_5-.Ltmp1, $4  }
0x17d: {  	_ = 	snop  }
0x17e: {  	[tilespmem:s23+$0x1DF30] =	vst v6  }
0x17f: {  	[tilespmem:s23+$0x1DF40] =	vst v7  }
0x180: {  	v6 =	vld.msk [tilespmem:s4+$0x0 ss:$0x0], $0xffff  }
0x181: {  	_ =	sdelay $0x3  }
0x182: {  	vm0 =	veq.s32 v6, v2  }
0x183: {  	v5 =	vnsel vm0, $0x0, v5  }
0x184: {  	s4 =	simm.s32 $0x1FC50;
	[tilespmem:s5+$0x0] =	vst v5  }
0x185: {  	[spmem:s2] =	stream.indirect.scatter.add.f32 [tilespmem:s14], [sflag:$0x5], $0x20, s4, s22, $0xb8;
	[tilespmem:$0x1FD90] =	vst v63  }
0x186: {  	s16 =	simm.s32 $0x1F8B0;
	s4 =	simm.s32 $0x1EF30  }
0x187: {  	[spmem:s3] =	stream.indirect.scatter.add.f32 [tilespmem:s4], [sflag:$0x5], $0x10, s16, s22, $0xb8;
	[tilespmem:$0x1FD90] =	vst v63  }
0x188: {  	_ =	swait.ge [sflag:s13], $0x1000  }
0x189: {  	[sflag:s13] =	ssyncset.done $0x0  }
0x18a: {  	[sflag:s13] =	ssyncadd.s32 $0xFFFFF000  }
0x18b: {  	_ =	swait.ge [sflag:s13], $0x800  }
0x18c: {  	[sflag:s13] =	ssyncset.done $0x0  }
0x18d: {  	[sflag:s13] =	ssyncadd.s32 $0xFFFFF800  }
0x18e: {  	_ =	swait.ge [sflag:s21], $0x80  }
0x18f: {  	[sflag:s21] =	ssyncset.done $0x0  }
0x190: {  	[sflag:s21] =	ssyncadd.s32 $0xFFFFFF80  }
0x191: {  	_ =	swait.ge [sflag:s21], $0x80  }
0x192: {  	[sflag:s21] =	ssyncset.done $0x0  }
0x193: {  	[sflag:s21] =	ssyncadd.s32 $0xFFFFFF80  }
0x194: {  	_ =	swait.ge [sflag:s21], $0x80  }
0x195: {  	[sflag:s21] =	ssyncset.done $0x0  }
0x196: {  	[sflag:s21] =	ssyncadd.s32 $0xFFFFFF80  }
0x197: {  	v5 =	vld [tilespmem:$0x1F830]  }
0x198: {  	v9 =	vld [tilespmem:$0x1F840]  }
0x199: {  	v6 =	vld [tilespmem:$0x1F730]  }
0x19a: {  	v7 =	vld [tilespmem:$0x1F7B0];
	_ =	sdelay $0x1  }
0x19b: {  	[tilespmem:$0x1FC50] =	vst v5  }
0x19c: {  	v8 =	vshrl.u32 v5, $0x3;
	v5 =	vand.u32 $0x7, v5;
	[tilespmem:$0x1FC60] =	vst v9  }
0x19d: {  	[tilespmem:$0x1F930] =	vst v5;
	v5 =	vadd.s32 v0, v6;
	v6 =	vld [tilespmem:$0x1F740]  }
0x19e: {  	[tilespmem:$0x1F730] =	vst v5;
	v5 =	vadd.s32 v0, v7;
	v7 =	vld [tilespmem:$0x1F7C0]  }
0x19f: {  	v60 =	vld [tilespmem:$0x1F860];
	[tilespmem:$0x1F8B0] =	vst v8  }
0x1a0: {  	v8 =	vld [tilespmem:$0x1F850];
	[tilespmem:$0x1F7B0] =	vst v5;
	v5 =	vshrl.u32 v9, $0x3  }
0x1a1: {  	[tilespmem:$0x1F8C0] =	vst v5;
	v5 =	vand.u32 $0x7, v9  }
0x1a2: {  	[tilespmem:$0x1F940] =	vst v5;
	v5 =	vadd.s32 v0, v6;
	v6 =	vld [tilespmem:$0x1F750]  }
0x1a3: {  	[tilespmem:$0x1F740] =	vst v5;
	v5 =	vadd.s32 v0, v7;
	v7 =	vld [tilespmem:$0x1F7D0]  }
0x1a4: {  	[tilespmem:$0x1FC80] =	vst v60  }
0x1a5: {  	[tilespmem:$0x1F7C0] =	vst v5;
	v5 =	vshrl.u32 v8, $0x3  }
0x1a6: {  	[tilespmem:$0x1F8D0] =	vst v5;
	v5 =	vand.u32 $0x7, v8  }
0x1a7: {  	[tilespmem:$0x1F950] =	vst v5;
	v5 =	vadd.s32 v0, v6;
	v6 =	vld [tilespmem:$0x1F760]  }
0x1a8: {  	[tilespmem:$0x1F750] =	vst v5;
	v5 =	vadd.s32 v0, v7;
	v7 =	vld [tilespmem:$0x1F7E0]  }
0x1a9: {  	v61 =	vld [tilespmem:$0x1F880];
	[tilespmem:$0x1FC70] =	vst v8  }
0x1aa: {  	v8 =	vld [tilespmem:$0x1F870];
	[tilespmem:$0x1F7D0] =	vst v5;
	v5 =	vshrl.u32 v60, $0x3  }
0x1ab: {  	[tilespmem:$0x1F8E0] =	vst v5;
	v5 =	vand.u32 $0x7, v60  }
0x1ac: {  	[tilespmem:$0x1F960] =	vst v5;
	v5 =	vadd.s32 v0, v6;
	v6 =	vld [tilespmem:$0x1F770]  }
0x1ad: {  	[tilespmem:$0x1F760] =	vst v5;
	v5 =	vadd.s32 v0, v7;
	v7 =	vld [tilespmem:$0x1F7F0]  }
0x1ae: {  	[tilespmem:$0x1FCA0] =	vst v61  }
0x1af: {  	[tilespmem:$0x1F7E0] =	vst v5;
	v5 =	vshrl.u32 v8, $0x3  }
0x1b0: {  	[tilespmem:$0x1F8F0] =	vst v5;
	v5 =	vand.u32 $0x7, v8  }
0x1b1: {  	[tilespmem:$0x1F970] =	vst v5;
	v5 =	vadd.s32 v0, v6;
	v6 =	vld [tilespmem:$0x1F780]  }
0x1b2: {  	[tilespmem:$0x1F770] =	vst v5;
	v5 =	vadd.s32 v0, v7;
	v7 =	vld [tilespmem:$0x1F800]  }
0x1b3: {  	v62 =	vld [tilespmem:$0x1F8A0];
	[tilespmem:$0x1FC90] =	vst v8  }
0x1b4: {  	v8 =	vld [tilespmem:$0x1F890];
	[tilespmem:$0x1F7F0] =	vst v5;
	v5 =	vshrl.u32 v61, $0x3  }
0x1b5: {  	[tilespmem:$0x1F900] =	vst v5;
	v5 =	vand.u32 $0x7, v61  }
0x1b6: {  	[tilespmem:$0x1F980] =	vst v5;
	v5 =	vadd.s32 v0, v6;
	v6 =	vld [tilespmem:$0x1F790]  }
0x1b7: {  	[tilespmem:$0x1F780] =	vst v5;
	v5 =	vadd.s32 v0, v7;
	v7 =	vld [tilespmem:$0x1F810]  }
0x1b8: {  	[tilespmem:$0x1FCC0] =	vst v62  }
0x1b9: {  	[tilespmem:$0x1F800] =	vst v5;
	v5 =	vshrl.u32 v8, $0x3  }
0x1ba: {  	[tilespmem:$0x1F910] =	vst v5;
	v5 =	vand.u32 $0x7, v8  }
0x1bb: {  	[tilespmem:$0x1F990] =	vst v5;
	v5 =	vadd.s32 v0, v6;
	v6 =	vld [tilespmem:$0x1F7A0]  }
0x1bc: {  	[tilespmem:$0x1F790] =	vst v5;
	v5 =	vadd.s32 v0, v7;
	v7 =	vld [tilespmem:$0x1F820]  }
0x1bd: {  	[tilespmem:$0x1FCB0] =	vst v8  }
0x1be: {  	[tilespmem:$0x1F810] =	vst v5;
	v5 =	vshrl.u32 v62, $0x3  }
0x1bf: {  	[tilespmem:$0x1F920] =	vst v5;
	v5 =	vand.u32 $0x7, v62  }
0x1c0: {  	[tilespmem:$0x1F9A0] =	vst v5;
	v5 =	vadd.s32 v0, v6  }
0x1c1: {  	[tilespmem:$0x1F7A0] =	vst v5;
	v5 =	vadd.s32 v0, v7  }
0x1c2: {  	s20 =	simm.s32 $0x19F30;
	[tilespmem:$0x1F820] =	vst v5  }
0x1c3: {  	[tilespmem:s20], [sflag:$0x1] =	stream.indirect.gather [hbm4b:s6+s22], $0x20, s18, s22, $0xb8;
	[tilespmem:$0x1FD90] =	vst v63  }
0x1c4: {  	_ = 	snop  }
0x1c5: {  	[tilespmem:s24], [sflag:$0x1] =	stream.indirect.gather [hbm4b:s7+s22], $0x20, s19, s22, $0xb8;
	[tilespmem:$0x1FD90] =	vst v63  }
0x1c6: {  	_ =	swait.ge [sflag:s12], $0x1000  }
0x1c7: {  	[sflag:s12] =	ssyncset.done $0x0  }
0x1c8: {  	[sflag:s12] =	ssyncadd.s32 $0xFFFFF000  }
0x1c9: {  	_ =	swait.ge [sflag:s12], $0x1000  }
0x1ca: {  	s1 =	sadd.s32 $0x30, s1;
	[sflag:s12] =	ssyncset.done $0x0  }
0x1cb: {  	s23 =	sadd.s32 s8, s1;
	s16 =	simm.s32 $0x0;
	[sflag:s12] =	ssyncadd.s32 $0xFFFFF000  }
0x1cc: {  	[tilespmem:s25], [sflag:$0x4] =	stream.linear.gather [hbm4b:s23+s16], $0x80, $0x38;
	[tilespmem:$0x1FD90] =	vst v63  }
0x1cd: {  	s20 =	sadd.s32 s9, s1  }
0x1ce: {  	[tilespmem:s26], [sflag:$0x4] =	stream.linear.gather [hbm4b:s20+s16], $0x80, $0x38;
	[tilespmem:$0x1FD90] =	vst v63  }
0x1cf: {  	s1 =	sadd.s32 s10, s1;
	s23 =	simm.s32 $0x0  }
0x1d0: {  	[tilespmem:s28], [sflag:$0x4] =	stream.linear.gather [hbm4b:s1+s16], $0x80, $0x38;
	[tilespmem:$0x1FD90] =	vst v63  }
0x1d1: {  	v5 =	vld [tilespmem:s23+$0x1CF40]  }
0x1d2: {  	v6 =	vld [tilespmem:s23+$0x1CF30]  }
0x1d3: {  	v7 =	vld [tilespmem:s23+$0x1BF30]  }
0x1d4: {  	v8 =	vld [tilespmem:s23+$0x1BF40];
	_ =	sdelay $0x4  }
0x1d5: {  	v6 =	vadd.f32 v6, v7;
	v5 =	vadd.f32 v5, v8;
	_ =	sdelay $0x1  }
0x1d6: {  	v63 =	vmul.f32 $2.000000030e-01, v6;
	v10 =	vmul.f32 $2.000000030e-01, v5;
	_ =	sdelay $0x1  }
0x1d7: {  	v6 =	vmax.f32 v6, v63;
	v5 =	vmax.f32 v5, v10  }
0x1d8: {  	v6 =	vmul.f32 v6, v3;
	v5 =	vmul.f32 v5, v4;
	_ =	sdelay $0x1  }
0x1d9: {  	v5 =	vadd.f32 v5, v6;
	_ =	sdelay $0x1  }
0x1da: {  	(xrf2) =	vadd.scan.msk.f32 $0xffff, v5;
	_ =	sdelay $0x9  }
0x1db: {  	v5, _, _ =	vpop (xrf2)  }
0x1dc: {  	v5 =	vmul.f32 $1.442695020e+00, v5;
	_ =	sdelay $0x1  }
0x1dd: {  	v5 =	vbroadcast v5, $0xF;
	_ =	sdelay $0x1  }
0x1de: {  	(erf) = vpow2.f32 v5;
	_ =	sdelay $0x8  }
0x1df: {  	v5 =	vpop (erf)  }
0x1e0: {  	v6 =	vmul.f32 v5, v7  }
0x1e1: {  	v7 =	vmul.f32 v5, v8  }
0x1e2: {  	[tilespmem:s23+$0x1DF30] =	vst v6  }
0x1e3: {  	s1 =	simm.s32 $0x1FBC0;
	[tilespmem:s23+$0x1DF40] =	vst v7  }
0x1e4: {  	s5 =	simm.s32 $0x1EF30;
	s16 =	simm.s32 $0x80;
	v6 =	vld.msk [tilespmem:s1+$0x0 ss:$0x0], $0xffff  }
.LBB2_7:
0x1e5: {  	_ =	sdelay $0x1  }
0x1e6: {  	p0 =	sne.s32 s16, $0x3F80;
	s4 =	sadd.s32 $0x10, s4;
	s1 =	sadd.s32 $0x1, s1  }
0x1e7: {  	s20 =	smov.u32 s16;
	s16 =	sadd.s32 $0x80, s16  }
0x1e8: {  	vm0 =	veq.s32 v6, v2  }
0x1e9: {  	v5 =	vnsel vm0, $0x0, v5  }
0x1ea: {  	s20 =	sshra.s32 s20, $0x2;
	[tilespmem:s5+$0x0] =	vst v5;
	s5 =	smov.u32 s4  }
0x1eb: {  	v5 =	vld [tilespmem:s20+$0x1CF40]  }
0x1ec: {  	v6 =	vld [tilespmem:s20+$0x1CF30]  }
0x1ed: {  	v7 =	vld [tilespmem:s20+$0x1BF30]  }
0x1ee: {  	v8 =	vld [tilespmem:s20+$0x1BF40];
	_ =	sdelay $0x3  }
0x1ef: {  	v6 =	vadd.f32 v6, v7  }
0x1f0: {  	v5 =	vadd.f32 v5, v8  }
0x1f1: {  	v9 =	vmul.f32 $2.000000030e-01, v6  }
0x1f2: {  	v10 =	vmul.f32 $2.000000030e-01, v5  }
0x1f3: {  	v6 =	vmax.f32 v6, v9  }
0x1f4: {  	v5 =	vmax.f32 v5, v10  }
0x1f5: {  	v6 =	vmul.f32 v6, v3;
	v5 =	vmul.f32 v5, v4;
	_ =	sdelay $0x1  }
0x1f6: {  	v5 =	vadd.f32 v5, v6;
	_ =	sdelay $0x1  }
0x1f7: {  	(xrf2) =	vadd.scan.msk.f32 $0xffff, v5;
	_ =	sdelay $0x9  }
0x1f8: {  	v5, _, _ =	vpop (xrf2)  }
0x1f9: {  	v5 =	vmul.f32 $1.442695020e+00, v5;
	_ =	sdelay $0x1  }
0x1fa: {  	v5 =	vbroadcast v5, $0xF;
	_ =	sdelay $0x1  }
0x1fb: {  	(erf) = vpow2.f32 v5;
	_ =	sdelay $0x8  }
0x1fc: {  	v5 =	vpop (erf)  }
.Ltmp2:
0x1fd: {  	v6 =	vmul.f32 v5, v7;
	v7 =	vmul.f32 v5, v8;
	(pc) =	sbr.rel @p0 .LBB2_7-.Ltmp2, $4  }
0x1fe: {  	_ = 	snop  }
0x1ff: {  	[tilespmem:s20+$0x1DF30] =	vst v6  }
0x200: {  	[tilespmem:s20+$0x1DF40] =	vst v7  }
0x201: {  	v6 =	vld.msk [tilespmem:s1+$0x0 ss:$0x0], $0xffff  }
0x202: {  	_ =	sdelay $0x3  }
0x203: {  	vm0 =	veq.s32 v6, v2  }
0x204: {  	v5 =	vnsel vm0, $0x0, v5  }
0x205: {  	s1 =	simm.s32 $0x1FCD0;
	[tilespmem:s5+$0x0] =	vst v5  }
0x206: {  	[spmem:s2] =	stream.indirect.scatter.add.f32 [tilespmem:s14], [sflag:$0x5], $0x20, s1, s22, $0xb8;
	[tilespmem:$0x1FD90] =	vst v63  }
0x207: {  	s23 =	simm.s32 $0x1FB40;
	s31 =	sadd.s32 $0x1, s31  }
0x208: {  	[spmem:s3] =	stream.indirect.scatter.add.f32 [tilespmem:s17], [sflag:$0x5], $0x10, s23, s22, $0xb8;
	[tilespmem:$0x1FD90] =	vst v63  }
0x209: {  	p0 =	sne.s32 s31, $0xC4;
	_ =	swait.ge [sflag:s13], $0x1000  }
.Ltmp3:
0x20a: {  	[sflag:s13] =	ssyncset.done $0x0;
	(pc) =	sbr.rel @p0 .LBB2_4-.Ltmp3, $4  }
0x20b: {  	[sflag:s13] =	ssyncadd.s32 $0xFFFFF000  }
0x20c: {  	_ =	swait.ge [sflag:s13], $0x800  }
0x20d: {  	[sflag:s13] =	ssyncset.done $0x0  }
0x20e: {  	[sflag:s13] =	ssyncadd.s32 $0xFFFFF800  }
0x20f: {  	_ =	swait.ge [sflag:s0], $0x1000  }
0x210: {  	[sflag:s0] =	ssyncset.done $0x0  }
0x211: {  	[sflag:s0] =	ssyncadd.s32 $0xFFFFF000  }
0x212: {  	_ =	swait.ge [sflag:s0], $0x1000  }
0x213: {  	[sflag:s0] =	ssyncset.done $0x0  }
0x214: {  	[sflag:s0] =	ssyncadd.s32 $0xFFFFF000  }
0x215: {  	_ =	swait.ge [sflag:s29], $0x80  }
0x216: {  	[sflag:s29] =	ssyncset.done $0x0  }
0x217: {  	[sflag:s29] =	ssyncadd.s32 $0xFFFFFF80  }
0x218: {  	_ =	swait.ge [sflag:s29], $0x80  }
0x219: {  	[sflag:s29] =	ssyncset.done $0x0  }
0x21a: {  	[sflag:s29] =	ssyncadd.s32 $0xFFFFFF80  }
0x21b: {  	_ =	swait.ge [sflag:s29], $0x80  }
0x21c: {  	[sflag:s29] =	ssyncset.done $0x0  }
0x21d: {  	[sflag:s29] =	ssyncadd.s32 $0xFFFFFF80  }
0x21e: {  	s1 =	stileid.u32;
	[bflag:$0x0] =	sbarrier.arrive $0xFFFF  }
0x21f: {  	s1 =	sshll.u32 s1, $0x6;
	s4 =	rddreg [dreg:$0xe]  }
0x220: {  	s1 =	sor.u32 $0x1C06, s1;
	s5 =	rddreg [dreg:$0x11]  }
0x221: {  	[hbm:s4], [sflag:s1] =	dma.local [spmem:s5], $0x30D8  }
0x222: {  	_ =	swait.ge [sflag:s15], $0x30D8  }
0x223: {  	[sflag:s15] =	ssyncset.done $0x0;
	s20 =	rddreg [dreg:$0xf]  }
0x224: {  	s23 =	rddreg [dreg:$0x12];
	[sflag:s15] =	ssyncadd.s32 $0xFFFFCF28  }
0x225: {  	[hbm:s20], [sflag:s1] =	dma.local [spmem:s23], $0x30E  }
0x226: {  	_ =	swait.ge [sflag:s15], $0x30E  }
0x227: {  	s20 =	rddreg [dreg:$0x5]  }
0x228: {  	s31 =	rddreg [dreg:$0x10];
	s20 =	sadd.s32 $0x1, s20  }
0x229: {  	p0 =	sne.s32 s20, s31  }
.Ltmp4:
0x22a: {  	_ = 	snop;
	(pc) =	sbr.rel @p0 .LBB2_1-.Ltmp4, $3  }
0x22b: {  	_ =	sdelay $0x1  }
0x22c: {  	[sflag:s15] =	ssyncset.done $0x0  }
0x22d: {  	[sflag:s15] =	ssyncadd.s32 $0xFFFFFCF2  }
0x22e: {  	_ =	sfence.sel $0x180000  }
0x22f: {  	[bflag:$0x0] =	sbarrier.arrive $0xFFFF  }
0x230: {  	_ =	strace $0x90000047  }
0x231: {  	s0 =	stileid.u32;
	[bflag:$0x2] =	sbarrier.arrive $0xFFFF  }
0x232: {  	p0 =	sne.s32 s0, $0x0;
	s0 =	rddreg [dreg:$0x4]  }
0x233: {  	s0 =	sadd.s32 @!p0 $0x100000, s0  }
0x234: {  	[sflag:s0] =	ssyncadd.tile.s32 @!p0 $0x1;
	_ =	shalt  }
.Lfunc_end2:
_tile_overlayer_lowered:
.L_overlay_start_2:
0x235: {  	(tag) =	ssettag $0x2  }
0x236: {  	s0 =	rddreg [dreg:$0x0];
	s2 =	stileid.u32  }
0x237: {  	s1 =	rddreg [dreg:$0x1];
	p0 =	sne.s32 s2, $0x0  }
0x238: {  	s3 =	rddreg [dreg:$0x2];
	[bflag:$0x3] =	sbarrier.arrive $0xFFFF;
	s2 =	simm.s32 @!p0 $0x1C06  }
0x239: {  	[timem:s3], [sflag:s2] =	dma.local @!p0 [hbm:s0], s1  }
0x23a: {  	s0 =	simm.s32 @!p0 $0x6  }
0x23b: {  	_ =	swait.ge @!p0 [sflag:s0], s1  }
0x23c: {  	s1 =	ssub.s32 @!p0 $0x0, s1;
	[sflag:s0] =	ssyncset.done @!p0 $0x0  }
0x23d: {  	[sflag:s0] =	ssyncadd.s32 @!p0 s1  }
0x23e: {  	[bflag:$0x3] =	sbarrier.arrive $0xFFFF  }
0x23f: {  	_ =	shalt  }

</sc_bundles>
